<compile_context>
chip_gen: v7x
topology: tpu7x:2x2x1
jax: 0.10.2.dev20260603
libtpu: 0.0.44.dev20260713+nightly
codegen_flags: <defaults>
</compile_context>

<pallas_src>
import functools

import jax
import jax.numpy as jnp
from jax import lax
from jax.experimental import pallas as pl
from jax.experimental.pallas import tpu as pltpu
from jax.experimental.pallas import tpu_sc as plsc

B = 4
C = 256
A = 9
AP = 16
T = 1024
HWS = (16384, 4096, 1024)
NT0, NT1, NT2 = 16, 4, 1
TOT = 21504
NTOT = NT0 + NT1 + NT2
NANCH = TOT * A
K = 1000



def _conv_body(fm0_ref, fm1_ref, fm2_ref, wpre_ref, bpre_ref, wpt_ref,
               bproj_ref, lg_ref, ft_ref):
    t = pl.program_id(1)

    def compute(x):
        h = lax.dot_general(wpre_ref[...], x, (((1,), (0,)), ((), ())),
                            preferred_element_type=jnp.float32)
        h = jnp.maximum(h + bpre_ref[...], 0.0)
        lg = lax.dot_general(h, wpt_ref[...], (((0,), (0,)), ((), ())),
                             preferred_element_type=jnp.float32)
        lg_ref[0] = lg + bproj_ref[...]
        ft_ref[0] = x.T

    @pl.when(t < NT0)
    def _():
        compute(fm0_ref[0])

    @pl.when(jnp.logical_and(t >= NT0, t < NT0 + NT1))
    def _():
        compute(fm1_ref[0])

    @pl.when(t >= NT0 + NT1)
    def _():
        compute(fm2_ref[0])


def _conv_stage(fm0, fm1, fm2, W_pre, b_pre, W_proj, b_proj):
    W_projT = jnp.zeros((C, AP), jnp.float32).at[:, :A].set(W_proj.T)
    b_proj_pad = jnp.full((1, AP), -jnp.inf, jnp.float32).at[0, :A].set(b_proj)
    b_pre2d = b_pre.reshape(C, 1)

    grid = (B, NTOT)
    in_specs = [
        pl.BlockSpec((1, C, T), lambda b, t: (b, 0, jnp.minimum(t, NT0 - 1))),
        pl.BlockSpec((1, C, T),
                     lambda b, t: (b, 0, jnp.clip(t - NT0, 0, NT1 - 1))),
        pl.BlockSpec((1, C, T),
                     lambda b, t: (b, 0, jnp.clip(t - NT0 - NT1, 0, NT2 - 1))),
        pl.BlockSpec((C, C), lambda b, t: (0, 0)),
        pl.BlockSpec((C, 1), lambda b, t: (0, 0)),
        pl.BlockSpec((C, AP), lambda b, t: (0, 0)),
        pl.BlockSpec((1, AP), lambda b, t: (0, 0)),
    ]
    out_specs = [
        pl.BlockSpec((1, T, AP), lambda b, t: (b, t, 0)),
        pl.BlockSpec((1, T, C), lambda b, t: (b, t, 0)),
    ]
    out_shape = [
        jax.ShapeDtypeStruct((B, TOT, AP), jnp.float32),
        jax.ShapeDtypeStruct((B, TOT, C), jnp.float32),
    ]
    lg, ft = pl.pallas_call(
        _conv_body, grid=grid, in_specs=in_specs, out_specs=out_specs,
        out_shape=out_shape,
        compiler_params=pltpu.CompilerParams(
            dimension_semantics=("arbitrary", "arbitrary")),
    )(fm0, fm1, fm2, W_pre, b_pre2d, W_projT, b_proj_pad)
    return lg, ft



_ROWS = NANCH // 128
_RCH = _ROWS // 56
_HI0 = 0x3F800001


def _thr_body(p_ref, t_ref):
    def count_ge(mid):
        def cbody(j, acc):
            ch = lax.bitcast_convert_type(
                p_ref[0, pl.ds(j * 56, 56), :], jnp.int32)
            return acc + jnp.where(ch >= mid, 1, 0).astype(jnp.int32)
        acc = lax.fori_loop(0, _RCH, cbody,
                            jnp.zeros((56, 128), jnp.int32))
        return jnp.sum(acc)

    def sbody(_, lohi):
        lo, hi = lohi
        mid = (lo + hi) // 2
        c = count_ge(mid)
        big = c >= K
        return jnp.where(big, mid, lo), jnp.where(big, hi, mid)

    lo, _ = lax.fori_loop(0, 31, sbody,
                          (jnp.int32(0), jnp.int32(_HI0)))
    t_ref[0] = jnp.full((1, 16), lo, jnp.int32)


def _thr_stage(probs):
    p3 = probs.reshape(B, _ROWS, 128)
    thr = pl.pallas_call(
        _thr_body,
        grid=(B,),
        in_specs=[pl.BlockSpec((1, _ROWS, 128), lambda b: (b, 0, 0))],
        out_specs=pl.BlockSpec((1, 1, 16), lambda b: (b, 0, 0)),
        out_shape=jax.ShapeDtypeStruct((B, 1, 16), jnp.int32),
    )(p3)
    return thr.reshape(B, 16)



CAP = 2048
CHUNK = NANCH // 8
NV = CHUNK // 16
OUTK = 1024
ROWPAD = 1040


def _sc_stage(probs, thr, feats):
    mesh = plsc.VectorSubcoreMesh(core_axis_name="c", subcore_axis_name="s")

    @functools.partial(
        pl.kernel, mesh=mesh,
        compiler_params=pltpu.CompilerParams(needs_layout_passes=False),
        out_type=[
            jax.ShapeDtypeStruct((B * K,), jnp.int32),
            jax.ShapeDtypeStruct((B * OUTK + 16, C), jnp.float32),
        ],
        scratch_types=[
            pltpu.VMEM((CHUNK,), jnp.int32),
            pltpu.VMEM((CAP + 16,), jnp.int32),
            pltpu.VMEM((CAP + 16,), jnp.int32),
            pltpu.VMEM((8, CAP), jnp.int32),
            pltpu.VMEM((8, CAP), jnp.int32),
            pltpu.VMEM((8, 16), jnp.int32),
            pltpu.VMEM((16, C), jnp.float32),
            pltpu.VMEM((16,), jnp.int32),
            pltpu.VMEM((16,), jnp.int32),
            pltpu.VMEM((K,), jnp.int32),
            pltpu.VMEM_SHARED((16, CAP), jnp.int32),
            pltpu.VMEM_SHARED((16, CAP), jnp.int32),
            pltpu.VMEM_SHARED((16, 16), jnp.int32),
            pltpu.VMEM_SHARED((2 * ROWPAD,), jnp.int32),
            pltpu.SemaphoreType.DMA,
        ],
    )
    def sc_kernel(probs_hbm, thr_hbm, feats_hbm, ids_hbm, feats_out_hbm,
                  keys_v, candk_v, candi_v, pubk_v, pubi_v, cnt8_v,
                  rows_v, stage_v, thr_v, idsout_v, spm_k, spm_i, spm_c,
                  spm_ids, sem):
        cid = lax.axis_index("c")
        sid = lax.axis_index("s")
        rl = sid // 8
        row = cid * 2 + rl
        slot = sid % 8
        sbase = rl * 8

        iota = lax.iota(jnp.int32, 16)

        pltpu.sync_copy(probs_hbm.at[row, pl.ds(slot * CHUNK, CHUNK)], keys_v)
        pltpu.sync_copy(thr_hbm.at[row], thr_v)
        tval = thr_v[...][0]
        tvec = jnp.full((16,), tval, jnp.int32)

        neg1 = jnp.full((16,), -1, jnp.int32)

        def fbody(i, _):
            candk_v[pl.ds(i * 16, 16)] = neg1
            candi_v[pl.ds(i * 16, 16)] = neg1
            return 0
        lax.fori_loop(0, CAP // 16 + 1, fbody, 0)

        base_ids = jnp.full((16,), slot * CHUNK, jnp.int32) + iota

        def cbody(i, off):
            ki = keys_v[pl.ds(i * 16, 16)]
            m = ki >= tvec
            cnt = plsc.all_reduce_population_count(m)[0]
            offc = jnp.minimum(off, CAP - 16)
            plsc.store_compressed(candk_v.at[pl.ds(offc, 16)], ki, mask=m)
            ids = base_ids + jnp.full((16,), i * 16, jnp.int32)
            plsc.store_compressed(candi_v.at[pl.ds(offc, 16)], ids, mask=m)
            return off + cnt

        n_own = lax.fori_loop(0, NV, cbody, jnp.int32(0))
        n_own = jnp.minimum(n_own, CAP)

        stage_v[...] = jnp.where(iota == 0, n_own, 0)
        pltpu.sync_copy(stage_v, spm_c.at[sid])
        pltpu.sync_copy(candk_v.at[pl.ds(0, CAP)], spm_k.at[sid])
        pltpu.sync_copy(candi_v.at[pl.ds(0, CAP)], spm_i.at[sid])
        plsc.subcore_barrier()
        for j in range(8):
            pltpu.sync_copy(spm_k.at[sbase + j], pubk_v.at[j])
            pltpu.sync_copy(spm_i.at[sbase + j], pubi_v.at[j])
            pltpu.sync_copy(spm_c.at[sbase + j], cnt8_v.at[j])

        trips = []
        for j in range(8):
            nj = cnt8_v[j][0]
            trips.append((nj + 15) // 16)

        kvec = jnp.full((16,), K, jnp.int32)
        ninth = jnp.full((16,), jnp.float32(1.0 / 9.0))
        half = jnp.full((16,), jnp.float32(0.5))

        def qbody(q, rkvec):
            myk = jnp.full((16,), candk_v[pl.ds(q, 16)][0], jnp.int32)
            myi = jnp.full((16,), candi_v[pl.ds(q, 16)][0], jnp.int32)
            acc = jnp.zeros((16,), jnp.int32)
            for j in range(8):
                def ibody(v, a, j=j):
                    pk = pubk_v[j, pl.ds(v * 16, 16)]
                    pi = pubi_v[j, pl.ds(v * 16, 16)]
                    better = jnp.logical_or(
                        pk > myk, jnp.logical_and(pk == myk, pi < myi))
                    return a + jnp.where(better, 1, 0).astype(jnp.int32)

                acc = lax.fori_loop(0, trips[j], ibody, acc)
            rank_l = jnp.sum(acc)
            lane = lax.rem(q, 16)
            rkvec = jnp.where(iota == jnp.full((16,), lane, jnp.int32),
                              jnp.full((16,), rank_l, jnp.int32), rkvec)

            @pl.when(lane == 15)
            def _():
                rk = rkvec
                ids = candi_v[pl.ds(q - 15, 16)]
                ok = rk < kvec
                slot_idx = jnp.where(
                    ok, jnp.full((16,), rl * ROWPAD, jnp.int32) + rk,
                    jnp.full((16,), rl * ROWPAD + OUTK, jnp.int32) + iota)
                stage_v[...] = jnp.full((16,), row * NANCH, jnp.int32) + ids
                pltpu.async_copy(stage_v, spm_ids.at[slot_idx], sem).wait()
                fidx = ((ids.astype(jnp.float32) + half) * ninth
                        ).astype(jnp.int32) + jnp.full((16,), row * TOT,
                                                       jnp.int32)
                pltpu.async_copy(feats_hbm.at[fidx], rows_v, sem).wait()
                out_idx = jnp.where(
                    ok, jnp.full((16,), row * OUTK, jnp.int32) + rk,
                    jnp.full((16,), B * OUTK, jnp.int32))
                pltpu.async_copy(rows_v, feats_out_hbm.at[out_idx],
                                 sem).wait()

            return rkvec

        n_pad = ((n_own + 15) // 16) * 16
        lax.fori_loop(0, n_pad, qbody, jnp.zeros((16,), jnp.int32))

        plsc.subcore_barrier()

        @pl.when(slot == 0)
        def _():
            pltpu.sync_copy(spm_ids.at[pl.ds(rl * ROWPAD, K)], idsout_v)
            pltpu.sync_copy(idsout_v, ids_hbm.at[pl.ds(row * K, K)])

    return sc_kernel(lax.bitcast_convert_type(probs, jnp.int32), thr, feats)


def kernel(feat_map0, feat_map1, feat_map2, W_pre, b_pre, W_proj, b_proj):
    fm0 = feat_map0.reshape(B, C, HWS[0])
    fm1 = feat_map1.reshape(B, C, HWS[1])
    fm2 = feat_map2.reshape(B, C, HWS[2])
    lg, ft = _conv_stage(fm0, fm1, fm2, W_pre, b_pre, W_proj, b_proj)
    sel_logits = lg[..., :A].reshape(B, NANCH)
    probs = jax.nn.sigmoid(sel_logits)
    thr = _thr_stage(probs)
    ids_pad, feats_pad = _sc_stage(probs, thr, ft.reshape(B * TOT, C))
    sel_ids = ids_pad
    sel_feats = feats_pad[:B * OUTK].reshape(B, OUTK, C)[:, :K].reshape(
        B * K, C)
    return sel_logits, sel_ids, sel_feats

# --- scband reference (transcript-rebuilt; emitter-appended) ---
"""Pipeline reference for scband-anchor-selector-63677185131178 (READ-ONLY COPY).

The authoritative reference and input builder live on the scoring server;
editing this copy changes nothing except your own understanding.
"""

import jax, jax.numpy as jnp
import numpy as np

NUM_CELL_ANCHORS = 9  # num_sizes(3) * len(aspect_ratios)(3)
REL_THR = 1000        # sel_attrs['rel_thr'], mode='rel'
INIT_PROB = 0.01


def setup_inputs(seed: int = 0) -> dict:
    key = jax.random.key(seed)
    ks = jax.random.split(key, 6)
    b_proj_init = -np.log((1.0 - INIT_PROB) / INIT_PROB)
    inp = {
        'feat_map0': jax.random.normal(ks[0], (4, 256, 128, 128), dtype=jnp.float32),
        'feat_map1': jax.random.normal(ks[1], (4, 256, 64, 64), dtype=jnp.float32),
        'feat_map2': jax.random.normal(ks[2], (4, 256, 32, 32), dtype=jnp.float32),
        # pre-logits 1x1 conv (ProjConv) parameters
        'W_pre': jax.random.normal(ks[3], (256, 256), dtype=jnp.float32) * 0.05,
        'b_pre': jnp.zeros((256,), dtype=jnp.float32),
        # proj-logits 1x1 conv to num_cell_anchors, bias set per init_prob
        'W_proj': jax.random.normal(ks[4], (NUM_CELL_ANCHORS, 256), dtype=jnp.float32) * 0.05,
        'b_proj': jnp.full((NUM_CELL_ANCHORS,), b_proj_init, dtype=jnp.float32),
    }
    return inp


def reference(feat_map0, feat_map1, feat_map2, W_pre, b_pre, W_proj, b_proj):
    feat_maps = [feat_map0, feat_map1, feat_map2]
    B = feat_map0.shape[0]
    # logits = Sequential(pre ProjConv -> proj ProjConv) applied per map (1x1 convs)
    logit_maps_nhwc = []
    for fm in feat_maps:
        x = jnp.transpose(fm, (0, 2, 3, 1))  # NCHW -> NHWC
        h = jax.nn.relu(jnp.einsum('bhwc,oc->bhwo', x, W_pre) + b_pre)
        lg = jnp.einsum('bhwc,oc->bhwo', h, W_proj) + b_proj  # [B,H,W,A]
        logit_maps_nhwc.append(lg)
    # torch: logit_map.permute(0,2,3,1).flatten(1); here already NHWC -> reshape
    sel_logits = jnp.concatenate([lm.reshape(B, -1) for lm in logit_maps_nhwc], axis=1)
    # sel_probs on detached logits
    sel_probs = jax.nn.sigmoid(jax.lax.stop_gradient(sel_logits))
    num_anchors = sel_probs.shape[1]
    # mode == 'rel': top-k per batch row, offset to flat ids
    _, rel_sel_ids = jax.lax.top_k(sel_probs, REL_THR)  # [B, rel_thr]
    rel_sel_ids = rel_sel_ids + num_anchors * jnp.arange(B, dtype=rel_sel_ids.dtype)[:, None]
    sel_ids = rel_sel_ids.reshape(-1)  # [num_selecs]
    # feats: cat of flattened maps [B, sum(HW), C] -> flatten(0,1)
    feats = jnp.concatenate(
        [jnp.transpose(fm.reshape(B, fm.shape[1], -1), (0, 2, 1)) for fm in feat_maps], axis=1)
    feats = feats.reshape(-1, feats.shape[-1])  # [B*sum(HW), C]
    feat_ids = sel_ids // NUM_CELL_ANCHORS
    sel_feats = jnp.take(feats, feat_ids, axis=0)  # [num_selecs, C]
    return sel_logits, sel_ids, sel_feats

if __name__ == "__main__":
    import jax
    _d = setup_inputs()
    print(jax.jit(kernel)(*tuple(_d.values())))

</pallas_src>

<mosaic_0001>
#map = affine_map<(d0, d1) -> (0, 0)>
#map1 = affine_map<(d0, d1) -> (0)>
module attributes {stable_mosaic.version = 14 : i64} {
  func.func @sc_kernel(%arg0: i32, %arg1: i32, %arg2: memref<4x193536xi32, #tpu.memory_space<hbm>>, %arg3: memref<4x16xi32, #tpu.memory_space<hbm>>, %arg4: memref<86016x256xf32, #tpu.memory_space<hbm>>, %arg5: memref<4000xi32, #tpu.memory_space<hbm>>, %arg6: memref<4112x256xf32, #tpu.memory_space<hbm>>, %arg7: memref<24192xi32, #tpu.memory_space<vmem>>, %arg8: memref<2064xi32, #tpu.memory_space<vmem>>, %arg9: memref<2064xi32, #tpu.memory_space<vmem>>, %arg10: memref<8x2048xi32, #tpu.memory_space<vmem>>, %arg11: memref<8x2048xi32, #tpu.memory_space<vmem>>, %arg12: memref<8x16xi32, #tpu.memory_space<vmem>>, %arg13: memref<16x256xf32, #tpu.memory_space<vmem>>, %arg14: memref<16xi32, #tpu.memory_space<vmem>>, %arg15: memref<16xi32, #tpu.memory_space<vmem>>, %arg16: memref<1000xi32, #tpu.memory_space<vmem>>, %arg17: memref<16x2048xi32, #tpu.memory_space<vmem_shared>>, %arg18: memref<16x2048xi32, #tpu.memory_space<vmem_shared>>, %arg19: memref<16x16xi32, #tpu.memory_space<vmem_shared>>, %arg20: memref<2080xi32, #tpu.memory_space<vmem_shared>>, %arg21: memref<!tpu.dma_semaphore, #tpu.memory_space<semaphore_mem>>) attributes {dimension_semantics = [#tpu.dimension_semantics<core_parallel>, #tpu.dimension_semantics<subcore_parallel>], iteration_bounds = array<i64: 2, 16>, scalar_prefetch = 0 : i64, scratch_operands = 15 : i64, tpu.core_type = #tpu.core_type<sc_vector_subcore>, window_params = [{transform_indices = #map}, {transform_indices = #map}, {transform_indices = #map}, {transform_indices = #map1}, {transform_indices = #map}]} {
    %jit3A = arith.constant 8 : i32
    %div3A = arith.divsi %arg1, %jit3A : i32
    %sign3A = arith.constant 0 : i32
    %sign3A_0 = arith.cmpi sgt, %arg1, %sign3A : i32
    %sign3A_1 = arith.extui %sign3A_0 : i1 to i32
    %sign3A_2 = arith.constant 0 : i32
    %sign3A_3 = arith.cmpi slt, %arg1, %sign3A_2 : i32
    %sign3A_4 = arith.extui %sign3A_3 : i1 to i32
    %sign3A_5 = arith.subi %sign3A_1, %sign3A_4 : i32
    %sign3A_6 = arith.constant 0 : i32
    %sign3A_7 = arith.cmpi sgt, %jit3A, %sign3A_6 : i32
    %sign3A_8 = arith.extui %sign3A_7 : i1 to i32
    %sign3A_9 = arith.constant 0 : i32
    %sign3A_10 = arith.cmpi slt, %jit3A, %sign3A_9 : i32
    %sign3A_11 = arith.extui %sign3A_10 : i1 to i32
    %sign3A_12 = arith.subi %sign3A_8, %sign3A_11 : i32
    %ne3A = arith.cmpi ne, %sign3A_5, %sign3A_12 : i32
    %rem3A = arith.remsi %arg1, %jit3A : i32
    %ne3A_13 = arith.constant 0 : i32
    %ne3A_14 = arith.cmpi ne, %rem3A, %ne3A_13 : i32
    %and3A = arith.andi %ne3A, %ne3A_14 : i1
    %sub3A = arith.constant 1 : i32
    %sub3A_15 = arith.subi %div3A, %sub3A : i32
    %select_n3A = arith.select %and3A, %sub3A_15, %div3A : i32
    %mul3A = arith.constant 2 : i32
    %mul3A_16 = arith.muli %arg0, %mul3A : i32
    %add3A = arith.addi %mul3A_16, %select_n3A : i32
    %jit3A_17 = arith.constant 8 : i32
    %eq3A = arith.constant 0 : i32
    %eq3A_18 = arith.cmpi eq, %jit3A_17, %eq3A : i32
    %jit3A_19 = arith.constant 1 : i32
    %select_n3A_20 = arith.select %eq3A_18, %jit3A_19, %jit3A_17 : i32
    %rem3A_21 = arith.remsi %arg1, %select_n3A_20 : i32
    %ne3A_22 = arith.constant 0 : i32
    %ne3A_23 = arith.cmpi ne, %rem3A_21, %ne3A_22 : i32
    %lt3A = arith.constant 0 : i32
    %lt3A_24 = arith.cmpi slt, %rem3A_21, %lt3A : i32
    %lt3A_25 = arith.constant 0 : i32
    %lt3A_26 = arith.cmpi slt, %select_n3A_20, %lt3A_25 : i32
    %ne3A_27 = arith.xori %lt3A_24, %lt3A_26 : i1
    %and3A_28 = arith.andi %ne3A_27, %ne3A_23 : i1
    %add3A_29 = arith.addi %rem3A_21, %select_n3A_20 : i32
    %select_n3A_30 = arith.select %and3A_28, %add3A_29, %rem3A_21 : i32
    %mul3A_31 = arith.constant 8 : i32
    %mul3A_32 = arith.muli %select_n3A, %mul3A_31 : i32
    %iota3A = tpu.iota {dimensions = array<i32: 0>} : vector<16xi32>
    %mul3A_33 = arith.constant 24192 : i32
    %mul3A_34 = arith.muli %select_n3A_30, %mul3A_33 : i32
    "tpu.region"() ({
      %run_scoped3A_441 = tpu.sem_alloc : memref<!tpu.dma_semaphore, #tpu.memory_space<semaphore_mem>>
      %dma_start3A = tpu.memref_slice %arg2[%add3A, %mul3A_34] : memref<4x193536xi32, #tpu.memory_space<hbm>> -> memref<1x24192xi32, #tpu.memory_space<hbm>>
      %dma_start3A_442 = tpu.memref_squeeze %dma_start3A : memref<1x24192xi32, #tpu.memory_space<hbm>> -> memref<24192xi32, #tpu.memory_space<hbm>>
      %dma_start3A_443 = tpu.memref_slice %arg2[%add3A, %mul3A_34] : memref<4x193536xi32, #tpu.memory_space<hbm>> -> memref<1x24192xi32, #tpu.memory_space<hbm>>
      %dma_start3A_444 = tpu.memref_squeeze %dma_start3A_443 : memref<1x24192xi32, #tpu.memory_space<hbm>> -> memref<24192xi32, #tpu.memory_space<hbm>>
      tpu.enqueue_dma source(%dma_start3A_444 : memref<24192xi32, #tpu.memory_space<hbm>>) target(%arg7 : memref<24192xi32, #tpu.memory_space<vmem>>) target_semaphore(%run_scoped3A_441 : memref<!tpu.dma_semaphore, #tpu.memory_space<semaphore_mem>>)
      %dma_wait3A = tpu.memref_slice %arg2[%add3A, %mul3A_34] : memref<4x193536xi32, #tpu.memory_space<hbm>> -> memref<1x24192xi32, #tpu.memory_space<hbm>>
      %dma_wait3A_445 = tpu.memref_squeeze %dma_wait3A : memref<1x24192xi32, #tpu.memory_space<hbm>> -> memref<24192xi32, #tpu.memory_space<hbm>>
      %dma_wait3A_446 = tpu.memref_slice %arg2[%add3A, %mul3A_34] : memref<4x193536xi32, #tpu.memory_space<hbm>> -> memref<1x24192xi32, #tpu.memory_space<hbm>>
      %dma_wait3A_447 = tpu.memref_squeeze %dma_wait3A_446 : memref<1x24192xi32, #tpu.memory_space<hbm>> -> memref<24192xi32, #tpu.memory_space<hbm>>
      tpu.wait_dma2 semaphore(%run_scoped3A_441 : memref<!tpu.dma_semaphore, #tpu.memory_space<semaphore_mem>>) src(%dma_wait3A_447 : memref<24192xi32, #tpu.memory_space<hbm>>) dst(%arg7 : memref<24192xi32, #tpu.memory_space<vmem>>)
      tpu.yield
    }) : () -> ()
    "tpu.region"() ({
      %run_scoped3A_441 = tpu.sem_alloc : memref<!tpu.dma_semaphore, #tpu.memory_space<semaphore_mem>>
      %dma_start3A = arith.constant 0 : i32
      %dma_start3A_442 = tpu.memref_slice %arg3[%add3A, %dma_start3A] : memref<4x16xi32, #tpu.memory_space<hbm>> -> memref<1x16xi32, #tpu.memory_space<hbm>>
      %dma_start3A_443 = tpu.memref_squeeze %dma_start3A_442 : memref<1x16xi32, #tpu.memory_space<hbm>> -> memref<16xi32, #tpu.memory_space<hbm>>
      %dma_start3A_444 = arith.constant 0 : i32
      %dma_start3A_445 = tpu.memref_slice %arg3[%add3A, %dma_start3A_444] : memref<4x16xi32, #tpu.memory_space<hbm>> -> memref<1x16xi32, #tpu.memory_space<hbm>>
      %dma_start3A_446 = tpu.memref_squeeze %dma_start3A_445 : memref<1x16xi32, #tpu.memory_space<hbm>> -> memref<16xi32, #tpu.memory_space<hbm>>
      tpu.enqueue_dma source(%dma_start3A_446 : memref<16xi32, #tpu.memory_space<hbm>>) target(%arg15 : memref<16xi32, #tpu.memory_space<vmem>>) target_semaphore(%run_scoped3A_441 : memref<!tpu.dma_semaphore, #tpu.memory_space<semaphore_mem>>)
      %dma_wait3A = arith.constant 0 : i32
      %dma_wait3A_447 = tpu.memref_slice %arg3[%add3A, %dma_wait3A] : memref<4x16xi32, #tpu.memory_space<hbm>> -> memref<1x16xi32, #tpu.memory_space<hbm>>
      %dma_wait3A_448 = tpu.memref_squeeze %dma_wait3A_447 : memref<1x16xi32, #tpu.memory_space<hbm>> -> memref<16xi32, #tpu.memory_space<hbm>>
      %dma_wait3A_449 = arith.constant 0 : i32
      %dma_wait3A_450 = tpu.memref_slice %arg3[%add3A, %dma_wait3A_449] : memref<4x16xi32, #tpu.memory_space<hbm>> -> memref<1x16xi32, #tpu.memory_space<hbm>>
      %dma_wait3A_451 = tpu.memref_squeeze %dma_wait3A_450 : memref<1x16xi32, #tpu.memory_space<hbm>> -> memref<16xi32, #tpu.memory_space<hbm>>
      tpu.wait_dma2 semaphore(%run_scoped3A_441 : memref<!tpu.dma_semaphore, #tpu.memory_space<semaphore_mem>>) src(%dma_wait3A_451 : memref<16xi32, #tpu.memory_space<hbm>>) dst(%arg15 : memref<16xi32, #tpu.memory_space<vmem>>)
      tpu.yield
    }) : () -> ()
    %get3A = arith.constant 0 : index
    %get3A_35 = tpu.vector_load %arg15[%get3A] {strides = array<i32>} : memref<16xi32, #tpu.memory_space<vmem>>, vector<16xi32>,
    %slice3A = vector.extract_strided_slice %get3A_35 {offsets = [0], sizes = [1], strides = [1]} : vector<16xi32> to vector<1xi32>
    %squeeze3A = vector.extract %slice3A[0] : i32 from vector<1xi32>
    %broadcast_in_dim3A = vector.broadcast %squeeze3A : i32 to vector<16xi32>
    %broadcast_in_dim3A_36 = arith.constant -1 : i32
    %broadcast_in_dim3A_37 = vector.broadcast %broadcast_in_dim3A_36 : i32 to vector<16xi32>
    %scan3A = arith.constant 0 : i32
    %scan3A_38 = arith.constant 0 : i32
    %scan3A_39 = arith.constant 129 : i32
    %scan3A_40 = arith.addi %scan3A_38, %scan3A_39 : i32
    %scan3A_41 = arith.constant 1 : i32
    %scan3A_42 = scf.for %scan3A_441 = %scan3A_38 to %scan3A_40 step %scan3A_41 iter_args(%scan3A_442 = %scan3A) -> (i32)  : i32 {
      %mul3A_443 = arith.constant 16 : i32
      %mul3A_444 = arith.muli %scan3A_441, %mul3A_443 : i32
      %swap3A_445 = arith.index_cast %mul3A_444 : i32 to index
      %swap3A_446 = tpu.vector_load %arg8[%swap3A_445] {strides = array<i32>} : memref<2064xi32, #tpu.memory_space<vmem>>, vector<16xi32>,
      tpu.vector_store %arg8[%swap3A_445], %broadcast_in_dim3A_37 {strides = array<i32>} : memref<2064xi32, #tpu.memory_space<vmem>>, vector<16xi32>,
      %mul3A_447 = arith.constant 16 : i32
      %mul3A_448 = arith.muli %scan3A_441, %mul3A_447 : i32
      %swap3A_449 = arith.index_cast %mul3A_448 : i32 to index
      %swap3A_450 = tpu.vector_load %arg9[%swap3A_449] {strides = array<i32>} : memref<2064xi32, #tpu.memory_space<vmem>>, vector<16xi32>,
      tpu.vector_store %arg9[%swap3A_449], %broadcast_in_dim3A_37 {strides = array<i32>} : memref<2064xi32, #tpu.memory_space<vmem>>, vector<16xi32>,
      %scan3A_451 = arith.constant 0 : i32
      scf.yield %scan3A_451 : i32
    }
    %scan3A_43 = arith.constant 129 : i32
    %mul3A_44 = arith.constant 24192 : i32
    %mul3A_45 = arith.muli %select_n3A_30, %mul3A_44 : i32
    %broadcast_in_dim3A_46 = vector.broadcast %mul3A_45 : i32 to vector<16xi32>
    %add3A_47 = arith.addi %broadcast_in_dim3A_46, %iota3A : vector<16xi32>
    %scan3A_48 = arith.constant 0 : i32
    %scan3A_49 = arith.constant 0 : i32
    %scan3A_50 = arith.constant 1512 : i32
    %scan3A_51 = arith.addi %scan3A_49, %scan3A_50 : i32
    %scan3A_52 = arith.constant 1 : i32
    %scan3A_53 = scf.for %scan3A_441 = %scan3A_49 to %scan3A_51 step %scan3A_52 iter_args(%scan3A_442 = %scan3A_48) -> (i32)  : i32 {
      %mul3A_443 = arith.constant 16 : i32
      %mul3A_444 = arith.muli %scan3A_441, %mul3A_443 : i32
      %get3A_445 = arith.index_cast %mul3A_444 : i32 to index
      %get3A_446 = tpu.vector_load %arg7[%get3A_445] {strides = array<i32>} : memref<24192xi32, #tpu.memory_space<vmem>>, vector<16xi32>,
      %ge3A = arith.cmpi sge, %get3A_446, %broadcast_in_dim3A : vector<16xi32>
      %all_reduce_population_count3A = tpu.all_reduce %ge3A {dim = 0 : i64, kind = #tpu.reduction_kind<sum>} : vector<16xi1> -> vector<16xi32>
      %slice3A_447 = vector.extract_strided_slice %all_reduce_population_count3A {offsets = [0], sizes = [1], strides = [1]} : vector<16xi32> to vector<1xi32>
      %squeeze3A_448 = vector.extract %slice3A_447[0] : i32 from vector<1xi32>
      %min3A_449 = arith.constant 2032 : i32
      %min3A_450 = arith.minsi %scan3A_442, %min3A_449 : i32
      %swap3A_451 = arith.index_cast %min3A_450 : i32 to index
      %swap3A_452 = tpu.vector_load %arg8[%swap3A_451] masked %ge3A {strides = array<i32>} : memref<2064xi32, #tpu.memory_space<vmem>>, vector<16xi32>, vector<16xi1>
      tpu.vector_store %arg8[%swap3A_451], %get3A_446 masked %ge3A {strides = array<i32>} : memref<2064xi32, #tpu.memory_space<vmem>>, vector<16xi32>, vector<16xi1>
      %mul3A_453 = arith.constant 16 : i32
      %mul3A_454 = arith.muli %scan3A_441, %mul3A_453 : i32
      %broadcast_in_dim3A_455 = vector.broadcast %mul3A_454 : i32 to vector<16xi32>
      %add3A_456 = arith.addi %add3A_47, %broadcast_in_dim3A_455 : vector<16xi32>
      %swap3A_457 = arith.index_cast %min3A_450 : i32 to index
      %swap3A_458 = tpu.vector_load %arg9[%swap3A_457] masked %ge3A {strides = array<i32>} : memref<2064xi32, #tpu.memory_space<vmem>>, vector<16xi32>, vector<16xi1>
      tpu.vector_store %arg9[%swap3A_457], %add3A_456 masked %ge3A {strides = array<i32>} : memref<2064xi32, #tpu.memory_space<vmem>>, vector<16xi32>, vector<16xi1>
      %add3A_459 = arith.addi %scan3A_442, %squeeze3A_448 : i32
      scf.yield %add3A_459 : i32
    }
    %scan3A_54 = arith.constant 1512 : i32
    %min3A = arith.constant 2048 : i32
    %min3A_55 = arith.minsi %scan3A_53, %min3A : i32
    %eq3A_56 = arith.constant 0 : i32
    %eq3A_57 = vector.broadcast %eq3A_56 : i32 to vector<16xi32>
    %eq3A_58 = arith.cmpi eq, %iota3A, %eq3A_57 : vector<16xi32>
    %jit3A_59 = arith.constant 0 : i32
    %broadcast_in_dim3A_60 = vector.broadcast %min3A_55 : i32 to vector<16xi32>
    %broadcast_in_dim3A_61 = vector.broadcast %jit3A_59 : i32 to vector<16xi32>
    %select_n3A_62 = arith.select %eq3A_58, %broadcast_in_dim3A_60, %broadcast_in_dim3A_61 : vector<16xi1>, vector<16xi32>
    %swap3A = arith.constant 0 : index
    %swap3A_63 = tpu.vector_load %arg14[%swap3A] {strides = array<i32>} : memref<16xi32, #tpu.memory_space<vmem>>, vector<16xi32>,
    tpu.vector_store %arg14[%swap3A], %select_n3A_62 {strides = array<i32>} : memref<16xi32, #tpu.memory_space<vmem>>, vector<16xi32>,
    "tpu.region"() ({
      %run_scoped3A_441 = tpu.sem_alloc : memref<!tpu.dma_semaphore, #tpu.memory_space<semaphore_mem>>
      %dma_start3A = arith.constant 0 : i32
      %dma_start3A_442 = tpu.memref_slice %arg19[%arg1, %dma_start3A] : memref<16x16xi32, #tpu.memory_space<vmem_shared>> -> memref<1x16xi32, #tpu.memory_space<vmem_shared>>
      %dma_start3A_443 = tpu.memref_squeeze %dma_start3A_442 : memref<1x16xi32, #tpu.memory_space<vmem_shared>> -> memref<16xi32, #tpu.memory_space<vmem_shared>>
      %dma_start3A_444 = arith.constant 0 : i32
      %dma_start3A_445 = tpu.memref_slice %arg19[%arg1, %dma_start3A_444] : memref<16x16xi32, #tpu.memory_space<vmem_shared>> -> memref<1x16xi32, #tpu.memory_space<vmem_shared>>
      %dma_start3A_446 = tpu.memref_squeeze %dma_start3A_445 : memref<1x16xi32, #tpu.memory_space<vmem_shared>> -> memref<16xi32, #tpu.memory_space<vmem_shared>>
      tpu.enqueue_dma source(%arg14 : memref<16xi32, #tpu.memory_space<vmem>>) target(%dma_start3A_446 : memref<16xi32, #tpu.memory_space<vmem_shared>>) target_semaphore(%run_scoped3A_441 : memref<!tpu.dma_semaphore, #tpu.memory_space<semaphore_mem>>)
      %dma_wait3A = arith.constant 0 : i32
      %dma_wait3A_447 = tpu.memref_slice %arg19[%arg1, %dma_wait3A] : memref<16x16xi32, #tpu.memory_space<vmem_shared>> -> memref<1x16xi32, #tpu.memory_space<vmem_shared>>
      %dma_wait3A_448 = tpu.memref_squeeze %dma_wait3A_447 : memref<1x16xi32, #tpu.memory_space<vmem_shared>> -> memref<16xi32, #tpu.memory_space<vmem_shared>>
      %dma_wait3A_449 = arith.constant 0 : i32
      %dma_wait3A_450 = tpu.memref_slice %arg19[%arg1, %dma_wait3A_449] : memref<16x16xi32, #tpu.memory_space<vmem_shared>> -> memref<1x16xi32, #tpu.memory_space<vmem_shared>>
      %dma_wait3A_451 = tpu.memref_squeeze %dma_wait3A_450 : memref<1x16xi32, #tpu.memory_space<vmem_shared>> -> memref<16xi32, #tpu.memory_space<vmem_shared>>
      tpu.wait_dma2 semaphore(%run_scoped3A_441 : memref<!tpu.dma_semaphore, #tpu.memory_space<semaphore_mem>>) src(%arg14 : memref<16xi32, #tpu.memory_space<vmem>>) dst(%dma_wait3A_451 : memref<16xi32, #tpu.memory_space<vmem_shared>>)
      tpu.yield
    }) : () -> ()
    "tpu.region"() ({
      %run_scoped3A_441 = tpu.sem_alloc : memref<!tpu.dma_semaphore, #tpu.memory_space<semaphore_mem>>
      %dma_start3A = arith.constant 0 : i32
      %dma_start3A_442 = tpu.memref_slice %arg8[%dma_start3A] : memref<2064xi32, #tpu.memory_space<vmem>> -> memref<2048xi32, #tpu.memory_space<vmem>>
      %dma_start3A_443 = arith.constant 0 : i32
      %dma_start3A_444 = tpu.memref_slice %arg17[%arg1, %dma_start3A_443] : memref<16x2048xi32, #tpu.memory_space<vmem_shared>> -> memref<1x2048xi32, #tpu.memory_space<vmem_shared>>
      %dma_start3A_445 = tpu.memref_squeeze %dma_start3A_444 : memref<1x2048xi32, #tpu.memory_space<vmem_shared>> -> memref<2048xi32, #tpu.memory_space<vmem_shared>>
      %dma_start3A_446 = arith.constant 0 : i32
      %dma_start3A_447 = tpu.memref_slice %arg17[%arg1, %dma_start3A_446] : memref<16x2048xi32, #tpu.memory_space<vmem_shared>> -> memref<1x2048xi32, #tpu.memory_space<vmem_shared>>
      %dma_start3A_448 = tpu.memref_squeeze %dma_start3A_447 : memref<1x2048xi32, #tpu.memory_space<vmem_shared>> -> memref<2048xi32, #tpu.memory_space<vmem_shared>>
      %dma_start3A_449 = arith.constant 0 : i32
      %dma_start3A_450 = tpu.memref_slice %arg8[%dma_start3A_449] : memref<2064xi32, #tpu.memory_space<vmem>> -> memref<2048xi32, #tpu.memory_space<vmem>>
      tpu.enqueue_dma source(%dma_start3A_450 : memref<2048xi32, #tpu.memory_space<vmem>>) target(%dma_start3A_448 : memref<2048xi32, #tpu.memory_space<vmem_shared>>) target_semaphore(%run_scoped3A_441 : memref<!tpu.dma_semaphore, #tpu.memory_space<semaphore_mem>>)
      %dma_wait3A = arith.constant 0 : i32
      %dma_wait3A_451 = tpu.memref_slice %arg8[%dma_wait3A] : memref<2064xi32, #tpu.memory_space<vmem>> -> memref<2048xi32, #tpu.memory_space<vmem>>
      %dma_wait3A_452 = arith.constant 0 : i32
      %dma_wait3A_453 = tpu.memref_slice %arg17[%arg1, %dma_wait3A_452] : memref<16x2048xi32, #tpu.memory_space<vmem_shared>> -> memref<1x2048xi32, #tpu.memory_space<vmem_shared>>
      %dma_wait3A_454 = tpu.memref_squeeze %dma_wait3A_453 : memref<1x2048xi32, #tpu.memory_space<vmem_shared>> -> memref<2048xi32, #tpu.memory_space<vmem_shared>>
      %dma_wait3A_455 = arith.constant 0 : i32
      %dma_wait3A_456 = tpu.memref_slice %arg17[%arg1, %dma_wait3A_455] : memref<16x2048xi32, #tpu.memory_space<vmem_shared>> -> memref<1x2048xi32, #tpu.memory_space<vmem_shared>>
      %dma_wait3A_457 = tpu.memref_squeeze %dma_wait3A_456 : memref<1x2048xi32, #tpu.memory_space<vmem_shared>> -> memref<2048xi32, #tpu.memory_space<vmem_shared>>
      %dma_wait3A_458 = arith.constant 0 : i32
      %dma_wait3A_459 = tpu.memref_slice %arg8[%dma_wait3A_458] : memref<2064xi32, #tpu.memory_space<vmem>> -> memref<2048xi32, #tpu.memory_space<vmem>>
      tpu.wait_dma2 semaphore(%run_scoped3A_441 : memref<!tpu.dma_semaphore, #tpu.memory_space<semaphore_mem>>) src(%dma_wait3A_459 : memref<2048xi32, #tpu.memory_space<vmem>>) dst(%dma_wait3A_457 : memref<2048xi32, #tpu.memory_space<vmem_shared>>)
      tpu.yield
    }) : () -> ()
    "tpu.region"() ({
      %run_scoped3A_441 = tpu.sem_alloc : memref<!tpu.dma_semaphore, #tpu.memory_space<semaphore_mem>>
      %dma_start3A = arith.constant 0 : i32
      %dma_start3A_442 = tpu.memref_slice %arg9[%dma_start3A] : memref<2064xi32, #tpu.memory_space<vmem>> -> memref<2048xi32, #tpu.memory_space<vmem>>
      %dma_start3A_443 = arith.constant 0 : i32
      %dma_start3A_444 = tpu.memref_slice %arg18[%arg1, %dma_start3A_443] : memref<16x2048xi32, #tpu.memory_space<vmem_shared>> -> memref<1x2048xi32, #tpu.memory_space<vmem_shared>>
      %dma_start3A_445 = tpu.memref_squeeze %dma_start3A_444 : memref<1x2048xi32, #tpu.memory_space<vmem_shared>> -> memref<2048xi32, #tpu.memory_space<vmem_shared>>
      %dma_start3A_446 = arith.constant 0 : i32
      %dma_start3A_447 = tpu.memref_slice %arg18[%arg1, %dma_start3A_446] : memref<16x2048xi32, #tpu.memory_space<vmem_shared>> -> memref<1x2048xi32, #tpu.memory_space<vmem_shared>>
      %dma_start3A_448 = tpu.memref_squeeze %dma_start3A_447 : memref<1x2048xi32, #tpu.memory_space<vmem_shared>> -> memref<2048xi32, #tpu.memory_space<vmem_shared>>
      %dma_start3A_449 = arith.constant 0 : i32
      %dma_start3A_450 = tpu.memref_slice %arg9[%dma_start3A_449] : memref<2064xi32, #tpu.memory_space<vmem>> -> memref<2048xi32, #tpu.memory_space<vmem>>
      tpu.enqueue_dma source(%dma_start3A_450 : memref<2048xi32, #tpu.memory_space<vmem>>) target(%dma_start3A_448 : memref<2048xi32, #tpu.memory_space<vmem_shared>>) target_semaphore(%run_scoped3A_441 : memref<!tpu.dma_semaphore, #tpu.memory_space<semaphore_mem>>)
      %dma_wait3A = arith.constant 0 : i32
      %dma_wait3A_451 = tpu.memref_slice %arg9[%dma_wait3A] : memref<2064xi32, #tpu.memory_space<vmem>> -> memref<2048xi32, #tpu.memory_space<vmem>>
      %dma_wait3A_452 = arith.constant 0 : i32
      %dma_wait3A_453 = tpu.memref_slice %arg18[%arg1, %dma_wait3A_452] : memref<16x2048xi32, #tpu.memory_space<vmem_shared>> -> memref<1x2048xi32, #tpu.memory_space<vmem_shared>>
      %dma_wait3A_454 = tpu.memref_squeeze %dma_wait3A_453 : memref<1x2048xi32, #tpu.memory_space<vmem_shared>> -> memref<2048xi32, #tpu.memory_space<vmem_shared>>
      %dma_wait3A_455 = arith.constant 0 : i32
      %dma_wait3A_456 = tpu.memref_slice %arg18[%arg1, %dma_wait3A_455] : memref<16x2048xi32, #tpu.memory_space<vmem_shared>> -> memref<1x2048xi32, #tpu.memory_space<vmem_shared>>
      %dma_wait3A_457 = tpu.memref_squeeze %dma_wait3A_456 : memref<1x2048xi32, #tpu.memory_space<vmem_shared>> -> memref<2048xi32, #tpu.memory_space<vmem_shared>>
      %dma_wait3A_458 = arith.constant 0 : i32
      %dma_wait3A_459 = tpu.memref_slice %arg9[%dma_wait3A_458] : memref<2064xi32, #tpu.memory_space<vmem>> -> memref<2048xi32, #tpu.memory_space<vmem>>
      tpu.wait_dma2 semaphore(%run_scoped3A_441 : memref<!tpu.dma_semaphore, #tpu.memory_space<semaphore_mem>>) src(%dma_wait3A_459 : memref<2048xi32, #tpu.memory_space<vmem>>) dst(%dma_wait3A_457 : memref<2048xi32, #tpu.memory_space<vmem_shared>>)
      tpu.yield
    }) : () -> ()
    %barrier3A = arith.constant 0 : index
    tpu.barrier barrier_id(%barrier3A)
    %add3A_64 = arith.constant 0 : i32
    %add3A_65 = arith.addi %mul3A_32, %add3A_64 : i32
    %run_scoped3A = arith.constant 0 : i32
    "tpu.region"() ({
      %run_scoped3A_441 = tpu.sem_alloc : memref<!tpu.dma_semaphore, #tpu.memory_space<semaphore_mem>>
      %dma_start3A = arith.constant 0 : i32
      %dma_start3A_442 = tpu.memref_slice %arg10[%run_scoped3A, %dma_start3A] : memref<8x2048xi32, #tpu.memory_space<vmem>> -> memref<1x2048xi32, #tpu.memory_space<vmem>>
      %dma_start3A_443 = tpu.memref_squeeze %dma_start3A_442 : memref<1x2048xi32, #tpu.memory_space<vmem>> -> memref<2048xi32, #tpu.memory_space<vmem>>
      %dma_start3A_444 = arith.constant 0 : i32
      %dma_start3A_445 = tpu.memref_slice %arg17[%add3A_65, %dma_start3A_444] : memref<16x2048xi32, #tpu.memory_space<vmem_shared>> -> memref<1x2048xi32, #tpu.memory_space<vmem_shared>>
      %dma_start3A_446 = tpu.memref_squeeze %dma_start3A_445 : memref<1x2048xi32, #tpu.memory_space<vmem_shared>> -> memref<2048xi32, #tpu.memory_space<vmem_shared>>
      %dma_start3A_447 = arith.constant 0 : i32
      %dma_start3A_448 = tpu.memref_slice %arg10[%run_scoped3A, %dma_start3A_447] : memref<8x2048xi32, #tpu.memory_space<vmem>> -> memref<1x2048xi32, #tpu.memory_space<vmem>>
      %dma_start3A_449 = tpu.memref_squeeze %dma_start3A_448 : memref<1x2048xi32, #tpu.memory_space<vmem>> -> memref<2048xi32, #tpu.memory_space<vmem>>
      %dma_start3A_450 = arith.constant 0 : i32
      %dma_start3A_451 = tpu.memref_slice %arg17[%add3A_65, %dma_start3A_450] : memref<16x2048xi32, #tpu.memory_space<vmem_shared>> -> memref<1x2048xi32, #tpu.memory_space<vmem_shared>>
      %dma_start3A_452 = tpu.memref_squeeze %dma_start3A_451 : memref<1x2048xi32, #tpu.memory_space<vmem_shared>> -> memref<2048xi32, #tpu.memory_space<vmem_shared>>
      tpu.enqueue_dma source(%dma_start3A_452 : memref<2048xi32, #tpu.memory_space<vmem_shared>>) target(%dma_start3A_449 : memref<2048xi32, #tpu.memory_space<vmem>>) target_semaphore(%run_scoped3A_441 : memref<!tpu.dma_semaphore, #tpu.memory_space<semaphore_mem>>)
      %dma_wait3A = arith.constant 0 : i32
      %dma_wait3A_453 = tpu.memref_slice %arg10[%run_scoped3A, %dma_wait3A] : memref<8x2048xi32, #tpu.memory_space<vmem>> -> memref<1x2048xi32, #tpu.memory_space<vmem>>
      %dma_wait3A_454 = tpu.memref_squeeze %dma_wait3A_453 : memref<1x2048xi32, #tpu.memory_space<vmem>> -> memref<2048xi32, #tpu.memory_space<vmem>>
      %dma_wait3A_455 = arith.constant 0 : i32
      %dma_wait3A_456 = tpu.memref_slice %arg17[%add3A_65, %dma_wait3A_455] : memref<16x2048xi32, #tpu.memory_space<vmem_shared>> -> memref<1x2048xi32, #tpu.memory_space<vmem_shared>>
      %dma_wait3A_457 = tpu.memref_squeeze %dma_wait3A_456 : memref<1x2048xi32, #tpu.memory_space<vmem_shared>> -> memref<2048xi32, #tpu.memory_space<vmem_shared>>
      %dma_wait3A_458 = arith.constant 0 : i32
      %dma_wait3A_459 = tpu.memref_slice %arg10[%run_scoped3A, %dma_wait3A_458] : memref<8x2048xi32, #tpu.memory_space<vmem>> -> memref<1x2048xi32, #tpu.memory_space<vmem>>
      %dma_wait3A_460 = tpu.memref_squeeze %dma_wait3A_459 : memref<1x2048xi32, #tpu.memory_space<vmem>> -> memref<2048xi32, #tpu.memory_space<vmem>>
      %dma_wait3A_461 = arith.constant 0 : i32
      %dma_wait3A_462 = tpu.memref_slice %arg17[%add3A_65, %dma_wait3A_461] : memref<16x2048xi32, #tpu.memory_space<vmem_shared>> -> memref<1x2048xi32, #tpu.memory_space<vmem_shared>>
      %dma_wait3A_463 = tpu.memref_squeeze %dma_wait3A_462 : memref<1x2048xi32, #tpu.memory_space<vmem_shared>> -> memref<2048xi32, #tpu.memory_space<vmem_shared>>
      tpu.wait_dma2 semaphore(%run_scoped3A_441 : memref<!tpu.dma_semaphore, #tpu.memory_space<semaphore_mem>>) src(%dma_wait3A_463 : memref<2048xi32, #tpu.memory_space<vmem_shared>>) dst(%dma_wait3A_460 : memref<2048xi32, #tpu.memory_space<vmem>>)
      tpu.yield
    }) : () -> ()
    %add3A_66 = arith.constant 0 : i32
    %add3A_67 = arith.addi %mul3A_32, %add3A_66 : i32
    %run_scoped3A_68 = arith.constant 0 : i32
    "tpu.region"() ({
      %run_scoped3A_441 = tpu.sem_alloc : memref<!tpu.dma_semaphore, #tpu.memory_space<semaphore_mem>>
      %dma_start3A = arith.constant 0 : i32
      %dma_start3A_442 = tpu.memref_slice %arg11[%run_scoped3A_68, %dma_start3A] : memref<8x2048xi32, #tpu.memory_space<vmem>> -> memref<1x2048xi32, #tpu.memory_space<vmem>>
      %dma_start3A_443 = tpu.memref_squeeze %dma_start3A_442 : memref<1x2048xi32, #tpu.memory_space<vmem>> -> memref<2048xi32, #tpu.memory_space<vmem>>
      %dma_start3A_444 = arith.constant 0 : i32
      %dma_start3A_445 = tpu.memref_slice %arg18[%add3A_67, %dma_start3A_444] : memref<16x2048xi32, #tpu.memory_space<vmem_shared>> -> memref<1x2048xi32, #tpu.memory_space<vmem_shared>>
      %dma_start3A_446 = tpu.memref_squeeze %dma_start3A_445 : memref<1x2048xi32, #tpu.memory_space<vmem_shared>> -> memref<2048xi32, #tpu.memory_space<vmem_shared>>
      %dma_start3A_447 = arith.constant 0 : i32
      %dma_start3A_448 = tpu.memref_slice %arg11[%run_scoped3A_68, %dma_start3A_447] : memref<8x2048xi32, #tpu.memory_space<vmem>> -> memref<1x2048xi32, #tpu.memory_space<vmem>>
      %dma_start3A_449 = tpu.memref_squeeze %dma_start3A_448 : memref<1x2048xi32, #tpu.memory_space<vmem>> -> memref<2048xi32, #tpu.memory_space<vmem>>
      %dma_start3A_450 = arith.constant 0 : i32
      %dma_start3A_451 = tpu.memref_slice %arg18[%add3A_67, %dma_start3A_450] : memref<16x2048xi32, #tpu.memory_space<vmem_shared>> -> memref<1x2048xi32, #tpu.memory_space<vmem_shared>>
      %dma_start3A_452 = tpu.memref_squeeze %dma_start3A_451 : memref<1x2048xi32, #tpu.memory_space<vmem_shared>> -> memref<2048xi32, #tpu.memory_space<vmem_shared>>
      tpu.enqueue_dma source(%dma_start3A_452 : memref<2048xi32, #tpu.memory_space<vmem_shared>>) target(%dma_start3A_449 : memref<2048xi32, #tpu.memory_space<vmem>>) target_semaphore(%run_scoped3A_441 : memref<!tpu.dma_semaphore, #tpu.memory_space<semaphore_mem>>)
      %dma_wait3A = arith.constant 0 : i32
      %dma_wait3A_453 = tpu.memref_slice %arg11[%run_scoped3A_68, %dma_wait3A] : memref<8x2048xi32, #tpu.memory_space<vmem>> -> memref<1x2048xi32, #tpu.memory_space<vmem>>
      %dma_wait3A_454 = tpu.memref_squeeze %dma_wait3A_453 : memref<1x2048xi32, #tpu.memory_space<vmem>> -> memref<2048xi32, #tpu.memory_space<vmem>>
      %dma_wait3A_455 = arith.constant 0 : i32
      %dma_wait3A_456 = tpu.memref_slice %arg18[%add3A_67, %dma_wait3A_455] : memref<16x2048xi32, #tpu.memory_space<vmem_shared>> -> memref<1x2048xi32, #tpu.memory_space<vmem_shared>>
      %dma_wait3A_457 = tpu.memref_squeeze %dma_wait3A_456 : memref<1x2048xi32, #tpu.memory_space<vmem_shared>> -> memref<2048xi32, #tpu.memory_space<vmem_shared>>
      %dma_wait3A_458 = arith.constant 0 : i32
      %dma_wait3A_459 = tpu.memref_slice %arg11[%run_scoped3A_68, %dma_wait3A_458] : memref<8x2048xi32, #tpu.memory_space<vmem>> -> memref<1x2048xi32, #tpu.memory_space<vmem>>
      %dma_wait3A_460 = tpu.memref_squeeze %dma_wait3A_459 : memref<1x2048xi32, #tpu.memory_space<vmem>> -> memref<2048xi32, #tpu.memory_space<vmem>>
      %dma_wait3A_461 = arith.constant 0 : i32
      %dma_wait3A_462 = tpu.memref_slice %arg18[%add3A_67, %dma_wait3A_461] : memref<16x2048xi32, #tpu.memory_space<vmem_shared>> -> memref<1x2048xi32, #tpu.memory_space<vmem_shared>>
      %dma_wait3A_463 = tpu.memref_squeeze %dma_wait3A_462 : memref<1x2048xi32, #tpu.memory_space<vmem_shared>> -> memref<2048xi32, #tpu.memory_space<vmem_shared>>
      tpu.wait_dma2 semaphore(%run_scoped3A_441 : memref<!tpu.dma_semaphore, #tpu.memory_space<semaphore_mem>>) src(%dma_wait3A_463 : memref<2048xi32, #tpu.memory_space<vmem_shared>>) dst(%dma_wait3A_460 : memref<2048xi32, #tpu.memory_space<vmem>>)
      tpu.yield
    }) : () -> ()
    %add3A_69 = arith.constant 0 : i32
    %add3A_70 = arith.addi %mul3A_32, %add3A_69 : i32
    %run_scoped3A_71 = arith.constant 0 : i32
    "tpu.region"() ({
      %run_scoped3A_441 = tpu.sem_alloc : memref<!tpu.dma_semaphore, #tpu.memory_space<semaphore_mem>>
      %dma_start3A = arith.constant 0 : i32
      %dma_start3A_442 = tpu.memref_slice %arg12[%run_scoped3A_71, %dma_start3A] : memref<8x16xi32, #tpu.memory_space<vmem>> -> memref<1x16xi32, #tpu.memory_space<vmem>>
      %dma_start3A_443 = tpu.memref_squeeze %dma_start3A_442 : memref<1x16xi32, #tpu.memory_space<vmem>> -> memref<16xi32, #tpu.memory_space<vmem>>
      %dma_start3A_444 = arith.constant 0 : i32
      %dma_start3A_445 = tpu.memref_slice %arg19[%add3A_70, %dma_start3A_444] : memref<16x16xi32, #tpu.memory_space<vmem_shared>> -> memref<1x16xi32, #tpu.memory_space<vmem_shared>>
      %dma_start3A_446 = tpu.memref_squeeze %dma_start3A_445 : memref<1x16xi32, #tpu.memory_space<vmem_shared>> -> memref<16xi32, #tpu.memory_space<vmem_shared>>
      %dma_start3A_447 = arith.constant 0 : i32
      %dma_start3A_448 = tpu.memref_slice %arg12[%run_scoped3A_71, %dma_start3A_447] : memref<8x16xi32, #tpu.memory_space<vmem>> -> memref<1x16xi32, #tpu.memory_space<vmem>>
      %dma_start3A_449 = tpu.memref_squeeze %dma_start3A_448 : memref<1x16xi32, #tpu.memory_space<vmem>> -> memref<16xi32, #tpu.memory_space<vmem>>
      %dma_start3A_450 = arith.constant 0 : i32
      %dma_start3A_451 = tpu.memref_slice %arg19[%add3A_70, %dma_start3A_450] : memref<16x16xi32, #tpu.memory_space<vmem_shared>> -> memref<1x16xi32, #tpu.memory_space<vmem_shared>>
      %dma_start3A_452 = tpu.memref_squeeze %dma_start3A_451 : memref<1x16xi32, #tpu.memory_space<vmem_shared>> -> memref<16xi32, #tpu.memory_space<vmem_shared>>
      tpu.enqueue_dma source(%dma_start3A_452 : memref<16xi32, #tpu.memory_space<vmem_shared>>) target(%dma_start3A_449 : memref<16xi32, #tpu.memory_space<vmem>>) target_semaphore(%run_scoped3A_441 : memref<!tpu.dma_semaphore, #tpu.memory_space<semaphore_mem>>)
      %dma_wait3A = arith.constant 0 : i32
      %dma_wait3A_453 = tpu.memref_slice %arg12[%run_scoped3A_71, %dma_wait3A] : memref<8x16xi32, #tpu.memory_space<vmem>> -> memref<1x16xi32, #tpu.memory_space<vmem>>
      %dma_wait3A_454 = tpu.memref_squeeze %dma_wait3A_453 : memref<1x16xi32, #tpu.memory_space<vmem>> -> memref<16xi32, #tpu.memory_space<vmem>>
      %dma_wait3A_455 = arith.constant 0 : i32
      %dma_wait3A_456 = tpu.memref_slice %arg19[%add3A_70, %dma_wait3A_455] : memref<16x16xi32, #tpu.memory_space<vmem_shared>> -> memref<1x16xi32, #tpu.memory_space<vmem_shared>>
      %dma_wait3A_457 = tpu.memref_squeeze %dma_wait3A_456 : memref<1x16xi32, #tpu.memory_space<vmem_shared>> -> memref<16xi32, #tpu.memory_space<vmem_shared>>
      %dma_wait3A_458 = arith.constant 0 : i32
      %dma_wait3A_459 = tpu.memref_slice %arg12[%run_scoped3A_71, %dma_wait3A_458] : memref<8x16xi32, #tpu.memory_space<vmem>> -> memref<1x16xi32, #tpu.memory_space<vmem>>
      %dma_wait3A_460 = tpu.memref_squeeze %dma_wait3A_459 : memref<1x16xi32, #tpu.memory_space<vmem>> -> memref<16xi32, #tpu.memory_space<vmem>>
      %dma_wait3A_461 = arith.constant 0 : i32
      %dma_wait3A_462 = tpu.memref_slice %arg19[%add3A_70, %dma_wait3A_461] : memref<16x16xi32, #tpu.memory_space<vmem_shared>> -> memref<1x16xi32, #tpu.memory_space<vmem_shared>>
      %dma_wait3A_463 = tpu.memref_squeeze %dma_wait3A_462 : memref<1x16xi32, #tpu.memory_space<vmem_shared>> -> memref<16xi32, #tpu.memory_space<vmem_shared>>
      tpu.wait_dma2 semaphore(%run_scoped3A_441 : memref<!tpu.dma_semaphore, #tpu.memory_space<semaphore_mem>>) src(%dma_wait3A_463 : memref<16xi32, #tpu.memory_space<vmem_shared>>) dst(%dma_wait3A_460 : memref<16xi32, #tpu.memory_space<vmem>>)
      tpu.yield
    }) : () -> ()
    %add3A_72 = arith.constant 1 : i32
    %add3A_73 = arith.addi %mul3A_32, %add3A_72 : i32
    %run_scoped3A_74 = arith.constant 1 : i32
    "tpu.region"() ({
      %run_scoped3A_441 = tpu.sem_alloc : memref<!tpu.dma_semaphore, #tpu.memory_space<semaphore_mem>>
      %dma_start3A = arith.constant 0 : i32
      %dma_start3A_442 = tpu.memref_slice %arg10[%run_scoped3A_74, %dma_start3A] : memref<8x2048xi32, #tpu.memory_space<vmem>> -> memref<1x2048xi32, #tpu.memory_space<vmem>>
      %dma_start3A_443 = tpu.memref_squeeze %dma_start3A_442 : memref<1x2048xi32, #tpu.memory_space<vmem>> -> memref<2048xi32, #tpu.memory_space<vmem>>
      %dma_start3A_444 = arith.constant 0 : i32
      %dma_start3A_445 = tpu.memref_slice %arg17[%add3A_73, %dma_start3A_444] : memref<16x2048xi32, #tpu.memory_space<vmem_shared>> -> memref<1x2048xi32, #tpu.memory_space<vmem_shared>>
      %dma_start3A_446 = tpu.memref_squeeze %dma_start3A_445 : memref<1x2048xi32, #tpu.memory_space<vmem_shared>> -> memref<2048xi32, #tpu.memory_space<vmem_shared>>
      %dma_start3A_447 = arith.constant 0 : i32
      %dma_start3A_448 = tpu.memref_slice %arg10[%run_scoped3A_74, %dma_start3A_447] : memref<8x2048xi32, #tpu.memory_space<vmem>> -> memref<1x2048xi32, #tpu.memory_space<vmem>>
      %dma_start3A_449 = tpu.memref_squeeze %dma_start3A_448 : memref<1x2048xi32, #tpu.memory_space<vmem>> -> memref<2048xi32, #tpu.memory_space<vmem>>
      %dma_start3A_450 = arith.constant 0 : i32
      %dma_start3A_451 = tpu.memref_slice %arg17[%add3A_73, %dma_start3A_450] : memref<16x2048xi32, #tpu.memory_space<vmem_shared>> -> memref<1x2048xi32, #tpu.memory_space<vmem_shared>>
      %dma_start3A_452 = tpu.memref_squeeze %dma_start3A_451 : memref<1x2048xi32, #tpu.memory_space<vmem_shared>> -> memref<2048xi32, #tpu.memory_space<vmem_shared>>
      tpu.enqueue_dma source(%dma_start3A_452 : memref<2048xi32, #tpu.memory_space<vmem_shared>>) target(%dma_start3A_449 : memref<2048xi32, #tpu.memory_space<vmem>>) target_semaphore(%run_scoped3A_441 : memref<!tpu.dma_semaphore, #tpu.memory_space<semaphore_mem>>)
      %dma_wait3A = arith.constant 0 : i32
      %dma_wait3A_453 = tpu.memref_slice %arg10[%run_scoped3A_74, %dma_wait3A] : memref<8x2048xi32, #tpu.memory_space<vmem>> -> memref<1x2048xi32, #tpu.memory_space<vmem>>
      %dma_wait3A_454 = tpu.memref_squeeze %dma_wait3A_453 : memref<1x2048xi32, #tpu.memory_space<vmem>> -> memref<2048xi32, #tpu.memory_space<vmem>>
      %dma_wait3A_455 = arith.constant 0 : i32
      %dma_wait3A_456 = tpu.memref_slice %arg17[%add3A_73, %dma_wait3A_455] : memref<16x2048xi32, #tpu.memory_space<vmem_shared>> -> memref<1x2048xi32, #tpu.memory_space<vmem_shared>>
      %dma_wait3A_457 = tpu.memref_squeeze %dma_wait3A_456 : memref<1x2048xi32, #tpu.memory_space<vmem_shared>> -> memref<2048xi32, #tpu.memory_space<vmem_shared>>
      %dma_wait3A_458 = arith.constant 0 : i32
      %dma_wait3A_459 = tpu.memref_slice %arg10[%run_scoped3A_74, %dma_wait3A_458] : memref<8x2048xi32, #tpu.memory_space<vmem>> -> memref<1x2048xi32, #tpu.memory_space<vmem>>
      %dma_wait3A_460 = tpu.memref_squeeze %dma_wait3A_459 : memref<1x2048xi32, #tpu.memory_space<vmem>> -> memref<2048xi32, #tpu.memory_space<vmem>>
      %dma_wait3A_461 = arith.constant 0 : i32
      %dma_wait3A_462 = tpu.memref_slice %arg17[%add3A_73, %dma_wait3A_461] : memref<16x2048xi32, #tpu.memory_space<vmem_shared>> -> memref<1x2048xi32, #tpu.memory_space<vmem_shared>>
      %dma_wait3A_463 = tpu.memref_squeeze %dma_wait3A_462 : memref<1x2048xi32, #tpu.memory_space<vmem_shared>> -> memref<2048xi32, #tpu.memory_space<vmem_shared>>
      tpu.wait_dma2 semaphore(%run_scoped3A_441 : memref<!tpu.dma_semaphore, #tpu.memory_space<semaphore_mem>>) src(%dma_wait3A_463 : memref<2048xi32, #tpu.memory_space<vmem_shared>>) dst(%dma_wait3A_460 : memref<2048xi32, #tpu.memory_space<vmem>>)
      tpu.yield
    }) : () -> ()
    %add3A_75 = arith.constant 1 : i32
    %add3A_76 = arith.addi %mul3A_32, %add3A_75 : i32
    %run_scoped3A_77 = arith.constant 1 : i32
    "tpu.region"() ({
      %run_scoped3A_441 = tpu.sem_alloc : memref<!tpu.dma_semaphore, #tpu.memory_space<semaphore_mem>>
      %dma_start3A = arith.constant 0 : i32
      %dma_start3A_442 = tpu.memref_slice %arg11[%run_scoped3A_77, %dma_start3A] : memref<8x2048xi32, #tpu.memory_space<vmem>> -> memref<1x2048xi32, #tpu.memory_space<vmem>>
      %dma_start3A_443 = tpu.memref_squeeze %dma_start3A_442 : memref<1x2048xi32, #tpu.memory_space<vmem>> -> memref<2048xi32, #tpu.memory_space<vmem>>
      %dma_start3A_444 = arith.constant 0 : i32
      %dma_start3A_445 = tpu.memref_slice %arg18[%add3A_76, %dma_start3A_444] : memref<16x2048xi32, #tpu.memory_space<vmem_shared>> -> memref<1x2048xi32, #tpu.memory_space<vmem_shared>>
      %dma_start3A_446 = tpu.memref_squeeze %dma_start3A_445 : memref<1x2048xi32, #tpu.memory_space<vmem_shared>> -> memref<2048xi32, #tpu.memory_space<vmem_shared>>
      %dma_start3A_447 = arith.constant 0 : i32
      %dma_start3A_448 = tpu.memref_slice %arg11[%run_scoped3A_77, %dma_start3A_447] : memref<8x2048xi32, #tpu.memory_space<vmem>> -> memref<1x2048xi32, #tpu.memory_space<vmem>>
      %dma_start3A_449 = tpu.memref_squeeze %dma_start3A_448 : memref<1x2048xi32, #tpu.memory_space<vmem>> -> memref<2048xi32, #tpu.memory_space<vmem>>
      %dma_start3A_450 = arith.constant 0 : i32
      %dma_start3A_451 = tpu.memref_slice %arg18[%add3A_76, %dma_start3A_450] : memref<16x2048xi32, #tpu.memory_space<vmem_shared>> -> memref<1x2048xi32, #tpu.memory_space<vmem_shared>>
      %dma_start3A_452 = tpu.memref_squeeze %dma_start3A_451 : memref<1x2048xi32, #tpu.memory_space<vmem_shared>> -> memref<2048xi32, #tpu.memory_space<vmem_shared>>
      tpu.enqueue_dma source(%dma_start3A_452 : memref<2048xi32, #tpu.memory_space<vmem_shared>>) target(%dma_start3A_449 : memref<2048xi32, #tpu.memory_space<vmem>>) target_semaphore(%run_scoped3A_441 : memref<!tpu.dma_semaphore, #tpu.memory_space<semaphore_mem>>)
      %dma_wait3A = arith.constant 0 : i32
      %dma_wait3A_453 = tpu.memref_slice %arg11[%run_scoped3A_77, %dma_wait3A] : memref<8x2048xi32, #tpu.memory_space<vmem>> -> memref<1x2048xi32, #tpu.memory_space<vmem>>
      %dma_wait3A_454 = tpu.memref_squeeze %dma_wait3A_453 : memref<1x2048xi32, #tpu.memory_space<vmem>> -> memref<2048xi32, #tpu.memory_space<vmem>>
      %dma_wait3A_455 = arith.constant 0 : i32
      %dma_wait3A_456 = tpu.memref_slice %arg18[%add3A_76, %dma_wait3A_455] : memref<16x2048xi32, #tpu.memory_space<vmem_shared>> -> memref<1x2048xi32, #tpu.memory_space<vmem_shared>>
      %dma_wait3A_457 = tpu.memref_squeeze %dma_wait3A_456 : memref<1x2048xi32, #tpu.memory_space<vmem_shared>> -> memref<2048xi32, #tpu.memory_space<vmem_shared>>
      %dma_wait3A_458 = arith.constant 0 : i32
      %dma_wait3A_459 = tpu.memref_slice %arg11[%run_scoped3A_77, %dma_wait3A_458] : memref<8x2048xi32, #tpu.memory_space<vmem>> -> memref<1x2048xi32, #tpu.memory_space<vmem>>
      %dma_wait3A_460 = tpu.memref_squeeze %dma_wait3A_459 : memref<1x2048xi32, #tpu.memory_space<vmem>> -> memref<2048xi32, #tpu.memory_space<vmem>>
      %dma_wait3A_461 = arith.constant 0 : i32
      %dma_wait3A_462 = tpu.memref_slice %arg18[%add3A_76, %dma_wait3A_461] : memref<16x2048xi32, #tpu.memory_space<vmem_shared>> -> memref<1x2048xi32, #tpu.memory_space<vmem_shared>>
      %dma_wait3A_463 = tpu.memref_squeeze %dma_wait3A_462 : memref<1x2048xi32, #tpu.memory_space<vmem_shared>> -> memref<2048xi32, #tpu.memory_space<vmem_shared>>
      tpu.wait_dma2 semaphore(%run_scoped3A_441 : memref<!tpu.dma_semaphore, #tpu.memory_space<semaphore_mem>>) src(%dma_wait3A_463 : memref<2048xi32, #tpu.memory_space<vmem_shared>>) dst(%dma_wait3A_460 : memref<2048xi32, #tpu.memory_space<vmem>>)
      tpu.yield
    }) : () -> ()
    %add3A_78 = arith.constant 1 : i32
    %add3A_79 = arith.addi %mul3A_32, %add3A_78 : i32
    %run_scoped3A_80 = arith.constant 1 : i32
    "tpu.region"() ({
      %run_scoped3A_441 = tpu.sem_alloc : memref<!tpu.dma_semaphore, #tpu.memory_space<semaphore_mem>>
      %dma_start3A = arith.constant 0 : i32
      %dma_start3A_442 = tpu.memref_slice %arg12[%run_scoped3A_80, %dma_start3A] : memref<8x16xi32, #tpu.memory_space<vmem>> -> memref<1x16xi32, #tpu.memory_space<vmem>>
      %dma_start3A_443 = tpu.memref_squeeze %dma_start3A_442 : memref<1x16xi32, #tpu.memory_space<vmem>> -> memref<16xi32, #tpu.memory_space<vmem>>
      %dma_start3A_444 = arith.constant 0 : i32
      %dma_start3A_445 = tpu.memref_slice %arg19[%add3A_79, %dma_start3A_444] : memref<16x16xi32, #tpu.memory_space<vmem_shared>> -> memref<1x16xi32, #tpu.memory_space<vmem_shared>>
      %dma_start3A_446 = tpu.memref_squeeze %dma_start3A_445 : memref<1x16xi32, #tpu.memory_space<vmem_shared>> -> memref<16xi32, #tpu.memory_space<vmem_shared>>
      %dma_start3A_447 = arith.constant 0 : i32
      %dma_start3A_448 = tpu.memref_slice %arg12[%run_scoped3A_80, %dma_start3A_447] : memref<8x16xi32, #tpu.memory_space<vmem>> -> memref<1x16xi32, #tpu.memory_space<vmem>>
      %dma_start3A_449 = tpu.memref_squeeze %dma_start3A_448 : memref<1x16xi32, #tpu.memory_space<vmem>> -> memref<16xi32, #tpu.memory_space<vmem>>
      %dma_start3A_450 = arith.constant 0 : i32
      %dma_start3A_451 = tpu.memref_slice %arg19[%add3A_79, %dma_start3A_450] : memref<16x16xi32, #tpu.memory_space<vmem_shared>> -> memref<1x16xi32, #tpu.memory_space<vmem_shared>>
      %dma_start3A_452 = tpu.memref_squeeze %dma_start3A_451 : memref<1x16xi32, #tpu.memory_space<vmem_shared>> -> memref<16xi32, #tpu.memory_space<vmem_shared>>
      tpu.enqueue_dma source(%dma_start3A_452 : memref<16xi32, #tpu.memory_space<vmem_shared>>) target(%dma_start3A_449 : memref<16xi32, #tpu.memory_space<vmem>>) target_semaphore(%run_scoped3A_441 : memref<!tpu.dma_semaphore, #tpu.memory_space<semaphore_mem>>)
      %dma_wait3A = arith.constant 0 : i32
      %dma_wait3A_453 = tpu.memref_slice %arg12[%run_scoped3A_80, %dma_wait3A] : memref<8x16xi32, #tpu.memory_space<vmem>> -> memref<1x16xi32, #tpu.memory_space<vmem>>
      %dma_wait3A_454 = tpu.memref_squeeze %dma_wait3A_453 : memref<1x16xi32, #tpu.memory_space<vmem>> -> memref<16xi32, #tpu.memory_space<vmem>>
      %dma_wait3A_455 = arith.constant 0 : i32
      %dma_wait3A_456 = tpu.memref_slice %arg19[%add3A_79, %dma_wait3A_455] : memref<16x16xi32, #tpu.memory_space<vmem_shared>> -> memref<1x16xi32, #tpu.memory_space<vmem_shared>>
      %dma_wait3A_457 = tpu.memref_squeeze %dma_wait3A_456 : memref<1x16xi32, #tpu.memory_space<vmem_shared>> -> memref<16xi32, #tpu.memory_space<vmem_shared>>
      %dma_wait3A_458 = arith.constant 0 : i32
      %dma_wait3A_459 = tpu.memref_slice %arg12[%run_scoped3A_80, %dma_wait3A_458] : memref<8x16xi32, #tpu.memory_space<vmem>> -> memref<1x16xi32, #tpu.memory_space<vmem>>
      %dma_wait3A_460 = tpu.memref_squeeze %dma_wait3A_459 : memref<1x16xi32, #tpu.memory_space<vmem>> -> memref<16xi32, #tpu.memory_space<vmem>>
      %dma_wait3A_461 = arith.constant 0 : i32
      %dma_wait3A_462 = tpu.memref_slice %arg19[%add3A_79, %dma_wait3A_461] : memref<16x16xi32, #tpu.memory_space<vmem_shared>> -> memref<1x16xi32, #tpu.memory_space<vmem_shared>>
      %dma_wait3A_463 = tpu.memref_squeeze %dma_wait3A_462 : memref<1x16xi32, #tpu.memory_space<vmem_shared>> -> memref<16xi32, #tpu.memory_space<vmem_shared>>
      tpu.wait_dma2 semaphore(%run_scoped3A_441 : memref<!tpu.dma_semaphore, #tpu.memory_space<semaphore_mem>>) src(%dma_wait3A_463 : memref<16xi32, #tpu.memory_space<vmem_shared>>) dst(%dma_wait3A_460 : memref<16xi32, #tpu.memory_space<vmem>>)
      tpu.yield
    }) : () -> ()
    %add3A_81 = arith.constant 2 : i32
    %add3A_82 = arith.addi %mul3A_32, %add3A_81 : i32
    %run_scoped3A_83 = arith.constant 2 : i32
    "tpu.region"() ({
      %run_scoped3A_441 = tpu.sem_alloc : memref<!tpu.dma_semaphore, #tpu.memory_space<semaphore_mem>>
      %dma_start3A = arith.constant 0 : i32
      %dma_start3A_442 = tpu.memref_slice %arg10[%run_scoped3A_83, %dma_start3A] : memref<8x2048xi32, #tpu.memory_space<vmem>> -> memref<1x2048xi32, #tpu.memory_space<vmem>>
      %dma_start3A_443 = tpu.memref_squeeze %dma_start3A_442 : memref<1x2048xi32, #tpu.memory_space<vmem>> -> memref<2048xi32, #tpu.memory_space<vmem>>
      %dma_start3A_444 = arith.constant 0 : i32
      %dma_start3A_445 = tpu.memref_slice %arg17[%add3A_82, %dma_start3A_444] : memref<16x2048xi32, #tpu.memory_space<vmem_shared>> -> memref<1x2048xi32, #tpu.memory_space<vmem_shared>>
      %dma_start3A_446 = tpu.memref_squeeze %dma_start3A_445 : memref<1x2048xi32, #tpu.memory_space<vmem_shared>> -> memref<2048xi32, #tpu.memory_space<vmem_shared>>
      %dma_start3A_447 = arith.constant 0 : i32
      %dma_start3A_448 = tpu.memref_slice %arg10[%run_scoped3A_83, %dma_start3A_447] : memref<8x2048xi32, #tpu.memory_space<vmem>> -> memref<1x2048xi32, #tpu.memory_space<vmem>>
      %dma_start3A_449 = tpu.memref_squeeze %dma_start3A_448 : memref<1x2048xi32, #tpu.memory_space<vmem>> -> memref<2048xi32, #tpu.memory_space<vmem>>
      %dma_start3A_450 = arith.constant 0 : i32
      %dma_start3A_451 = tpu.memref_slice %arg17[%add3A_82, %dma_start3A_450] : memref<16x2048xi32, #tpu.memory_space<vmem_shared>> -> memref<1x2048xi32, #tpu.memory_space<vmem_shared>>
      %dma_start3A_452 = tpu.memref_squeeze %dma_start3A_451 : memref<1x2048xi32, #tpu.memory_space<vmem_shared>> -> memref<2048xi32, #tpu.memory_space<vmem_shared>>
      tpu.enqueue_dma source(%dma_start3A_452 : memref<2048xi32, #tpu.memory_space<vmem_shared>>) target(%dma_start3A_449 : memref<2048xi32, #tpu.memory_space<vmem>>) target_semaphore(%run_scoped3A_441 : memref<!tpu.dma_semaphore, #tpu.memory_space<semaphore_mem>>)
      %dma_wait3A = arith.constant 0 : i32
      %dma_wait3A_453 = tpu.memref_slice %arg10[%run_scoped3A_83, %dma_wait3A] : memref<8x2048xi32, #tpu.memory_space<vmem>> -> memref<1x2048xi32, #tpu.memory_space<vmem>>
      %dma_wait3A_454 = tpu.memref_squeeze %dma_wait3A_453 : memref<1x2048xi32, #tpu.memory_space<vmem>> -> memref<2048xi32, #tpu.memory_space<vmem>>
      %dma_wait3A_455 = arith.constant 0 : i32
      %dma_wait3A_456 = tpu.memref_slice %arg17[%add3A_82, %dma_wait3A_455] : memref<16x2048xi32, #tpu.memory_space<vmem_shared>> -> memref<1x2048xi32, #tpu.memory_space<vmem_shared>>
      %dma_wait3A_457 = tpu.memref_squeeze %dma_wait3A_456 : memref<1x2048xi32, #tpu.memory_space<vmem_shared>> -> memref<2048xi32, #tpu.memory_space<vmem_shared>>
      %dma_wait3A_458 = arith.constant 0 : i32
      %dma_wait3A_459 = tpu.memref_slice %arg10[%run_scoped3A_83, %dma_wait3A_458] : memref<8x2048xi32, #tpu.memory_space<vmem>> -> memref<1x2048xi32, #tpu.memory_space<vmem>>
      %dma_wait3A_460 = tpu.memref_squeeze %dma_wait3A_459 : memref<1x2048xi32, #tpu.memory_space<vmem>> -> memref<2048xi32, #tpu.memory_space<vmem>>
      %dma_wait3A_461 = arith.constant 0 : i32
      %dma_wait3A_462 = tpu.memref_slice %arg17[%add3A_82, %dma_wait3A_461] : memref<16x2048xi32, #tpu.memory_space<vmem_shared>> -> memref<1x2048xi32, #tpu.memory_space<vmem_shared>>
      %dma_wait3A_463 = tpu.memref_squeeze %dma_wait3A_462 : memref<1x2048xi32, #tpu.memory_space<vmem_shared>> -> memref<2048xi32, #tpu.memory_space<vmem_shared>>
      tpu.wait_dma2 semaphore(%run_scoped3A_441 : memref<!tpu.dma_semaphore, #tpu.memory_space<semaphore_mem>>) src(%dma_wait3A_463 : memref<2048xi32, #tpu.memory_space<vmem_shared>>) dst(%dma_wait3A_460 : memref<2048xi32, #tpu.memory_space<vmem>>)
      tpu.yield
    }) : () -> ()
    %add3A_84 = arith.constant 2 : i32
    %add3A_85 = arith.addi %mul3A_32, %add3A_84 : i32
    %run_scoped3A_86 = arith.constant 2 : i32
    "tpu.region"() ({
      %run_scoped3A_441 = tpu.sem_alloc : memref<!tpu.dma_semaphore, #tpu.memory_space<semaphore_mem>>
      %dma_start3A = arith.constant 0 : i32
      %dma_start3A_442 = tpu.memref_slice %arg11[%run_scoped3A_86, %dma_start3A] : memref<8x2048xi32, #tpu.memory_space<vmem>> -> memref<1x2048xi32, #tpu.memory_space<vmem>>
      %dma_start3A_443 = tpu.memref_squeeze %dma_start3A_442 : memref<1x2048xi32, #tpu.memory_space<vmem>> -> memref<2048xi32, #tpu.memory_space<vmem>>
      %dma_start3A_444 = arith.constant 0 : i32
      %dma_start3A_445 = tpu.memref_slice %arg18[%add3A_85, %dma_start3A_444] : memref<16x2048xi32, #tpu.memory_space<vmem_shared>> -> memref<1x2048xi32, #tpu.memory_space<vmem_shared>>
      %dma_start3A_446 = tpu.memref_squeeze %dma_start3A_445 : memref<1x2048xi32, #tpu.memory_space<vmem_shared>> -> memref<2048xi32, #tpu.memory_space<vmem_shared>>
      %dma_start3A_447 = arith.constant 0 : i32
      %dma_start3A_448 = tpu.memref_slice %arg11[%run_scoped3A_86, %dma_start3A_447] : memref<8x2048xi32, #tpu.memory_space<vmem>> -> memref<1x2048xi32, #tpu.memory_space<vmem>>
      %dma_start3A_449 = tpu.memref_squeeze %dma_start3A_448 : memref<1x2048xi32, #tpu.memory_space<vmem>> -> memref<2048xi32, #tpu.memory_space<vmem>>
      %dma_start3A_450 = arith.constant 0 : i32
      %dma_start3A_451 = tpu.memref_slice %arg18[%add3A_85, %dma_start3A_450] : memref<16x2048xi32, #tpu.memory_space<vmem_shared>> -> memref<1x2048xi32, #tpu.memory_space<vmem_shared>>
      %dma_start3A_452 = tpu.memref_squeeze %dma_start3A_451 : memref<1x2048xi32, #tpu.memory_space<vmem_shared>> -> memref<2048xi32, #tpu.memory_space<vmem_shared>>
      tpu.enqueue_dma source(%dma_start3A_452 : memref<2048xi32, #tpu.memory_space<vmem_shared>>) target(%dma_start3A_449 : memref<2048xi32, #tpu.memory_space<vmem>>) target_semaphore(%run_scoped3A_441 : memref<!tpu.dma_semaphore, #tpu.memory_space<semaphore_mem>>)
      %dma_wait3A = arith.constant 0 : i32
      %dma_wait3A_453 = tpu.memref_slice %arg11[%run_scoped3A_86, %dma_wait3A] : memref<8x2048xi32, #tpu.memory_space<vmem>> -> memref<1x2048xi32, #tpu.memory_space<vmem>>
      %dma_wait3A_454 = tpu.memref_squeeze %dma_wait3A_453 : memref<1x2048xi32, #tpu.memory_space<vmem>> -> memref<2048xi32, #tpu.memory_space<vmem>>
      %dma_wait3A_455 = arith.constant 0 : i32
      %dma_wait3A_456 = tpu.memref_slice %arg18[%add3A_85, %dma_wait3A_455] : memref<16x2048xi32, #tpu.memory_space<vmem_shared>> -> memref<1x2048xi32, #tpu.memory_space<vmem_shared>>
      %dma_wait3A_457 = tpu.memref_squeeze %dma_wait3A_456 : memref<1x2048xi32, #tpu.memory_space<vmem_shared>> -> memref<2048xi32, #tpu.memory_space<vmem_shared>>
      %dma_wait3A_458 = arith.constant 0 : i32
      %dma_wait3A_459 = tpu.memref_slice %arg11[%run_scoped3A_86, %dma_wait3A_458] : memref<8x2048xi32, #tpu.memory_space<vmem>> -> memref<1x2048xi32, #tpu.memory_space<vmem>>
      %dma_wait3A_460 = tpu.memref_squeeze %dma_wait3A_459 : memref<1x2048xi32, #tpu.memory_space<vmem>> -> memref<2048xi32, #tpu.memory_space<vmem>>
      %dma_wait3A_461 = arith.constant 0 : i32
      %dma_wait3A_462 = tpu.memref_slice %arg18[%add3A_85, %dma_wait3A_461] : memref<16x2048xi32, #tpu.memory_space<vmem_shared>> -> memref<1x2048xi32, #tpu.memory_space<vmem_shared>>
      %dma_wait3A_463 = tpu.memref_squeeze %dma_wait3A_462 : memref<1x2048xi32, #tpu.memory_space<vmem_shared>> -> memref<2048xi32, #tpu.memory_space<vmem_shared>>
      tpu.wait_dma2 semaphore(%run_scoped3A_441 : memref<!tpu.dma_semaphore, #tpu.memory_space<semaphore_mem>>) src(%dma_wait3A_463 : memref<2048xi32, #tpu.memory_space<vmem_shared>>) dst(%dma_wait3A_460 : memref<2048xi32, #tpu.memory_space<vmem>>)
      tpu.yield
    }) : () -> ()
    %add3A_87 = arith.constant 2 : i32
    %add3A_88 = arith.addi %mul3A_32, %add3A_87 : i32
    %run_scoped3A_89 = arith.constant 2 : i32
    "tpu.region"() ({
      %run_scoped3A_441 = tpu.sem_alloc : memref<!tpu.dma_semaphore, #tpu.memory_space<semaphore_mem>>
      %dma_start3A = arith.constant 0 : i32
      %dma_start3A_442 = tpu.memref_slice %arg12[%run_scoped3A_89, %dma_start3A] : memref<8x16xi32, #tpu.memory_space<vmem>> -> memref<1x16xi32, #tpu.memory_space<vmem>>
      %dma_start3A_443 = tpu.memref_squeeze %dma_start3A_442 : memref<1x16xi32, #tpu.memory_space<vmem>> -> memref<16xi32, #tpu.memory_space<vmem>>
      %dma_start3A_444 = arith.constant 0 : i32
      %dma_start3A_445 = tpu.memref_slice %arg19[%add3A_88, %dma_start3A_444] : memref<16x16xi32, #tpu.memory_space<vmem_shared>> -> memref<1x16xi32, #tpu.memory_space<vmem_shared>>
      %dma_start3A_446 = tpu.memref_squeeze %dma_start3A_445 : memref<1x16xi32, #tpu.memory_space<vmem_shared>> -> memref<16xi32, #tpu.memory_space<vmem_shared>>
      %dma_start3A_447 = arith.constant 0 : i32
      %dma_start3A_448 = tpu.memref_slice %arg12[%run_scoped3A_89, %dma_start3A_447] : memref<8x16xi32, #tpu.memory_space<vmem>> -> memref<1x16xi32, #tpu.memory_space<vmem>>
      %dma_start3A_449 = tpu.memref_squeeze %dma_start3A_448 : memref<1x16xi32, #tpu.memory_space<vmem>> -> memref<16xi32, #tpu.memory_space<vmem>>
      %dma_start3A_450 = arith.constant 0 : i32
      %dma_start3A_451 = tpu.memref_slice %arg19[%add3A_88, %dma_start3A_450] : memref<16x16xi32, #tpu.memory_space<vmem_shared>> -> memref<1x16xi32, #tpu.memory_space<vmem_shared>>
      %dma_start3A_452 = tpu.memref_squeeze %dma_start3A_451 : memref<1x16xi32, #tpu.memory_space<vmem_shared>> -> memref<16xi32, #tpu.memory_space<vmem_shared>>
      tpu.enqueue_dma source(%dma_start3A_452 : memref<16xi32, #tpu.memory_space<vmem_shared>>) target(%dma_start3A_449 : memref<16xi32, #tpu.memory_space<vmem>>) target_semaphore(%run_scoped3A_441 : memref<!tpu.dma_semaphore, #tpu.memory_space<semaphore_mem>>)
      %dma_wait3A = arith.constant 0 : i32
      %dma_wait3A_453 = tpu.memref_slice %arg12[%run_scoped3A_89, %dma_wait3A] : memref<8x16xi32, #tpu.memory_space<vmem>> -> memref<1x16xi32, #tpu.memory_space<vmem>>
      %dma_wait3A_454 = tpu.memref_squeeze %dma_wait3A_453 : memref<1x16xi32, #tpu.memory_space<vmem>> -> memref<16xi32, #tpu.memory_space<vmem>>
      %dma_wait3A_455 = arith.constant 0 : i32
      %dma_wait3A_456 = tpu.memref_slice %arg19[%add3A_88, %dma_wait3A_455] : memref<16x16xi32, #tpu.memory_space<vmem_shared>> -> memref<1x16xi32, #tpu.memory_space<vmem_shared>>
      %dma_wait3A_457 = tpu.memref_squeeze %dma_wait3A_456 : memref<1x16xi32, #tpu.memory_space<vmem_shared>> -> memref<16xi32, #tpu.memory_space<vmem_shared>>
      %dma_wait3A_458 = arith.constant 0 : i32
      %dma_wait3A_459 = tpu.memref_slice %arg12[%run_scoped3A_89, %dma_wait3A_458] : memref<8x16xi32, #tpu.memory_space<vmem>> -> memref<1x16xi32, #tpu.memory_space<vmem>>
      %dma_wait3A_460 = tpu.memref_squeeze %dma_wait3A_459 : memref<1x16xi32, #tpu.memory_space<vmem>> -> memref<16xi32, #tpu.memory_space<vmem>>
      %dma_wait3A_461 = arith.constant 0 : i32
      %dma_wait3A_462 = tpu.memref_slice %arg19[%add3A_88, %dma_wait3A_461] : memref<16x16xi32, #tpu.memory_space<vmem_shared>> -> memref<1x16xi32, #tpu.memory_space<vmem_shared>>
      %dma_wait3A_463 = tpu.memref_squeeze %dma_wait3A_462 : memref<1x16xi32, #tpu.memory_space<vmem_shared>> -> memref<16xi32, #tpu.memory_space<vmem_shared>>
      tpu.wait_dma2 semaphore(%run_scoped3A_441 : memref<!tpu.dma_semaphore, #tpu.memory_space<semaphore_mem>>) src(%dma_wait3A_463 : memref<16xi32, #tpu.memory_space<vmem_shared>>) dst(%dma_wait3A_460 : memref<16xi32, #tpu.memory_space<vmem>>)
      tpu.yield
    }) : () -> ()
    %add3A_90 = arith.constant 3 : i32
    %add3A_91 = arith.addi %mul3A_32, %add3A_90 : i32
    %run_scoped3A_92 = arith.constant 3 : i32
    "tpu.region"() ({
      %run_scoped3A_441 = tpu.sem_alloc : memref<!tpu.dma_semaphore, #tpu.memory_space<semaphore_mem>>
      %dma_start3A = arith.constant 0 : i32
      %dma_start3A_442 = tpu.memref_slice %arg10[%run_scoped3A_92, %dma_start3A] : memref<8x2048xi32, #tpu.memory_space<vmem>> -> memref<1x2048xi32, #tpu.memory_space<vmem>>
      %dma_start3A_443 = tpu.memref_squeeze %dma_start3A_442 : memref<1x2048xi32, #tpu.memory_space<vmem>> -> memref<2048xi32, #tpu.memory_space<vmem>>
      %dma_start3A_444 = arith.constant 0 : i32
      %dma_start3A_445 = tpu.memref_slice %arg17[%add3A_91, %dma_start3A_444] : memref<16x2048xi32, #tpu.memory_space<vmem_shared>> -> memref<1x2048xi32, #tpu.memory_space<vmem_shared>>
      %dma_start3A_446 = tpu.memref_squeeze %dma_start3A_445 : memref<1x2048xi32, #tpu.memory_space<vmem_shared>> -> memref<2048xi32, #tpu.memory_space<vmem_shared>>
      %dma_start3A_447 = arith.constant 0 : i32
      %dma_start3A_448 = tpu.memref_slice %arg10[%run_scoped3A_92, %dma_start3A_447] : memref<8x2048xi32, #tpu.memory_space<vmem>> -> memref<1x2048xi32, #tpu.memory_space<vmem>>
      %dma_start3A_449 = tpu.memref_squeeze %dma_start3A_448 : memref<1x2048xi32, #tpu.memory_space<vmem>> -> memref<2048xi32, #tpu.memory_space<vmem>>
      %dma_start3A_450 = arith.constant 0 : i32
      %dma_start3A_451 = tpu.memref_slice %arg17[%add3A_91, %dma_start3A_450] : memref<16x2048xi32, #tpu.memory_space<vmem_shared>> -> memref<1x2048xi32, #tpu.memory_space<vmem_shared>>
      %dma_start3A_452 = tpu.memref_squeeze %dma_start3A_451 : memref<1x2048xi32, #tpu.memory_space<vmem_shared>> -> memref<2048xi32, #tpu.memory_space<vmem_shared>>
      tpu.enqueue_dma source(%dma_start3A_452 : memref<2048xi32, #tpu.memory_space<vmem_shared>>) target(%dma_start3A_449 : memref<2048xi32, #tpu.memory_space<vmem>>) target_semaphore(%run_scoped3A_441 : memref<!tpu.dma_semaphore, #tpu.memory_space<semaphore_mem>>)
      %dma_wait3A = arith.constant 0 : i32
      %dma_wait3A_453 = tpu.memref_slice %arg10[%run_scoped3A_92, %dma_wait3A] : memref<8x2048xi32, #tpu.memory_space<vmem>> -> memref<1x2048xi32, #tpu.memory_space<vmem>>
      %dma_wait3A_454 = tpu.memref_squeeze %dma_wait3A_453 : memref<1x2048xi32, #tpu.memory_space<vmem>> -> memref<2048xi32, #tpu.memory_space<vmem>>
      %dma_wait3A_455 = arith.constant 0 : i32
      %dma_wait3A_456 = tpu.memref_slice %arg17[%add3A_91, %dma_wait3A_455] : memref<16x2048xi32, #tpu.memory_space<vmem_shared>> -> memref<1x2048xi32, #tpu.memory_space<vmem_shared>>
      %dma_wait3A_457 = tpu.memref_squeeze %dma_wait3A_456 : memref<1x2048xi32, #tpu.memory_space<vmem_shared>> -> memref<2048xi32, #tpu.memory_space<vmem_shared>>
      %dma_wait3A_458 = arith.constant 0 : i32
      %dma_wait3A_459 = tpu.memref_slice %arg10[%run_scoped3A_92, %dma_wait3A_458] : memref<8x2048xi32, #tpu.memory_space<vmem>> -> memref<1x2048xi32, #tpu.memory_space<vmem>>
      %dma_wait3A_460 = tpu.memref_squeeze %dma_wait3A_459 : memref<1x2048xi32, #tpu.memory_space<vmem>> -> memref<2048xi32, #tpu.memory_space<vmem>>
      %dma_wait3A_461 = arith.constant 0 : i32
      %dma_wait3A_462 = tpu.memref_slice %arg17[%add3A_91, %dma_wait3A_461] : memref<16x2048xi32, #tpu.memory_space<vmem_shared>> -> memref<1x2048xi32, #tpu.memory_space<vmem_shared>>
      %dma_wait3A_463 = tpu.memref_squeeze %dma_wait3A_462 : memref<1x2048xi32, #tpu.memory_space<vmem_shared>> -> memref<2048xi32, #tpu.memory_space<vmem_shared>>
      tpu.wait_dma2 semaphore(%run_scoped3A_441 : memref<!tpu.dma_semaphore, #tpu.memory_space<semaphore_mem>>) src(%dma_wait3A_463 : memref<2048xi32, #tpu.memory_space<vmem_shared>>) dst(%dma_wait3A_460 : memref<2048xi32, #tpu.memory_space<vmem>>)
      tpu.yield
    }) : () -> ()
    %add3A_93 = arith.constant 3 : i32
    %add3A_94 = arith.addi %mul3A_32, %add3A_93 : i32
    %run_scoped3A_95 = arith.constant 3 : i32
    "tpu.region"() ({
      %run_scoped3A_441 = tpu.sem_alloc : memref<!tpu.dma_semaphore, #tpu.memory_space<semaphore_mem>>
      %dma_start3A = arith.constant 0 : i32
      %dma_start3A_442 = tpu.memref_slice %arg11[%run_scoped3A_95, %dma_start3A] : memref<8x2048xi32, #tpu.memory_space<vmem>> -> memref<1x2048xi32, #tpu.memory_space<vmem>>
      %dma_start3A_443 = tpu.memref_squeeze %dma_start3A_442 : memref<1x2048xi32, #tpu.memory_space<vmem>> -> memref<2048xi32, #tpu.memory_space<vmem>>
      %dma_start3A_444 = arith.constant 0 : i32
      %dma_start3A_445 = tpu.memref_slice %arg18[%add3A_94, %dma_start3A_444] : memref<16x2048xi32, #tpu.memory_space<vmem_shared>> -> memref<1x2048xi32, #tpu.memory_space<vmem_shared>>
      %dma_start3A_446 = tpu.memref_squeeze %dma_start3A_445 : memref<1x2048xi32, #tpu.memory_space<vmem_shared>> -> memref<2048xi32, #tpu.memory_space<vmem_shared>>
      %dma_start3A_447 = arith.constant 0 : i32
      %dma_start3A_448 = tpu.memref_slice %arg11[%run_scoped3A_95, %dma_start3A_447] : memref<8x2048xi32, #tpu.memory_space<vmem>> -> memref<1x2048xi32, #tpu.memory_space<vmem>>
      %dma_start3A_449 = tpu.memref_squeeze %dma_start3A_448 : memref<1x2048xi32, #tpu.memory_space<vmem>> -> memref<2048xi32, #tpu.memory_space<vmem>>
      %dma_start3A_450 = arith.constant 0 : i32
      %dma_start3A_451 = tpu.memref_slice %arg18[%add3A_94, %dma_start3A_450] : memref<16x2048xi32, #tpu.memory_space<vmem_shared>> -> memref<1x2048xi32, #tpu.memory_space<vmem_shared>>
      %dma_start3A_452 = tpu.memref_squeeze %dma_start3A_451 : memref<1x2048xi32, #tpu.memory_space<vmem_shared>> -> memref<2048xi32, #tpu.memory_space<vmem_shared>>
      tpu.enqueue_dma source(%dma_start3A_452 : memref<2048xi32, #tpu.memory_space<vmem_shared>>) target(%dma_start3A_449 : memref<2048xi32, #tpu.memory_space<vmem>>) target_semaphore(%run_scoped3A_441 : memref<!tpu.dma_semaphore, #tpu.memory_space<semaphore_mem>>)
      %dma_wait3A = arith.constant 0 : i32
      %dma_wait3A_453 = tpu.memref_slice %arg11[%run_scoped3A_95, %dma_wait3A] : memref<8x2048xi32, #tpu.memory_space<vmem>> -> memref<1x2048xi32, #tpu.memory_space<vmem>>
      %dma_wait3A_454 = tpu.memref_squeeze %dma_wait3A_453 : memref<1x2048xi32, #tpu.memory_space<vmem>> -> memref<2048xi32, #tpu.memory_space<vmem>>
      %dma_wait3A_455 = arith.constant 0 : i32
      %dma_wait3A_456 = tpu.memref_slice %arg18[%add3A_94, %dma_wait3A_455] : memref<16x2048xi32, #tpu.memory_space<vmem_shared>> -> memref<1x2048xi32, #tpu.memory_space<vmem_shared>>
      %dma_wait3A_457 = tpu.memref_squeeze %dma_wait3A_456 : memref<1x2048xi32, #tpu.memory_space<vmem_shared>> -> memref<2048xi32, #tpu.memory_space<vmem_shared>>
      %dma_wait3A_458 = arith.constant 0 : i32
      %dma_wait3A_459 = tpu.memref_slice %arg11[%run_scoped3A_95, %dma_wait3A_458] : memref<8x2048xi32, #tpu.memory_space<vmem>> -> memref<1x2048xi32, #tpu.memory_space<vmem>>
      %dma_wait3A_460 = tpu.memref_squeeze %dma_wait3A_459 : memref<1x2048xi32, #tpu.memory_space<vmem>> -> memref<2048xi32, #tpu.memory_space<vmem>>
      %dma_wait3A_461 = arith.constant 0 : i32
      %dma_wait3A_462 = tpu.memref_slice %arg18[%add3A_94, %dma_wait3A_461] : memref<16x2048xi32, #tpu.memory_space<vmem_shared>> -> memref<1x2048xi32, #tpu.memory_space<vmem_shared>>
      %dma_wait3A_463 = tpu.memref_squeeze %dma_wait3A_462 : memref<1x2048xi32, #tpu.memory_space<vmem_shared>> -> memref<2048xi32, #tpu.memory_space<vmem_shared>>
      tpu.wait_dma2 semaphore(%run_scoped3A_441 : memref<!tpu.dma_semaphore, #tpu.memory_space<semaphore_mem>>) src(%dma_wait3A_463 : memref<2048xi32, #tpu.memory_space<vmem_shared>>) dst(%dma_wait3A_460 : memref<2048xi32, #tpu.memory_space<vmem>>)
      tpu.yield
    }) : () -> ()
    %add3A_96 = arith.constant 3 : i32
    %add3A_97 = arith.addi %mul3A_32, %add3A_96 : i32
    %run_scoped3A_98 = arith.constant 3 : i32
    "tpu.region"() ({
      %run_scoped3A_441 = tpu.sem_alloc : memref<!tpu.dma_semaphore, #tpu.memory_space<semaphore_mem>>
      %dma_start3A = arith.constant 0 : i32
      %dma_start3A_442 = tpu.memref_slice %arg12[%run_scoped3A_98, %dma_start3A] : memref<8x16xi32, #tpu.memory_space<vmem>> -> memref<1x16xi32, #tpu.memory_space<vmem>>
      %dma_start3A_443 = tpu.memref_squeeze %dma_start3A_442 : memref<1x16xi32, #tpu.memory_space<vmem>> -> memref<16xi32, #tpu.memory_space<vmem>>
      %dma_start3A_444 = arith.constant 0 : i32
      %dma_start3A_445 = tpu.memref_slice %arg19[%add3A_97, %dma_start3A_444] : memref<16x16xi32, #tpu.memory_space<vmem_shared>> -> memref<1x16xi32, #tpu.memory_space<vmem_shared>>
      %dma_start3A_446 = tpu.memref_squeeze %dma_start3A_445 : memref<1x16xi32, #tpu.memory_space<vmem_shared>> -> memref<16xi32, #tpu.memory_space<vmem_shared>>
      %dma_start3A_447 = arith.constant 0 : i32
      %dma_start3A_448 = tpu.memref_slice %arg12[%run_scoped3A_98, %dma_start3A_447] : memref<8x16xi32, #tpu.memory_space<vmem>> -> memref<1x16xi32, #tpu.memory_space<vmem>>
      %dma_start3A_449 = tpu.memref_squeeze %dma_start3A_448 : memref<1x16xi32, #tpu.memory_space<vmem>> -> memref<16xi32, #tpu.memory_space<vmem>>
      %dma_start3A_450 = arith.constant 0 : i32
      %dma_start3A_451 = tpu.memref_slice %arg19[%add3A_97, %dma_start3A_450] : memref<16x16xi32, #tpu.memory_space<vmem_shared>> -> memref<1x16xi32, #tpu.memory_space<vmem_shared>>
      %dma_start3A_452 = tpu.memref_squeeze %dma_start3A_451 : memref<1x16xi32, #tpu.memory_space<vmem_shared>> -> memref<16xi32, #tpu.memory_space<vmem_shared>>
      tpu.enqueue_dma source(%dma_start3A_452 : memref<16xi32, #tpu.memory_space<vmem_shared>>) target(%dma_start3A_449 : memref<16xi32, #tpu.memory_space<vmem>>) target_semaphore(%run_scoped3A_441 : memref<!tpu.dma_semaphore, #tpu.memory_space<semaphore_mem>>)
      %dma_wait3A = arith.constant 0 : i32
      %dma_wait3A_453 = tpu.memref_slice %arg12[%run_scoped3A_98, %dma_wait3A] : memref<8x16xi32, #tpu.memory_space<vmem>> -> memref<1x16xi32, #tpu.memory_space<vmem>>
      %dma_wait3A_454 = tpu.memref_squeeze %dma_wait3A_453 : memref<1x16xi32, #tpu.memory_space<vmem>> -> memref<16xi32, #tpu.memory_space<vmem>>
      %dma_wait3A_455 = arith.constant 0 : i32
      %dma_wait3A_456 = tpu.memref_slice %arg19[%add3A_97, %dma_wait3A_455] : memref<16x16xi32, #tpu.memory_space<vmem_shared>> -> memref<1x16xi32, #tpu.memory_space<vmem_shared>>
      %dma_wait3A_457 = tpu.memref_squeeze %dma_wait3A_456 : memref<1x16xi32, #tpu.memory_space<vmem_shared>> -> memref<16xi32, #tpu.memory_space<vmem_shared>>
      %dma_wait3A_458 = arith.constant 0 : i32
      %dma_wait3A_459 = tpu.memref_slice %arg12[%run_scoped3A_98, %dma_wait3A_458] : memref<8x16xi32, #tpu.memory_space<vmem>> -> memref<1x16xi32, #tpu.memory_space<vmem>>
      %dma_wait3A_460 = tpu.memref_squeeze %dma_wait3A_459 : memref<1x16xi32, #tpu.memory_space<vmem>> -> memref<16xi32, #tpu.memory_space<vmem>>
      %dma_wait3A_461 = arith.constant 0 : i32
      %dma_wait3A_462 = tpu.memref_slice %arg19[%add3A_97, %dma_wait3A_461] : memref<16x16xi32, #tpu.memory_space<vmem_shared>> -> memref<1x16xi32, #tpu.memory_space<vmem_shared>>
      %dma_wait3A_463 = tpu.memref_squeeze %dma_wait3A_462 : memref<1x16xi32, #tpu.memory_space<vmem_shared>> -> memref<16xi32, #tpu.memory_space<vmem_shared>>
      tpu.wait_dma2 semaphore(%run_scoped3A_441 : memref<!tpu.dma_semaphore, #tpu.memory_space<semaphore_mem>>) src(%dma_wait3A_463 : memref<16xi32, #tpu.memory_space<vmem_shared>>) dst(%dma_wait3A_460 : memref<16xi32, #tpu.memory_space<vmem>>)
      tpu.yield
    }) : () -> ()
    %add3A_99 = arith.constant 4 : i32
    %add3A_100 = arith.addi %mul3A_32, %add3A_99 : i32
    %run_scoped3A_101 = arith.constant 4 : i32
    "tpu.region"() ({
      %run_scoped3A_441 = tpu.sem_alloc : memref<!tpu.dma_semaphore, #tpu.memory_space<semaphore_mem>>
      %dma_start3A = arith.constant 0 : i32
      %dma_start3A_442 = tpu.memref_slice %arg10[%run_scoped3A_101, %dma_start3A] : memref<8x2048xi32, #tpu.memory_space<vmem>> -> memref<1x2048xi32, #tpu.memory_space<vmem>>
      %dma_start3A_443 = tpu.memref_squeeze %dma_start3A_442 : memref<1x2048xi32, #tpu.memory_space<vmem>> -> memref<2048xi32, #tpu.memory_space<vmem>>
      %dma_start3A_444 = arith.constant 0 : i32
      %dma_start3A_445 = tpu.memref_slice %arg17[%add3A_100, %dma_start3A_444] : memref<16x2048xi32, #tpu.memory_space<vmem_shared>> -> memref<1x2048xi32, #tpu.memory_space<vmem_shared>>
      %dma_start3A_446 = tpu.memref_squeeze %dma_start3A_445 : memref<1x2048xi32, #tpu.memory_space<vmem_shared>> -> memref<2048xi32, #tpu.memory_space<vmem_shared>>
      %dma_start3A_447 = arith.constant 0 : i32
      %dma_start3A_448 = tpu.memref_slice %arg10[%run_scoped3A_101, %dma_start3A_447] : memref<8x2048xi32, #tpu.memory_space<vmem>> -> memref<1x2048xi32, #tpu.memory_space<vmem>>
      %dma_start3A_449 = tpu.memref_squeeze %dma_start3A_448 : memref<1x2048xi32, #tpu.memory_space<vmem>> -> memref<2048xi32, #tpu.memory_space<vmem>>
      %dma_start3A_450 = arith.constant 0 : i32
      %dma_start3A_451 = tpu.memref_slice %arg17[%add3A_100, %dma_start3A_450] : memref<16x2048xi32, #tpu.memory_space<vmem_shared>> -> memref<1x2048xi32, #tpu.memory_space<vmem_shared>>
      %dma_start3A_452 = tpu.memref_squeeze %dma_start3A_451 : memref<1x2048xi32, #tpu.memory_space<vmem_shared>> -> memref<2048xi32, #tpu.memory_space<vmem_shared>>
      tpu.enqueue_dma source(%dma_start3A_452 : memref<2048xi32, #tpu.memory_space<vmem_shared>>) target(%dma_start3A_449 : memref<2048xi32, #tpu.memory_space<vmem>>) target_semaphore(%run_scoped3A_441 : memref<!tpu.dma_semaphore, #tpu.memory_space<semaphore_mem>>)
      %dma_wait3A = arith.constant 0 : i32
      %dma_wait3A_453 = tpu.memref_slice %arg10[%run_scoped3A_101, %dma_wait3A] : memref<8x2048xi32, #tpu.memory_space<vmem>> -> memref<1x2048xi32, #tpu.memory_space<vmem>>
      %dma_wait3A_454 = tpu.memref_squeeze %dma_wait3A_453 : memref<1x2048xi32, #tpu.memory_space<vmem>> -> memref<2048xi32, #tpu.memory_space<vmem>>
      %dma_wait3A_455 = arith.constant 0 : i32
      %dma_wait3A_456 = tpu.memref_slice %arg17[%add3A_100, %dma_wait3A_455] : memref<16x2048xi32, #tpu.memory_space<vmem_shared>> -> memref<1x2048xi32, #tpu.memory_space<vmem_shared>>
      %dma_wait3A_457 = tpu.memref_squeeze %dma_wait3A_456 : memref<1x2048xi32, #tpu.memory_space<vmem_shared>> -> memref<2048xi32, #tpu.memory_space<vmem_shared>>
      %dma_wait3A_458 = arith.constant 0 : i32
      %dma_wait3A_459 = tpu.memref_slice %arg10[%run_scoped3A_101, %dma_wait3A_458] : memref<8x2048xi32, #tpu.memory_space<vmem>> -> memref<1x2048xi32, #tpu.memory_space<vmem>>
      %dma_wait3A_460 = tpu.memref_squeeze %dma_wait3A_459 : memref<1x2048xi32, #tpu.memory_space<vmem>> -> memref<2048xi32, #tpu.memory_space<vmem>>
      %dma_wait3A_461 = arith.constant 0 : i32
      %dma_wait3A_462 = tpu.memref_slice %arg17[%add3A_100, %dma_wait3A_461] : memref<16x2048xi32, #tpu.memory_space<vmem_shared>> -> memref<1x2048xi32, #tpu.memory_space<vmem_shared>>
      %dma_wait3A_463 = tpu.memref_squeeze %dma_wait3A_462 : memref<1x2048xi32, #tpu.memory_space<vmem_shared>> -> memref<2048xi32, #tpu.memory_space<vmem_shared>>
      tpu.wait_dma2 semaphore(%run_scoped3A_441 : memref<!tpu.dma_semaphore, #tpu.memory_space<semaphore_mem>>) src(%dma_wait3A_463 : memref<2048xi32, #tpu.memory_space<vmem_shared>>) dst(%dma_wait3A_460 : memref<2048xi32, #tpu.memory_space<vmem>>)
      tpu.yield
    }) : () -> ()
    %add3A_102 = arith.constant 4 : i32
    %add3A_103 = arith.addi %mul3A_32, %add3A_102 : i32
    %run_scoped3A_104 = arith.constant 4 : i32
    "tpu.region"() ({
      %run_scoped3A_441 = tpu.sem_alloc : memref<!tpu.dma_semaphore, #tpu.memory_space<semaphore_mem>>
      %dma_start3A = arith.constant 0 : i32
      %dma_start3A_442 = tpu.memref_slice %arg11[%run_scoped3A_104, %dma_start3A] : memref<8x2048xi32, #tpu.memory_space<vmem>> -> memref<1x2048xi32, #tpu.memory_space<vmem>>
      %dma_start3A_443 = tpu.memref_squeeze %dma_start3A_442 : memref<1x2048xi32, #tpu.memory_space<vmem>> -> memref<2048xi32, #tpu.memory_space<vmem>>
      %dma_start3A_444 = arith.constant 0 : i32
      %dma_start3A_445 = tpu.memref_slice %arg18[%add3A_103, %dma_start3A_444] : memref<16x2048xi32, #tpu.memory_space<vmem_shared>> -> memref<1x2048xi32, #tpu.memory_space<vmem_shared>>
      %dma_start3A_446 = tpu.memref_squeeze %dma_start3A_445 : memref<1x2048xi32, #tpu.memory_space<vmem_shared>> -> memref<2048xi32, #tpu.memory_space<vmem_shared>>
      %dma_start3A_447 = arith.constant 0 : i32
      %dma_start3A_448 = tpu.memref_slice %arg11[%run_scoped3A_104, %dma_start3A_447] : memref<8x2048xi32, #tpu.memory_space<vmem>> -> memref<1x2048xi32, #tpu.memory_space<vmem>>
      %dma_start3A_449 = tpu.memref_squeeze %dma_start3A_448 : memref<1x2048xi32, #tpu.memory_space<vmem>> -> memref<2048xi32, #tpu.memory_space<vmem>>
      %dma_start3A_450 = arith.constant 0 : i32
      %dma_start3A_451 = tpu.memref_slice %arg18[%add3A_103, %dma_start3A_450] : memref<16x2048xi32, #tpu.memory_space<vmem_shared>> -> memref<1x2048xi32, #tpu.memory_space<vmem_shared>>
      %dma_start3A_452 = tpu.memref_squeeze %dma_start3A_451 : memref<1x2048xi32, #tpu.memory_space<vmem_shared>> -> memref<2048xi32, #tpu.memory_space<vmem_shared>>
      tpu.enqueue_dma source(%dma_start3A_452 : memref<2048xi32, #tpu.memory_space<vmem_shared>>) target(%dma_start3A_449 : memref<2048xi32, #tpu.memory_space<vmem>>) target_semaphore(%run_scoped3A_441 : memref<!tpu.dma_semaphore, #tpu.memory_space<semaphore_mem>>)
      %dma_wait3A = arith.constant 0 : i32
      %dma_wait3A_453 = tpu.memref_slice %arg11[%run_scoped3A_104, %dma_wait3A] : memref<8x2048xi32, #tpu.memory_space<vmem>> -> memref<1x2048xi32, #tpu.memory_space<vmem>>
      %dma_wait3A_454 = tpu.memref_squeeze %dma_wait3A_453 : memref<1x2048xi32, #tpu.memory_space<vmem>> -> memref<2048xi32, #tpu.memory_space<vmem>>
      %dma_wait3A_455 = arith.constant 0 : i32
      %dma_wait3A_456 = tpu.memref_slice %arg18[%add3A_103, %dma_wait3A_455] : memref<16x2048xi32, #tpu.memory_space<vmem_shared>> -> memref<1x2048xi32, #tpu.memory_space<vmem_shared>>
      %dma_wait3A_457 = tpu.memref_squeeze %dma_wait3A_456 : memref<1x2048xi32, #tpu.memory_space<vmem_shared>> -> memref<2048xi32, #tpu.memory_space<vmem_shared>>
      %dma_wait3A_458 = arith.constant 0 : i32
      %dma_wait3A_459 = tpu.memref_slice %arg11[%run_scoped3A_104, %dma_wait3A_458] : memref<8x2048xi32, #tpu.memory_space<vmem>> -> memref<1x2048xi32, #tpu.memory_space<vmem>>
      %dma_wait3A_460 = tpu.memref_squeeze %dma_wait3A_459 : memref<1x2048xi32, #tpu.memory_space<vmem>> -> memref<2048xi32, #tpu.memory_space<vmem>>
      %dma_wait3A_461 = arith.constant 0 : i32
      %dma_wait3A_462 = tpu.memref_slice %arg18[%add3A_103, %dma_wait3A_461] : memref<16x2048xi32, #tpu.memory_space<vmem_shared>> -> memref<1x2048xi32, #tpu.memory_space<vmem_shared>>
      %dma_wait3A_463 = tpu.memref_squeeze %dma_wait3A_462 : memref<1x2048xi32, #tpu.memory_space<vmem_shared>> -> memref<2048xi32, #tpu.memory_space<vmem_shared>>
      tpu.wait_dma2 semaphore(%run_scoped3A_441 : memref<!tpu.dma_semaphore, #tpu.memory_space<semaphore_mem>>) src(%dma_wait3A_463 : memref<2048xi32, #tpu.memory_space<vmem_shared>>) dst(%dma_wait3A_460 : memref<2048xi32, #tpu.memory_space<vmem>>)
      tpu.yield
    }) : () -> ()
    %add3A_105 = arith.constant 4 : i32
    %add3A_106 = arith.addi %mul3A_32, %add3A_105 : i32
    %run_scoped3A_107 = arith.constant 4 : i32
    "tpu.region"() ({
      %run_scoped3A_441 = tpu.sem_alloc : memref<!tpu.dma_semaphore, #tpu.memory_space<semaphore_mem>>
      %dma_start3A = arith.constant 0 : i32
      %dma_start3A_442 = tpu.memref_slice %arg12[%run_scoped3A_107, %dma_start3A] : memref<8x16xi32, #tpu.memory_space<vmem>> -> memref<1x16xi32, #tpu.memory_space<vmem>>
      %dma_start3A_443 = tpu.memref_squeeze %dma_start3A_442 : memref<1x16xi32, #tpu.memory_space<vmem>> -> memref<16xi32, #tpu.memory_space<vmem>>
      %dma_start3A_444 = arith.constant 0 : i32
      %dma_start3A_445 = tpu.memref_slice %arg19[%add3A_106, %dma_start3A_444] : memref<16x16xi32, #tpu.memory_space<vmem_shared>> -> memref<1x16xi32, #tpu.memory_space<vmem_shared>>
      %dma_start3A_446 = tpu.memref_squeeze %dma_start3A_445 : memref<1x16xi32, #tpu.memory_space<vmem_shared>> -> memref<16xi32, #tpu.memory_space<vmem_shared>>
      %dma_start3A_447 = arith.constant 0 : i32
      %dma_start3A_448 = tpu.memref_slice %arg12[%run_scoped3A_107, %dma_start3A_447] : memref<8x16xi32, #tpu.memory_space<vmem>> -> memref<1x16xi32, #tpu.memory_space<vmem>>
      %dma_start3A_449 = tpu.memref_squeeze %dma_start3A_448 : memref<1x16xi32, #tpu.memory_space<vmem>> -> memref<16xi32, #tpu.memory_space<vmem>>
      %dma_start3A_450 = arith.constant 0 : i32
      %dma_start3A_451 = tpu.memref_slice %arg19[%add3A_106, %dma_start3A_450] : memref<16x16xi32, #tpu.memory_space<vmem_shared>> -> memref<1x16xi32, #tpu.memory_space<vmem_shared>>
      %dma_start3A_452 = tpu.memref_squeeze %dma_start3A_451 : memref<1x16xi32, #tpu.memory_space<vmem_shared>> -> memref<16xi32, #tpu.memory_space<vmem_shared>>
      tpu.enqueue_dma source(%dma_start3A_452 : memref<16xi32, #tpu.memory_space<vmem_shared>>) target(%dma_start3A_449 : memref<16xi32, #tpu.memory_space<vmem>>) target_semaphore(%run_scoped3A_441 : memref<!tpu.dma_semaphore, #tpu.memory_space<semaphore_mem>>)
      %dma_wait3A = arith.constant 0 : i32
      %dma_wait3A_453 = tpu.memref_slice %arg12[%run_scoped3A_107, %dma_wait3A] : memref<8x16xi32, #tpu.memory_space<vmem>> -> memref<1x16xi32, #tpu.memory_space<vmem>>
      %dma_wait3A_454 = tpu.memref_squeeze %dma_wait3A_453 : memref<1x16xi32, #tpu.memory_space<vmem>> -> memref<16xi32, #tpu.memory_space<vmem>>
      %dma_wait3A_455 = arith.constant 0 : i32
      %dma_wait3A_456 = tpu.memref_slice %arg19[%add3A_106, %dma_wait3A_455] : memref<16x16xi32, #tpu.memory_space<vmem_shared>> -> memref<1x16xi32, #tpu.memory_space<vmem_shared>>
      %dma_wait3A_457 = tpu.memref_squeeze %dma_wait3A_456 : memref<1x16xi32, #tpu.memory_space<vmem_shared>> -> memref<16xi32, #tpu.memory_space<vmem_shared>>
      %dma_wait3A_458 = arith.constant 0 : i32
      %dma_wait3A_459 = tpu.memref_slice %arg12[%run_scoped3A_107, %dma_wait3A_458] : memref<8x16xi32, #tpu.memory_space<vmem>> -> memref<1x16xi32, #tpu.memory_space<vmem>>
      %dma_wait3A_460 = tpu.memref_squeeze %dma_wait3A_459 : memref<1x16xi32, #tpu.memory_space<vmem>> -> memref<16xi32, #tpu.memory_space<vmem>>
      %dma_wait3A_461 = arith.constant 0 : i32
      %dma_wait3A_462 = tpu.memref_slice %arg19[%add3A_106, %dma_wait3A_461] : memref<16x16xi32, #tpu.memory_space<vmem_shared>> -> memref<1x16xi32, #tpu.memory_space<vmem_shared>>
      %dma_wait3A_463 = tpu.memref_squeeze %dma_wait3A_462 : memref<1x16xi32, #tpu.memory_space<vmem_shared>> -> memref<16xi32, #tpu.memory_space<vmem_shared>>
      tpu.wait_dma2 semaphore(%run_scoped3A_441 : memref<!tpu.dma_semaphore, #tpu.memory_space<semaphore_mem>>) src(%dma_wait3A_463 : memref<16xi32, #tpu.memory_space<vmem_shared>>) dst(%dma_wait3A_460 : memref<16xi32, #tpu.memory_space<vmem>>)
      tpu.yield
    }) : () -> ()
    %add3A_108 = arith.constant 5 : i32
    %add3A_109 = arith.addi %mul3A_32, %add3A_108 : i32
    %run_scoped3A_110 = arith.constant 5 : i32
    "tpu.region"() ({
      %run_scoped3A_441 = tpu.sem_alloc : memref<!tpu.dma_semaphore, #tpu.memory_space<semaphore_mem>>
      %dma_start3A = arith.constant 0 : i32
      %dma_start3A_442 = tpu.memref_slice %arg10[%run_scoped3A_110, %dma_start3A] : memref<8x2048xi32, #tpu.memory_space<vmem>> -> memref<1x2048xi32, #tpu.memory_space<vmem>>
      %dma_start3A_443 = tpu.memref_squeeze %dma_start3A_442 : memref<1x2048xi32, #tpu.memory_space<vmem>> -> memref<2048xi32, #tpu.memory_space<vmem>>
      %dma_start3A_444 = arith.constant 0 : i32
      %dma_start3A_445 = tpu.memref_slice %arg17[%add3A_109, %dma_start3A_444] : memref<16x2048xi32, #tpu.memory_space<vmem_shared>> -> memref<1x2048xi32, #tpu.memory_space<vmem_shared>>
      %dma_start3A_446 = tpu.memref_squeeze %dma_start3A_445 : memref<1x2048xi32, #tpu.memory_space<vmem_shared>> -> memref<2048xi32, #tpu.memory_space<vmem_shared>>
      %dma_start3A_447 = arith.constant 0 : i32
      %dma_start3A_448 = tpu.memref_slice %arg10[%run_scoped3A_110, %dma_start3A_447] : memref<8x2048xi32, #tpu.memory_space<vmem>> -> memref<1x2048xi32, #tpu.memory_space<vmem>>
      %dma_start3A_449 = tpu.memref_squeeze %dma_start3A_448 : memref<1x2048xi32, #tpu.memory_space<vmem>> -> memref<2048xi32, #tpu.memory_space<vmem>>
      %dma_start3A_450 = arith.constant 0 : i32
      %dma_start3A_451 = tpu.memref_slice %arg17[%add3A_109, %dma_start3A_450] : memref<16x2048xi32, #tpu.memory_space<vmem_shared>> -> memref<1x2048xi32, #tpu.memory_space<vmem_shared>>
      %dma_start3A_452 = tpu.memref_squeeze %dma_start3A_451 : memref<1x2048xi32, #tpu.memory_space<vmem_shared>> -> memref<2048xi32, #tpu.memory_space<vmem_shared>>
      tpu.enqueue_dma source(%dma_start3A_452 : memref<2048xi32, #tpu.memory_space<vmem_shared>>) target(%dma_start3A_449 : memref<2048xi32, #tpu.memory_space<vmem>>) target_semaphore(%run_scoped3A_441 : memref<!tpu.dma_semaphore, #tpu.memory_space<semaphore_mem>>)
      %dma_wait3A = arith.constant 0 : i32
      %dma_wait3A_453 = tpu.memref_slice %arg10[%run_scoped3A_110, %dma_wait3A] : memref<8x2048xi32, #tpu.memory_space<vmem>> -> memref<1x2048xi32, #tpu.memory_space<vmem>>
      %dma_wait3A_454 = tpu.memref_squeeze %dma_wait3A_453 : memref<1x2048xi32, #tpu.memory_space<vmem>> -> memref<2048xi32, #tpu.memory_space<vmem>>
      %dma_wait3A_455 = arith.constant 0 : i32
      %dma_wait3A_456 = tpu.memref_slice %arg17[%add3A_109, %dma_wait3A_455] : memref<16x2048xi32, #tpu.memory_space<vmem_shared>> -> memref<1x2048xi32, #tpu.memory_space<vmem_shared>>
      %dma_wait3A_457 = tpu.memref_squeeze %dma_wait3A_456 : memref<1x2048xi32, #tpu.memory_space<vmem_shared>> -> memref<2048xi32, #tpu.memory_space<vmem_shared>>
      %dma_wait3A_458 = arith.constant 0 : i32
      %dma_wait3A_459 = tpu.memref_slice %arg10[%run_scoped3A_110, %dma_wait3A_458] : memref<8x2048xi32, #tpu.memory_space<vmem>> -> memref<1x2048xi32, #tpu.memory_space<vmem>>
      %dma_wait3A_460 = tpu.memref_squeeze %dma_wait3A_459 : memref<1x2048xi32, #tpu.memory_space<vmem>> -> memref<2048xi32, #tpu.memory_space<vmem>>
      %dma_wait3A_461 = arith.constant 0 : i32
      %dma_wait3A_462 = tpu.memref_slice %arg17[%add3A_109, %dma_wait3A_461] : memref<16x2048xi32, #tpu.memory_space<vmem_shared>> -> memref<1x2048xi32, #tpu.memory_space<vmem_shared>>
      %dma_wait3A_463 = tpu.memref_squeeze %dma_wait3A_462 : memref<1x2048xi32, #tpu.memory_space<vmem_shared>> -> memref<2048xi32, #tpu.memory_space<vmem_shared>>
      tpu.wait_dma2 semaphore(%run_scoped3A_441 : memref<!tpu.dma_semaphore, #tpu.memory_space<semaphore_mem>>) src(%dma_wait3A_463 : memref<2048xi32, #tpu.memory_space<vmem_shared>>) dst(%dma_wait3A_460 : memref<2048xi32, #tpu.memory_space<vmem>>)
      tpu.yield
    }) : () -> ()
    %add3A_111 = arith.constant 5 : i32
    %add3A_112 = arith.addi %mul3A_32, %add3A_111 : i32
    %run_scoped3A_113 = arith.constant 5 : i32
    "tpu.region"() ({
      %run_scoped3A_441 = tpu.sem_alloc : memref<!tpu.dma_semaphore, #tpu.memory_space<semaphore_mem>>
      %dma_start3A = arith.constant 0 : i32
      %dma_start3A_442 = tpu.memref_slice %arg11[%run_scoped3A_113, %dma_start3A] : memref<8x2048xi32, #tpu.memory_space<vmem>> -> memref<1x2048xi32, #tpu.memory_space<vmem>>
      %dma_start3A_443 = tpu.memref_squeeze %dma_start3A_442 : memref<1x2048xi32, #tpu.memory_space<vmem>> -> memref<2048xi32, #tpu.memory_space<vmem>>
      %dma_start3A_444 = arith.constant 0 : i32
      %dma_start3A_445 = tpu.memref_slice %arg18[%add3A_112, %dma_start3A_444] : memref<16x2048xi32, #tpu.memory_space<vmem_shared>> -> memref<1x2048xi32, #tpu.memory_space<vmem_shared>>
      %dma_start3A_446 = tpu.memref_squeeze %dma_start3A_445 : memref<1x2048xi32, #tpu.memory_space<vmem_shared>> -> memref<2048xi32, #tpu.memory_space<vmem_shared>>
      %dma_start3A_447 = arith.constant 0 : i32
      %dma_start3A_448 = tpu.memref_slice %arg11[%run_scoped3A_113, %dma_start3A_447] : memref<8x2048xi32, #tpu.memory_space<vmem>> -> memref<1x2048xi32, #tpu.memory_space<vmem>>
      %dma_start3A_449 = tpu.memref_squeeze %dma_start3A_448 : memref<1x2048xi32, #tpu.memory_space<vmem>> -> memref<2048xi32, #tpu.memory_space<vmem>>
      %dma_start3A_450 = arith.constant 0 : i32
      %dma_start3A_451 = tpu.memref_slice %arg18[%add3A_112, %dma_start3A_450] : memref<16x2048xi32, #tpu.memory_space<vmem_shared>> -> memref<1x2048xi32, #tpu.memory_space<vmem_shared>>
      %dma_start3A_452 = tpu.memref_squeeze %dma_start3A_451 : memref<1x2048xi32, #tpu.memory_space<vmem_shared>> -> memref<2048xi32, #tpu.memory_space<vmem_shared>>
      tpu.enqueue_dma source(%dma_start3A_452 : memref<2048xi32, #tpu.memory_space<vmem_shared>>) target(%dma_start3A_449 : memref<2048xi32, #tpu.memory_space<vmem>>) target_semaphore(%run_scoped3A_441 : memref<!tpu.dma_semaphore, #tpu.memory_space<semaphore_mem>>)
      %dma_wait3A = arith.constant 0 : i32
      %dma_wait3A_453 = tpu.memref_slice %arg11[%run_scoped3A_113, %dma_wait3A] : memref<8x2048xi32, #tpu.memory_space<vmem>> -> memref<1x2048xi32, #tpu.memory_space<vmem>>
      %dma_wait3A_454 = tpu.memref_squeeze %dma_wait3A_453 : memref<1x2048xi32, #tpu.memory_space<vmem>> -> memref<2048xi32, #tpu.memory_space<vmem>>
      %dma_wait3A_455 = arith.constant 0 : i32
      %dma_wait3A_456 = tpu.memref_slice %arg18[%add3A_112, %dma_wait3A_455] : memref<16x2048xi32, #tpu.memory_space<vmem_shared>> -> memref<1x2048xi32, #tpu.memory_space<vmem_shared>>
      %dma_wait3A_457 = tpu.memref_squeeze %dma_wait3A_456 : memref<1x2048xi32, #tpu.memory_space<vmem_shared>> -> memref<2048xi32, #tpu.memory_space<vmem_shared>>
      %dma_wait3A_458 = arith.constant 0 : i32
      %dma_wait3A_459 = tpu.memref_slice %arg11[%run_scoped3A_113, %dma_wait3A_458] : memref<8x2048xi32, #tpu.memory_space<vmem>> -> memref<1x2048xi32, #tpu.memory_space<vmem>>
      %dma_wait3A_460 = tpu.memref_squeeze %dma_wait3A_459 : memref<1x2048xi32, #tpu.memory_space<vmem>> -> memref<2048xi32, #tpu.memory_space<vmem>>
      %dma_wait3A_461 = arith.constant 0 : i32
      %dma_wait3A_462 = tpu.memref_slice %arg18[%add3A_112, %dma_wait3A_461] : memref<16x2048xi32, #tpu.memory_space<vmem_shared>> -> memref<1x2048xi32, #tpu.memory_space<vmem_shared>>
      %dma_wait3A_463 = tpu.memref_squeeze %dma_wait3A_462 : memref<1x2048xi32, #tpu.memory_space<vmem_shared>> -> memref<2048xi32, #tpu.memory_space<vmem_shared>>
      tpu.wait_dma2 semaphore(%run_scoped3A_441 : memref<!tpu.dma_semaphore, #tpu.memory_space<semaphore_mem>>) src(%dma_wait3A_463 : memref<2048xi32, #tpu.memory_space<vmem_shared>>) dst(%dma_wait3A_460 : memref<2048xi32, #tpu.memory_space<vmem>>)
      tpu.yield
    }) : () -> ()
    %add3A_114 = arith.constant 5 : i32
    %add3A_115 = arith.addi %mul3A_32, %add3A_114 : i32
    %run_scoped3A_116 = arith.constant 5 : i32
    "tpu.region"() ({
      %run_scoped3A_441 = tpu.sem_alloc : memref<!tpu.dma_semaphore, #tpu.memory_space<semaphore_mem>>
      %dma_start3A = arith.constant 0 : i32
      %dma_start3A_442 = tpu.memref_slice %arg12[%run_scoped3A_116, %dma_start3A] : memref<8x16xi32, #tpu.memory_space<vmem>> -> memref<1x16xi32, #tpu.memory_space<vmem>>
      %dma_start3A_443 = tpu.memref_squeeze %dma_start3A_442 : memref<1x16xi32, #tpu.memory_space<vmem>> -> memref<16xi32, #tpu.memory_space<vmem>>
      %dma_start3A_444 = arith.constant 0 : i32
      %dma_start3A_445 = tpu.memref_slice %arg19[%add3A_115, %dma_start3A_444] : memref<16x16xi32, #tpu.memory_space<vmem_shared>> -> memref<1x16xi32, #tpu.memory_space<vmem_shared>>
      %dma_start3A_446 = tpu.memref_squeeze %dma_start3A_445 : memref<1x16xi32, #tpu.memory_space<vmem_shared>> -> memref<16xi32, #tpu.memory_space<vmem_shared>>
      %dma_start3A_447 = arith.constant 0 : i32
      %dma_start3A_448 = tpu.memref_slice %arg12[%run_scoped3A_116, %dma_start3A_447] : memref<8x16xi32, #tpu.memory_space<vmem>> -> memref<1x16xi32, #tpu.memory_space<vmem>>
      %dma_start3A_449 = tpu.memref_squeeze %dma_start3A_448 : memref<1x16xi32, #tpu.memory_space<vmem>> -> memref<16xi32, #tpu.memory_space<vmem>>
      %dma_start3A_450 = arith.constant 0 : i32
      %dma_start3A_451 = tpu.memref_slice %arg19[%add3A_115, %dma_start3A_450] : memref<16x16xi32, #tpu.memory_space<vmem_shared>> -> memref<1x16xi32, #tpu.memory_space<vmem_shared>>
      %dma_start3A_452 = tpu.memref_squeeze %dma_start3A_451 : memref<1x16xi32, #tpu.memory_space<vmem_shared>> -> memref<16xi32, #tpu.memory_space<vmem_shared>>
      tpu.enqueue_dma source(%dma_start3A_452 : memref<16xi32, #tpu.memory_space<vmem_shared>>) target(%dma_start3A_449 : memref<16xi32, #tpu.memory_space<vmem>>) target_semaphore(%run_scoped3A_441 : memref<!tpu.dma_semaphore, #tpu.memory_space<semaphore_mem>>)
      %dma_wait3A = arith.constant 0 : i32
      %dma_wait3A_453 = tpu.memref_slice %arg12[%run_scoped3A_116, %dma_wait3A] : memref<8x16xi32, #tpu.memory_space<vmem>> -> memref<1x16xi32, #tpu.memory_space<vmem>>
      %dma_wait3A_454 = tpu.memref_squeeze %dma_wait3A_453 : memref<1x16xi32, #tpu.memory_space<vmem>> -> memref<16xi32, #tpu.memory_space<vmem>>
      %dma_wait3A_455 = arith.constant 0 : i32
      %dma_wait3A_456 = tpu.memref_slice %arg19[%add3A_115, %dma_wait3A_455] : memref<16x16xi32, #tpu.memory_space<vmem_shared>> -> memref<1x16xi32, #tpu.memory_space<vmem_shared>>
      %dma_wait3A_457 = tpu.memref_squeeze %dma_wait3A_456 : memref<1x16xi32, #tpu.memory_space<vmem_shared>> -> memref<16xi32, #tpu.memory_space<vmem_shared>>
      %dma_wait3A_458 = arith.constant 0 : i32
      %dma_wait3A_459 = tpu.memref_slice %arg12[%run_scoped3A_116, %dma_wait3A_458] : memref<8x16xi32, #tpu.memory_space<vmem>> -> memref<1x16xi32, #tpu.memory_space<vmem>>
      %dma_wait3A_460 = tpu.memref_squeeze %dma_wait3A_459 : memref<1x16xi32, #tpu.memory_space<vmem>> -> memref<16xi32, #tpu.memory_space<vmem>>
      %dma_wait3A_461 = arith.constant 0 : i32
      %dma_wait3A_462 = tpu.memref_slice %arg19[%add3A_115, %dma_wait3A_461] : memref<16x16xi32, #tpu.memory_space<vmem_shared>> -> memref<1x16xi32, #tpu.memory_space<vmem_shared>>
      %dma_wait3A_463 = tpu.memref_squeeze %dma_wait3A_462 : memref<1x16xi32, #tpu.memory_space<vmem_shared>> -> memref<16xi32, #tpu.memory_space<vmem_shared>>
      tpu.wait_dma2 semaphore(%run_scoped3A_441 : memref<!tpu.dma_semaphore, #tpu.memory_space<semaphore_mem>>) src(%dma_wait3A_463 : memref<16xi32, #tpu.memory_space<vmem_shared>>) dst(%dma_wait3A_460 : memref<16xi32, #tpu.memory_space<vmem>>)
      tpu.yield
    }) : () -> ()
    %add3A_117 = arith.constant 6 : i32
    %add3A_118 = arith.addi %mul3A_32, %add3A_117 : i32
    %run_scoped3A_119 = arith.constant 6 : i32
    "tpu.region"() ({
      %run_scoped3A_441 = tpu.sem_alloc : memref<!tpu.dma_semaphore, #tpu.memory_space<semaphore_mem>>
      %dma_start3A = arith.constant 0 : i32
      %dma_start3A_442 = tpu.memref_slice %arg10[%run_scoped3A_119, %dma_start3A] : memref<8x2048xi32, #tpu.memory_space<vmem>> -> memref<1x2048xi32, #tpu.memory_space<vmem>>
      %dma_start3A_443 = tpu.memref_squeeze %dma_start3A_442 : memref<1x2048xi32, #tpu.memory_space<vmem>> -> memref<2048xi32, #tpu.memory_space<vmem>>
      %dma_start3A_444 = arith.constant 0 : i32
      %dma_start3A_445 = tpu.memref_slice %arg17[%add3A_118, %dma_start3A_444] : memref<16x2048xi32, #tpu.memory_space<vmem_shared>> -> memref<1x2048xi32, #tpu.memory_space<vmem_shared>>
      %dma_start3A_446 = tpu.memref_squeeze %dma_start3A_445 : memref<1x2048xi32, #tpu.memory_space<vmem_shared>> -> memref<2048xi32, #tpu.memory_space<vmem_shared>>
      %dma_start3A_447 = arith.constant 0 : i32
      %dma_start3A_448 = tpu.memref_slice %arg10[%run_scoped3A_119, %dma_start3A_447] : memref<8x2048xi32, #tpu.memory_space<vmem>> -> memref<1x2048xi32, #tpu.memory_space<vmem>>
      %dma_start3A_449 = tpu.memref_squeeze %dma_start3A_448 : memref<1x2048xi32, #tpu.memory_space<vmem>> -> memref<2048xi32, #tpu.memory_space<vmem>>
      %dma_start3A_450 = arith.constant 0 : i32
      %dma_start3A_451 = tpu.memref_slice %arg17[%add3A_118, %dma_start3A_450] : memref<16x2048xi32, #tpu.memory_space<vmem_shared>> -> memref<1x2048xi32, #tpu.memory_space<vmem_shared>>
      %dma_start3A_452 = tpu.memref_squeeze %dma_start3A_451 : memref<1x2048xi32, #tpu.memory_space<vmem_shared>> -> memref<2048xi32, #tpu.memory_space<vmem_shared>>
      tpu.enqueue_dma source(%dma_start3A_452 : memref<2048xi32, #tpu.memory_space<vmem_shared>>) target(%dma_start3A_449 : memref<2048xi32, #tpu.memory_space<vmem>>) target_semaphore(%run_scoped3A_441 : memref<!tpu.dma_semaphore, #tpu.memory_space<semaphore_mem>>)
      %dma_wait3A = arith.constant 0 : i32
      %dma_wait3A_453 = tpu.memref_slice %arg10[%run_scoped3A_119, %dma_wait3A] : memref<8x2048xi32, #tpu.memory_space<vmem>> -> memref<1x2048xi32, #tpu.memory_space<vmem>>
      %dma_wait3A_454 = tpu.memref_squeeze %dma_wait3A_453 : memref<1x2048xi32, #tpu.memory_space<vmem>> -> memref<2048xi32, #tpu.memory_space<vmem>>
      %dma_wait3A_455 = arith.constant 0 : i32
      %dma_wait3A_456 = tpu.memref_slice %arg17[%add3A_118, %dma_wait3A_455] : memref<16x2048xi32, #tpu.memory_space<vmem_shared>> -> memref<1x2048xi32, #tpu.memory_space<vmem_shared>>
      %dma_wait3A_457 = tpu.memref_squeeze %dma_wait3A_456 : memref<1x2048xi32, #tpu.memory_space<vmem_shared>> -> memref<2048xi32, #tpu.memory_space<vmem_shared>>
      %dma_wait3A_458 = arith.constant 0 : i32
      %dma_wait3A_459 = tpu.memref_slice %arg10[%run_scoped3A_119, %dma_wait3A_458] : memref<8x2048xi32, #tpu.memory_space<vmem>> -> memref<1x2048xi32, #tpu.memory_space<vmem>>
      %dma_wait3A_460 = tpu.memref_squeeze %dma_wait3A_459 : memref<1x2048xi32, #tpu.memory_space<vmem>> -> memref<2048xi32, #tpu.memory_space<vmem>>
      %dma_wait3A_461 = arith.constant 0 : i32
      %dma_wait3A_462 = tpu.memref_slice %arg17[%add3A_118, %dma_wait3A_461] : memref<16x2048xi32, #tpu.memory_space<vmem_shared>> -> memref<1x2048xi32, #tpu.memory_space<vmem_shared>>
      %dma_wait3A_463 = tpu.memref_squeeze %dma_wait3A_462 : memref<1x2048xi32, #tpu.memory_space<vmem_shared>> -> memref<2048xi32, #tpu.memory_space<vmem_shared>>
      tpu.wait_dma2 semaphore(%run_scoped3A_441 : memref<!tpu.dma_semaphore, #tpu.memory_space<semaphore_mem>>) src(%dma_wait3A_463 : memref<2048xi32, #tpu.memory_space<vmem_shared>>) dst(%dma_wait3A_460 : memref<2048xi32, #tpu.memory_space<vmem>>)
      tpu.yield
    }) : () -> ()
    %add3A_120 = arith.constant 6 : i32
    %add3A_121 = arith.addi %mul3A_32, %add3A_120 : i32
    %run_scoped3A_122 = arith.constant 6 : i32
    "tpu.region"() ({
      %run_scoped3A_441 = tpu.sem_alloc : memref<!tpu.dma_semaphore, #tpu.memory_space<semaphore_mem>>
      %dma_start3A = arith.constant 0 : i32
      %dma_start3A_442 = tpu.memref_slice %arg11[%run_scoped3A_122, %dma_start3A] : memref<8x2048xi32, #tpu.memory_space<vmem>> -> memref<1x2048xi32, #tpu.memory_space<vmem>>
      %dma_start3A_443 = tpu.memref_squeeze %dma_start3A_442 : memref<1x2048xi32, #tpu.memory_space<vmem>> -> memref<2048xi32, #tpu.memory_space<vmem>>
      %dma_start3A_444 = arith.constant 0 : i32
      %dma_start3A_445 = tpu.memref_slice %arg18[%add3A_121, %dma_start3A_444] : memref<16x2048xi32, #tpu.memory_space<vmem_shared>> -> memref<1x2048xi32, #tpu.memory_space<vmem_shared>>
      %dma_start3A_446 = tpu.memref_squeeze %dma_start3A_445 : memref<1x2048xi32, #tpu.memory_space<vmem_shared>> -> memref<2048xi32, #tpu.memory_space<vmem_shared>>
      %dma_start3A_447 = arith.constant 0 : i32
      %dma_start3A_448 = tpu.memref_slice %arg11[%run_scoped3A_122, %dma_start3A_447] : memref<8x2048xi32, #tpu.memory_space<vmem>> -> memref<1x2048xi32, #tpu.memory_space<vmem>>
      %dma_start3A_449 = tpu.memref_squeeze %dma_start3A_448 : memref<1x2048xi32, #tpu.memory_space<vmem>> -> memref<2048xi32, #tpu.memory_space<vmem>>
      %dma_start3A_450 = arith.constant 0 : i32
      %dma_start3A_451 = tpu.memref_slice %arg18[%add3A_121, %dma_start3A_450] : memref<16x2048xi32, #tpu.memory_space<vmem_shared>> -> memref<1x2048xi32, #tpu.memory_space<vmem_shared>>
      %dma_start3A_452 = tpu.memref_squeeze %dma_start3A_451 : memref<1x2048xi32, #tpu.memory_space<vmem_shared>> -> memref<2048xi32, #tpu.memory_space<vmem_shared>>
      tpu.enqueue_dma source(%dma_start3A_452 : memref<2048xi32, #tpu.memory_space<vmem_shared>>) target(%dma_start3A_449 : memref<2048xi32, #tpu.memory_space<vmem>>) target_semaphore(%run_scoped3A_441 : memref<!tpu.dma_semaphore, #tpu.memory_space<semaphore_mem>>)
      %dma_wait3A = arith.constant 0 : i32
      %dma_wait3A_453 = tpu.memref_slice %arg11[%run_scoped3A_122, %dma_wait3A] : memref<8x2048xi32, #tpu.memory_space<vmem>> -> memref<1x2048xi32, #tpu.memory_space<vmem>>
      %dma_wait3A_454 = tpu.memref_squeeze %dma_wait3A_453 : memref<1x2048xi32, #tpu.memory_space<vmem>> -> memref<2048xi32, #tpu.memory_space<vmem>>
      %dma_wait3A_455 = arith.constant 0 : i32
      %dma_wait3A_456 = tpu.memref_slice %arg18[%add3A_121, %dma_wait3A_455] : memref<16x2048xi32, #tpu.memory_space<vmem_shared>> -> memref<1x2048xi32, #tpu.memory_space<vmem_shared>>
      %dma_wait3A_457 = tpu.memref_squeeze %dma_wait3A_456 : memref<1x2048xi32, #tpu.memory_space<vmem_shared>> -> memref<2048xi32, #tpu.memory_space<vmem_shared>>
      %dma_wait3A_458 = arith.constant 0 : i32
      %dma_wait3A_459 = tpu.memref_slice %arg11[%run_scoped3A_122, %dma_wait3A_458] : memref<8x2048xi32, #tpu.memory_space<vmem>> -> memref<1x2048xi32, #tpu.memory_space<vmem>>
      %dma_wait3A_460 = tpu.memref_squeeze %dma_wait3A_459 : memref<1x2048xi32, #tpu.memory_space<vmem>> -> memref<2048xi32, #tpu.memory_space<vmem>>
      %dma_wait3A_461 = arith.constant 0 : i32
      %dma_wait3A_462 = tpu.memref_slice %arg18[%add3A_121, %dma_wait3A_461] : memref<16x2048xi32, #tpu.memory_space<vmem_shared>> -> memref<1x2048xi32, #tpu.memory_space<vmem_shared>>
      %dma_wait3A_463 = tpu.memref_squeeze %dma_wait3A_462 : memref<1x2048xi32, #tpu.memory_space<vmem_shared>> -> memref<2048xi32, #tpu.memory_space<vmem_shared>>
      tpu.wait_dma2 semaphore(%run_scoped3A_441 : memref<!tpu.dma_semaphore, #tpu.memory_space<semaphore_mem>>) src(%dma_wait3A_463 : memref<2048xi32, #tpu.memory_space<vmem_shared>>) dst(%dma_wait3A_460 : memref<2048xi32, #tpu.memory_space<vmem>>)
      tpu.yield
    }) : () -> ()
    %add3A_123 = arith.constant 6 : i32
    %add3A_124 = arith.addi %mul3A_32, %add3A_123 : i32
    %run_scoped3A_125 = arith.constant 6 : i32
    "tpu.region"() ({
      %run_scoped3A_441 = tpu.sem_alloc : memref<!tpu.dma_semaphore, #tpu.memory_space<semaphore_mem>>
      %dma_start3A = arith.constant 0 : i32
      %dma_start3A_442 = tpu.memref_slice %arg12[%run_scoped3A_125, %dma_start3A] : memref<8x16xi32, #tpu.memory_space<vmem>> -> memref<1x16xi32, #tpu.memory_space<vmem>>
      %dma_start3A_443 = tpu.memref_squeeze %dma_start3A_442 : memref<1x16xi32, #tpu.memory_space<vmem>> -> memref<16xi32, #tpu.memory_space<vmem>>
      %dma_start3A_444 = arith.constant 0 : i32
      %dma_start3A_445 = tpu.memref_slice %arg19[%add3A_124, %dma_start3A_444] : memref<16x16xi32, #tpu.memory_space<vmem_shared>> -> memref<1x16xi32, #tpu.memory_space<vmem_shared>>
      %dma_start3A_446 = tpu.memref_squeeze %dma_start3A_445 : memref<1x16xi32, #tpu.memory_space<vmem_shared>> -> memref<16xi32, #tpu.memory_space<vmem_shared>>
      %dma_start3A_447 = arith.constant 0 : i32
      %dma_start3A_448 = tpu.memref_slice %arg12[%run_scoped3A_125, %dma_start3A_447] : memref<8x16xi32, #tpu.memory_space<vmem>> -> memref<1x16xi32, #tpu.memory_space<vmem>>
      %dma_start3A_449 = tpu.memref_squeeze %dma_start3A_448 : memref<1x16xi32, #tpu.memory_space<vmem>> -> memref<16xi32, #tpu.memory_space<vmem>>
      %dma_start3A_450 = arith.constant 0 : i32
      %dma_start3A_451 = tpu.memref_slice %arg19[%add3A_124, %dma_start3A_450] : memref<16x16xi32, #tpu.memory_space<vmem_shared>> -> memref<1x16xi32, #tpu.memory_space<vmem_shared>>
      %dma_start3A_452 = tpu.memref_squeeze %dma_start3A_451 : memref<1x16xi32, #tpu.memory_space<vmem_shared>> -> memref<16xi32, #tpu.memory_space<vmem_shared>>
      tpu.enqueue_dma source(%dma_start3A_452 : memref<16xi32, #tpu.memory_space<vmem_shared>>) target(%dma_start3A_449 : memref<16xi32, #tpu.memory_space<vmem>>) target_semaphore(%run_scoped3A_441 : memref<!tpu.dma_semaphore, #tpu.memory_space<semaphore_mem>>)
      %dma_wait3A = arith.constant 0 : i32
      %dma_wait3A_453 = tpu.memref_slice %arg12[%run_scoped3A_125, %dma_wait3A] : memref<8x16xi32, #tpu.memory_space<vmem>> -> memref<1x16xi32, #tpu.memory_space<vmem>>
      %dma_wait3A_454 = tpu.memref_squeeze %dma_wait3A_453 : memref<1x16xi32, #tpu.memory_space<vmem>> -> memref<16xi32, #tpu.memory_space<vmem>>
      %dma_wait3A_455 = arith.constant 0 : i32
      %dma_wait3A_456 = tpu.memref_slice %arg19[%add3A_124, %dma_wait3A_455] : memref<16x16xi32, #tpu.memory_space<vmem_shared>> -> memref<1x16xi32, #tpu.memory_space<vmem_shared>>
      %dma_wait3A_457 = tpu.memref_squeeze %dma_wait3A_456 : memref<1x16xi32, #tpu.memory_space<vmem_shared>> -> memref<16xi32, #tpu.memory_space<vmem_shared>>
      %dma_wait3A_458 = arith.constant 0 : i32
      %dma_wait3A_459 = tpu.memref_slice %arg12[%run_scoped3A_125, %dma_wait3A_458] : memref<8x16xi32, #tpu.memory_space<vmem>> -> memref<1x16xi32, #tpu.memory_space<vmem>>
      %dma_wait3A_460 = tpu.memref_squeeze %dma_wait3A_459 : memref<1x16xi32, #tpu.memory_space<vmem>> -> memref<16xi32, #tpu.memory_space<vmem>>
      %dma_wait3A_461 = arith.constant 0 : i32
      %dma_wait3A_462 = tpu.memref_slice %arg19[%add3A_124, %dma_wait3A_461] : memref<16x16xi32, #tpu.memory_space<vmem_shared>> -> memref<1x16xi32, #tpu.memory_space<vmem_shared>>
      %dma_wait3A_463 = tpu.memref_squeeze %dma_wait3A_462 : memref<1x16xi32, #tpu.memory_space<vmem_shared>> -> memref<16xi32, #tpu.memory_space<vmem_shared>>
      tpu.wait_dma2 semaphore(%run_scoped3A_441 : memref<!tpu.dma_semaphore, #tpu.memory_space<semaphore_mem>>) src(%dma_wait3A_463 : memref<16xi32, #tpu.memory_space<vmem_shared>>) dst(%dma_wait3A_460 : memref<16xi32, #tpu.memory_space<vmem>>)
      tpu.yield
    }) : () -> ()
    %add3A_126 = arith.constant 7 : i32
    %add3A_127 = arith.addi %mul3A_32, %add3A_126 : i32
    %run_scoped3A_128 = arith.constant 7 : i32
    "tpu.region"() ({
      %run_scoped3A_441 = tpu.sem_alloc : memref<!tpu.dma_semaphore, #tpu.memory_space<semaphore_mem>>
      %dma_start3A = arith.constant 0 : i32
      %dma_start3A_442 = tpu.memref_slice %arg10[%run_scoped3A_128, %dma_start3A] : memref<8x2048xi32, #tpu.memory_space<vmem>> -> memref<1x2048xi32, #tpu.memory_space<vmem>>
      %dma_start3A_443 = tpu.memref_squeeze %dma_start3A_442 : memref<1x2048xi32, #tpu.memory_space<vmem>> -> memref<2048xi32, #tpu.memory_space<vmem>>
      %dma_start3A_444 = arith.constant 0 : i32
      %dma_start3A_445 = tpu.memref_slice %arg17[%add3A_127, %dma_start3A_444] : memref<16x2048xi32, #tpu.memory_space<vmem_shared>> -> memref<1x2048xi32, #tpu.memory_space<vmem_shared>>
      %dma_start3A_446 = tpu.memref_squeeze %dma_start3A_445 : memref<1x2048xi32, #tpu.memory_space<vmem_shared>> -> memref<2048xi32, #tpu.memory_space<vmem_shared>>
      %dma_start3A_447 = arith.constant 0 : i32
      %dma_start3A_448 = tpu.memref_slice %arg10[%run_scoped3A_128, %dma_start3A_447] : memref<8x2048xi32, #tpu.memory_space<vmem>> -> memref<1x2048xi32, #tpu.memory_space<vmem>>
      %dma_start3A_449 = tpu.memref_squeeze %dma_start3A_448 : memref<1x2048xi32, #tpu.memory_space<vmem>> -> memref<2048xi32, #tpu.memory_space<vmem>>
      %dma_start3A_450 = arith.constant 0 : i32
      %dma_start3A_451 = tpu.memref_slice %arg17[%add3A_127, %dma_start3A_450] : memref<16x2048xi32, #tpu.memory_space<vmem_shared>> -> memref<1x2048xi32, #tpu.memory_space<vmem_shared>>
      %dma_start3A_452 = tpu.memref_squeeze %dma_start3A_451 : memref<1x2048xi32, #tpu.memory_space<vmem_shared>> -> memref<2048xi32, #tpu.memory_space<vmem_shared>>
      tpu.enqueue_dma source(%dma_start3A_452 : memref<2048xi32, #tpu.memory_space<vmem_shared>>) target(%dma_start3A_449 : memref<2048xi32, #tpu.memory_space<vmem>>) target_semaphore(%run_scoped3A_441 : memref<!tpu.dma_semaphore, #tpu.memory_space<semaphore_mem>>)
      %dma_wait3A = arith.constant 0 : i32
      %dma_wait3A_453 = tpu.memref_slice %arg10[%run_scoped3A_128, %dma_wait3A] : memref<8x2048xi32, #tpu.memory_space<vmem>> -> memref<1x2048xi32, #tpu.memory_space<vmem>>
      %dma_wait3A_454 = tpu.memref_squeeze %dma_wait3A_453 : memref<1x2048xi32, #tpu.memory_space<vmem>> -> memref<2048xi32, #tpu.memory_space<vmem>>
      %dma_wait3A_455 = arith.constant 0 : i32
      %dma_wait3A_456 = tpu.memref_slice %arg17[%add3A_127, %dma_wait3A_455] : memref<16x2048xi32, #tpu.memory_space<vmem_shared>> -> memref<1x2048xi32, #tpu.memory_space<vmem_shared>>
      %dma_wait3A_457 = tpu.memref_squeeze %dma_wait3A_456 : memref<1x2048xi32, #tpu.memory_space<vmem_shared>> -> memref<2048xi32, #tpu.memory_space<vmem_shared>>
      %dma_wait3A_458 = arith.constant 0 : i32
      %dma_wait3A_459 = tpu.memref_slice %arg10[%run_scoped3A_128, %dma_wait3A_458] : memref<8x2048xi32, #tpu.memory_space<vmem>> -> memref<1x2048xi32, #tpu.memory_space<vmem>>
      %dma_wait3A_460 = tpu.memref_squeeze %dma_wait3A_459 : memref<1x2048xi32, #tpu.memory_space<vmem>> -> memref<2048xi32, #tpu.memory_space<vmem>>
      %dma_wait3A_461 = arith.constant 0 : i32
      %dma_wait3A_462 = tpu.memref_slice %arg17[%add3A_127, %dma_wait3A_461] : memref<16x2048xi32, #tpu.memory_space<vmem_shared>> -> memref<1x2048xi32, #tpu.memory_space<vmem_shared>>
      %dma_wait3A_463 = tpu.memref_squeeze %dma_wait3A_462 : memref<1x2048xi32, #tpu.memory_space<vmem_shared>> -> memref<2048xi32, #tpu.memory_space<vmem_shared>>
      tpu.wait_dma2 semaphore(%run_scoped3A_441 : memref<!tpu.dma_semaphore, #tpu.memory_space<semaphore_mem>>) src(%dma_wait3A_463 : memref<2048xi32, #tpu.memory_space<vmem_shared>>) dst(%dma_wait3A_460 : memref<2048xi32, #tpu.memory_space<vmem>>)
      tpu.yield
    }) : () -> ()
    %add3A_129 = arith.constant 7 : i32
    %add3A_130 = arith.addi %mul3A_32, %add3A_129 : i32
    %run_scoped3A_131 = arith.constant 7 : i32
    "tpu.region"() ({
      %run_scoped3A_441 = tpu.sem_alloc : memref<!tpu.dma_semaphore, #tpu.memory_space<semaphore_mem>>
      %dma_start3A = arith.constant 0 : i32
      %dma_start3A_442 = tpu.memref_slice %arg11[%run_scoped3A_131, %dma_start3A] : memref<8x2048xi32, #tpu.memory_space<vmem>> -> memref<1x2048xi32, #tpu.memory_space<vmem>>
      %dma_start3A_443 = tpu.memref_squeeze %dma_start3A_442 : memref<1x2048xi32, #tpu.memory_space<vmem>> -> memref<2048xi32, #tpu.memory_space<vmem>>
      %dma_start3A_444 = arith.constant 0 : i32
      %dma_start3A_445 = tpu.memref_slice %arg18[%add3A_130, %dma_start3A_444] : memref<16x2048xi32, #tpu.memory_space<vmem_shared>> -> memref<1x2048xi32, #tpu.memory_space<vmem_shared>>
      %dma_start3A_446 = tpu.memref_squeeze %dma_start3A_445 : memref<1x2048xi32, #tpu.memory_space<vmem_shared>> -> memref<2048xi32, #tpu.memory_space<vmem_shared>>
      %dma_start3A_447 = arith.constant 0 : i32
      %dma_start3A_448 = tpu.memref_slice %arg11[%run_scoped3A_131, %dma_start3A_447] : memref<8x2048xi32, #tpu.memory_space<vmem>> -> memref<1x2048xi32, #tpu.memory_space<vmem>>
      %dma_start3A_449 = tpu.memref_squeeze %dma_start3A_448 : memref<1x2048xi32, #tpu.memory_space<vmem>> -> memref<2048xi32, #tpu.memory_space<vmem>>
      %dma_start3A_450 = arith.constant 0 : i32
      %dma_start3A_451 = tpu.memref_slice %arg18[%add3A_130, %dma_start3A_450] : memref<16x2048xi32, #tpu.memory_space<vmem_shared>> -> memref<1x2048xi32, #tpu.memory_space<vmem_shared>>
      %dma_start3A_452 = tpu.memref_squeeze %dma_start3A_451 : memref<1x2048xi32, #tpu.memory_space<vmem_shared>> -> memref<2048xi32, #tpu.memory_space<vmem_shared>>
      tpu.enqueue_dma source(%dma_start3A_452 : memref<2048xi32, #tpu.memory_space<vmem_shared>>) target(%dma_start3A_449 : memref<2048xi32, #tpu.memory_space<vmem>>) target_semaphore(%run_scoped3A_441 : memref<!tpu.dma_semaphore, #tpu.memory_space<semaphore_mem>>)
      %dma_wait3A = arith.constant 0 : i32
      %dma_wait3A_453 = tpu.memref_slice %arg11[%run_scoped3A_131, %dma_wait3A] : memref<8x2048xi32, #tpu.memory_space<vmem>> -> memref<1x2048xi32, #tpu.memory_space<vmem>>
      %dma_wait3A_454 = tpu.memref_squeeze %dma_wait3A_453 : memref<1x2048xi32, #tpu.memory_space<vmem>> -> memref<2048xi32, #tpu.memory_space<vmem>>
      %dma_wait3A_455 = arith.constant 0 : i32
      %dma_wait3A_456 = tpu.memref_slice %arg18[%add3A_130, %dma_wait3A_455] : memref<16x2048xi32, #tpu.memory_space<vmem_shared>> -> memref<1x2048xi32, #tpu.memory_space<vmem_shared>>
      %dma_wait3A_457 = tpu.memref_squeeze %dma_wait3A_456 : memref<1x2048xi32, #tpu.memory_space<vmem_shared>> -> memref<2048xi32, #tpu.memory_space<vmem_shared>>
      %dma_wait3A_458 = arith.constant 0 : i32
      %dma_wait3A_459 = tpu.memref_slice %arg11[%run_scoped3A_131, %dma_wait3A_458] : memref<8x2048xi32, #tpu.memory_space<vmem>> -> memref<1x2048xi32, #tpu.memory_space<vmem>>
      %dma_wait3A_460 = tpu.memref_squeeze %dma_wait3A_459 : memref<1x2048xi32, #tpu.memory_space<vmem>> -> memref<2048xi32, #tpu.memory_space<vmem>>
      %dma_wait3A_461 = arith.constant 0 : i32
      %dma_wait3A_462 = tpu.memref_slice %arg18[%add3A_130, %dma_wait3A_461] : memref<16x2048xi32, #tpu.memory_space<vmem_shared>> -> memref<1x2048xi32, #tpu.memory_space<vmem_shared>>
      %dma_wait3A_463 = tpu.memref_squeeze %dma_wait3A_462 : memref<1x2048xi32, #tpu.memory_space<vmem_shared>> -> memref<2048xi32, #tpu.memory_space<vmem_shared>>
      tpu.wait_dma2 semaphore(%run_scoped3A_441 : memref<!tpu.dma_semaphore, #tpu.memory_space<semaphore_mem>>) src(%dma_wait3A_463 : memref<2048xi32, #tpu.memory_space<vmem_shared>>) dst(%dma_wait3A_460 : memref<2048xi32, #tpu.memory_space<vmem>>)
      tpu.yield
    }) : () -> ()
    %add3A_132 = arith.constant 7 : i32
    %add3A_133 = arith.addi %mul3A_32, %add3A_132 : i32
    %run_scoped3A_134 = arith.constant 7 : i32
    "tpu.region"() ({
      %run_scoped3A_441 = tpu.sem_alloc : memref<!tpu.dma_semaphore, #tpu.memory_space<semaphore_mem>>
      %dma_start3A = arith.constant 0 : i32
      %dma_start3A_442 = tpu.memref_slice %arg12[%run_scoped3A_134, %dma_start3A] : memref<8x16xi32, #tpu.memory_space<vmem>> -> memref<1x16xi32, #tpu.memory_space<vmem>>
      %dma_start3A_443 = tpu.memref_squeeze %dma_start3A_442 : memref<1x16xi32, #tpu.memory_space<vmem>> -> memref<16xi32, #tpu.memory_space<vmem>>
      %dma_start3A_444 = arith.constant 0 : i32
      %dma_start3A_445 = tpu.memref_slice %arg19[%add3A_133, %dma_start3A_444] : memref<16x16xi32, #tpu.memory_space<vmem_shared>> -> memref<1x16xi32, #tpu.memory_space<vmem_shared>>
      %dma_start3A_446 = tpu.memref_squeeze %dma_start3A_445 : memref<1x16xi32, #tpu.memory_space<vmem_shared>> -> memref<16xi32, #tpu.memory_space<vmem_shared>>
      %dma_start3A_447 = arith.constant 0 : i32
      %dma_start3A_448 = tpu.memref_slice %arg12[%run_scoped3A_134, %dma_start3A_447] : memref<8x16xi32, #tpu.memory_space<vmem>> -> memref<1x16xi32, #tpu.memory_space<vmem>>
      %dma_start3A_449 = tpu.memref_squeeze %dma_start3A_448 : memref<1x16xi32, #tpu.memory_space<vmem>> -> memref<16xi32, #tpu.memory_space<vmem>>
      %dma_start3A_450 = arith.constant 0 : i32
      %dma_start3A_451 = tpu.memref_slice %arg19[%add3A_133, %dma_start3A_450] : memref<16x16xi32, #tpu.memory_space<vmem_shared>> -> memref<1x16xi32, #tpu.memory_space<vmem_shared>>
      %dma_start3A_452 = tpu.memref_squeeze %dma_start3A_451 : memref<1x16xi32, #tpu.memory_space<vmem_shared>> -> memref<16xi32, #tpu.memory_space<vmem_shared>>
      tpu.enqueue_dma source(%dma_start3A_452 : memref<16xi32, #tpu.memory_space<vmem_shared>>) target(%dma_start3A_449 : memref<16xi32, #tpu.memory_space<vmem>>) target_semaphore(%run_scoped3A_441 : memref<!tpu.dma_semaphore, #tpu.memory_space<semaphore_mem>>)
      %dma_wait3A = arith.constant 0 : i32
      %dma_wait3A_453 = tpu.memref_slice %arg12[%run_scoped3A_134, %dma_wait3A] : memref<8x16xi32, #tpu.memory_space<vmem>> -> memref<1x16xi32, #tpu.memory_space<vmem>>
      %dma_wait3A_454 = tpu.memref_squeeze %dma_wait3A_453 : memref<1x16xi32, #tpu.memory_space<vmem>> -> memref<16xi32, #tpu.memory_space<vmem>>
      %dma_wait3A_455 = arith.constant 0 : i32
      %dma_wait3A_456 = tpu.memref_slice %arg19[%add3A_133, %dma_wait3A_455] : memref<16x16xi32, #tpu.memory_space<vmem_shared>> -> memref<1x16xi32, #tpu.memory_space<vmem_shared>>
      %dma_wait3A_457 = tpu.memref_squeeze %dma_wait3A_456 : memref<1x16xi32, #tpu.memory_space<vmem_shared>> -> memref<16xi32, #tpu.memory_space<vmem_shared>>
      %dma_wait3A_458 = arith.constant 0 : i32
      %dma_wait3A_459 = tpu.memref_slice %arg12[%run_scoped3A_134, %dma_wait3A_458] : memref<8x16xi32, #tpu.memory_space<vmem>> -> memref<1x16xi32, #tpu.memory_space<vmem>>
      %dma_wait3A_460 = tpu.memref_squeeze %dma_wait3A_459 : memref<1x16xi32, #tpu.memory_space<vmem>> -> memref<16xi32, #tpu.memory_space<vmem>>
      %dma_wait3A_461 = arith.constant 0 : i32
      %dma_wait3A_462 = tpu.memref_slice %arg19[%add3A_133, %dma_wait3A_461] : memref<16x16xi32, #tpu.memory_space<vmem_shared>> -> memref<1x16xi32, #tpu.memory_space<vmem_shared>>
      %dma_wait3A_463 = tpu.memref_squeeze %dma_wait3A_462 : memref<1x16xi32, #tpu.memory_space<vmem_shared>> -> memref<16xi32, #tpu.memory_space<vmem_shared>>
      tpu.wait_dma2 semaphore(%run_scoped3A_441 : memref<!tpu.dma_semaphore, #tpu.memory_space<semaphore_mem>>) src(%dma_wait3A_463 : memref<16xi32, #tpu.memory_space<vmem_shared>>) dst(%dma_wait3A_460 : memref<16xi32, #tpu.memory_space<vmem>>)
      tpu.yield
    }) : () -> ()
    %get3A_135 = arith.constant 0 : i32
    %get3A_136 = arith.index_cast %get3A_135 : i32 to index
    %get3A_137 = arith.constant 0 : index
    %get3A_138 = tpu.vector_load %arg12[%get3A_136, %get3A_137] {strides = array<i32>} : memref<8x16xi32, #tpu.memory_space<vmem>>, vector<16xi32>,
    %slice3A_139 = vector.extract_strided_slice %get3A_138 {offsets = [0], sizes = [1], strides = [1]} : vector<16xi32> to vector<1xi32>
    %squeeze3A_140 = vector.extract %slice3A_139[0] : i32 from vector<1xi32>
    %add3A_141 = arith.constant 15 : i32
    %add3A_142 = arith.addi %squeeze3A_140, %add3A_141 : i32
    %jit3A_143 = arith.constant 16 : i32
    %div3A_144 = arith.divsi %add3A_142, %jit3A_143 : i32
    %sign3A_145 = arith.constant 0 : i32
    %sign3A_146 = arith.cmpi sgt, %add3A_142, %sign3A_145 : i32
    %sign3A_147 = arith.extui %sign3A_146 : i1 to i32
    %sign3A_148 = arith.constant 0 : i32
    %sign3A_149 = arith.cmpi slt, %add3A_142, %sign3A_148 : i32
    %sign3A_150 = arith.extui %sign3A_149 : i1 to i32
    %sign3A_151 = arith.subi %sign3A_147, %sign3A_150 : i32
    %sign3A_152 = arith.constant 0 : i32
    %sign3A_153 = arith.cmpi sgt, %jit3A_143, %sign3A_152 : i32
    %sign3A_154 = arith.extui %sign3A_153 : i1 to i32
    %sign3A_155 = arith.constant 0 : i32
    %sign3A_156 = arith.cmpi slt, %jit3A_143, %sign3A_155 : i32
    %sign3A_157 = arith.extui %sign3A_156 : i1 to i32
    %sign3A_158 = arith.subi %sign3A_154, %sign3A_157 : i32
    %ne3A_159 = arith.cmpi ne, %sign3A_151, %sign3A_158 : i32
    %rem3A_160 = arith.remsi %add3A_142, %jit3A_143 : i32
    %ne3A_161 = arith.constant 0 : i32
    %ne3A_162 = arith.cmpi ne, %rem3A_160, %ne3A_161 : i32
    %and3A_163 = arith.andi %ne3A_159, %ne3A_162 : i1
    %sub3A_164 = arith.constant 1 : i32
    %sub3A_165 = arith.subi %div3A_144, %sub3A_164 : i32
    %select_n3A_166 = arith.select %and3A_163, %sub3A_165, %div3A_144 : i32
    %get3A_167 = arith.constant 1 : i32
    %get3A_168 = arith.index_cast %get3A_167 : i32 to index
    %get3A_169 = arith.constant 0 : index
    %get3A_170 = tpu.vector_load %arg12[%get3A_168, %get3A_169] {strides = array<i32>} : memref<8x16xi32, #tpu.memory_space<vmem>>, vector<16xi32>,
    %slice3A_171 = vector.extract_strided_slice %get3A_170 {offsets = [0], sizes = [1], strides = [1]} : vector<16xi32> to vector<1xi32>
    %squeeze3A_172 = vector.extract %slice3A_171[0] : i32 from vector<1xi32>
    %add3A_173 = arith.constant 15 : i32
    %add3A_174 = arith.addi %squeeze3A_172, %add3A_173 : i32
    %jit3A_175 = arith.constant 16 : i32
    %div3A_176 = arith.divsi %add3A_174, %jit3A_175 : i32
    %sign3A_177 = arith.constant 0 : i32
    %sign3A_178 = arith.cmpi sgt, %add3A_174, %sign3A_177 : i32
    %sign3A_179 = arith.extui %sign3A_178 : i1 to i32
    %sign3A_180 = arith.constant 0 : i32
    %sign3A_181 = arith.cmpi slt, %add3A_174, %sign3A_180 : i32
    %sign3A_182 = arith.extui %sign3A_181 : i1 to i32
    %sign3A_183 = arith.subi %sign3A_179, %sign3A_182 : i32
    %sign3A_184 = arith.constant 0 : i32
    %sign3A_185 = arith.cmpi sgt, %jit3A_175, %sign3A_184 : i32
    %sign3A_186 = arith.extui %sign3A_185 : i1 to i32
    %sign3A_187 = arith.constant 0 : i32
    %sign3A_188 = arith.cmpi slt, %jit3A_175, %sign3A_187 : i32
    %sign3A_189 = arith.extui %sign3A_188 : i1 to i32
    %sign3A_190 = arith.subi %sign3A_186, %sign3A_189 : i32
    %ne3A_191 = arith.cmpi ne, %sign3A_183, %sign3A_190 : i32
    %rem3A_192 = arith.remsi %add3A_174, %jit3A_175 : i32
    %ne3A_193 = arith.constant 0 : i32
    %ne3A_194 = arith.cmpi ne, %rem3A_192, %ne3A_193 : i32
    %and3A_195 = arith.andi %ne3A_191, %ne3A_194 : i1
    %sub3A_196 = arith.constant 1 : i32
    %sub3A_197 = arith.subi %div3A_176, %sub3A_196 : i32
    %select_n3A_198 = arith.select %and3A_195, %sub3A_197, %div3A_176 : i32
    %get3A_199 = arith.constant 2 : i32
    %get3A_200 = arith.index_cast %get3A_199 : i32 to index
    %get3A_201 = arith.constant 0 : index
    %get3A_202 = tpu.vector_load %arg12[%get3A_200, %get3A_201] {strides = array<i32>} : memref<8x16xi32, #tpu.memory_space<vmem>>, vector<16xi32>,
    %slice3A_203 = vector.extract_strided_slice %get3A_202 {offsets = [0], sizes = [1], strides = [1]} : vector<16xi32> to vector<1xi32>
    %squeeze3A_204 = vector.extract %slice3A_203[0] : i32 from vector<1xi32>
    %add3A_205 = arith.constant 15 : i32
    %add3A_206 = arith.addi %squeeze3A_204, %add3A_205 : i32
    %jit3A_207 = arith.constant 16 : i32
    %div3A_208 = arith.divsi %add3A_206, %jit3A_207 : i32
    %sign3A_209 = arith.constant 0 : i32
    %sign3A_210 = arith.cmpi sgt, %add3A_206, %sign3A_209 : i32
    %sign3A_211 = arith.extui %sign3A_210 : i1 to i32
    %sign3A_212 = arith.constant 0 : i32
    %sign3A_213 = arith.cmpi slt, %add3A_206, %sign3A_212 : i32
    %sign3A_214 = arith.extui %sign3A_213 : i1 to i32
    %sign3A_215 = arith.subi %sign3A_211, %sign3A_214 : i32
    %sign3A_216 = arith.constant 0 : i32
    %sign3A_217 = arith.cmpi sgt, %jit3A_207, %sign3A_216 : i32
    %sign3A_218 = arith.extui %sign3A_217 : i1 to i32
    %sign3A_219 = arith.constant 0 : i32
    %sign3A_220 = arith.cmpi slt, %jit3A_207, %sign3A_219 : i32
    %sign3A_221 = arith.extui %sign3A_220 : i1 to i32
    %sign3A_222 = arith.subi %sign3A_218, %sign3A_221 : i32
    %ne3A_223 = arith.cmpi ne, %sign3A_215, %sign3A_222 : i32
    %rem3A_224 = arith.remsi %add3A_206, %jit3A_207 : i32
    %ne3A_225 = arith.constant 0 : i32
    %ne3A_226 = arith.cmpi ne, %rem3A_224, %ne3A_225 : i32
    %and3A_227 = arith.andi %ne3A_223, %ne3A_226 : i1
    %sub3A_228 = arith.constant 1 : i32
    %sub3A_229 = arith.subi %div3A_208, %sub3A_228 : i32
    %select_n3A_230 = arith.select %and3A_227, %sub3A_229, %div3A_208 : i32
    %get3A_231 = arith.constant 3 : i32
    %get3A_232 = arith.index_cast %get3A_231 : i32 to index
    %get3A_233 = arith.constant 0 : index
    %get3A_234 = tpu.vector_load %arg12[%get3A_232, %get3A_233] {strides = array<i32>} : memref<8x16xi32, #tpu.memory_space<vmem>>, vector<16xi32>,
    %slice3A_235 = vector.extract_strided_slice %get3A_234 {offsets = [0], sizes = [1], strides = [1]} : vector<16xi32> to vector<1xi32>
    %squeeze3A_236 = vector.extract %slice3A_235[0] : i32 from vector<1xi32>
    %add3A_237 = arith.constant 15 : i32
    %add3A_238 = arith.addi %squeeze3A_236, %add3A_237 : i32
    %jit3A_239 = arith.constant 16 : i32
    %div3A_240 = arith.divsi %add3A_238, %jit3A_239 : i32
    %sign3A_241 = arith.constant 0 : i32
    %sign3A_242 = arith.cmpi sgt, %add3A_238, %sign3A_241 : i32
    %sign3A_243 = arith.extui %sign3A_242 : i1 to i32
    %sign3A_244 = arith.constant 0 : i32
    %sign3A_245 = arith.cmpi slt, %add3A_238, %sign3A_244 : i32
    %sign3A_246 = arith.extui %sign3A_245 : i1 to i32
    %sign3A_247 = arith.subi %sign3A_243, %sign3A_246 : i32
    %sign3A_248 = arith.constant 0 : i32
    %sign3A_249 = arith.cmpi sgt, %jit3A_239, %sign3A_248 : i32
    %sign3A_250 = arith.extui %sign3A_249 : i1 to i32
    %sign3A_251 = arith.constant 0 : i32
    %sign3A_252 = arith.cmpi slt, %jit3A_239, %sign3A_251 : i32
    %sign3A_253 = arith.extui %sign3A_252 : i1 to i32
    %sign3A_254 = arith.subi %sign3A_250, %sign3A_253 : i32
    %ne3A_255 = arith.cmpi ne, %sign3A_247, %sign3A_254 : i32
    %rem3A_256 = arith.remsi %add3A_238, %jit3A_239 : i32
    %ne3A_257 = arith.constant 0 : i32
    %ne3A_258 = arith.cmpi ne, %rem3A_256, %ne3A_257 : i32
    %and3A_259 = arith.andi %ne3A_255, %ne3A_258 : i1
    %sub3A_260 = arith.constant 1 : i32
    %sub3A_261 = arith.subi %div3A_240, %sub3A_260 : i32
    %select_n3A_262 = arith.select %and3A_259, %sub3A_261, %div3A_240 : i32
    %get3A_263 = arith.constant 4 : i32
    %get3A_264 = arith.index_cast %get3A_263 : i32 to index
    %get3A_265 = arith.constant 0 : index
    %get3A_266 = tpu.vector_load %arg12[%get3A_264, %get3A_265] {strides = array<i32>} : memref<8x16xi32, #tpu.memory_space<vmem>>, vector<16xi32>,
    %slice3A_267 = vector.extract_strided_slice %get3A_266 {offsets = [0], sizes = [1], strides = [1]} : vector<16xi32> to vector<1xi32>
    %squeeze3A_268 = vector.extract %slice3A_267[0] : i32 from vector<1xi32>
    %add3A_269 = arith.constant 15 : i32
    %add3A_270 = arith.addi %squeeze3A_268, %add3A_269 : i32
    %jit3A_271 = arith.constant 16 : i32
    %div3A_272 = arith.divsi %add3A_270, %jit3A_271 : i32
    %sign3A_273 = arith.constant 0 : i32
    %sign3A_274 = arith.cmpi sgt, %add3A_270, %sign3A_273 : i32
    %sign3A_275 = arith.extui %sign3A_274 : i1 to i32
    %sign3A_276 = arith.constant 0 : i32
    %sign3A_277 = arith.cmpi slt, %add3A_270, %sign3A_276 : i32
    %sign3A_278 = arith.extui %sign3A_277 : i1 to i32
    %sign3A_279 = arith.subi %sign3A_275, %sign3A_278 : i32
    %sign3A_280 = arith.constant 0 : i32
    %sign3A_281 = arith.cmpi sgt, %jit3A_271, %sign3A_280 : i32
    %sign3A_282 = arith.extui %sign3A_281 : i1 to i32
    %sign3A_283 = arith.constant 0 : i32
    %sign3A_284 = arith.cmpi slt, %jit3A_271, %sign3A_283 : i32
    %sign3A_285 = arith.extui %sign3A_284 : i1 to i32
    %sign3A_286 = arith.subi %sign3A_282, %sign3A_285 : i32
    %ne3A_287 = arith.cmpi ne, %sign3A_279, %sign3A_286 : i32
    %rem3A_288 = arith.remsi %add3A_270, %jit3A_271 : i32
    %ne3A_289 = arith.constant 0 : i32
    %ne3A_290 = arith.cmpi ne, %rem3A_288, %ne3A_289 : i32
    %and3A_291 = arith.andi %ne3A_287, %ne3A_290 : i1
    %sub3A_292 = arith.constant 1 : i32
    %sub3A_293 = arith.subi %div3A_272, %sub3A_292 : i32
    %select_n3A_294 = arith.select %and3A_291, %sub3A_293, %div3A_272 : i32
    %get3A_295 = arith.constant 5 : i32
    %get3A_296 = arith.index_cast %get3A_295 : i32 to index
    %get3A_297 = arith.constant 0 : index
    %get3A_298 = tpu.vector_load %arg12[%get3A_296, %get3A_297] {strides = array<i32>} : memref<8x16xi32, #tpu.memory_space<vmem>>, vector<16xi32>,
    %slice3A_299 = vector.extract_strided_slice %get3A_298 {offsets = [0], sizes = [1], strides = [1]} : vector<16xi32> to vector<1xi32>
    %squeeze3A_300 = vector.extract %slice3A_299[0] : i32 from vector<1xi32>
    %add3A_301 = arith.constant 15 : i32
    %add3A_302 = arith.addi %squeeze3A_300, %add3A_301 : i32
    %jit3A_303 = arith.constant 16 : i32
    %div3A_304 = arith.divsi %add3A_302, %jit3A_303 : i32
    %sign3A_305 = arith.constant 0 : i32
    %sign3A_306 = arith.cmpi sgt, %add3A_302, %sign3A_305 : i32
    %sign3A_307 = arith.extui %sign3A_306 : i1 to i32
    %sign3A_308 = arith.constant 0 : i32
    %sign3A_309 = arith.cmpi slt, %add3A_302, %sign3A_308 : i32
    %sign3A_310 = arith.extui %sign3A_309 : i1 to i32
    %sign3A_311 = arith.subi %sign3A_307, %sign3A_310 : i32
    %sign3A_312 = arith.constant 0 : i32
    %sign3A_313 = arith.cmpi sgt, %jit3A_303, %sign3A_312 : i32
    %sign3A_314 = arith.extui %sign3A_313 : i1 to i32
    %sign3A_315 = arith.constant 0 : i32
    %sign3A_316 = arith.cmpi slt, %jit3A_303, %sign3A_315 : i32
    %sign3A_317 = arith.extui %sign3A_316 : i1 to i32
    %sign3A_318 = arith.subi %sign3A_314, %sign3A_317 : i32
    %ne3A_319 = arith.cmpi ne, %sign3A_311, %sign3A_318 : i32
    %rem3A_320 = arith.remsi %add3A_302, %jit3A_303 : i32
    %ne3A_321 = arith.constant 0 : i32
    %ne3A_322 = arith.cmpi ne, %rem3A_320, %ne3A_321 : i32
    %and3A_323 = arith.andi %ne3A_319, %ne3A_322 : i1
    %sub3A_324 = arith.constant 1 : i32
    %sub3A_325 = arith.subi %div3A_304, %sub3A_324 : i32
    %select_n3A_326 = arith.select %and3A_323, %sub3A_325, %div3A_304 : i32
    %get3A_327 = arith.constant 6 : i32
    %get3A_328 = arith.index_cast %get3A_327 : i32 to index
    %get3A_329 = arith.constant 0 : index
    %get3A_330 = tpu.vector_load %arg12[%get3A_328, %get3A_329] {strides = array<i32>} : memref<8x16xi32, #tpu.memory_space<vmem>>, vector<16xi32>,
    %slice3A_331 = vector.extract_strided_slice %get3A_330 {offsets = [0], sizes = [1], strides = [1]} : vector<16xi32> to vector<1xi32>
    %squeeze3A_332 = vector.extract %slice3A_331[0] : i32 from vector<1xi32>
    %add3A_333 = arith.constant 15 : i32
    %add3A_334 = arith.addi %squeeze3A_332, %add3A_333 : i32
    %jit3A_335 = arith.constant 16 : i32
    %div3A_336 = arith.divsi %add3A_334, %jit3A_335 : i32
    %sign3A_337 = arith.constant 0 : i32
    %sign3A_338 = arith.cmpi sgt, %add3A_334, %sign3A_337 : i32
    %sign3A_339 = arith.extui %sign3A_338 : i1 to i32
    %sign3A_340 = arith.constant 0 : i32
    %sign3A_341 = arith.cmpi slt, %add3A_334, %sign3A_340 : i32
    %sign3A_342 = arith.extui %sign3A_341 : i1 to i32
    %sign3A_343 = arith.subi %sign3A_339, %sign3A_342 : i32
    %sign3A_344 = arith.constant 0 : i32
    %sign3A_345 = arith.cmpi sgt, %jit3A_335, %sign3A_344 : i32
    %sign3A_346 = arith.extui %sign3A_345 : i1 to i32
    %sign3A_347 = arith.constant 0 : i32
    %sign3A_348 = arith.cmpi slt, %jit3A_335, %sign3A_347 : i32
    %sign3A_349 = arith.extui %sign3A_348 : i1 to i32
    %sign3A_350 = arith.subi %sign3A_346, %sign3A_349 : i32
    %ne3A_351 = arith.cmpi ne, %sign3A_343, %sign3A_350 : i32
    %rem3A_352 = arith.remsi %add3A_334, %jit3A_335 : i32
    %ne3A_353 = arith.constant 0 : i32
    %ne3A_354 = arith.cmpi ne, %rem3A_352, %ne3A_353 : i32
    %and3A_355 = arith.andi %ne3A_351, %ne3A_354 : i1
    %sub3A_356 = arith.constant 1 : i32
    %sub3A_357 = arith.subi %div3A_336, %sub3A_356 : i32
    %select_n3A_358 = arith.select %and3A_355, %sub3A_357, %div3A_336 : i32
    %get3A_359 = arith.constant 7 : i32
    %get3A_360 = arith.index_cast %get3A_359 : i32 to index
    %get3A_361 = arith.constant 0 : index
    %get3A_362 = tpu.vector_load %arg12[%get3A_360, %get3A_361] {strides = array<i32>} : memref<8x16xi32, #tpu.memory_space<vmem>>, vector<16xi32>,
    %slice3A_363 = vector.extract_strided_slice %get3A_362 {offsets = [0], sizes = [1], strides = [1]} : vector<16xi32> to vector<1xi32>
    %squeeze3A_364 = vector.extract %slice3A_363[0] : i32 from vector<1xi32>
    %add3A_365 = arith.constant 15 : i32
    %add3A_366 = arith.addi %squeeze3A_364, %add3A_365 : i32
    %jit3A_367 = arith.constant 16 : i32
    %div3A_368 = arith.divsi %add3A_366, %jit3A_367 : i32
    %sign3A_369 = arith.constant 0 : i32
    %sign3A_370 = arith.cmpi sgt, %add3A_366, %sign3A_369 : i32
    %sign3A_371 = arith.extui %sign3A_370 : i1 to i32
    %sign3A_372 = arith.constant 0 : i32
    %sign3A_373 = arith.cmpi slt, %add3A_366, %sign3A_372 : i32
    %sign3A_374 = arith.extui %sign3A_373 : i1 to i32
    %sign3A_375 = arith.subi %sign3A_371, %sign3A_374 : i32
    %sign3A_376 = arith.constant 0 : i32
    %sign3A_377 = arith.cmpi sgt, %jit3A_367, %sign3A_376 : i32
    %sign3A_378 = arith.extui %sign3A_377 : i1 to i32
    %sign3A_379 = arith.constant 0 : i32
    %sign3A_380 = arith.cmpi slt, %jit3A_367, %sign3A_379 : i32
    %sign3A_381 = arith.extui %sign3A_380 : i1 to i32
    %sign3A_382 = arith.subi %sign3A_378, %sign3A_381 : i32
    %ne3A_383 = arith.cmpi ne, %sign3A_375, %sign3A_382 : i32
    %rem3A_384 = arith.remsi %add3A_366, %jit3A_367 : i32
    %ne3A_385 = arith.constant 0 : i32
    %ne3A_386 = arith.cmpi ne, %rem3A_384, %ne3A_385 : i32
    %and3A_387 = arith.andi %ne3A_383, %ne3A_386 : i1
    %sub3A_388 = arith.constant 1 : i32
    %sub3A_389 = arith.subi %div3A_368, %sub3A_388 : i32
    %select_n3A_390 = arith.select %and3A_387, %sub3A_389, %div3A_368 : i32
    %broadcast_in_dim3A_391 = arith.constant 1000 : i32
    %broadcast_in_dim3A_392 = vector.broadcast %broadcast_in_dim3A_391 : i32 to vector<16xi32>
    %broadcast_in_dim3A_393 = arith.constant 0.111111112 : f32
    %broadcast_in_dim3A_394 = vector.broadcast %broadcast_in_dim3A_393 : f32 to vector<16xf32>
    %broadcast_in_dim3A_395 = arith.constant 5.000000e-01 : f32
    %broadcast_in_dim3A_396 = vector.broadcast %broadcast_in_dim3A_395 : f32 to vector<16xf32>
    %add3A_397 = arith.constant 15 : i32
    %add3A_398 = arith.addi %min3A_55, %add3A_397 : i32
    %jit3A_399 = arith.constant 16 : i32
    %div3A_400 = arith.divsi %add3A_398, %jit3A_399 : i32
    %sign3A_401 = arith.constant 0 : i32
    %sign3A_402 = arith.cmpi sgt, %add3A_398, %sign3A_401 : i32
    %sign3A_403 = arith.extui %sign3A_402 : i1 to i32
    %sign3A_404 = arith.constant 0 : i32
    %sign3A_405 = arith.cmpi slt, %add3A_398, %sign3A_404 : i32
    %sign3A_406 = arith.extui %sign3A_405 : i1 to i32
    %sign3A_407 = arith.subi %sign3A_403, %sign3A_406 : i32
    %sign3A_408 = arith.constant 0 : i32
    %sign3A_409 = arith.cmpi sgt, %jit3A_399, %sign3A_408 : i32
    %sign3A_410 = arith.extui %sign3A_409 : i1 to i32
    %sign3A_411 = arith.constant 0 : i32
    %sign3A_412 = arith.cmpi slt, %jit3A_399, %sign3A_411 : i32
    %sign3A_413 = arith.extui %sign3A_412 : i1 to i32
    %sign3A_414 = arith.subi %sign3A_410, %sign3A_413 : i32
    %ne3A_415 = arith.cmpi ne, %sign3A_407, %sign3A_414 : i32
    %rem3A_416 = arith.remsi %add3A_398, %jit3A_399 : i32
    %ne3A_417 = arith.constant 0 : i32
    %ne3A_418 = arith.cmpi ne, %rem3A_416, %ne3A_417 : i32
    %and3A_419 = arith.andi %ne3A_415, %ne3A_418 : i1
    %sub3A_420 = arith.constant 1 : i32
    %sub3A_421 = arith.subi %div3A_400, %sub3A_420 : i32
    %select_n3A_422 = arith.select %and3A_419, %sub3A_421, %div3A_400 : i32
    %mul3A_423 = arith.constant 16 : i32
    %mul3A_424 = arith.muli %select_n3A_422, %mul3A_423 : i32
    %broadcast_in_dim3A_425 = arith.constant 0 : i32
    %broadcast_in_dim3A_426 = vector.broadcast %broadcast_in_dim3A_425 : i32 to vector<16xi32>
    %while3A = arith.constant 0 : i32
    %while3A_427 = arith.subi %mul3A_424, %while3A : i32
    %while3A_428 = arith.addi %while3A, %while3A_427 : i32
    %while3A_429 = arith.constant 1 : i32
    %while3A_430 = arith.divsi %while3A_427, %while3A_429 : i32
    %while3A_431 = arith.muli %while3A_430, %while3A_429 : i32
    %while3A_432 = arith.addi %while3A, %while3A_431 : i32
    %while3A_433 = arith.constant 1 : i32
    %while3A_434 = scf.for %while3A_441 = %while3A to %while3A_432 step %while3A_433 iter_args(%while3A_442 = %broadcast_in_dim3A_426) -> (vector<16xi32>)  : i32 {
      %get3A_443 = arith.index_cast %while3A_441 : i32 to index
      %get3A_444 = tpu.vector_load %arg8[%get3A_443] {strides = array<i32>} : memref<2064xi32, #tpu.memory_space<vmem>>, vector<16xi32>,
      %slice3A_445 = vector.extract_strided_slice %get3A_444 {offsets = [0], sizes = [1], strides = [1]} : vector<16xi32> to vector<1xi32>
      %squeeze3A_446 = vector.extract %slice3A_445[0] : i32 from vector<1xi32>
      %broadcast_in_dim3A_447 = vector.broadcast %squeeze3A_446 : i32 to vector<16xi32>
      %get3A_448 = arith.index_cast %while3A_441 : i32 to index
      %get3A_449 = tpu.vector_load %arg9[%get3A_448] {strides = array<i32>} : memref<2064xi32, #tpu.memory_space<vmem>>, vector<16xi32>,
      %slice3A_450 = vector.extract_strided_slice %get3A_449 {offsets = [0], sizes = [1], strides = [1]} : vector<16xi32> to vector<1xi32>
      %squeeze3A_451 = vector.extract %slice3A_450[0] : i32 from vector<1xi32>
      %broadcast_in_dim3A_452 = vector.broadcast %squeeze3A_451 : i32 to vector<16xi32>
      %broadcast_in_dim3A_453 = arith.constant 0 : i32
      %broadcast_in_dim3A_454 = vector.broadcast %broadcast_in_dim3A_453 : i32 to vector<16xi32>
      %while3A_455 = arith.constant 0 : i32
      %while3A_456 = arith.subi %select_n3A_166, %while3A_455 : i32
      %while3A_457 = arith.addi %while3A_455, %while3A_456 : i32
      %while3A_458 = arith.constant 1 : i32
      %while3A_459 = arith.divsi %while3A_456, %while3A_458 : i32
      %while3A_460 = arith.muli %while3A_459, %while3A_458 : i32
      %while3A_461 = arith.addi %while3A_455, %while3A_460 : i32
      %while3A_462 = arith.constant 1 : i32
      %while3A_463 = scf.for %while3A_557 = %while3A_455 to %while3A_461 step %while3A_462 iter_args(%while3A_558 = %broadcast_in_dim3A_454) -> (vector<16xi32>)  : i32 {
        %mul3A_559 = arith.constant 16 : i32
        %mul3A_560 = arith.muli %while3A_557, %mul3A_559 : i32
        %get3A_561 = arith.constant 0 : i32
        %get3A_562 = arith.index_cast %get3A_561 : i32 to index
        %get3A_563 = arith.index_cast %mul3A_560 : i32 to index
        %get3A_564 = tpu.vector_load %arg10[%get3A_562, %get3A_563] {strides = array<i32>} : memref<8x2048xi32, #tpu.memory_space<vmem>>, vector<16xi32>,
        %mul3A_565 = arith.constant 16 : i32
        %mul3A_566 = arith.muli %while3A_557, %mul3A_565 : i32
        %get3A_567 = arith.constant 0 : i32
        %get3A_568 = arith.index_cast %get3A_567 : i32 to index
        %get3A_569 = arith.index_cast %mul3A_566 : i32 to index
        %get3A_570 = tpu.vector_load %arg11[%get3A_568, %get3A_569] {strides = array<i32>} : memref<8x2048xi32, #tpu.memory_space<vmem>>, vector<16xi32>,
        %gt3A = arith.cmpi sgt, %get3A_564, %broadcast_in_dim3A_447 : vector<16xi32>
        %eq3A_571 = arith.cmpi eq, %get3A_564, %broadcast_in_dim3A_447 : vector<16xi32>
        %lt3A_572 = arith.cmpi slt, %get3A_570, %broadcast_in_dim3A_452 : vector<16xi32>
        %and3A_573 = arith.andi %eq3A_571, %lt3A_572 : vector<16xi1>
        %or3A = arith.ori %gt3A, %and3A_573 : vector<16xi1>
        %jit3A_574 = arith.constant 1 : i32
        %jit3A_575 = arith.constant 0 : i32
        %broadcast_in_dim3A_576 = vector.broadcast %jit3A_574 : i32 to vector<16xi32>
        %broadcast_in_dim3A_577 = vector.broadcast %jit3A_575 : i32 to vector<16xi32>
        %select_n3A_578 = arith.select %or3A, %broadcast_in_dim3A_576, %broadcast_in_dim3A_577 : vector<16xi1>, vector<16xi32>
        %add3A_579 = arith.addi %while3A_558, %select_n3A_578 : vector<16xi32>
        scf.yield %add3A_579 : vector<16xi32>
      }
      %while3A_464 = arith.constant 1 : i32
      %while3A_465 = scf.for %while3A_557 = %while3A_461 to %while3A_457 step %while3A_464 iter_args(%while3A_558 = %while3A_463) -> (vector<16xi32>)  : i32 {
        %mul3A_559 = arith.constant 16 : i32
        %mul3A_560 = arith.muli %while3A_557, %mul3A_559 : i32
        %get3A_561 = arith.constant 0 : i32
        %get3A_562 = arith.index_cast %get3A_561 : i32 to index
        %get3A_563 = arith.index_cast %mul3A_560 : i32 to index
        %get3A_564 = tpu.vector_load %arg10[%get3A_562, %get3A_563] {strides = array<i32>} : memref<8x2048xi32, #tpu.memory_space<vmem>>, vector<16xi32>,
        %mul3A_565 = arith.constant 16 : i32
        %mul3A_566 = arith.muli %while3A_557, %mul3A_565 : i32
        %get3A_567 = arith.constant 0 : i32
        %get3A_568 = arith.index_cast %get3A_567 : i32 to index
        %get3A_569 = arith.index_cast %mul3A_566 : i32 to index
        %get3A_570 = tpu.vector_load %arg11[%get3A_568, %get3A_569] {strides = array<i32>} : memref<8x2048xi32, #tpu.memory_space<vmem>>, vector<16xi32>,
        %gt3A = arith.cmpi sgt, %get3A_564, %broadcast_in_dim3A_447 : vector<16xi32>
        %eq3A_571 = arith.cmpi eq, %get3A_564, %broadcast_in_dim3A_447 : vector<16xi32>
        %lt3A_572 = arith.cmpi slt, %get3A_570, %broadcast_in_dim3A_452 : vector<16xi32>
        %and3A_573 = arith.andi %eq3A_571, %lt3A_572 : vector<16xi1>
        %or3A = arith.ori %gt3A, %and3A_573 : vector<16xi1>
        %jit3A_574 = arith.constant 1 : i32
        %jit3A_575 = arith.constant 0 : i32
        %broadcast_in_dim3A_576 = vector.broadcast %jit3A_574 : i32 to vector<16xi32>
        %broadcast_in_dim3A_577 = vector.broadcast %jit3A_575 : i32 to vector<16xi32>
        %select_n3A_578 = arith.select %or3A, %broadcast_in_dim3A_576, %broadcast_in_dim3A_577 : vector<16xi1>, vector<16xi32>
        %add3A_579 = arith.addi %while3A_558, %select_n3A_578 : vector<16xi32>
        scf.yield %add3A_579 : vector<16xi32>
      }
      %while3A_466 = arith.constant 0 : i32
      %while3A_467 = arith.subi %select_n3A_198, %while3A_466 : i32
      %while3A_468 = arith.addi %while3A_466, %while3A_467 : i32
      %while3A_469 = arith.constant 1 : i32
      %while3A_470 = arith.divsi %while3A_467, %while3A_469 : i32
      %while3A_471 = arith.muli %while3A_470, %while3A_469 : i32
      %while3A_472 = arith.addi %while3A_466, %while3A_471 : i32
      %while3A_473 = arith.constant 1 : i32
      %while3A_474 = scf.for %while3A_557 = %while3A_466 to %while3A_472 step %while3A_473 iter_args(%while3A_558 = %while3A_465) -> (vector<16xi32>)  : i32 {
        %mul3A_559 = arith.constant 16 : i32
        %mul3A_560 = arith.muli %while3A_557, %mul3A_559 : i32
        %get3A_561 = arith.constant 1 : i32
        %get3A_562 = arith.index_cast %get3A_561 : i32 to index
        %get3A_563 = arith.index_cast %mul3A_560 : i32 to index
        %get3A_564 = tpu.vector_load %arg10[%get3A_562, %get3A_563] {strides = array<i32>} : memref<8x2048xi32, #tpu.memory_space<vmem>>, vector<16xi32>,
        %mul3A_565 = arith.constant 16 : i32
        %mul3A_566 = arith.muli %while3A_557, %mul3A_565 : i32
        %get3A_567 = arith.constant 1 : i32
        %get3A_568 = arith.index_cast %get3A_567 : i32 to index
        %get3A_569 = arith.index_cast %mul3A_566 : i32 to index
        %get3A_570 = tpu.vector_load %arg11[%get3A_568, %get3A_569] {strides = array<i32>} : memref<8x2048xi32, #tpu.memory_space<vmem>>, vector<16xi32>,
        %gt3A = arith.cmpi sgt, %get3A_564, %broadcast_in_dim3A_447 : vector<16xi32>
        %eq3A_571 = arith.cmpi eq, %get3A_564, %broadcast_in_dim3A_447 : vector<16xi32>
        %lt3A_572 = arith.cmpi slt, %get3A_570, %broadcast_in_dim3A_452 : vector<16xi32>
        %and3A_573 = arith.andi %eq3A_571, %lt3A_572 : vector<16xi1>
        %or3A = arith.ori %gt3A, %and3A_573 : vector<16xi1>
        %jit3A_574 = arith.constant 1 : i32
        %jit3A_575 = arith.constant 0 : i32
        %broadcast_in_dim3A_576 = vector.broadcast %jit3A_574 : i32 to vector<16xi32>
        %broadcast_in_dim3A_577 = vector.broadcast %jit3A_575 : i32 to vector<16xi32>
        %select_n3A_578 = arith.select %or3A, %broadcast_in_dim3A_576, %broadcast_in_dim3A_577 : vector<16xi1>, vector<16xi32>
        %add3A_579 = arith.addi %while3A_558, %select_n3A_578 : vector<16xi32>
        scf.yield %add3A_579 : vector<16xi32>
      }
      %while3A_475 = arith.constant 1 : i32
      %while3A_476 = scf.for %while3A_557 = %while3A_472 to %while3A_468 step %while3A_475 iter_args(%while3A_558 = %while3A_474) -> (vector<16xi32>)  : i32 {
        %mul3A_559 = arith.constant 16 : i32
        %mul3A_560 = arith.muli %while3A_557, %mul3A_559 : i32
        %get3A_561 = arith.constant 1 : i32
        %get3A_562 = arith.index_cast %get3A_561 : i32 to index
        %get3A_563 = arith.index_cast %mul3A_560 : i32 to index
        %get3A_564 = tpu.vector_load %arg10[%get3A_562, %get3A_563] {strides = array<i32>} : memref<8x2048xi32, #tpu.memory_space<vmem>>, vector<16xi32>,
        %mul3A_565 = arith.constant 16 : i32
        %mul3A_566 = arith.muli %while3A_557, %mul3A_565 : i32
        %get3A_567 = arith.constant 1 : i32
        %get3A_568 = arith.index_cast %get3A_567 : i32 to index
        %get3A_569 = arith.index_cast %mul3A_566 : i32 to index
        %get3A_570 = tpu.vector_load %arg11[%get3A_568, %get3A_569] {strides = array<i32>} : memref<8x2048xi32, #tpu.memory_space<vmem>>, vector<16xi32>,
        %gt3A = arith.cmpi sgt, %get3A_564, %broadcast_in_dim3A_447 : vector<16xi32>
        %eq3A_571 = arith.cmpi eq, %get3A_564, %broadcast_in_dim3A_447 : vector<16xi32>
        %lt3A_572 = arith.cmpi slt, %get3A_570, %broadcast_in_dim3A_452 : vector<16xi32>
        %and3A_573 = arith.andi %eq3A_571, %lt3A_572 : vector<16xi1>
        %or3A = arith.ori %gt3A, %and3A_573 : vector<16xi1>
        %jit3A_574 = arith.constant 1 : i32
        %jit3A_575 = arith.constant 0 : i32
        %broadcast_in_dim3A_576 = vector.broadcast %jit3A_574 : i32 to vector<16xi32>
        %broadcast_in_dim3A_577 = vector.broadcast %jit3A_575 : i32 to vector<16xi32>
        %select_n3A_578 = arith.select %or3A, %broadcast_in_dim3A_576, %broadcast_in_dim3A_577 : vector<16xi1>, vector<16xi32>
        %add3A_579 = arith.addi %while3A_558, %select_n3A_578 : vector<16xi32>
        scf.yield %add3A_579 : vector<16xi32>
      }
      %while3A_477 = arith.constant 0 : i32
      %while3A_478 = arith.subi %select_n3A_230, %while3A_477 : i32
      %while3A_479 = arith.addi %while3A_477, %while3A_478 : i32
      %while3A_480 = arith.constant 1 : i32
      %while3A_481 = arith.divsi %while3A_478, %while3A_480 : i32
      %while3A_482 = arith.muli %while3A_481, %while3A_480 : i32
      %while3A_483 = arith.addi %while3A_477, %while3A_482 : i32
      %while3A_484 = arith.constant 1 : i32
      %while3A_485 = scf.for %while3A_557 = %while3A_477 to %while3A_483 step %while3A_484 iter_args(%while3A_558 = %while3A_476) -> (vector<16xi32>)  : i32 {
        %mul3A_559 = arith.constant 16 : i32
        %mul3A_560 = arith.muli %while3A_557, %mul3A_559 : i32
        %get3A_561 = arith.constant 2 : i32
        %get3A_562 = arith.index_cast %get3A_561 : i32 to index
        %get3A_563 = arith.index_cast %mul3A_560 : i32 to index
        %get3A_564 = tpu.vector_load %arg10[%get3A_562, %get3A_563] {strides = array<i32>} : memref<8x2048xi32, #tpu.memory_space<vmem>>, vector<16xi32>,
        %mul3A_565 = arith.constant 16 : i32
        %mul3A_566 = arith.muli %while3A_557, %mul3A_565 : i32
        %get3A_567 = arith.constant 2 : i32
        %get3A_568 = arith.index_cast %get3A_567 : i32 to index
        %get3A_569 = arith.index_cast %mul3A_566 : i32 to index
        %get3A_570 = tpu.vector_load %arg11[%get3A_568, %get3A_569] {strides = array<i32>} : memref<8x2048xi32, #tpu.memory_space<vmem>>, vector<16xi32>,
        %gt3A = arith.cmpi sgt, %get3A_564, %broadcast_in_dim3A_447 : vector<16xi32>
        %eq3A_571 = arith.cmpi eq, %get3A_564, %broadcast_in_dim3A_447 : vector<16xi32>
        %lt3A_572 = arith.cmpi slt, %get3A_570, %broadcast_in_dim3A_452 : vector<16xi32>
        %and3A_573 = arith.andi %eq3A_571, %lt3A_572 : vector<16xi1>
        %or3A = arith.ori %gt3A, %and3A_573 : vector<16xi1>
        %jit3A_574 = arith.constant 1 : i32
        %jit3A_575 = arith.constant 0 : i32
        %broadcast_in_dim3A_576 = vector.broadcast %jit3A_574 : i32 to vector<16xi32>
        %broadcast_in_dim3A_577 = vector.broadcast %jit3A_575 : i32 to vector<16xi32>
        %select_n3A_578 = arith.select %or3A, %broadcast_in_dim3A_576, %broadcast_in_dim3A_577 : vector<16xi1>, vector<16xi32>
        %add3A_579 = arith.addi %while3A_558, %select_n3A_578 : vector<16xi32>
        scf.yield %add3A_579 : vector<16xi32>
      }
      %while3A_486 = arith.constant 1 : i32
      %while3A_487 = scf.for %while3A_557 = %while3A_483 to %while3A_479 step %while3A_486 iter_args(%while3A_558 = %while3A_485) -> (vector<16xi32>)  : i32 {
        %mul3A_559 = arith.constant 16 : i32
        %mul3A_560 = arith.muli %while3A_557, %mul3A_559 : i32
        %get3A_561 = arith.constant 2 : i32
        %get3A_562 = arith.index_cast %get3A_561 : i32 to index
        %get3A_563 = arith.index_cast %mul3A_560 : i32 to index
        %get3A_564 = tpu.vector_load %arg10[%get3A_562, %get3A_563] {strides = array<i32>} : memref<8x2048xi32, #tpu.memory_space<vmem>>, vector<16xi32>,
        %mul3A_565 = arith.constant 16 : i32
        %mul3A_566 = arith.muli %while3A_557, %mul3A_565 : i32
        %get3A_567 = arith.constant 2 : i32
        %get3A_568 = arith.index_cast %get3A_567 : i32 to index
        %get3A_569 = arith.index_cast %mul3A_566 : i32 to index
        %get3A_570 = tpu.vector_load %arg11[%get3A_568, %get3A_569] {strides = array<i32>} : memref<8x2048xi32, #tpu.memory_space<vmem>>, vector<16xi32>,
        %gt3A = arith.cmpi sgt, %get3A_564, %broadcast_in_dim3A_447 : vector<16xi32>
        %eq3A_571 = arith.cmpi eq, %get3A_564, %broadcast_in_dim3A_447 : vector<16xi32>
        %lt3A_572 = arith.cmpi slt, %get3A_570, %broadcast_in_dim3A_452 : vector<16xi32>
        %and3A_573 = arith.andi %eq3A_571, %lt3A_572 : vector<16xi1>
        %or3A = arith.ori %gt3A, %and3A_573 : vector<16xi1>
        %jit3A_574 = arith.constant 1 : i32
        %jit3A_575 = arith.constant 0 : i32
        %broadcast_in_dim3A_576 = vector.broadcast %jit3A_574 : i32 to vector<16xi32>
        %broadcast_in_dim3A_577 = vector.broadcast %jit3A_575 : i32 to vector<16xi32>
        %select_n3A_578 = arith.select %or3A, %broadcast_in_dim3A_576, %broadcast_in_dim3A_577 : vector<16xi1>, vector<16xi32>
        %add3A_579 = arith.addi %while3A_558, %select_n3A_578 : vector<16xi32>
        scf.yield %add3A_579 : vector<16xi32>
      }
      %while3A_488 = arith.constant 0 : i32
      %while3A_489 = arith.subi %select_n3A_262, %while3A_488 : i32
      %while3A_490 = arith.addi %while3A_488, %while3A_489 : i32
      %while3A_491 = arith.constant 1 : i32
      %while3A_492 = arith.divsi %while3A_489, %while3A_491 : i32
      %while3A_493 = arith.muli %while3A_492, %while3A_491 : i32
      %while3A_494 = arith.addi %while3A_488, %while3A_493 : i32
      %while3A_495 = arith.constant 1 : i32
      %while3A_496 = scf.for %while3A_557 = %while3A_488 to %while3A_494 step %while3A_495 iter_args(%while3A_558 = %while3A_487) -> (vector<16xi32>)  : i32 {
        %mul3A_559 = arith.constant 16 : i32
        %mul3A_560 = arith.muli %while3A_557, %mul3A_559 : i32
        %get3A_561 = arith.constant 3 : i32
        %get3A_562 = arith.index_cast %get3A_561 : i32 to index
        %get3A_563 = arith.index_cast %mul3A_560 : i32 to index
        %get3A_564 = tpu.vector_load %arg10[%get3A_562, %get3A_563] {strides = array<i32>} : memref<8x2048xi32, #tpu.memory_space<vmem>>, vector<16xi32>,
        %mul3A_565 = arith.constant 16 : i32
        %mul3A_566 = arith.muli %while3A_557, %mul3A_565 : i32
        %get3A_567 = arith.constant 3 : i32
        %get3A_568 = arith.index_cast %get3A_567 : i32 to index
        %get3A_569 = arith.index_cast %mul3A_566 : i32 to index
        %get3A_570 = tpu.vector_load %arg11[%get3A_568, %get3A_569] {strides = array<i32>} : memref<8x2048xi32, #tpu.memory_space<vmem>>, vector<16xi32>,
        %gt3A = arith.cmpi sgt, %get3A_564, %broadcast_in_dim3A_447 : vector<16xi32>
        %eq3A_571 = arith.cmpi eq, %get3A_564, %broadcast_in_dim3A_447 : vector<16xi32>
        %lt3A_572 = arith.cmpi slt, %get3A_570, %broadcast_in_dim3A_452 : vector<16xi32>
        %and3A_573 = arith.andi %eq3A_571, %lt3A_572 : vector<16xi1>
        %or3A = arith.ori %gt3A, %and3A_573 : vector<16xi1>
        %jit3A_574 = arith.constant 1 : i32
        %jit3A_575 = arith.constant 0 : i32
        %broadcast_in_dim3A_576 = vector.broadcast %jit3A_574 : i32 to vector<16xi32>
        %broadcast_in_dim3A_577 = vector.broadcast %jit3A_575 : i32 to vector<16xi32>
        %select_n3A_578 = arith.select %or3A, %broadcast_in_dim3A_576, %broadcast_in_dim3A_577 : vector<16xi1>, vector<16xi32>
        %add3A_579 = arith.addi %while3A_558, %select_n3A_578 : vector<16xi32>
        scf.yield %add3A_579 : vector<16xi32>
      }
      %while3A_497 = arith.constant 1 : i32
      %while3A_498 = scf.for %while3A_557 = %while3A_494 to %while3A_490 step %while3A_497 iter_args(%while3A_558 = %while3A_496) -> (vector<16xi32>)  : i32 {
        %mul3A_559 = arith.constant 16 : i32
        %mul3A_560 = arith.muli %while3A_557, %mul3A_559 : i32
        %get3A_561 = arith.constant 3 : i32
        %get3A_562 = arith.index_cast %get3A_561 : i32 to index
        %get3A_563 = arith.index_cast %mul3A_560 : i32 to index
        %get3A_564 = tpu.vector_load %arg10[%get3A_562, %get3A_563] {strides = array<i32>} : memref<8x2048xi32, #tpu.memory_space<vmem>>, vector<16xi32>,
        %mul3A_565 = arith.constant 16 : i32
        %mul3A_566 = arith.muli %while3A_557, %mul3A_565 : i32
        %get3A_567 = arith.constant 3 : i32
        %get3A_568 = arith.index_cast %get3A_567 : i32 to index
        %get3A_569 = arith.index_cast %mul3A_566 : i32 to index
        %get3A_570 = tpu.vector_load %arg11[%get3A_568, %get3A_569] {strides = array<i32>} : memref<8x2048xi32, #tpu.memory_space<vmem>>, vector<16xi32>,
        %gt3A = arith.cmpi sgt, %get3A_564, %broadcast_in_dim3A_447 : vector<16xi32>
        %eq3A_571 = arith.cmpi eq, %get3A_564, %broadcast_in_dim3A_447 : vector<16xi32>
        %lt3A_572 = arith.cmpi slt, %get3A_570, %broadcast_in_dim3A_452 : vector<16xi32>
        %and3A_573 = arith.andi %eq3A_571, %lt3A_572 : vector<16xi1>
        %or3A = arith.ori %gt3A, %and3A_573 : vector<16xi1>
        %jit3A_574 = arith.constant 1 : i32
        %jit3A_575 = arith.constant 0 : i32
        %broadcast_in_dim3A_576 = vector.broadcast %jit3A_574 : i32 to vector<16xi32>
        %broadcast_in_dim3A_577 = vector.broadcast %jit3A_575 : i32 to vector<16xi32>
        %select_n3A_578 = arith.select %or3A, %broadcast_in_dim3A_576, %broadcast_in_dim3A_577 : vector<16xi1>, vector<16xi32>
        %add3A_579 = arith.addi %while3A_558, %select_n3A_578 : vector<16xi32>
        scf.yield %add3A_579 : vector<16xi32>
      }
      %while3A_499 = arith.constant 0 : i32
      %while3A_500 = arith.subi %select_n3A_294, %while3A_499 : i32
      %while3A_501 = arith.addi %while3A_499, %while3A_500 : i32
      %while3A_502 = arith.constant 1 : i32
      %while3A_503 = arith.divsi %while3A_500, %while3A_502 : i32
      %while3A_504 = arith.muli %while3A_503, %while3A_502 : i32
      %while3A_505 = arith.addi %while3A_499, %while3A_504 : i32
      %while3A_506 = arith.constant 1 : i32
      %while3A_507 = scf.for %while3A_557 = %while3A_499 to %while3A_505 step %while3A_506 iter_args(%while3A_558 = %while3A_498) -> (vector<16xi32>)  : i32 {
        %mul3A_559 = arith.constant 16 : i32
        %mul3A_560 = arith.muli %while3A_557, %mul3A_559 : i32
        %get3A_561 = arith.constant 4 : i32
        %get3A_562 = arith.index_cast %get3A_561 : i32 to index
        %get3A_563 = arith.index_cast %mul3A_560 : i32 to index
        %get3A_564 = tpu.vector_load %arg10[%get3A_562, %get3A_563] {strides = array<i32>} : memref<8x2048xi32, #tpu.memory_space<vmem>>, vector<16xi32>,
        %mul3A_565 = arith.constant 16 : i32
        %mul3A_566 = arith.muli %while3A_557, %mul3A_565 : i32
        %get3A_567 = arith.constant 4 : i32
        %get3A_568 = arith.index_cast %get3A_567 : i32 to index
        %get3A_569 = arith.index_cast %mul3A_566 : i32 to index
        %get3A_570 = tpu.vector_load %arg11[%get3A_568, %get3A_569] {strides = array<i32>} : memref<8x2048xi32, #tpu.memory_space<vmem>>, vector<16xi32>,
        %gt3A = arith.cmpi sgt, %get3A_564, %broadcast_in_dim3A_447 : vector<16xi32>
        %eq3A_571 = arith.cmpi eq, %get3A_564, %broadcast_in_dim3A_447 : vector<16xi32>
        %lt3A_572 = arith.cmpi slt, %get3A_570, %broadcast_in_dim3A_452 : vector<16xi32>
        %and3A_573 = arith.andi %eq3A_571, %lt3A_572 : vector<16xi1>
        %or3A = arith.ori %gt3A, %and3A_573 : vector<16xi1>
        %jit3A_574 = arith.constant 1 : i32
        %jit3A_575 = arith.constant 0 : i32
        %broadcast_in_dim3A_576 = vector.broadcast %jit3A_574 : i32 to vector<16xi32>
        %broadcast_in_dim3A_577 = vector.broadcast %jit3A_575 : i32 to vector<16xi32>
        %select_n3A_578 = arith.select %or3A, %broadcast_in_dim3A_576, %broadcast_in_dim3A_577 : vector<16xi1>, vector<16xi32>
        %add3A_579 = arith.addi %while3A_558, %select_n3A_578 : vector<16xi32>
        scf.yield %add3A_579 : vector<16xi32>
      }
      %while3A_508 = arith.constant 1 : i32
      %while3A_509 = scf.for %while3A_557 = %while3A_505 to %while3A_501 step %while3A_508 iter_args(%while3A_558 = %while3A_507) -> (vector<16xi32>)  : i32 {
        %mul3A_559 = arith.constant 16 : i32
        %mul3A_560 = arith.muli %while3A_557, %mul3A_559 : i32
        %get3A_561 = arith.constant 4 : i32
        %get3A_562 = arith.index_cast %get3A_561 : i32 to index
        %get3A_563 = arith.index_cast %mul3A_560 : i32 to index
        %get3A_564 = tpu.vector_load %arg10[%get3A_562, %get3A_563] {strides = array<i32>} : memref<8x2048xi32, #tpu.memory_space<vmem>>, vector<16xi32>,
        %mul3A_565 = arith.constant 16 : i32
        %mul3A_566 = arith.muli %while3A_557, %mul3A_565 : i32
        %get3A_567 = arith.constant 4 : i32
        %get3A_568 = arith.index_cast %get3A_567 : i32 to index
        %get3A_569 = arith.index_cast %mul3A_566 : i32 to index
        %get3A_570 = tpu.vector_load %arg11[%get3A_568, %get3A_569] {strides = array<i32>} : memref<8x2048xi32, #tpu.memory_space<vmem>>, vector<16xi32>,
        %gt3A = arith.cmpi sgt, %get3A_564, %broadcast_in_dim3A_447 : vector<16xi32>
        %eq3A_571 = arith.cmpi eq, %get3A_564, %broadcast_in_dim3A_447 : vector<16xi32>
        %lt3A_572 = arith.cmpi slt, %get3A_570, %broadcast_in_dim3A_452 : vector<16xi32>
        %and3A_573 = arith.andi %eq3A_571, %lt3A_572 : vector<16xi1>
        %or3A = arith.ori %gt3A, %and3A_573 : vector<16xi1>
        %jit3A_574 = arith.constant 1 : i32
        %jit3A_575 = arith.constant 0 : i32
        %broadcast_in_dim3A_576 = vector.broadcast %jit3A_574 : i32 to vector<16xi32>
        %broadcast_in_dim3A_577 = vector.broadcast %jit3A_575 : i32 to vector<16xi32>
        %select_n3A_578 = arith.select %or3A, %broadcast_in_dim3A_576, %broadcast_in_dim3A_577 : vector<16xi1>, vector<16xi32>
        %add3A_579 = arith.addi %while3A_558, %select_n3A_578 : vector<16xi32>
        scf.yield %add3A_579 : vector<16xi32>
      }
      %while3A_510 = arith.constant 0 : i32
      %while3A_511 = arith.subi %select_n3A_326, %while3A_510 : i32
      %while3A_512 = arith.addi %while3A_510, %while3A_511 : i32
      %while3A_513 = arith.constant 1 : i32
      %while3A_514 = arith.divsi %while3A_511, %while3A_513 : i32
      %while3A_515 = arith.muli %while3A_514, %while3A_513 : i32
      %while3A_516 = arith.addi %while3A_510, %while3A_515 : i32
      %while3A_517 = arith.constant 1 : i32
      %while3A_518 = scf.for %while3A_557 = %while3A_510 to %while3A_516 step %while3A_517 iter_args(%while3A_558 = %while3A_509) -> (vector<16xi32>)  : i32 {
        %mul3A_559 = arith.constant 16 : i32
        %mul3A_560 = arith.muli %while3A_557, %mul3A_559 : i32
        %get3A_561 = arith.constant 5 : i32
        %get3A_562 = arith.index_cast %get3A_561 : i32 to index
        %get3A_563 = arith.index_cast %mul3A_560 : i32 to index
        %get3A_564 = tpu.vector_load %arg10[%get3A_562, %get3A_563] {strides = array<i32>} : memref<8x2048xi32, #tpu.memory_space<vmem>>, vector<16xi32>,
        %mul3A_565 = arith.constant 16 : i32
        %mul3A_566 = arith.muli %while3A_557, %mul3A_565 : i32
        %get3A_567 = arith.constant 5 : i32
        %get3A_568 = arith.index_cast %get3A_567 : i32 to index
        %get3A_569 = arith.index_cast %mul3A_566 : i32 to index
        %get3A_570 = tpu.vector_load %arg11[%get3A_568, %get3A_569] {strides = array<i32>} : memref<8x2048xi32, #tpu.memory_space<vmem>>, vector<16xi32>,
        %gt3A = arith.cmpi sgt, %get3A_564, %broadcast_in_dim3A_447 : vector<16xi32>
        %eq3A_571 = arith.cmpi eq, %get3A_564, %broadcast_in_dim3A_447 : vector<16xi32>
        %lt3A_572 = arith.cmpi slt, %get3A_570, %broadcast_in_dim3A_452 : vector<16xi32>
        %and3A_573 = arith.andi %eq3A_571, %lt3A_572 : vector<16xi1>
        %or3A = arith.ori %gt3A, %and3A_573 : vector<16xi1>
        %jit3A_574 = arith.constant 1 : i32
        %jit3A_575 = arith.constant 0 : i32
        %broadcast_in_dim3A_576 = vector.broadcast %jit3A_574 : i32 to vector<16xi32>
        %broadcast_in_dim3A_577 = vector.broadcast %jit3A_575 : i32 to vector<16xi32>
        %select_n3A_578 = arith.select %or3A, %broadcast_in_dim3A_576, %broadcast_in_dim3A_577 : vector<16xi1>, vector<16xi32>
        %add3A_579 = arith.addi %while3A_558, %select_n3A_578 : vector<16xi32>
        scf.yield %add3A_579 : vector<16xi32>
      }
      %while3A_519 = arith.constant 1 : i32
      %while3A_520 = scf.for %while3A_557 = %while3A_516 to %while3A_512 step %while3A_519 iter_args(%while3A_558 = %while3A_518) -> (vector<16xi32>)  : i32 {
        %mul3A_559 = arith.constant 16 : i32
        %mul3A_560 = arith.muli %while3A_557, %mul3A_559 : i32
        %get3A_561 = arith.constant 5 : i32
        %get3A_562 = arith.index_cast %get3A_561 : i32 to index
        %get3A_563 = arith.index_cast %mul3A_560 : i32 to index
        %get3A_564 = tpu.vector_load %arg10[%get3A_562, %get3A_563] {strides = array<i32>} : memref<8x2048xi32, #tpu.memory_space<vmem>>, vector<16xi32>,
        %mul3A_565 = arith.constant 16 : i32
        %mul3A_566 = arith.muli %while3A_557, %mul3A_565 : i32
        %get3A_567 = arith.constant 5 : i32
        %get3A_568 = arith.index_cast %get3A_567 : i32 to index
        %get3A_569 = arith.index_cast %mul3A_566 : i32 to index
        %get3A_570 = tpu.vector_load %arg11[%get3A_568, %get3A_569] {strides = array<i32>} : memref<8x2048xi32, #tpu.memory_space<vmem>>, vector<16xi32>,
        %gt3A = arith.cmpi sgt, %get3A_564, %broadcast_in_dim3A_447 : vector<16xi32>
        %eq3A_571 = arith.cmpi eq, %get3A_564, %broadcast_in_dim3A_447 : vector<16xi32>
        %lt3A_572 = arith.cmpi slt, %get3A_570, %broadcast_in_dim3A_452 : vector<16xi32>
        %and3A_573 = arith.andi %eq3A_571, %lt3A_572 : vector<16xi1>
        %or3A = arith.ori %gt3A, %and3A_573 : vector<16xi1>
        %jit3A_574 = arith.constant 1 : i32
        %jit3A_575 = arith.constant 0 : i32
        %broadcast_in_dim3A_576 = vector.broadcast %jit3A_574 : i32 to vector<16xi32>
        %broadcast_in_dim3A_577 = vector.broadcast %jit3A_575 : i32 to vector<16xi32>
        %select_n3A_578 = arith.select %or3A, %broadcast_in_dim3A_576, %broadcast_in_dim3A_577 : vector<16xi1>, vector<16xi32>
        %add3A_579 = arith.addi %while3A_558, %select_n3A_578 : vector<16xi32>
        scf.yield %add3A_579 : vector<16xi32>
      }
      %while3A_521 = arith.constant 0 : i32
      %while3A_522 = arith.subi %select_n3A_358, %while3A_521 : i32
      %while3A_523 = arith.addi %while3A_521, %while3A_522 : i32
      %while3A_524 = arith.constant 1 : i32
      %while3A_525 = arith.divsi %while3A_522, %while3A_524 : i32
      %while3A_526 = arith.muli %while3A_525, %while3A_524 : i32
      %while3A_527 = arith.addi %while3A_521, %while3A_526 : i32
      %while3A_528 = arith.constant 1 : i32
      %while3A_529 = scf.for %while3A_557 = %while3A_521 to %while3A_527 step %while3A_528 iter_args(%while3A_558 = %while3A_520) -> (vector<16xi32>)  : i32 {
        %mul3A_559 = arith.constant 16 : i32
        %mul3A_560 = arith.muli %while3A_557, %mul3A_559 : i32
        %get3A_561 = arith.constant 6 : i32
        %get3A_562 = arith.index_cast %get3A_561 : i32 to index
        %get3A_563 = arith.index_cast %mul3A_560 : i32 to index
        %get3A_564 = tpu.vector_load %arg10[%get3A_562, %get3A_563] {strides = array<i32>} : memref<8x2048xi32, #tpu.memory_space<vmem>>, vector<16xi32>,
        %mul3A_565 = arith.constant 16 : i32
        %mul3A_566 = arith.muli %while3A_557, %mul3A_565 : i32
        %get3A_567 = arith.constant 6 : i32
        %get3A_568 = arith.index_cast %get3A_567 : i32 to index
        %get3A_569 = arith.index_cast %mul3A_566 : i32 to index
        %get3A_570 = tpu.vector_load %arg11[%get3A_568, %get3A_569] {strides = array<i32>} : memref<8x2048xi32, #tpu.memory_space<vmem>>, vector<16xi32>,
        %gt3A = arith.cmpi sgt, %get3A_564, %broadcast_in_dim3A_447 : vector<16xi32>
        %eq3A_571 = arith.cmpi eq, %get3A_564, %broadcast_in_dim3A_447 : vector<16xi32>
        %lt3A_572 = arith.cmpi slt, %get3A_570, %broadcast_in_dim3A_452 : vector<16xi32>
        %and3A_573 = arith.andi %eq3A_571, %lt3A_572 : vector<16xi1>
        %or3A = arith.ori %gt3A, %and3A_573 : vector<16xi1>
        %jit3A_574 = arith.constant 1 : i32
        %jit3A_575 = arith.constant 0 : i32
        %broadcast_in_dim3A_576 = vector.broadcast %jit3A_574 : i32 to vector<16xi32>
        %broadcast_in_dim3A_577 = vector.broadcast %jit3A_575 : i32 to vector<16xi32>
        %select_n3A_578 = arith.select %or3A, %broadcast_in_dim3A_576, %broadcast_in_dim3A_577 : vector<16xi1>, vector<16xi32>
        %add3A_579 = arith.addi %while3A_558, %select_n3A_578 : vector<16xi32>
        scf.yield %add3A_579 : vector<16xi32>
      }
      %while3A_530 = arith.constant 1 : i32
      %while3A_531 = scf.for %while3A_557 = %while3A_527 to %while3A_523 step %while3A_530 iter_args(%while3A_558 = %while3A_529) -> (vector<16xi32>)  : i32 {
        %mul3A_559 = arith.constant 16 : i32
        %mul3A_560 = arith.muli %while3A_557, %mul3A_559 : i32
        %get3A_561 = arith.constant 6 : i32
        %get3A_562 = arith.index_cast %get3A_561 : i32 to index
        %get3A_563 = arith.index_cast %mul3A_560 : i32 to index
        %get3A_564 = tpu.vector_load %arg10[%get3A_562, %get3A_563] {strides = array<i32>} : memref<8x2048xi32, #tpu.memory_space<vmem>>, vector<16xi32>,
        %mul3A_565 = arith.constant 16 : i32
        %mul3A_566 = arith.muli %while3A_557, %mul3A_565 : i32
        %get3A_567 = arith.constant 6 : i32
        %get3A_568 = arith.index_cast %get3A_567 : i32 to index
        %get3A_569 = arith.index_cast %mul3A_566 : i32 to index
        %get3A_570 = tpu.vector_load %arg11[%get3A_568, %get3A_569] {strides = array<i32>} : memref<8x2048xi32, #tpu.memory_space<vmem>>, vector<16xi32>,
        %gt3A = arith.cmpi sgt, %get3A_564, %broadcast_in_dim3A_447 : vector<16xi32>
        %eq3A_571 = arith.cmpi eq, %get3A_564, %broadcast_in_dim3A_447 : vector<16xi32>
        %lt3A_572 = arith.cmpi slt, %get3A_570, %broadcast_in_dim3A_452 : vector<16xi32>
        %and3A_573 = arith.andi %eq3A_571, %lt3A_572 : vector<16xi1>
        %or3A = arith.ori %gt3A, %and3A_573 : vector<16xi1>
        %jit3A_574 = arith.constant 1 : i32
        %jit3A_575 = arith.constant 0 : i32
        %broadcast_in_dim3A_576 = vector.broadcast %jit3A_574 : i32 to vector<16xi32>
        %broadcast_in_dim3A_577 = vector.broadcast %jit3A_575 : i32 to vector<16xi32>
        %select_n3A_578 = arith.select %or3A, %broadcast_in_dim3A_576, %broadcast_in_dim3A_577 : vector<16xi1>, vector<16xi32>
        %add3A_579 = arith.addi %while3A_558, %select_n3A_578 : vector<16xi32>
        scf.yield %add3A_579 : vector<16xi32>
      }
      %while3A_532 = arith.constant 0 : i32
      %while3A_533 = arith.subi %select_n3A_390, %while3A_532 : i32
      %while3A_534 = arith.addi %while3A_532, %while3A_533 : i32
      %while3A_535 = arith.constant 1 : i32
      %while3A_536 = arith.divsi %while3A_533, %while3A_535 : i32
      %while3A_537 = arith.muli %while3A_536, %while3A_535 : i32
      %while3A_538 = arith.addi %while3A_532, %while3A_537 : i32
      %while3A_539 = arith.constant 1 : i32
      %while3A_540 = scf.for %while3A_557 = %while3A_532 to %while3A_538 step %while3A_539 iter_args(%while3A_558 = %while3A_531) -> (vector<16xi32>)  : i32 {
        %mul3A_559 = arith.constant 16 : i32
        %mul3A_560 = arith.muli %while3A_557, %mul3A_559 : i32
        %get3A_561 = arith.constant 7 : i32
        %get3A_562 = arith.index_cast %get3A_561 : i32 to index
        %get3A_563 = arith.index_cast %mul3A_560 : i32 to index
        %get3A_564 = tpu.vector_load %arg10[%get3A_562, %get3A_563] {strides = array<i32>} : memref<8x2048xi32, #tpu.memory_space<vmem>>, vector<16xi32>,
        %mul3A_565 = arith.constant 16 : i32
        %mul3A_566 = arith.muli %while3A_557, %mul3A_565 : i32
        %get3A_567 = arith.constant 7 : i32
        %get3A_568 = arith.index_cast %get3A_567 : i32 to index
        %get3A_569 = arith.index_cast %mul3A_566 : i32 to index
        %get3A_570 = tpu.vector_load %arg11[%get3A_568, %get3A_569] {strides = array<i32>} : memref<8x2048xi32, #tpu.memory_space<vmem>>, vector<16xi32>,
        %gt3A = arith.cmpi sgt, %get3A_564, %broadcast_in_dim3A_447 : vector<16xi32>
        %eq3A_571 = arith.cmpi eq, %get3A_564, %broadcast_in_dim3A_447 : vector<16xi32>
        %lt3A_572 = arith.cmpi slt, %get3A_570, %broadcast_in_dim3A_452 : vector<16xi32>
        %and3A_573 = arith.andi %eq3A_571, %lt3A_572 : vector<16xi1>
        %or3A = arith.ori %gt3A, %and3A_573 : vector<16xi1>
        %jit3A_574 = arith.constant 1 : i32
        %jit3A_575 = arith.constant 0 : i32
        %broadcast_in_dim3A_576 = vector.broadcast %jit3A_574 : i32 to vector<16xi32>
        %broadcast_in_dim3A_577 = vector.broadcast %jit3A_575 : i32 to vector<16xi32>
        %select_n3A_578 = arith.select %or3A, %broadcast_in_dim3A_576, %broadcast_in_dim3A_577 : vector<16xi1>, vector<16xi32>
        %add3A_579 = arith.addi %while3A_558, %select_n3A_578 : vector<16xi32>
        scf.yield %add3A_579 : vector<16xi32>
      }
      %while3A_541 = arith.constant 1 : i32
      %while3A_542 = scf.for %while3A_557 = %while3A_538 to %while3A_534 step %while3A_541 iter_args(%while3A_558 = %while3A_540) -> (vector<16xi32>)  : i32 {
        %mul3A_559 = arith.constant 16 : i32
        %mul3A_560 = arith.muli %while3A_557, %mul3A_559 : i32
        %get3A_561 = arith.constant 7 : i32
        %get3A_562 = arith.index_cast %get3A_561 : i32 to index
        %get3A_563 = arith.index_cast %mul3A_560 : i32 to index
        %get3A_564 = tpu.vector_load %arg10[%get3A_562, %get3A_563] {strides = array<i32>} : memref<8x2048xi32, #tpu.memory_space<vmem>>, vector<16xi32>,
        %mul3A_565 = arith.constant 16 : i32
        %mul3A_566 = arith.muli %while3A_557, %mul3A_565 : i32
        %get3A_567 = arith.constant 7 : i32
        %get3A_568 = arith.index_cast %get3A_567 : i32 to index
        %get3A_569 = arith.index_cast %mul3A_566 : i32 to index
        %get3A_570 = tpu.vector_load %arg11[%get3A_568, %get3A_569] {strides = array<i32>} : memref<8x2048xi32, #tpu.memory_space<vmem>>, vector<16xi32>,
        %gt3A = arith.cmpi sgt, %get3A_564, %broadcast_in_dim3A_447 : vector<16xi32>
        %eq3A_571 = arith.cmpi eq, %get3A_564, %broadcast_in_dim3A_447 : vector<16xi32>
        %lt3A_572 = arith.cmpi slt, %get3A_570, %broadcast_in_dim3A_452 : vector<16xi32>
        %and3A_573 = arith.andi %eq3A_571, %lt3A_572 : vector<16xi1>
        %or3A = arith.ori %gt3A, %and3A_573 : vector<16xi1>
        %jit3A_574 = arith.constant 1 : i32
        %jit3A_575 = arith.constant 0 : i32
        %broadcast_in_dim3A_576 = vector.broadcast %jit3A_574 : i32 to vector<16xi32>
        %broadcast_in_dim3A_577 = vector.broadcast %jit3A_575 : i32 to vector<16xi32>
        %select_n3A_578 = arith.select %or3A, %broadcast_in_dim3A_576, %broadcast_in_dim3A_577 : vector<16xi1>, vector<16xi32>
        %add3A_579 = arith.addi %while3A_558, %select_n3A_578 : vector<16xi32>
        scf.yield %add3A_579 : vector<16xi32>
      }
      %reduce_sum3A = arith.constant true
      %reduce_sum3A_543 = vector.broadcast %reduce_sum3A : i1 to vector<16xi1>
      %reduce_sum3A_544 = tpu.scan <sum>, %while3A_542 masked %reduce_sum3A_543 : vector<16xi32>, vector<16xi1> -> vector<16xi32>
      %reduce_sum3A_545 = vector.extract %reduce_sum3A_544[15] : i32 from vector<16xi32>
      %rem3A_546 = arith.constant 16 : i32
      %rem3A_547 = arith.remsi %while3A_441, %rem3A_546 : i32
      %broadcast_in_dim3A_548 = vector.broadcast %rem3A_547 : i32 to vector<16xi32>
      %eq3A_549 = arith.cmpi eq, %iota3A, %broadcast_in_dim3A_548 : vector<16xi32>
      %broadcast_in_dim3A_550 = vector.broadcast %reduce_sum3A_545 : i32 to vector<16xi32>
      %select_n3A_551 = arith.select %eq3A_549, %broadcast_in_dim3A_550, %while3A_442 : vector<16xi1>, vector<16xi32>
      %eq3A_552 = arith.constant 15 : i32
      %eq3A_553 = arith.cmpi eq, %rem3A_547, %eq3A_552 : i32
      %convert_element_type3A_554 = arith.extui %eq3A_553 : i1 to i32
      %cond3A_555 = arith.constant 0 : i32
      %cond3A_556 = arith.cmpi ne, %convert_element_type3A_554, %cond3A_555 : i32
      scf.if %cond3A_556 {
        %sub3A_557 = arith.constant 15 : i32
        %sub3A_558 = arith.subi %while3A_441, %sub3A_557 : i32
        %get3A_559 = arith.index_cast %sub3A_558 : i32 to index
        %get3A_560 = tpu.vector_load %arg9[%get3A_559] {strides = array<i32>} : memref<2064xi32, #tpu.memory_space<vmem>>, vector<16xi32>,
        %lt3A_561 = arith.cmpi slt, %select_n3A_551, %broadcast_in_dim3A_392 : vector<16xi32>
        %mul3A_562 = arith.constant 1040 : i32
        %mul3A_563 = arith.muli %select_n3A, %mul3A_562 : i32
        %broadcast_in_dim3A_564 = vector.broadcast %mul3A_563 : i32 to vector<16xi32>
        %add3A_565 = arith.addi %broadcast_in_dim3A_564, %select_n3A_551 : vector<16xi32>
        %mul3A_566 = arith.constant 1040 : i32
        %mul3A_567 = arith.muli %select_n3A, %mul3A_566 : i32
        %add3A_568 = arith.constant 1024 : i32
        %add3A_569 = arith.addi %mul3A_567, %add3A_568 : i32
        %broadcast_in_dim3A_570 = vector.broadcast %add3A_569 : i32 to vector<16xi32>
        %add3A_571 = arith.addi %broadcast_in_dim3A_570, %iota3A : vector<16xi32>
        %select_n3A_572 = arith.select %lt3A_561, %add3A_565, %add3A_571 : vector<16xi1>, vector<16xi32>
        %mul3A_573 = arith.constant 193536 : i32
        %mul3A_574 = arith.muli %add3A, %mul3A_573 : i32
        %broadcast_in_dim3A_575 = vector.broadcast %mul3A_574 : i32 to vector<16xi32>
        %add3A_576 = arith.addi %broadcast_in_dim3A_575, %get3A_560 : vector<16xi32>
        %swap3A_577 = arith.constant 0 : index
        %swap3A_578 = tpu.vector_load %arg14[%swap3A_577] {strides = array<i32>} : memref<16xi32, #tpu.memory_space<vmem>>, vector<16xi32>,
        tpu.vector_store %arg14[%swap3A_577], %add3A_576 {strides = array<i32>} : memref<16xi32, #tpu.memory_space<vmem>>, vector<16xi32>,
        %dma_start3A = arith.constant 0 : i32
        %dma_start3A_579 = tpu.memref_slice %arg20[%dma_start3A] : memref<2080xi32, #tpu.memory_space<vmem_shared>> -> memref<2080xi32, #tpu.memory_space<vmem_shared>>
        tpu.enqueue_indirect_dma source(%arg14 : memref<16xi32, #tpu.memory_space<vmem>>) target(%dma_start3A_579 : memref<2080xi32, #tpu.memory_space<vmem_shared>>) offsets(%select_n3A_572 : vector<16xi32>) semaphore(%arg21 : memref<!tpu.dma_semaphore, #tpu.memory_space<semaphore_mem>>)
        %dma_wait3A = arith.constant 0 : i32
        %dma_wait3A_580 = tpu.memref_slice %arg20[%dma_wait3A] : memref<2080xi32, #tpu.memory_space<vmem_shared>> -> memref<2080xi32, #tpu.memory_space<vmem_shared>>
        tpu.wait_indirect_dma semaphore(%arg21 : memref<!tpu.dma_semaphore, #tpu.memory_space<semaphore_mem>>) src(%arg14 : memref<16xi32, #tpu.memory_space<vmem>>) dst(%dma_wait3A_580 : memref<2080xi32, #tpu.memory_space<vmem_shared>>)
        %convert_element_type3A_581 = arith.sitofp %get3A_560 : vector<16xi32> to vector<16xf32>
        %add3A_582 = arith.addf %convert_element_type3A_581, %broadcast_in_dim3A_396 : vector<16xf32>
        %mul3A_583 = arith.mulf %add3A_582, %broadcast_in_dim3A_394 : vector<16xf32>
        %convert_element_type3A_584 = arith.fptosi %mul3A_583 : vector<16xf32> to vector<16xi32>
        %mul3A_585 = arith.constant 21504 : i32
        %mul3A_586 = arith.muli %add3A, %mul3A_585 : i32
        %broadcast_in_dim3A_587 = vector.broadcast %mul3A_586 : i32 to vector<16xi32>
        %add3A_588 = arith.addi %convert_element_type3A_584, %broadcast_in_dim3A_587 : vector<16xi32>
        %dma_start3A_589 = arith.constant 0 : i32
        %dma_start3A_590 = arith.constant 0 : i32
        %dma_start3A_591 = tpu.memref_slice %arg4[%dma_start3A_589, %dma_start3A_590] : memref<86016x256xf32, #tpu.memory_space<hbm>> -> memref<86016x256xf32, #tpu.memory_space<hbm>>
        tpu.enqueue_indirect_dma source(%dma_start3A_591 : memref<86016x256xf32, #tpu.memory_space<hbm>>) target(%arg13 : memref<16x256xf32, #tpu.memory_space<vmem>>) offsets(%add3A_588 : vector<16xi32>) semaphore(%arg21 : memref<!tpu.dma_semaphore, #tpu.memory_space<semaphore_mem>>)
        %dma_wait3A_592 = arith.constant 0 : i32
        %dma_wait3A_593 = arith.constant 0 : i32
        %dma_wait3A_594 = tpu.memref_slice %arg4[%dma_wait3A_592, %dma_wait3A_593] : memref<86016x256xf32, #tpu.memory_space<hbm>> -> memref<86016x256xf32, #tpu.memory_space<hbm>>
        tpu.wait_indirect_dma semaphore(%arg21 : memref<!tpu.dma_semaphore, #tpu.memory_space<semaphore_mem>>) src(%dma_wait3A_594 : memref<86016x256xf32, #tpu.memory_space<hbm>>) dst(%arg13 : memref<16x256xf32, #tpu.memory_space<vmem>>)
        %mul3A_595 = arith.constant 1024 : i32
        %mul3A_596 = arith.muli %add3A, %mul3A_595 : i32
        %broadcast_in_dim3A_597 = vector.broadcast %mul3A_596 : i32 to vector<16xi32>
        %add3A_598 = arith.addi %broadcast_in_dim3A_597, %select_n3A_551 : vector<16xi32>
        %broadcast_in_dim3A_599 = arith.constant 4096 : i32
        %broadcast_in_dim3A_600 = vector.broadcast %broadcast_in_dim3A_599 : i32 to vector<16xi32>
        %select_n3A_601 = arith.select %lt3A_561, %add3A_598, %broadcast_in_dim3A_600 : vector<16xi1>, vector<16xi32>
        %dma_start3A_602 = arith.constant 0 : i32
        %dma_start3A_603 = arith.constant 0 : i32
        %dma_start3A_604 = tpu.memref_slice %arg6[%dma_start3A_602, %dma_start3A_603] : memref<4112x256xf32, #tpu.memory_space<hbm>> -> memref<4112x256xf32, #tpu.memory_space<hbm>>
        tpu.enqueue_indirect_dma source(%arg13 : memref<16x256xf32, #tpu.memory_space<vmem>>) target(%dma_start3A_604 : memref<4112x256xf32, #tpu.memory_space<hbm>>) offsets(%select_n3A_601 : vector<16xi32>) semaphore(%arg21 : memref<!tpu.dma_semaphore, #tpu.memory_space<semaphore_mem>>)
        %dma_wait3A_605 = arith.constant 0 : i32
        %dma_wait3A_606 = arith.constant 0 : i32
        %dma_wait3A_607 = tpu.memref_slice %arg6[%dma_wait3A_605, %dma_wait3A_606] : memref<4112x256xf32, #tpu.memory_space<hbm>> -> memref<4112x256xf32, #tpu.memory_space<hbm>>
        tpu.wait_indirect_dma semaphore(%arg21 : memref<!tpu.dma_semaphore, #tpu.memory_space<semaphore_mem>>) src(%arg13 : memref<16x256xf32, #tpu.memory_space<vmem>>) dst(%dma_wait3A_607 : memref<4112x256xf32, #tpu.memory_space<hbm>>)
      } else {
      }
      scf.yield %select_n3A_551 : vector<16xi32>
    }
    %while3A_435 = arith.constant 1 : i32
    %while3A_436 = scf.for %while3A_441 = %while3A_432 to %while3A_428 step %while3A_435 iter_args(%while3A_442 = %while3A_434) -> (vector<16xi32>)  : i32 {
      %get3A_443 = arith.index_cast %while3A_441 : i32 to index
      %get3A_444 = tpu.vector_load %arg8[%get3A_443] {strides = array<i32>} : memref<2064xi32, #tpu.memory_space<vmem>>, vector<16xi32>,
      %slice3A_445 = vector.extract_strided_slice %get3A_444 {offsets = [0], sizes = [1], strides = [1]} : vector<16xi32> to vector<1xi32>
      %squeeze3A_446 = vector.extract %slice3A_445[0] : i32 from vector<1xi32>
      %broadcast_in_dim3A_447 = vector.broadcast %squeeze3A_446 : i32 to vector<16xi32>
      %get3A_448 = arith.index_cast %while3A_441 : i32 to index
      %get3A_449 = tpu.vector_load %arg9[%get3A_448] {strides = array<i32>} : memref<2064xi32, #tpu.memory_space<vmem>>, vector<16xi32>,
      %slice3A_450 = vector.extract_strided_slice %get3A_449 {offsets = [0], sizes = [1], strides = [1]} : vector<16xi32> to vector<1xi32>
      %squeeze3A_451 = vector.extract %slice3A_450[0] : i32 from vector<1xi32>
      %broadcast_in_dim3A_452 = vector.broadcast %squeeze3A_451 : i32 to vector<16xi32>
      %broadcast_in_dim3A_453 = arith.constant 0 : i32
      %broadcast_in_dim3A_454 = vector.broadcast %broadcast_in_dim3A_453 : i32 to vector<16xi32>
      %while3A_455 = arith.constant 0 : i32
      %while3A_456 = arith.subi %select_n3A_166, %while3A_455 : i32
      %while3A_457 = arith.addi %while3A_455, %while3A_456 : i32
      %while3A_458 = arith.constant 1 : i32
      %while3A_459 = arith.divsi %while3A_456, %while3A_458 : i32
      %while3A_460 = arith.muli %while3A_459, %while3A_458 : i32
      %while3A_461 = arith.addi %while3A_455, %while3A_460 : i32
      %while3A_462 = arith.constant 1 : i32
      %while3A_463 = scf.for %while3A_557 = %while3A_455 to %while3A_461 step %while3A_462 iter_args(%while3A_558 = %broadcast_in_dim3A_454) -> (vector<16xi32>)  : i32 {
        %mul3A_559 = arith.constant 16 : i32
        %mul3A_560 = arith.muli %while3A_557, %mul3A_559 : i32
        %get3A_561 = arith.constant 0 : i32
        %get3A_562 = arith.index_cast %get3A_561 : i32 to index
        %get3A_563 = arith.index_cast %mul3A_560 : i32 to index
        %get3A_564 = tpu.vector_load %arg10[%get3A_562, %get3A_563] {strides = array<i32>} : memref<8x2048xi32, #tpu.memory_space<vmem>>, vector<16xi32>,
        %mul3A_565 = arith.constant 16 : i32
        %mul3A_566 = arith.muli %while3A_557, %mul3A_565 : i32
        %get3A_567 = arith.constant 0 : i32
        %get3A_568 = arith.index_cast %get3A_567 : i32 to index
        %get3A_569 = arith.index_cast %mul3A_566 : i32 to index
        %get3A_570 = tpu.vector_load %arg11[%get3A_568, %get3A_569] {strides = array<i32>} : memref<8x2048xi32, #tpu.memory_space<vmem>>, vector<16xi32>,
        %gt3A = arith.cmpi sgt, %get3A_564, %broadcast_in_dim3A_447 : vector<16xi32>
        %eq3A_571 = arith.cmpi eq, %get3A_564, %broadcast_in_dim3A_447 : vector<16xi32>
        %lt3A_572 = arith.cmpi slt, %get3A_570, %broadcast_in_dim3A_452 : vector<16xi32>
        %and3A_573 = arith.andi %eq3A_571, %lt3A_572 : vector<16xi1>
        %or3A = arith.ori %gt3A, %and3A_573 : vector<16xi1>
        %jit3A_574 = arith.constant 1 : i32
        %jit3A_575 = arith.constant 0 : i32
        %broadcast_in_dim3A_576 = vector.broadcast %jit3A_574 : i32 to vector<16xi32>
        %broadcast_in_dim3A_577 = vector.broadcast %jit3A_575 : i32 to vector<16xi32>
        %select_n3A_578 = arith.select %or3A, %broadcast_in_dim3A_576, %broadcast_in_dim3A_577 : vector<16xi1>, vector<16xi32>
        %add3A_579 = arith.addi %while3A_558, %select_n3A_578 : vector<16xi32>
        scf.yield %add3A_579 : vector<16xi32>
      }
      %while3A_464 = arith.constant 1 : i32
      %while3A_465 = scf.for %while3A_557 = %while3A_461 to %while3A_457 step %while3A_464 iter_args(%while3A_558 = %while3A_463) -> (vector<16xi32>)  : i32 {
        %mul3A_559 = arith.constant 16 : i32
        %mul3A_560 = arith.muli %while3A_557, %mul3A_559 : i32
        %get3A_561 = arith.constant 0 : i32
        %get3A_562 = arith.index_cast %get3A_561 : i32 to index
        %get3A_563 = arith.index_cast %mul3A_560 : i32 to index
        %get3A_564 = tpu.vector_load %arg10[%get3A_562, %get3A_563] {strides = array<i32>} : memref<8x2048xi32, #tpu.memory_space<vmem>>, vector<16xi32>,
        %mul3A_565 = arith.constant 16 : i32
        %mul3A_566 = arith.muli %while3A_557, %mul3A_565 : i32
        %get3A_567 = arith.constant 0 : i32
        %get3A_568 = arith.index_cast %get3A_567 : i32 to index
        %get3A_569 = arith.index_cast %mul3A_566 : i32 to index
        %get3A_570 = tpu.vector_load %arg11[%get3A_568, %get3A_569] {strides = array<i32>} : memref<8x2048xi32, #tpu.memory_space<vmem>>, vector<16xi32>,
        %gt3A = arith.cmpi sgt, %get3A_564, %broadcast_in_dim3A_447 : vector<16xi32>
        %eq3A_571 = arith.cmpi eq, %get3A_564, %broadcast_in_dim3A_447 : vector<16xi32>
        %lt3A_572 = arith.cmpi slt, %get3A_570, %broadcast_in_dim3A_452 : vector<16xi32>
        %and3A_573 = arith.andi %eq3A_571, %lt3A_572 : vector<16xi1>
        %or3A = arith.ori %gt3A, %and3A_573 : vector<16xi1>
        %jit3A_574 = arith.constant 1 : i32
        %jit3A_575 = arith.constant 0 : i32
        %broadcast_in_dim3A_576 = vector.broadcast %jit3A_574 : i32 to vector<16xi32>
        %broadcast_in_dim3A_577 = vector.broadcast %jit3A_575 : i32 to vector<16xi32>
        %select_n3A_578 = arith.select %or3A, %broadcast_in_dim3A_576, %broadcast_in_dim3A_577 : vector<16xi1>, vector<16xi32>
        %add3A_579 = arith.addi %while3A_558, %select_n3A_578 : vector<16xi32>
        scf.yield %add3A_579 : vector<16xi32>
      }
      %while3A_466 = arith.constant 0 : i32
      %while3A_467 = arith.subi %select_n3A_198, %while3A_466 : i32
      %while3A_468 = arith.addi %while3A_466, %while3A_467 : i32
      %while3A_469 = arith.constant 1 : i32
      %while3A_470 = arith.divsi %while3A_467, %while3A_469 : i32
      %while3A_471 = arith.muli %while3A_470, %while3A_469 : i32
      %while3A_472 = arith.addi %while3A_466, %while3A_471 : i32
      %while3A_473 = arith.constant 1 : i32
      %while3A_474 = scf.for %while3A_557 = %while3A_466 to %while3A_472 step %while3A_473 iter_args(%while3A_558 = %while3A_465) -> (vector<16xi32>)  : i32 {
        %mul3A_559 = arith.constant 16 : i32
        %mul3A_560 = arith.muli %while3A_557, %mul3A_559 : i32
        %get3A_561 = arith.constant 1 : i32
        %get3A_562 = arith.index_cast %get3A_561 : i32 to index
        %get3A_563 = arith.index_cast %mul3A_560 : i32 to index
        %get3A_564 = tpu.vector_load %arg10[%get3A_562, %get3A_563] {strides = array<i32>} : memref<8x2048xi32, #tpu.memory_space<vmem>>, vector<16xi32>,
        %mul3A_565 = arith.constant 16 : i32
        %mul3A_566 = arith.muli %while3A_557, %mul3A_565 : i32
        %get3A_567 = arith.constant 1 : i32
        %get3A_568 = arith.index_cast %get3A_567 : i32 to index
        %get3A_569 = arith.index_cast %mul3A_566 : i32 to index
        %get3A_570 = tpu.vector_load %arg11[%get3A_568, %get3A_569] {strides = array<i32>} : memref<8x2048xi32, #tpu.memory_space<vmem>>, vector<16xi32>,
        %gt3A = arith.cmpi sgt, %get3A_564, %broadcast_in_dim3A_447 : vector<16xi32>
        %eq3A_571 = arith.cmpi eq, %get3A_564, %broadcast_in_dim3A_447 : vector<16xi32>
        %lt3A_572 = arith.cmpi slt, %get3A_570, %broadcast_in_dim3A_452 : vector<16xi32>
        %and3A_573 = arith.andi %eq3A_571, %lt3A_572 : vector<16xi1>
        %or3A = arith.ori %gt3A, %and3A_573 : vector<16xi1>
        %jit3A_574 = arith.constant 1 : i32
        %jit3A_575 = arith.constant 0 : i32
        %broadcast_in_dim3A_576 = vector.broadcast %jit3A_574 : i32 to vector<16xi32>
        %broadcast_in_dim3A_577 = vector.broadcast %jit3A_575 : i32 to vector<16xi32>
        %select_n3A_578 = arith.select %or3A, %broadcast_in_dim3A_576, %broadcast_in_dim3A_577 : vector<16xi1>, vector<16xi32>
        %add3A_579 = arith.addi %while3A_558, %select_n3A_578 : vector<16xi32>
        scf.yield %add3A_579 : vector<16xi32>
      }
      %while3A_475 = arith.constant 1 : i32
      %while3A_476 = scf.for %while3A_557 = %while3A_472 to %while3A_468 step %while3A_475 iter_args(%while3A_558 = %while3A_474) -> (vector<16xi32>)  : i32 {
        %mul3A_559 = arith.constant 16 : i32
        %mul3A_560 = arith.muli %while3A_557, %mul3A_559 : i32
        %get3A_561 = arith.constant 1 : i32
        %get3A_562 = arith.index_cast %get3A_561 : i32 to index
        %get3A_563 = arith.index_cast %mul3A_560 : i32 to index
        %get3A_564 = tpu.vector_load %arg10[%get3A_562, %get3A_563] {strides = array<i32>} : memref<8x2048xi32, #tpu.memory_space<vmem>>, vector<16xi32>,
        %mul3A_565 = arith.constant 16 : i32
        %mul3A_566 = arith.muli %while3A_557, %mul3A_565 : i32
        %get3A_567 = arith.constant 1 : i32
        %get3A_568 = arith.index_cast %get3A_567 : i32 to index
        %get3A_569 = arith.index_cast %mul3A_566 : i32 to index
        %get3A_570 = tpu.vector_load %arg11[%get3A_568, %get3A_569] {strides = array<i32>} : memref<8x2048xi32, #tpu.memory_space<vmem>>, vector<16xi32>,
        %gt3A = arith.cmpi sgt, %get3A_564, %broadcast_in_dim3A_447 : vector<16xi32>
        %eq3A_571 = arith.cmpi eq, %get3A_564, %broadcast_in_dim3A_447 : vector<16xi32>
        %lt3A_572 = arith.cmpi slt, %get3A_570, %broadcast_in_dim3A_452 : vector<16xi32>
        %and3A_573 = arith.andi %eq3A_571, %lt3A_572 : vector<16xi1>
        %or3A = arith.ori %gt3A, %and3A_573 : vector<16xi1>
        %jit3A_574 = arith.constant 1 : i32
        %jit3A_575 = arith.constant 0 : i32
        %broadcast_in_dim3A_576 = vector.broadcast %jit3A_574 : i32 to vector<16xi32>
        %broadcast_in_dim3A_577 = vector.broadcast %jit3A_575 : i32 to vector<16xi32>
        %select_n3A_578 = arith.select %or3A, %broadcast_in_dim3A_576, %broadcast_in_dim3A_577 : vector<16xi1>, vector<16xi32>
        %add3A_579 = arith.addi %while3A_558, %select_n3A_578 : vector<16xi32>
        scf.yield %add3A_579 : vector<16xi32>
      }
      %while3A_477 = arith.constant 0 : i32
      %while3A_478 = arith.subi %select_n3A_230, %while3A_477 : i32
      %while3A_479 = arith.addi %while3A_477, %while3A_478 : i32
      %while3A_480 = arith.constant 1 : i32
      %while3A_481 = arith.divsi %while3A_478, %while3A_480 : i32
      %while3A_482 = arith.muli %while3A_481, %while3A_480 : i32
      %while3A_483 = arith.addi %while3A_477, %while3A_482 : i32
      %while3A_484 = arith.constant 1 : i32
      %while3A_485 = scf.for %while3A_557 = %while3A_477 to %while3A_483 step %while3A_484 iter_args(%while3A_558 = %while3A_476) -> (vector<16xi32>)  : i32 {
        %mul3A_559 = arith.constant 16 : i32
        %mul3A_560 = arith.muli %while3A_557, %mul3A_559 : i32
        %get3A_561 = arith.constant 2 : i32
        %get3A_562 = arith.index_cast %get3A_561 : i32 to index
        %get3A_563 = arith.index_cast %mul3A_560 : i32 to index
        %get3A_564 = tpu.vector_load %arg10[%get3A_562, %get3A_563] {strides = array<i32>} : memref<8x2048xi32, #tpu.memory_space<vmem>>, vector<16xi32>,
        %mul3A_565 = arith.constant 16 : i32
        %mul3A_566 = arith.muli %while3A_557, %mul3A_565 : i32
        %get3A_567 = arith.constant 2 : i32
        %get3A_568 = arith.index_cast %get3A_567 : i32 to index
        %get3A_569 = arith.index_cast %mul3A_566 : i32 to index
        %get3A_570 = tpu.vector_load %arg11[%get3A_568, %get3A_569] {strides = array<i32>} : memref<8x2048xi32, #tpu.memory_space<vmem>>, vector<16xi32>,
        %gt3A = arith.cmpi sgt, %get3A_564, %broadcast_in_dim3A_447 : vector<16xi32>
        %eq3A_571 = arith.cmpi eq, %get3A_564, %broadcast_in_dim3A_447 : vector<16xi32>
        %lt3A_572 = arith.cmpi slt, %get3A_570, %broadcast_in_dim3A_452 : vector<16xi32>
        %and3A_573 = arith.andi %eq3A_571, %lt3A_572 : vector<16xi1>
        %or3A = arith.ori %gt3A, %and3A_573 : vector<16xi1>
        %jit3A_574 = arith.constant 1 : i32
        %jit3A_575 = arith.constant 0 : i32
        %broadcast_in_dim3A_576 = vector.broadcast %jit3A_574 : i32 to vector<16xi32>
        %broadcast_in_dim3A_577 = vector.broadcast %jit3A_575 : i32 to vector<16xi32>
        %select_n3A_578 = arith.select %or3A, %broadcast_in_dim3A_576, %broadcast_in_dim3A_577 : vector<16xi1>, vector<16xi32>
        %add3A_579 = arith.addi %while3A_558, %select_n3A_578 : vector<16xi32>
        scf.yield %add3A_579 : vector<16xi32>
      }
      %while3A_486 = arith.constant 1 : i32
      %while3A_487 = scf.for %while3A_557 = %while3A_483 to %while3A_479 step %while3A_486 iter_args(%while3A_558 = %while3A_485) -> (vector<16xi32>)  : i32 {
        %mul3A_559 = arith.constant 16 : i32
        %mul3A_560 = arith.muli %while3A_557, %mul3A_559 : i32
        %get3A_561 = arith.constant 2 : i32
        %get3A_562 = arith.index_cast %get3A_561 : i32 to index
        %get3A_563 = arith.index_cast %mul3A_560 : i32 to index
        %get3A_564 = tpu.vector_load %arg10[%get3A_562, %get3A_563] {strides = array<i32>} : memref<8x2048xi32, #tpu.memory_space<vmem>>, vector<16xi32>,
        %mul3A_565 = arith.constant 16 : i32
        %mul3A_566 = arith.muli %while3A_557, %mul3A_565 : i32
        %get3A_567 = arith.constant 2 : i32
        %get3A_568 = arith.index_cast %get3A_567 : i32 to index
        %get3A_569 = arith.index_cast %mul3A_566 : i32 to index
        %get3A_570 = tpu.vector_load %arg11[%get3A_568, %get3A_569] {strides = array<i32>} : memref<8x2048xi32, #tpu.memory_space<vmem>>, vector<16xi32>,
        %gt3A = arith.cmpi sgt, %get3A_564, %broadcast_in_dim3A_447 : vector<16xi32>
        %eq3A_571 = arith.cmpi eq, %get3A_564, %broadcast_in_dim3A_447 : vector<16xi32>
        %lt3A_572 = arith.cmpi slt, %get3A_570, %broadcast_in_dim3A_452 : vector<16xi32>
        %and3A_573 = arith.andi %eq3A_571, %lt3A_572 : vector<16xi1>
        %or3A = arith.ori %gt3A, %and3A_573 : vector<16xi1>
        %jit3A_574 = arith.constant 1 : i32
        %jit3A_575 = arith.constant 0 : i32
        %broadcast_in_dim3A_576 = vector.broadcast %jit3A_574 : i32 to vector<16xi32>
        %broadcast_in_dim3A_577 = vector.broadcast %jit3A_575 : i32 to vector<16xi32>
        %select_n3A_578 = arith.select %or3A, %broadcast_in_dim3A_576, %broadcast_in_dim3A_577 : vector<16xi1>, vector<16xi32>
        %add3A_579 = arith.addi %while3A_558, %select_n3A_578 : vector<16xi32>
        scf.yield %add3A_579 : vector<16xi32>
      }
      %while3A_488 = arith.constant 0 : i32
      %while3A_489 = arith.subi %select_n3A_262, %while3A_488 : i32
      %while3A_490 = arith.addi %while3A_488, %while3A_489 : i32
      %while3A_491 = arith.constant 1 : i32
      %while3A_492 = arith.divsi %while3A_489, %while3A_491 : i32
      %while3A_493 = arith.muli %while3A_492, %while3A_491 : i32
      %while3A_494 = arith.addi %while3A_488, %while3A_493 : i32
      %while3A_495 = arith.constant 1 : i32
      %while3A_496 = scf.for %while3A_557 = %while3A_488 to %while3A_494 step %while3A_495 iter_args(%while3A_558 = %while3A_487) -> (vector<16xi32>)  : i32 {
        %mul3A_559 = arith.constant 16 : i32
        %mul3A_560 = arith.muli %while3A_557, %mul3A_559 : i32
        %get3A_561 = arith.constant 3 : i32
        %get3A_562 = arith.index_cast %get3A_561 : i32 to index
        %get3A_563 = arith.index_cast %mul3A_560 : i32 to index
        %get3A_564 = tpu.vector_load %arg10[%get3A_562, %get3A_563] {strides = array<i32>} : memref<8x2048xi32, #tpu.memory_space<vmem>>, vector<16xi32>,
        %mul3A_565 = arith.constant 16 : i32
        %mul3A_566 = arith.muli %while3A_557, %mul3A_565 : i32
        %get3A_567 = arith.constant 3 : i32
        %get3A_568 = arith.index_cast %get3A_567 : i32 to index
        %get3A_569 = arith.index_cast %mul3A_566 : i32 to index
        %get3A_570 = tpu.vector_load %arg11[%get3A_568, %get3A_569] {strides = array<i32>} : memref<8x2048xi32, #tpu.memory_space<vmem>>, vector<16xi32>,
        %gt3A = arith.cmpi sgt, %get3A_564, %broadcast_in_dim3A_447 : vector<16xi32>
        %eq3A_571 = arith.cmpi eq, %get3A_564, %broadcast_in_dim3A_447 : vector<16xi32>
        %lt3A_572 = arith.cmpi slt, %get3A_570, %broadcast_in_dim3A_452 : vector<16xi32>
        %and3A_573 = arith.andi %eq3A_571, %lt3A_572 : vector<16xi1>
        %or3A = arith.ori %gt3A, %and3A_573 : vector<16xi1>
        %jit3A_574 = arith.constant 1 : i32
        %jit3A_575 = arith.constant 0 : i32
        %broadcast_in_dim3A_576 = vector.broadcast %jit3A_574 : i32 to vector<16xi32>
        %broadcast_in_dim3A_577 = vector.broadcast %jit3A_575 : i32 to vector<16xi32>
        %select_n3A_578 = arith.select %or3A, %broadcast_in_dim3A_576, %broadcast_in_dim3A_577 : vector<16xi1>, vector<16xi32>
        %add3A_579 = arith.addi %while3A_558, %select_n3A_578 : vector<16xi32>
        scf.yield %add3A_579 : vector<16xi32>
      }
      %while3A_497 = arith.constant 1 : i32
      %while3A_498 = scf.for %while3A_557 = %while3A_494 to %while3A_490 step %while3A_497 iter_args(%while3A_558 = %while3A_496) -> (vector<16xi32>)  : i32 {
        %mul3A_559 = arith.constant 16 : i32
        %mul3A_560 = arith.muli %while3A_557, %mul3A_559 : i32
        %get3A_561 = arith.constant 3 : i32
        %get3A_562 = arith.index_cast %get3A_561 : i32 to index
        %get3A_563 = arith.index_cast %mul3A_560 : i32 to index
        %get3A_564 = tpu.vector_load %arg10[%get3A_562, %get3A_563] {strides = array<i32>} : memref<8x2048xi32, #tpu.memory_space<vmem>>, vector<16xi32>,
        %mul3A_565 = arith.constant 16 : i32
        %mul3A_566 = arith.muli %while3A_557, %mul3A_565 : i32
        %get3A_567 = arith.constant 3 : i32
        %get3A_568 = arith.index_cast %get3A_567 : i32 to index
        %get3A_569 = arith.index_cast %mul3A_566 : i32 to index
        %get3A_570 = tpu.vector_load %arg11[%get3A_568, %get3A_569] {strides = array<i32>} : memref<8x2048xi32, #tpu.memory_space<vmem>>, vector<16xi32>,
        %gt3A = arith.cmpi sgt, %get3A_564, %broadcast_in_dim3A_447 : vector<16xi32>
        %eq3A_571 = arith.cmpi eq, %get3A_564, %broadcast_in_dim3A_447 : vector<16xi32>
        %lt3A_572 = arith.cmpi slt, %get3A_570, %broadcast_in_dim3A_452 : vector<16xi32>
        %and3A_573 = arith.andi %eq3A_571, %lt3A_572 : vector<16xi1>
        %or3A = arith.ori %gt3A, %and3A_573 : vector<16xi1>
        %jit3A_574 = arith.constant 1 : i32
        %jit3A_575 = arith.constant 0 : i32
        %broadcast_in_dim3A_576 = vector.broadcast %jit3A_574 : i32 to vector<16xi32>
        %broadcast_in_dim3A_577 = vector.broadcast %jit3A_575 : i32 to vector<16xi32>
        %select_n3A_578 = arith.select %or3A, %broadcast_in_dim3A_576, %broadcast_in_dim3A_577 : vector<16xi1>, vector<16xi32>
        %add3A_579 = arith.addi %while3A_558, %select_n3A_578 : vector<16xi32>
        scf.yield %add3A_579 : vector<16xi32>
      }
      %while3A_499 = arith.constant 0 : i32
      %while3A_500 = arith.subi %select_n3A_294, %while3A_499 : i32
      %while3A_501 = arith.addi %while3A_499, %while3A_500 : i32
      %while3A_502 = arith.constant 1 : i32
      %while3A_503 = arith.divsi %while3A_500, %while3A_502 : i32
      %while3A_504 = arith.muli %while3A_503, %while3A_502 : i32
      %while3A_505 = arith.addi %while3A_499, %while3A_504 : i32
      %while3A_506 = arith.constant 1 : i32
      %while3A_507 = scf.for %while3A_557 = %while3A_499 to %while3A_505 step %while3A_506 iter_args(%while3A_558 = %while3A_498) -> (vector<16xi32>)  : i32 {
        %mul3A_559 = arith.constant 16 : i32
        %mul3A_560 = arith.muli %while3A_557, %mul3A_559 : i32
        %get3A_561 = arith.constant 4 : i32
        %get3A_562 = arith.index_cast %get3A_561 : i32 to index
        %get3A_563 = arith.index_cast %mul3A_560 : i32 to index
        %get3A_564 = tpu.vector_load %arg10[%get3A_562, %get3A_563] {strides = array<i32>} : memref<8x2048xi32, #tpu.memory_space<vmem>>, vector<16xi32>,
        %mul3A_565 = arith.constant 16 : i32
        %mul3A_566 = arith.muli %while3A_557, %mul3A_565 : i32
        %get3A_567 = arith.constant 4 : i32
        %get3A_568 = arith.index_cast %get3A_567 : i32 to index
        %get3A_569 = arith.index_cast %mul3A_566 : i32 to index
        %get3A_570 = tpu.vector_load %arg11[%get3A_568, %get3A_569] {strides = array<i32>} : memref<8x2048xi32, #tpu.memory_space<vmem>>, vector<16xi32>,
        %gt3A = arith.cmpi sgt, %get3A_564, %broadcast_in_dim3A_447 : vector<16xi32>
        %eq3A_571 = arith.cmpi eq, %get3A_564, %broadcast_in_dim3A_447 : vector<16xi32>
        %lt3A_572 = arith.cmpi slt, %get3A_570, %broadcast_in_dim3A_452 : vector<16xi32>
        %and3A_573 = arith.andi %eq3A_571, %lt3A_572 : vector<16xi1>
        %or3A = arith.ori %gt3A, %and3A_573 : vector<16xi1>
        %jit3A_574 = arith.constant 1 : i32
        %jit3A_575 = arith.constant 0 : i32
        %broadcast_in_dim3A_576 = vector.broadcast %jit3A_574 : i32 to vector<16xi32>
        %broadcast_in_dim3A_577 = vector.broadcast %jit3A_575 : i32 to vector<16xi32>
        %select_n3A_578 = arith.select %or3A, %broadcast_in_dim3A_576, %broadcast_in_dim3A_577 : vector<16xi1>, vector<16xi32>
        %add3A_579 = arith.addi %while3A_558, %select_n3A_578 : vector<16xi32>
        scf.yield %add3A_579 : vector<16xi32>
      }
      %while3A_508 = arith.constant 1 : i32
      %while3A_509 = scf.for %while3A_557 = %while3A_505 to %while3A_501 step %while3A_508 iter_args(%while3A_558 = %while3A_507) -> (vector<16xi32>)  : i32 {
        %mul3A_559 = arith.constant 16 : i32
        %mul3A_560 = arith.muli %while3A_557, %mul3A_559 : i32
        %get3A_561 = arith.constant 4 : i32
        %get3A_562 = arith.index_cast %get3A_561 : i32 to index
        %get3A_563 = arith.index_cast %mul3A_560 : i32 to index
        %get3A_564 = tpu.vector_load %arg10[%get3A_562, %get3A_563] {strides = array<i32>} : memref<8x2048xi32, #tpu.memory_space<vmem>>, vector<16xi32>,
        %mul3A_565 = arith.constant 16 : i32
        %mul3A_566 = arith.muli %while3A_557, %mul3A_565 : i32
        %get3A_567 = arith.constant 4 : i32
        %get3A_568 = arith.index_cast %get3A_567 : i32 to index
        %get3A_569 = arith.index_cast %mul3A_566 : i32 to index
        %get3A_570 = tpu.vector_load %arg11[%get3A_568, %get3A_569] {strides = array<i32>} : memref<8x2048xi32, #tpu.memory_space<vmem>>, vector<16xi32>,
        %gt3A = arith.cmpi sgt, %get3A_564, %broadcast_in_dim3A_447 : vector<16xi32>
        %eq3A_571 = arith.cmpi eq, %get3A_564, %broadcast_in_dim3A_447 : vector<16xi32>
        %lt3A_572 = arith.cmpi slt, %get3A_570, %broadcast_in_dim3A_452 : vector<16xi32>
        %and3A_573 = arith.andi %eq3A_571, %lt3A_572 : vector<16xi1>
        %or3A = arith.ori %gt3A, %and3A_573 : vector<16xi1>
        %jit3A_574 = arith.constant 1 : i32
        %jit3A_575 = arith.constant 0 : i32
        %broadcast_in_dim3A_576 = vector.broadcast %jit3A_574 : i32 to vector<16xi32>
        %broadcast_in_dim3A_577 = vector.broadcast %jit3A_575 : i32 to vector<16xi32>
        %select_n3A_578 = arith.select %or3A, %broadcast_in_dim3A_576, %broadcast_in_dim3A_577 : vector<16xi1>, vector<16xi32>
        %add3A_579 = arith.addi %while3A_558, %select_n3A_578 : vector<16xi32>
        scf.yield %add3A_579 : vector<16xi32>
      }
      %while3A_510 = arith.constant 0 : i32
      %while3A_511 = arith.subi %select_n3A_326, %while3A_510 : i32
      %while3A_512 = arith.addi %while3A_510, %while3A_511 : i32
      %while3A_513 = arith.constant 1 : i32
      %while3A_514 = arith.divsi %while3A_511, %while3A_513 : i32
      %while3A_515 = arith.muli %while3A_514, %while3A_513 : i32
      %while3A_516 = arith.addi %while3A_510, %while3A_515 : i32
      %while3A_517 = arith.constant 1 : i32
      %while3A_518 = scf.for %while3A_557 = %while3A_510 to %while3A_516 step %while3A_517 iter_args(%while3A_558 = %while3A_509) -> (vector<16xi32>)  : i32 {
        %mul3A_559 = arith.constant 16 : i32
        %mul3A_560 = arith.muli %while3A_557, %mul3A_559 : i32
        %get3A_561 = arith.constant 5 : i32
        %get3A_562 = arith.index_cast %get3A_561 : i32 to index
        %get3A_563 = arith.index_cast %mul3A_560 : i32 to index
        %get3A_564 = tpu.vector_load %arg10[%get3A_562, %get3A_563] {strides = array<i32>} : memref<8x2048xi32, #tpu.memory_space<vmem>>, vector<16xi32>,
        %mul3A_565 = arith.constant 16 : i32
        %mul3A_566 = arith.muli %while3A_557, %mul3A_565 : i32
        %get3A_567 = arith.constant 5 : i32
        %get3A_568 = arith.index_cast %get3A_567 : i32 to index
        %get3A_569 = arith.index_cast %mul3A_566 : i32 to index
        %get3A_570 = tpu.vector_load %arg11[%get3A_568, %get3A_569] {strides = array<i32>} : memref<8x2048xi32, #tpu.memory_space<vmem>>, vector<16xi32>,
        %gt3A = arith.cmpi sgt, %get3A_564, %broadcast_in_dim3A_447 : vector<16xi32>
        %eq3A_571 = arith.cmpi eq, %get3A_564, %broadcast_in_dim3A_447 : vector<16xi32>
        %lt3A_572 = arith.cmpi slt, %get3A_570, %broadcast_in_dim3A_452 : vector<16xi32>
        %and3A_573 = arith.andi %eq3A_571, %lt3A_572 : vector<16xi1>
        %or3A = arith.ori %gt3A, %and3A_573 : vector<16xi1>
        %jit3A_574 = arith.constant 1 : i32
        %jit3A_575 = arith.constant 0 : i32
        %broadcast_in_dim3A_576 = vector.broadcast %jit3A_574 : i32 to vector<16xi32>
        %broadcast_in_dim3A_577 = vector.broadcast %jit3A_575 : i32 to vector<16xi32>
        %select_n3A_578 = arith.select %or3A, %broadcast_in_dim3A_576, %broadcast_in_dim3A_577 : vector<16xi1>, vector<16xi32>
        %add3A_579 = arith.addi %while3A_558, %select_n3A_578 : vector<16xi32>
        scf.yield %add3A_579 : vector<16xi32>
      }
      %while3A_519 = arith.constant 1 : i32
      %while3A_520 = scf.for %while3A_557 = %while3A_516 to %while3A_512 step %while3A_519 iter_args(%while3A_558 = %while3A_518) -> (vector<16xi32>)  : i32 {
        %mul3A_559 = arith.constant 16 : i32
        %mul3A_560 = arith.muli %while3A_557, %mul3A_559 : i32
        %get3A_561 = arith.constant 5 : i32
        %get3A_562 = arith.index_cast %get3A_561 : i32 to index
        %get3A_563 = arith.index_cast %mul3A_560 : i32 to index
        %get3A_564 = tpu.vector_load %arg10[%get3A_562, %get3A_563] {strides = array<i32>} : memref<8x2048xi32, #tpu.memory_space<vmem>>, vector<16xi32>,
        %mul3A_565 = arith.constant 16 : i32
        %mul3A_566 = arith.muli %while3A_557, %mul3A_565 : i32
        %get3A_567 = arith.constant 5 : i32
        %get3A_568 = arith.index_cast %get3A_567 : i32 to index
        %get3A_569 = arith.index_cast %mul3A_566 : i32 to index
        %get3A_570 = tpu.vector_load %arg11[%get3A_568, %get3A_569] {strides = array<i32>} : memref<8x2048xi32, #tpu.memory_space<vmem>>, vector<16xi32>,
        %gt3A = arith.cmpi sgt, %get3A_564, %broadcast_in_dim3A_447 : vector<16xi32>
        %eq3A_571 = arith.cmpi eq, %get3A_564, %broadcast_in_dim3A_447 : vector<16xi32>
        %lt3A_572 = arith.cmpi slt, %get3A_570, %broadcast_in_dim3A_452 : vector<16xi32>
        %and3A_573 = arith.andi %eq3A_571, %lt3A_572 : vector<16xi1>
        %or3A = arith.ori %gt3A, %and3A_573 : vector<16xi1>
        %jit3A_574 = arith.constant 1 : i32
        %jit3A_575 = arith.constant 0 : i32
        %broadcast_in_dim3A_576 = vector.broadcast %jit3A_574 : i32 to vector<16xi32>
        %broadcast_in_dim3A_577 = vector.broadcast %jit3A_575 : i32 to vector<16xi32>
        %select_n3A_578 = arith.select %or3A, %broadcast_in_dim3A_576, %broadcast_in_dim3A_577 : vector<16xi1>, vector<16xi32>
        %add3A_579 = arith.addi %while3A_558, %select_n3A_578 : vector<16xi32>
        scf.yield %add3A_579 : vector<16xi32>
      }
      %while3A_521 = arith.constant 0 : i32
      %while3A_522 = arith.subi %select_n3A_358, %while3A_521 : i32
      %while3A_523 = arith.addi %while3A_521, %while3A_522 : i32
      %while3A_524 = arith.constant 1 : i32
      %while3A_525 = arith.divsi %while3A_522, %while3A_524 : i32
      %while3A_526 = arith.muli %while3A_525, %while3A_524 : i32
      %while3A_527 = arith.addi %while3A_521, %while3A_526 : i32
      %while3A_528 = arith.constant 1 : i32
      %while3A_529 = scf.for %while3A_557 = %while3A_521 to %while3A_527 step %while3A_528 iter_args(%while3A_558 = %while3A_520) -> (vector<16xi32>)  : i32 {
        %mul3A_559 = arith.constant 16 : i32
        %mul3A_560 = arith.muli %while3A_557, %mul3A_559 : i32
        %get3A_561 = arith.constant 6 : i32
        %get3A_562 = arith.index_cast %get3A_561 : i32 to index
        %get3A_563 = arith.index_cast %mul3A_560 : i32 to index
        %get3A_564 = tpu.vector_load %arg10[%get3A_562, %get3A_563] {strides = array<i32>} : memref<8x2048xi32, #tpu.memory_space<vmem>>, vector<16xi32>,
        %mul3A_565 = arith.constant 16 : i32
        %mul3A_566 = arith.muli %while3A_557, %mul3A_565 : i32
        %get3A_567 = arith.constant 6 : i32
        %get3A_568 = arith.index_cast %get3A_567 : i32 to index
        %get3A_569 = arith.index_cast %mul3A_566 : i32 to index
        %get3A_570 = tpu.vector_load %arg11[%get3A_568, %get3A_569] {strides = array<i32>} : memref<8x2048xi32, #tpu.memory_space<vmem>>, vector<16xi32>,
        %gt3A = arith.cmpi sgt, %get3A_564, %broadcast_in_dim3A_447 : vector<16xi32>
        %eq3A_571 = arith.cmpi eq, %get3A_564, %broadcast_in_dim3A_447 : vector<16xi32>
        %lt3A_572 = arith.cmpi slt, %get3A_570, %broadcast_in_dim3A_452 : vector<16xi32>
        %and3A_573 = arith.andi %eq3A_571, %lt3A_572 : vector<16xi1>
        %or3A = arith.ori %gt3A, %and3A_573 : vector<16xi1>
        %jit3A_574 = arith.constant 1 : i32
        %jit3A_575 = arith.constant 0 : i32
        %broadcast_in_dim3A_576 = vector.broadcast %jit3A_574 : i32 to vector<16xi32>
        %broadcast_in_dim3A_577 = vector.broadcast %jit3A_575 : i32 to vector<16xi32>
        %select_n3A_578 = arith.select %or3A, %broadcast_in_dim3A_576, %broadcast_in_dim3A_577 : vector<16xi1>, vector<16xi32>
        %add3A_579 = arith.addi %while3A_558, %select_n3A_578 : vector<16xi32>
        scf.yield %add3A_579 : vector<16xi32>
      }
      %while3A_530 = arith.constant 1 : i32
      %while3A_531 = scf.for %while3A_557 = %while3A_527 to %while3A_523 step %while3A_530 iter_args(%while3A_558 = %while3A_529) -> (vector<16xi32>)  : i32 {
        %mul3A_559 = arith.constant 16 : i32
        %mul3A_560 = arith.muli %while3A_557, %mul3A_559 : i32
        %get3A_561 = arith.constant 6 : i32
        %get3A_562 = arith.index_cast %get3A_561 : i32 to index
        %get3A_563 = arith.index_cast %mul3A_560 : i32 to index
        %get3A_564 = tpu.vector_load %arg10[%get3A_562, %get3A_563] {strides = array<i32>} : memref<8x2048xi32, #tpu.memory_space<vmem>>, vector<16xi32>,
        %mul3A_565 = arith.constant 16 : i32
        %mul3A_566 = arith.muli %while3A_557, %mul3A_565 : i32
        %get3A_567 = arith.constant 6 : i32
        %get3A_568 = arith.index_cast %get3A_567 : i32 to index
        %get3A_569 = arith.index_cast %mul3A_566 : i32 to index
        %get3A_570 = tpu.vector_load %arg11[%get3A_568, %get3A_569] {strides = array<i32>} : memref<8x2048xi32, #tpu.memory_space<vmem>>, vector<16xi32>,
        %gt3A = arith.cmpi sgt, %get3A_564, %broadcast_in_dim3A_447 : vector<16xi32>
        %eq3A_571 = arith.cmpi eq, %get3A_564, %broadcast_in_dim3A_447 : vector<16xi32>
        %lt3A_572 = arith.cmpi slt, %get3A_570, %broadcast_in_dim3A_452 : vector<16xi32>
        %and3A_573 = arith.andi %eq3A_571, %lt3A_572 : vector<16xi1>
        %or3A = arith.ori %gt3A, %and3A_573 : vector<16xi1>
        %jit3A_574 = arith.constant 1 : i32
        %jit3A_575 = arith.constant 0 : i32
        %broadcast_in_dim3A_576 = vector.broadcast %jit3A_574 : i32 to vector<16xi32>
        %broadcast_in_dim3A_577 = vector.broadcast %jit3A_575 : i32 to vector<16xi32>
        %select_n3A_578 = arith.select %or3A, %broadcast_in_dim3A_576, %broadcast_in_dim3A_577 : vector<16xi1>, vector<16xi32>
        %add3A_579 = arith.addi %while3A_558, %select_n3A_578 : vector<16xi32>
        scf.yield %add3A_579 : vector<16xi32>
      }
      %while3A_532 = arith.constant 0 : i32
      %while3A_533 = arith.subi %select_n3A_390, %while3A_532 : i32
      %while3A_534 = arith.addi %while3A_532, %while3A_533 : i32
      %while3A_535 = arith.constant 1 : i32
      %while3A_536 = arith.divsi %while3A_533, %while3A_535 : i32
      %while3A_537 = arith.muli %while3A_536, %while3A_535 : i32
      %while3A_538 = arith.addi %while3A_532, %while3A_537 : i32
      %while3A_539 = arith.constant 1 : i32
      %while3A_540 = scf.for %while3A_557 = %while3A_532 to %while3A_538 step %while3A_539 iter_args(%while3A_558 = %while3A_531) -> (vector<16xi32>)  : i32 {
        %mul3A_559 = arith.constant 16 : i32
        %mul3A_560 = arith.muli %while3A_557, %mul3A_559 : i32
        %get3A_561 = arith.constant 7 : i32
        %get3A_562 = arith.index_cast %get3A_561 : i32 to index
        %get3A_563 = arith.index_cast %mul3A_560 : i32 to index
        %get3A_564 = tpu.vector_load %arg10[%get3A_562, %get3A_563] {strides = array<i32>} : memref<8x2048xi32, #tpu.memory_space<vmem>>, vector<16xi32>,
        %mul3A_565 = arith.constant 16 : i32
        %mul3A_566 = arith.muli %while3A_557, %mul3A_565 : i32
        %get3A_567 = arith.constant 7 : i32
        %get3A_568 = arith.index_cast %get3A_567 : i32 to index
        %get3A_569 = arith.index_cast %mul3A_566 : i32 to index
        %get3A_570 = tpu.vector_load %arg11[%get3A_568, %get3A_569] {strides = array<i32>} : memref<8x2048xi32, #tpu.memory_space<vmem>>, vector<16xi32>,
        %gt3A = arith.cmpi sgt, %get3A_564, %broadcast_in_dim3A_447 : vector<16xi32>
        %eq3A_571 = arith.cmpi eq, %get3A_564, %broadcast_in_dim3A_447 : vector<16xi32>
        %lt3A_572 = arith.cmpi slt, %get3A_570, %broadcast_in_dim3A_452 : vector<16xi32>
        %and3A_573 = arith.andi %eq3A_571, %lt3A_572 : vector<16xi1>
        %or3A = arith.ori %gt3A, %and3A_573 : vector<16xi1>
        %jit3A_574 = arith.constant 1 : i32
        %jit3A_575 = arith.constant 0 : i32
        %broadcast_in_dim3A_576 = vector.broadcast %jit3A_574 : i32 to vector<16xi32>
        %broadcast_in_dim3A_577 = vector.broadcast %jit3A_575 : i32 to vector<16xi32>
        %select_n3A_578 = arith.select %or3A, %broadcast_in_dim3A_576, %broadcast_in_dim3A_577 : vector<16xi1>, vector<16xi32>
        %add3A_579 = arith.addi %while3A_558, %select_n3A_578 : vector<16xi32>
        scf.yield %add3A_579 : vector<16xi32>
      }
      %while3A_541 = arith.constant 1 : i32
      %while3A_542 = scf.for %while3A_557 = %while3A_538 to %while3A_534 step %while3A_541 iter_args(%while3A_558 = %while3A_540) -> (vector<16xi32>)  : i32 {
        %mul3A_559 = arith.constant 16 : i32
        %mul3A_560 = arith.muli %while3A_557, %mul3A_559 : i32
        %get3A_561 = arith.constant 7 : i32
        %get3A_562 = arith.index_cast %get3A_561 : i32 to index
        %get3A_563 = arith.index_cast %mul3A_560 : i32 to index
        %get3A_564 = tpu.vector_load %arg10[%get3A_562, %get3A_563] {strides = array<i32>} : memref<8x2048xi32, #tpu.memory_space<vmem>>, vector<16xi32>,
        %mul3A_565 = arith.constant 16 : i32
        %mul3A_566 = arith.muli %while3A_557, %mul3A_565 : i32
        %get3A_567 = arith.constant 7 : i32
        %get3A_568 = arith.index_cast %get3A_567 : i32 to index
        %get3A_569 = arith.index_cast %mul3A_566 : i32 to index
        %get3A_570 = tpu.vector_load %arg11[%get3A_568, %get3A_569] {strides = array<i32>} : memref<8x2048xi32, #tpu.memory_space<vmem>>, vector<16xi32>,
        %gt3A = arith.cmpi sgt, %get3A_564, %broadcast_in_dim3A_447 : vector<16xi32>
        %eq3A_571 = arith.cmpi eq, %get3A_564, %broadcast_in_dim3A_447 : vector<16xi32>
        %lt3A_572 = arith.cmpi slt, %get3A_570, %broadcast_in_dim3A_452 : vector<16xi32>
        %and3A_573 = arith.andi %eq3A_571, %lt3A_572 : vector<16xi1>
        %or3A = arith.ori %gt3A, %and3A_573 : vector<16xi1>
        %jit3A_574 = arith.constant 1 : i32
        %jit3A_575 = arith.constant 0 : i32
        %broadcast_in_dim3A_576 = vector.broadcast %jit3A_574 : i32 to vector<16xi32>
        %broadcast_in_dim3A_577 = vector.broadcast %jit3A_575 : i32 to vector<16xi32>
        %select_n3A_578 = arith.select %or3A, %broadcast_in_dim3A_576, %broadcast_in_dim3A_577 : vector<16xi1>, vector<16xi32>
        %add3A_579 = arith.addi %while3A_558, %select_n3A_578 : vector<16xi32>
        scf.yield %add3A_579 : vector<16xi32>
      }
      %reduce_sum3A = arith.constant true
      %reduce_sum3A_543 = vector.broadcast %reduce_sum3A : i1 to vector<16xi1>
      %reduce_sum3A_544 = tpu.scan <sum>, %while3A_542 masked %reduce_sum3A_543 : vector<16xi32>, vector<16xi1> -> vector<16xi32>
      %reduce_sum3A_545 = vector.extract %reduce_sum3A_544[15] : i32 from vector<16xi32>
      %rem3A_546 = arith.constant 16 : i32
      %rem3A_547 = arith.remsi %while3A_441, %rem3A_546 : i32
      %broadcast_in_dim3A_548 = vector.broadcast %rem3A_547 : i32 to vector<16xi32>
      %eq3A_549 = arith.cmpi eq, %iota3A, %broadcast_in_dim3A_548 : vector<16xi32>
      %broadcast_in_dim3A_550 = vector.broadcast %reduce_sum3A_545 : i32 to vector<16xi32>
      %select_n3A_551 = arith.select %eq3A_549, %broadcast_in_dim3A_550, %while3A_442 : vector<16xi1>, vector<16xi32>
      %eq3A_552 = arith.constant 15 : i32
      %eq3A_553 = arith.cmpi eq, %rem3A_547, %eq3A_552 : i32
      %convert_element_type3A_554 = arith.extui %eq3A_553 : i1 to i32
      %cond3A_555 = arith.constant 0 : i32
      %cond3A_556 = arith.cmpi ne, %convert_element_type3A_554, %cond3A_555 : i32
      scf.if %cond3A_556 {
        %sub3A_557 = arith.constant 15 : i32
        %sub3A_558 = arith.subi %while3A_441, %sub3A_557 : i32
        %get3A_559 = arith.index_cast %sub3A_558 : i32 to index
        %get3A_560 = tpu.vector_load %arg9[%get3A_559] {strides = array<i32>} : memref<2064xi32, #tpu.memory_space<vmem>>, vector<16xi32>,
        %lt3A_561 = arith.cmpi slt, %select_n3A_551, %broadcast_in_dim3A_392 : vector<16xi32>
        %mul3A_562 = arith.constant 1040 : i32
        %mul3A_563 = arith.muli %select_n3A, %mul3A_562 : i32
        %broadcast_in_dim3A_564 = vector.broadcast %mul3A_563 : i32 to vector<16xi32>
        %add3A_565 = arith.addi %broadcast_in_dim3A_564, %select_n3A_551 : vector<16xi32>
        %mul3A_566 = arith.constant 1040 : i32
        %mul3A_567 = arith.muli %select_n3A, %mul3A_566 : i32
        %add3A_568 = arith.constant 1024 : i32
        %add3A_569 = arith.addi %mul3A_567, %add3A_568 : i32
        %broadcast_in_dim3A_570 = vector.broadcast %add3A_569 : i32 to vector<16xi32>
        %add3A_571 = arith.addi %broadcast_in_dim3A_570, %iota3A : vector<16xi32>
        %select_n3A_572 = arith.select %lt3A_561, %add3A_565, %add3A_571 : vector<16xi1>, vector<16xi32>
        %mul3A_573 = arith.constant 193536 : i32
        %mul3A_574 = arith.muli %add3A, %mul3A_573 : i32
        %broadcast_in_dim3A_575 = vector.broadcast %mul3A_574 : i32 to vector<16xi32>
        %add3A_576 = arith.addi %broadcast_in_dim3A_575, %get3A_560 : vector<16xi32>
        %swap3A_577 = arith.constant 0 : index
        %swap3A_578 = tpu.vector_load %arg14[%swap3A_577] {strides = array<i32>} : memref<16xi32, #tpu.memory_space<vmem>>, vector<16xi32>,
        tpu.vector_store %arg14[%swap3A_577], %add3A_576 {strides = array<i32>} : memref<16xi32, #tpu.memory_space<vmem>>, vector<16xi32>,
        %dma_start3A = arith.constant 0 : i32
        %dma_start3A_579 = tpu.memref_slice %arg20[%dma_start3A] : memref<2080xi32, #tpu.memory_space<vmem_shared>> -> memref<2080xi32, #tpu.memory_space<vmem_shared>>
        tpu.enqueue_indirect_dma source(%arg14 : memref<16xi32, #tpu.memory_space<vmem>>) target(%dma_start3A_579 : memref<2080xi32, #tpu.memory_space<vmem_shared>>) offsets(%select_n3A_572 : vector<16xi32>) semaphore(%arg21 : memref<!tpu.dma_semaphore, #tpu.memory_space<semaphore_mem>>)
        %dma_wait3A = arith.constant 0 : i32
        %dma_wait3A_580 = tpu.memref_slice %arg20[%dma_wait3A] : memref<2080xi32, #tpu.memory_space<vmem_shared>> -> memref<2080xi32, #tpu.memory_space<vmem_shared>>
        tpu.wait_indirect_dma semaphore(%arg21 : memref<!tpu.dma_semaphore, #tpu.memory_space<semaphore_mem>>) src(%arg14 : memref<16xi32, #tpu.memory_space<vmem>>) dst(%dma_wait3A_580 : memref<2080xi32, #tpu.memory_space<vmem_shared>>)
        %convert_element_type3A_581 = arith.sitofp %get3A_560 : vector<16xi32> to vector<16xf32>
        %add3A_582 = arith.addf %convert_element_type3A_581, %broadcast_in_dim3A_396 : vector<16xf32>
        %mul3A_583 = arith.mulf %add3A_582, %broadcast_in_dim3A_394 : vector<16xf32>
        %convert_element_type3A_584 = arith.fptosi %mul3A_583 : vector<16xf32> to vector<16xi32>
        %mul3A_585 = arith.constant 21504 : i32
        %mul3A_586 = arith.muli %add3A, %mul3A_585 : i32
        %broadcast_in_dim3A_587 = vector.broadcast %mul3A_586 : i32 to vector<16xi32>
        %add3A_588 = arith.addi %convert_element_type3A_584, %broadcast_in_dim3A_587 : vector<16xi32>
        %dma_start3A_589 = arith.constant 0 : i32
        %dma_start3A_590 = arith.constant 0 : i32
        %dma_start3A_591 = tpu.memref_slice %arg4[%dma_start3A_589, %dma_start3A_590] : memref<86016x256xf32, #tpu.memory_space<hbm>> -> memref<86016x256xf32, #tpu.memory_space<hbm>>
        tpu.enqueue_indirect_dma source(%dma_start3A_591 : memref<86016x256xf32, #tpu.memory_space<hbm>>) target(%arg13 : memref<16x256xf32, #tpu.memory_space<vmem>>) offsets(%add3A_588 : vector<16xi32>) semaphore(%arg21 : memref<!tpu.dma_semaphore, #tpu.memory_space<semaphore_mem>>)
        %dma_wait3A_592 = arith.constant 0 : i32
        %dma_wait3A_593 = arith.constant 0 : i32
        %dma_wait3A_594 = tpu.memref_slice %arg4[%dma_wait3A_592, %dma_wait3A_593] : memref<86016x256xf32, #tpu.memory_space<hbm>> -> memref<86016x256xf32, #tpu.memory_space<hbm>>
        tpu.wait_indirect_dma semaphore(%arg21 : memref<!tpu.dma_semaphore, #tpu.memory_space<semaphore_mem>>) src(%dma_wait3A_594 : memref<86016x256xf32, #tpu.memory_space<hbm>>) dst(%arg13 : memref<16x256xf32, #tpu.memory_space<vmem>>)
        %mul3A_595 = arith.constant 1024 : i32
        %mul3A_596 = arith.muli %add3A, %mul3A_595 : i32
        %broadcast_in_dim3A_597 = vector.broadcast %mul3A_596 : i32 to vector<16xi32>
        %add3A_598 = arith.addi %broadcast_in_dim3A_597, %select_n3A_551 : vector<16xi32>
        %broadcast_in_dim3A_599 = arith.constant 4096 : i32
        %broadcast_in_dim3A_600 = vector.broadcast %broadcast_in_dim3A_599 : i32 to vector<16xi32>
        %select_n3A_601 = arith.select %lt3A_561, %add3A_598, %broadcast_in_dim3A_600 : vector<16xi1>, vector<16xi32>
        %dma_start3A_602 = arith.constant 0 : i32
        %dma_start3A_603 = arith.constant 0 : i32
        %dma_start3A_604 = tpu.memref_slice %arg6[%dma_start3A_602, %dma_start3A_603] : memref<4112x256xf32, #tpu.memory_space<hbm>> -> memref<4112x256xf32, #tpu.memory_space<hbm>>
        tpu.enqueue_indirect_dma source(%arg13 : memref<16x256xf32, #tpu.memory_space<vmem>>) target(%dma_start3A_604 : memref<4112x256xf32, #tpu.memory_space<hbm>>) offsets(%select_n3A_601 : vector<16xi32>) semaphore(%arg21 : memref<!tpu.dma_semaphore, #tpu.memory_space<semaphore_mem>>)
        %dma_wait3A_605 = arith.constant 0 : i32
        %dma_wait3A_606 = arith.constant 0 : i32
        %dma_wait3A_607 = tpu.memref_slice %arg6[%dma_wait3A_605, %dma_wait3A_606] : memref<4112x256xf32, #tpu.memory_space<hbm>> -> memref<4112x256xf32, #tpu.memory_space<hbm>>
        tpu.wait_indirect_dma semaphore(%arg21 : memref<!tpu.dma_semaphore, #tpu.memory_space<semaphore_mem>>) src(%arg13 : memref<16x256xf32, #tpu.memory_space<vmem>>) dst(%dma_wait3A_607 : memref<4112x256xf32, #tpu.memory_space<hbm>>)
      } else {
      }
      scf.yield %select_n3A_551 : vector<16xi32>
    }
    %barrier3A_437 = arith.constant 0 : index
    tpu.barrier barrier_id(%barrier3A_437)
    %eq3A_438 = arith.constant 0 : i32
    %eq3A_439 = arith.cmpi eq, %select_n3A_30, %eq3A_438 : i32
    %convert_element_type3A = arith.extui %eq3A_439 : i1 to i32
    %cond3A = arith.constant 0 : i32
    %cond3A_440 = arith.cmpi ne, %convert_element_type3A, %cond3A : i32
    scf.if %cond3A_440 {
      %mul3A_441 = arith.constant 1040 : i32
      %mul3A_442 = arith.muli %select_n3A, %mul3A_441 : i32
      "tpu.region"() ({
        %run_scoped3A_445 = tpu.sem_alloc : memref<!tpu.dma_semaphore, #tpu.memory_space<semaphore_mem>>
        %dma_start3A = tpu.memref_slice %arg20[%mul3A_442] : memref<2080xi32, #tpu.memory_space<vmem_shared>> -> memref<1000xi32, #tpu.memory_space<vmem_shared>>
        %dma_start3A_446 = tpu.memref_slice %arg20[%mul3A_442] : memref<2080xi32, #tpu.memory_space<vmem_shared>> -> memref<1000xi32, #tpu.memory_space<vmem_shared>>
        tpu.enqueue_dma source(%dma_start3A_446 : memref<1000xi32, #tpu.memory_space<vmem_shared>>) target(%arg16 : memref<1000xi32, #tpu.memory_space<vmem>>) target_semaphore(%run_scoped3A_445 : memref<!tpu.dma_semaphore, #tpu.memory_space<semaphore_mem>>)
        %dma_wait3A = tpu.memref_slice %arg20[%mul3A_442] : memref<2080xi32, #tpu.memory_space<vmem_shared>> -> memref<1000xi32, #tpu.memory_space<vmem_shared>>
        %dma_wait3A_447 = tpu.memref_slice %arg20[%mul3A_442] : memref<2080xi32, #tpu.memory_space<vmem_shared>> -> memref<1000xi32, #tpu.memory_space<vmem_shared>>
        tpu.wait_dma2 semaphore(%run_scoped3A_445 : memref<!tpu.dma_semaphore, #tpu.memory_space<semaphore_mem>>) src(%dma_wait3A_447 : memref<1000xi32, #tpu.memory_space<vmem_shared>>) dst(%arg16 : memref<1000xi32, #tpu.memory_space<vmem>>)
        tpu.yield
      }) : () -> ()
      %mul3A_443 = arith.constant 1000 : i32
      %mul3A_444 = arith.muli %add3A, %mul3A_443 : i32
      "tpu.region"() ({
        %run_scoped3A_445 = tpu.sem_alloc : memref<!tpu.dma_semaphore, #tpu.memory_space<semaphore_mem>>
        %dma_start3A = tpu.memref_slice %arg5[%mul3A_444] : memref<4000xi32, #tpu.memory_space<hbm>> -> memref<1000xi32, #tpu.memory_space<hbm>>
        %dma_start3A_446 = tpu.memref_slice %arg5[%mul3A_444] : memref<4000xi32, #tpu.memory_space<hbm>> -> memref<1000xi32, #tpu.memory_space<hbm>>
        tpu.enqueue_dma source(%arg16 : memref<1000xi32, #tpu.memory_space<vmem>>) target(%dma_start3A_446 : memref<1000xi32, #tpu.memory_space<hbm>>) target_semaphore(%run_scoped3A_445 : memref<!tpu.dma_semaphore, #tpu.memory_space<semaphore_mem>>)
        %dma_wait3A = tpu.memref_slice %arg5[%mul3A_444] : memref<4000xi32, #tpu.memory_space<hbm>> -> memref<1000xi32, #tpu.memory_space<hbm>>
        %dma_wait3A_447 = tpu.memref_slice %arg5[%mul3A_444] : memref<4000xi32, #tpu.memory_space<hbm>> -> memref<1000xi32, #tpu.memory_space<hbm>>
        tpu.wait_dma2 semaphore(%run_scoped3A_445 : memref<!tpu.dma_semaphore, #tpu.memory_space<semaphore_mem>>) src(%arg16 : memref<1000xi32, #tpu.memory_space<vmem>>) dst(%dma_wait3A_447 : memref<1000xi32, #tpu.memory_space<hbm>>)
        tpu.yield
      }) : () -> ()
    } else {
    }
    return
  }
}

module attributes {stable_mosaic.version = 14 : i64} {
  func.func @_conv_body(%arg0: i32, %arg1: i32, %arg2: memref<1x256x1024xf32, #tpu.memory_space<vmem>>, %arg3: memref<1x256x1024xf32, #tpu.memory_space<vmem>>, %arg4: memref<1x256x1024xf32, #tpu.memory_space<vmem>>, %arg5: memref<256x256xf32, #tpu.memory_space<vmem>>, %arg6: memref<256x1xf32, #tpu.memory_space<vmem>>, %arg7: memref<256x16xf32, #tpu.memory_space<vmem>>, %arg8: memref<1x16xf32, #tpu.memory_space<vmem>>, %arg9: memref<1x1024x16xf32, #tpu.memory_space<vmem>>, %arg10: memref<1x1024x256xf32, #tpu.memory_space<vmem>>) attributes {dimension_semantics = [#tpu.dimension_semantics<arbitrary>, #tpu.dimension_semantics<arbitrary>], iteration_bounds = array<i64: 4, 21>, scalar_prefetch = 0 : i64, scratch_operands = 0 : i64, tpu.core_type = #tpu.core_type<tc>, window_params = [{transform_indices = @transform_0, window_bounds = array<i64: 1, 256, 1024>}, {transform_indices = @transform_1, window_bounds = array<i64: 1, 256, 1024>}, {transform_indices = @transform_2, window_bounds = array<i64: 1, 256, 1024>}, {pipeline_mode = #tpu.pipeline_mode<synchronous>, transform_indices = @transform_3, window_bounds = array<i64: 256, 256>}, {pipeline_mode = #tpu.pipeline_mode<synchronous>, transform_indices = @transform_4, window_bounds = array<i64: 256, 1>}, {pipeline_mode = #tpu.pipeline_mode<synchronous>, transform_indices = @transform_5, window_bounds = array<i64: 256, 16>}, {pipeline_mode = #tpu.pipeline_mode<synchronous>, transform_indices = @transform_6, window_bounds = array<i64: 1, 16>}, {transform_indices = @transform_7, window_bounds = array<i64: 1, 1024, 16>}, {transform_indices = @transform_8, window_bounds = array<i64: 1, 1024, 256>}]} {
    %lt3A = arith.constant 16 : i32
    %lt3A_0 = arith.cmpi slt, %arg1, %lt3A : i32
    %convert_element_type3A = arith.extui %lt3A_0 : i1 to i32
    %cond3A = arith.constant 0 : i32
    %cond3A_1 = arith.cmpi ne, %convert_element_type3A, %cond3A : i32
    scf.if %cond3A_1 {
      %get3A = arith.constant 0 : index
      %get3A_13 = arith.constant 0 : index
      %get3A_14 = arith.constant 0 : index
      %get3A_15 = vector.load %arg2[%get3A, %get3A_13, %get3A_14] : memref<1x256x1024xf32, #tpu.memory_space<vmem>>, vector<1x256x1024xf32>
      %get3A_16 = vector.shape_cast %get3A_15 : vector<1x256x1024xf32> to vector<256x1024xf32>
      %get3A_17 = arith.constant 0 : index
      %get3A_18 = arith.constant 0 : index
      %get3A_19 = vector.load %arg5[%get3A_17, %get3A_18] : memref<256x256xf32, #tpu.memory_space<vmem>>, vector<256x256xf32>
      %dot_general3A = arith.constant dense<0.000000e+00> : vector<256x1024xf32>
      %dot_general3A_20 = tpu.matmul %get3A_19, %get3A_16, %dot_general3A {dimension_numbers = #tpu.dot_dimension_numbers<[1], [0], [0], [1], [0, 0, 1, 1], [], []>, transpose_lhs_hint = false} : vector<256x256xf32>, vector<256x1024xf32>, vector<256x1024xf32> -> vector<256x1024xf32>
      %get3A_21 = arith.constant 0 : index
      %get3A_22 = arith.constant 0 : index
      %get3A_23 = vector.load %arg6[%get3A_21, %get3A_22] : memref<256x1xf32, #tpu.memory_space<vmem>>, vector<256x1xf32>
      %add3A = vector.broadcast %get3A_23 : vector<256x1xf32> to vector<256x1024xf32>
      %add3A_24 = arith.addf %dot_general3A_20, %add3A : vector<256x1024xf32>
      %max3A = arith.constant 0.000000e+00 : f32
      %max3A_25 = vector.broadcast %max3A : f32 to vector<256x1024xf32>
      %max3A_26 = arith.maximumf %add3A_24, %max3A_25 : vector<256x1024xf32>
      %get3A_27 = arith.constant 0 : index
      %get3A_28 = arith.constant 0 : index
      %get3A_29 = vector.load %arg7[%get3A_27, %get3A_28] : memref<256x16xf32, #tpu.memory_space<vmem>>, vector<256x16xf32>
      %dot_general3A_30 = arith.constant dense<0.000000e+00> : vector<1024x16xf32>
      %dot_general3A_31 = tpu.matmul %max3A_26, %get3A_29, %dot_general3A_30 {dimension_numbers = #tpu.dot_dimension_numbers<[0], [0], [1], [1], [0, 1, 1, 1], [], []>, transpose_lhs_hint = false} : vector<256x1024xf32>, vector<256x16xf32>, vector<1024x16xf32> -> vector<1024x16xf32>
      %get3A_32 = arith.constant 0 : index
      %get3A_33 = arith.constant 0 : index
      %get3A_34 = vector.load %arg8[%get3A_32, %get3A_33] : memref<1x16xf32, #tpu.memory_space<vmem>>, vector<1x16xf32>
      %add3A_35 = vector.broadcast %get3A_34 : vector<1x16xf32> to vector<1024x16xf32>
      %add3A_36 = arith.addf %dot_general3A_31, %add3A_35 : vector<1024x16xf32>
      %swap3A = arith.constant 0 : index
      %swap3A_37 = arith.constant 0 : index
      %swap3A_38 = arith.constant 0 : index
      %swap3A_39 = vector.load %arg9[%swap3A, %swap3A_37, %swap3A_38] : memref<1x1024x16xf32, #tpu.memory_space<vmem>>, vector<1x1024x16xf32>
      %swap3A_40 = vector.shape_cast %swap3A_39 : vector<1x1024x16xf32> to vector<1024x16xf32>
      %swap3A_41 = vector.shape_cast %add3A_36 : vector<1024x16xf32> to vector<1x1024x16xf32>
      tpu.vector_store %arg9[%swap3A, %swap3A_37, %swap3A_38], %swap3A_41 {strides = array<i32>} : memref<1x1024x16xf32, #tpu.memory_space<vmem>>, vector<1x1024x16xf32>,
      %transpose3A = tpu.transpose %get3A_16, [1, 0] : vector<256x1024xf32> -> vector<1024x256xf32>
      %swap3A_42 = arith.constant 0 : index
      %swap3A_43 = arith.constant 0 : index
      %swap3A_44 = arith.constant 0 : index
      %swap3A_45 = vector.load %arg10[%swap3A_42, %swap3A_43, %swap3A_44] : memref<1x1024x256xf32, #tpu.memory_space<vmem>>, vector<1x1024x256xf32>
      %swap3A_46 = vector.shape_cast %swap3A_45 : vector<1x1024x256xf32> to vector<1024x256xf32>
      %swap3A_47 = vector.shape_cast %transpose3A : vector<1024x256xf32> to vector<1x1024x256xf32>
      tpu.vector_store %arg10[%swap3A_42, %swap3A_43, %swap3A_44], %swap3A_47 {strides = array<i32>} : memref<1x1024x256xf32, #tpu.memory_space<vmem>>, vector<1x1024x256xf32>,
    } else {
    }
    %ge3A = arith.constant 16 : i32
    %ge3A_2 = arith.cmpi sge, %arg1, %ge3A : i32
    %lt3A_3 = arith.constant 20 : i32
    %lt3A_4 = arith.cmpi slt, %arg1, %lt3A_3 : i32
    %and3A = arith.andi %ge3A_2, %lt3A_4 : i1
    %convert_element_type3A_5 = arith.extui %and3A : i1 to i32
    %cond3A_6 = arith.constant 0 : i32
    %cond3A_7 = arith.cmpi ne, %convert_element_type3A_5, %cond3A_6 : i32
    scf.if %cond3A_7 {
      %get3A = arith.constant 0 : index
      %get3A_13 = arith.constant 0 : index
      %get3A_14 = arith.constant 0 : index
      %get3A_15 = vector.load %arg3[%get3A, %get3A_13, %get3A_14] : memref<1x256x1024xf32, #tpu.memory_space<vmem>>, vector<1x256x1024xf32>
      %get3A_16 = vector.shape_cast %get3A_15 : vector<1x256x1024xf32> to vector<256x1024xf32>
      %get3A_17 = arith.constant 0 : index
      %get3A_18 = arith.constant 0 : index
      %get3A_19 = vector.load %arg5[%get3A_17, %get3A_18] : memref<256x256xf32, #tpu.memory_space<vmem>>, vector<256x256xf32>
      %dot_general3A = arith.constant dense<0.000000e+00> : vector<256x1024xf32>
      %dot_general3A_20 = tpu.matmul %get3A_19, %get3A_16, %dot_general3A {dimension_numbers = #tpu.dot_dimension_numbers<[1], [0], [0], [1], [0, 0, 1, 1], [], []>, transpose_lhs_hint = false} : vector<256x256xf32>, vector<256x1024xf32>, vector<256x1024xf32> -> vector<256x1024xf32>
      %get3A_21 = arith.constant 0 : index
      %get3A_22 = arith.constant 0 : index
      %get3A_23 = vector.load %arg6[%get3A_21, %get3A_22] : memref<256x1xf32, #tpu.memory_space<vmem>>, vector<256x1xf32>
      %add3A = vector.broadcast %get3A_23 : vector<256x1xf32> to vector<256x1024xf32>
      %add3A_24 = arith.addf %dot_general3A_20, %add3A : vector<256x1024xf32>
      %max3A = arith.constant 0.000000e+00 : f32
      %max3A_25 = vector.broadcast %max3A : f32 to vector<256x1024xf32>
      %max3A_26 = arith.maximumf %add3A_24, %max3A_25 : vector<256x1024xf32>
      %get3A_27 = arith.constant 0 : index
      %get3A_28 = arith.constant 0 : index
      %get3A_29 = vector.load %arg7[%get3A_27, %get3A_28] : memref<256x16xf32, #tpu.memory_space<vmem>>, vector<256x16xf32>
      %dot_general3A_30 = arith.constant dense<0.000000e+00> : vector<1024x16xf32>
      %dot_general3A_31 = tpu.matmul %max3A_26, %get3A_29, %dot_general3A_30 {dimension_numbers = #tpu.dot_dimension_numbers<[0], [0], [1], [1], [0, 1, 1, 1], [], []>, transpose_lhs_hint = false} : vector<256x1024xf32>, vector<256x16xf32>, vector<1024x16xf32> -> vector<1024x16xf32>
      %get3A_32 = arith.constant 0 : index
      %get3A_33 = arith.constant 0 : index
      %get3A_34 = vector.load %arg8[%get3A_32, %get3A_33] : memref<1x16xf32, #tpu.memory_space<vmem>>, vector<1x16xf32>
      %add3A_35 = vector.broadcast %get3A_34 : vector<1x16xf32> to vector<1024x16xf32>
      %add3A_36 = arith.addf %dot_general3A_31, %add3A_35 : vector<1024x16xf32>
      %swap3A = arith.constant 0 : index
      %swap3A_37 = arith.constant 0 : index
      %swap3A_38 = arith.constant 0 : index
      %swap3A_39 = vector.load %arg9[%swap3A, %swap3A_37, %swap3A_38] : memref<1x1024x16xf32, #tpu.memory_space<vmem>>, vector<1x1024x16xf32>
      %swap3A_40 = vector.shape_cast %swap3A_39 : vector<1x1024x16xf32> to vector<1024x16xf32>
      %swap3A_41 = vector.shape_cast %add3A_36 : vector<1024x16xf32> to vector<1x1024x16xf32>
      tpu.vector_store %arg9[%swap3A, %swap3A_37, %swap3A_38], %swap3A_41 {strides = array<i32>} : memref<1x1024x16xf32, #tpu.memory_space<vmem>>, vector<1x1024x16xf32>,
      %transpose3A = tpu.transpose %get3A_16, [1, 0] : vector<256x1024xf32> -> vector<1024x256xf32>
      %swap3A_42 = arith.constant 0 : index
      %swap3A_43 = arith.constant 0 : index
      %swap3A_44 = arith.constant 0 : index
      %swap3A_45 = vector.load %arg10[%swap3A_42, %swap3A_43, %swap3A_44] : memref<1x1024x256xf32, #tpu.memory_space<vmem>>, vector<1x1024x256xf32>
      %swap3A_46 = vector.shape_cast %swap3A_45 : vector<1x1024x256xf32> to vector<1024x256xf32>
      %swap3A_47 = vector.shape_cast %transpose3A : vector<1024x256xf32> to vector<1x1024x256xf32>
      tpu.vector_store %arg10[%swap3A_42, %swap3A_43, %swap3A_44], %swap3A_47 {strides = array<i32>} : memref<1x1024x256xf32, #tpu.memory_space<vmem>>, vector<1x1024x256xf32>,
    } else {
    }
    %ge3A_8 = arith.constant 20 : i32
    %ge3A_9 = arith.cmpi sge, %arg1, %ge3A_8 : i32
    %convert_element_type3A_10 = arith.extui %ge3A_9 : i1 to i32
    %cond3A_11 = arith.constant 0 : i32
    %cond3A_12 = arith.cmpi ne, %convert_element_type3A_10, %cond3A_11 : i32
    scf.if %cond3A_12 {
      %get3A = arith.constant 0 : index
      %get3A_13 = arith.constant 0 : index
      %get3A_14 = arith.constant 0 : index
      %get3A_15 = vector.load %arg4[%get3A, %get3A_13, %get3A_14] : memref<1x256x1024xf32, #tpu.memory_space<vmem>>, vector<1x256x1024xf32>
      %get3A_16 = vector.shape_cast %get3A_15 : vector<1x256x1024xf32> to vector<256x1024xf32>
      %get3A_17 = arith.constant 0 : index
      %get3A_18 = arith.constant 0 : index
      %get3A_19 = vector.load %arg5[%get3A_17, %get3A_18] : memref<256x256xf32, #tpu.memory_space<vmem>>, vector<256x256xf32>
      %dot_general3A = arith.constant dense<0.000000e+00> : vector<256x1024xf32>
      %dot_general3A_20 = tpu.matmul %get3A_19, %get3A_16, %dot_general3A {dimension_numbers = #tpu.dot_dimension_numbers<[1], [0], [0], [1], [0, 0, 1, 1], [], []>, transpose_lhs_hint = false} : vector<256x256xf32>, vector<256x1024xf32>, vector<256x1024xf32> -> vector<256x1024xf32>
      %get3A_21 = arith.constant 0 : index
      %get3A_22 = arith.constant 0 : index
      %get3A_23 = vector.load %arg6[%get3A_21, %get3A_22] : memref<256x1xf32, #tpu.memory_space<vmem>>, vector<256x1xf32>
      %add3A = vector.broadcast %get3A_23 : vector<256x1xf32> to vector<256x1024xf32>
      %add3A_24 = arith.addf %dot_general3A_20, %add3A : vector<256x1024xf32>
      %max3A = arith.constant 0.000000e+00 : f32
      %max3A_25 = vector.broadcast %max3A : f32 to vector<256x1024xf32>
      %max3A_26 = arith.maximumf %add3A_24, %max3A_25 : vector<256x1024xf32>
      %get3A_27 = arith.constant 0 : index
      %get3A_28 = arith.constant 0 : index
      %get3A_29 = vector.load %arg7[%get3A_27, %get3A_28] : memref<256x16xf32, #tpu.memory_space<vmem>>, vector<256x16xf32>
      %dot_general3A_30 = arith.constant dense<0.000000e+00> : vector<1024x16xf32>
      %dot_general3A_31 = tpu.matmul %max3A_26, %get3A_29, %dot_general3A_30 {dimension_numbers = #tpu.dot_dimension_numbers<[0], [0], [1], [1], [0, 1, 1, 1], [], []>, transpose_lhs_hint = false} : vector<256x1024xf32>, vector<256x16xf32>, vector<1024x16xf32> -> vector<1024x16xf32>
      %get3A_32 = arith.constant 0 : index
      %get3A_33 = arith.constant 0 : index
      %get3A_34 = vector.load %arg8[%get3A_32, %get3A_33] : memref<1x16xf32, #tpu.memory_space<vmem>>, vector<1x16xf32>
      %add3A_35 = vector.broadcast %get3A_34 : vector<1x16xf32> to vector<1024x16xf32>
      %add3A_36 = arith.addf %dot_general3A_31, %add3A_35 : vector<1024x16xf32>
      %swap3A = arith.constant 0 : index
      %swap3A_37 = arith.constant 0 : index
      %swap3A_38 = arith.constant 0 : index
      %swap3A_39 = vector.load %arg9[%swap3A, %swap3A_37, %swap3A_38] : memref<1x1024x16xf32, #tpu.memory_space<vmem>>, vector<1x1024x16xf32>
      %swap3A_40 = vector.shape_cast %swap3A_39 : vector<1x1024x16xf32> to vector<1024x16xf32>
      %swap3A_41 = vector.shape_cast %add3A_36 : vector<1024x16xf32> to vector<1x1024x16xf32>
      tpu.vector_store %arg9[%swap3A, %swap3A_37, %swap3A_38], %swap3A_41 {strides = array<i32>} : memref<1x1024x16xf32, #tpu.memory_space<vmem>>, vector<1x1024x16xf32>,
      %transpose3A = tpu.transpose %get3A_16, [1, 0] : vector<256x1024xf32> -> vector<1024x256xf32>
      %swap3A_42 = arith.constant 0 : index
      %swap3A_43 = arith.constant 0 : index
      %swap3A_44 = arith.constant 0 : index
      %swap3A_45 = vector.load %arg10[%swap3A_42, %swap3A_43, %swap3A_44] : memref<1x1024x256xf32, #tpu.memory_space<vmem>>, vector<1x1024x256xf32>
      %swap3A_46 = vector.shape_cast %swap3A_45 : vector<1x1024x256xf32> to vector<1024x256xf32>
      %swap3A_47 = vector.shape_cast %transpose3A : vector<1024x256xf32> to vector<1x1024x256xf32>
      tpu.vector_store %arg10[%swap3A_42, %swap3A_43, %swap3A_44], %swap3A_47 {strides = array<i32>} : memref<1x1024x256xf32, #tpu.memory_space<vmem>>, vector<1x1024x256xf32>,
    } else {
    }
    return
  }
  func.func @transform_0(%arg0: i32, %arg1: i32) -> (i32, i32, i32) {
    %min3A = arith.constant 15 : i32
    %min3A_0 = arith.minsi %arg1, %min3A : i32
    %c0_i32 = arith.constant 0 : i32
    %c0_i32_1 = arith.constant 0 : i32
    return %arg0, %c0_i32, %min3A_0 : i32, i32, i32
  }
  func.func @transform_1(%arg0: i32, %arg1: i32) -> (i32, i32, i32) {
    %sub3A = arith.constant 16 : i32
    %sub3A_0 = arith.subi %arg1, %sub3A : i32
    %jit3A = arith.constant 0 : i32
    %jit3A_1 = arith.constant 3 : i32
    %max3A = arith.maxsi %jit3A, %sub3A_0 : i32
    %min3A = arith.minsi %jit3A_1, %max3A : i32
    %c0_i32 = arith.constant 0 : i32
    %c0_i32_2 = arith.constant 0 : i32
    return %arg0, %c0_i32, %min3A : i32, i32, i32
  }
  func.func @transform_2(%arg0: i32, %arg1: i32) -> (i32, i32, i32) {
    %sub3A = arith.constant 16 : i32
    %sub3A_0 = arith.subi %arg1, %sub3A : i32
    %sub3A_1 = arith.constant 4 : i32
    %sub3A_2 = arith.subi %sub3A_0, %sub3A_1 : i32
    %jit3A = arith.constant 0 : i32
    %jit3A_3 = arith.constant 0 : i32
    %max3A = arith.maxsi %jit3A, %sub3A_2 : i32
    %min3A = arith.minsi %jit3A_3, %max3A : i32
    %c0_i32 = arith.constant 0 : i32
    %c0_i32_4 = arith.constant 0 : i32
    return %arg0, %c0_i32, %min3A : i32, i32, i32
  }
  func.func @transform_3(%arg0: i32, %arg1: i32) -> (i32, i32) {
    %c0_i32 = arith.constant 0 : i32
    %c0_i32_0 = arith.constant 0 : i32
    %c0_i32_1 = arith.constant 0 : i32
    return %c0_i32, %c0_i32_0 : i32, i32
  }
  func.func @transform_4(%arg0: i32, %arg1: i32) -> (i32, i32) {
    %c0_i32 = arith.constant 0 : i32
    %c0_i32_0 = arith.constant 0 : i32
    %c0_i32_1 = arith.constant 0 : i32
    return %c0_i32, %c0_i32_0 : i32, i32
  }
  func.func @transform_5(%arg0: i32, %arg1: i32) -> (i32, i32) {
    %c0_i32 = arith.constant 0 : i32
    %c0_i32_0 = arith.constant 0 : i32
    %c0_i32_1 = arith.constant 0 : i32
    return %c0_i32, %c0_i32_0 : i32, i32
  }
  func.func @transform_6(%arg0: i32, %arg1: i32) -> (i32, i32) {
    %c0_i32 = arith.constant 0 : i32
    %c0_i32_0 = arith.constant 0 : i32
    %c0_i32_1 = arith.constant 0 : i32
    return %c0_i32, %c0_i32_0 : i32, i32
  }
  func.func @transform_7(%arg0: i32, %arg1: i32) -> (i32, i32, i32) {
    %c0_i32 = arith.constant 0 : i32
    %c0_i32_0 = arith.constant 0 : i32
    return %arg0, %arg1, %c0_i32 : i32, i32, i32
  }
  func.func @transform_8(%arg0: i32, %arg1: i32) -> (i32, i32, i32) {
    %c0_i32 = arith.constant 0 : i32
    %c0_i32_0 = arith.constant 0 : i32
    return %arg0, %arg1, %c0_i32 : i32, i32, i32
  }
}

module attributes {stable_mosaic.version = 14 : i64} {
  func.func @_thr_body(%arg0: i32, %arg1: memref<1x1512x128xf32, #tpu.memory_space<vmem>>, %arg2: memref<1x1x16xi32, #tpu.memory_space<vmem>>) attributes {dimension_semantics = [#tpu.dimension_semantics<arbitrary>], iteration_bounds = array<i64: 4>, scalar_prefetch = 0 : i64, scratch_operands = 0 : i64, tpu.core_type = #tpu.core_type<tc>, window_params = [{transform_indices = @transform_0, window_bounds = array<i64: 1, 1512, 128>}, {transform_indices = @transform_1, window_bounds = array<i64: 1, 1, 16>}]} {
    %scan3A = arith.constant 0 : i32
    %scan3A_0 = arith.constant 1065353217 : i32
    %scan3A_1 = arith.constant 0 : i32
    %scan3A_2 = arith.constant 31 : i32
    %scan3A_3 = arith.addi %scan3A_1, %scan3A_2 : i32
    %scan3A_4 = arith.constant 1 : i32
    %scan3A_5:2 = scf.for %scan3A_11 = %scan3A_1 to %scan3A_3 step %scan3A_4 iter_args(%scan3A_12 = %scan3A, %scan3A_13 = %scan3A_0) -> (i32, i32)  : i32 {
      %add3A = arith.addi %scan3A_12, %scan3A_13 : i32
      %jit3A = arith.constant 2 : i32
      %div3A = arith.divsi %add3A, %jit3A : i32
      %sign3A = arith.constant 0 : i32
      %sign3A_14 = arith.cmpi sgt, %add3A, %sign3A : i32
      %sign3A_15 = arith.extui %sign3A_14 : i1 to i32
      %sign3A_16 = arith.constant 0 : i32
      %sign3A_17 = arith.cmpi slt, %add3A, %sign3A_16 : i32
      %sign3A_18 = arith.extui %sign3A_17 : i1 to i32
      %sign3A_19 = arith.subi %sign3A_15, %sign3A_18 : i32
      %sign3A_20 = arith.constant 0 : i32
      %sign3A_21 = arith.cmpi sgt, %jit3A, %sign3A_20 : i32
      %sign3A_22 = arith.extui %sign3A_21 : i1 to i32
      %sign3A_23 = arith.constant 0 : i32
      %sign3A_24 = arith.cmpi slt, %jit3A, %sign3A_23 : i32
      %sign3A_25 = arith.extui %sign3A_24 : i1 to i32
      %sign3A_26 = arith.subi %sign3A_22, %sign3A_25 : i32
      %ne3A = arith.cmpi ne, %sign3A_19, %sign3A_26 : i32
      %rem3A = arith.remsi %add3A, %jit3A : i32
      %ne3A_27 = arith.constant 0 : i32
      %ne3A_28 = arith.cmpi ne, %rem3A, %ne3A_27 : i32
      %and3A = arith.andi %ne3A, %ne3A_28 : i1
      %sub3A = arith.constant 1 : i32
      %sub3A_29 = arith.subi %div3A, %sub3A : i32
      %select_n3A = arith.select %and3A, %sub3A_29, %div3A : i32
      %broadcast_in_dim3A_30 = arith.constant 0 : i32
      %broadcast_in_dim3A_31 = vector.broadcast %broadcast_in_dim3A_30 : i32 to vector<56x128xi32>
      %scan3A_32 = arith.constant 0 : i32
      %scan3A_33 = arith.constant 27 : i32
      %scan3A_34 = arith.addi %scan3A_32, %scan3A_33 : i32
      %scan3A_35 = arith.constant 1 : i32
      %scan3A_36 = scf.for %scan3A_45 = %scan3A_32 to %scan3A_34 step %scan3A_35 iter_args(%scan3A_46 = %broadcast_in_dim3A_31) -> (vector<56x128xi32>)  : i32 {
        %mul3A = arith.constant 56 : i32
        %mul3A_47 = arith.muli %scan3A_45, %mul3A : i32
        %get3A = arith.constant 0 : index
        %get3A_48 = arith.index_cast %mul3A_47 : i32 to index
        %get3A_49 = arith.constant 0 : index
        %get3A_50 = vector.load %arg1[%get3A, %get3A_48, %get3A_49] : memref<1x1512x128xf32, #tpu.memory_space<vmem>>, vector<1x56x128xf32>
        %get3A_51 = vector.shape_cast %get3A_50 : vector<1x56x128xf32> to vector<56x128xf32>
        %bitcast_convert_type3A = tpu.bitcast %get3A_51 : vector<56x128xf32> -> vector<56x128xi32>
        %ge3A_52 = vector.broadcast %select_n3A : i32 to vector<56x128xi32>
        %ge3A_53 = arith.cmpi sge, %bitcast_convert_type3A, %ge3A_52 : vector<56x128xi32>
        %jit3A_54 = arith.constant 1 : i32
        %jit3A_55 = arith.constant 0 : i32
        %broadcast_in_dim3A_56 = vector.broadcast %jit3A_54 : i32 to vector<56x128xi32>
        %broadcast_in_dim3A_57 = vector.broadcast %jit3A_55 : i32 to vector<56x128xi32>
        %select_n3A_58 = arith.select %ge3A_53, %broadcast_in_dim3A_56, %broadcast_in_dim3A_57 : vector<56x128xi1>, vector<56x128xi32>
        %add3A_59 = arith.addi %scan3A_46, %select_n3A_58 : vector<56x128xi32>
        scf.yield %add3A_59 : vector<56x128xi32>
      }
      %scan3A_37 = arith.constant 27 : i32
      %reduce_sum3A = vector.shape_cast %scan3A_36 : vector<56x128xi32> to vector<1x56x128xi32>
      %reduce_sum3A_38 = arith.constant dense<0> : vector<1xi32>
      %reduce_sum3A_39 = vector.multi_reduction <add>, %reduce_sum3A, %reduce_sum3A_38 [1, 2] : vector<1x56x128xi32> to vector<1xi32>
      %reduce_sum3A_40 = vector.shape_cast %reduce_sum3A_39 : vector<1xi32> to vector<1x1x1xi32>
      %reduce_sum3A_41 = vector.extract %reduce_sum3A_40[0, 0, 0] : i32 from vector<1x1x1xi32>
      %ge3A = arith.constant 1000 : i32
      %ge3A_42 = arith.cmpi sge, %reduce_sum3A_41, %ge3A : i32
      %select_n3A_43 = arith.select %ge3A_42, %select_n3A, %scan3A_12 : i32
      %select_n3A_44 = arith.select %ge3A_42, %scan3A_13, %select_n3A : i32
      scf.yield %select_n3A_43, %select_n3A_44 : i32, i32
    }
    %broadcast_in_dim3A = vector.broadcast %scan3A_5#0 : i32 to vector<1x16xi32>
    %swap3A = arith.constant 0 : index
    %swap3A_6 = arith.constant 0 : index
    %swap3A_7 = arith.constant 0 : index
    %swap3A_8 = vector.load %arg2[%swap3A, %swap3A_6, %swap3A_7] : memref<1x1x16xi32, #tpu.memory_space<vmem>>, vector<1x1x16xi32>
    %swap3A_9 = vector.shape_cast %swap3A_8 : vector<1x1x16xi32> to vector<1x16xi32>
    %swap3A_10 = vector.shape_cast %broadcast_in_dim3A : vector<1x16xi32> to vector<1x1x16xi32>
    tpu.vector_store %arg2[%swap3A, %swap3A_6, %swap3A_7], %swap3A_10 {strides = array<i32>} : memref<1x1x16xi32, #tpu.memory_space<vmem>>, vector<1x1x16xi32>,
    return
  }
  func.func @transform_0(%arg0: i32) -> (i32, i32, i32) {
    %c0_i32 = arith.constant 0 : i32
    %c0_i32_0 = arith.constant 0 : i32
    %c0_i32_1 = arith.constant 0 : i32
    return %arg0, %c0_i32, %c0_i32_0 : i32, i32, i32
  }
  func.func @transform_1(%arg0: i32) -> (i32, i32, i32) {
    %c0_i32 = arith.constant 0 : i32
    %c0_i32_0 = arith.constant 0 : i32
    %c0_i32_1 = arith.constant 0 : i32
    return %arg0, %c0_i32, %c0_i32_0 : i32, i32, i32
  }
}

</mosaic_0001>

<sc_bundles>
// kernel: kernel.5.cloned.1.call-start
scs
__scs_entry_jumppad:
0x0: {  	(pc) =	sbr.rel $0x88, $3  }
0x1: {  	(tag) =	ssettag $0x0;
	lr =	simm.s32 $0x1  }
0x2: {  	[smem:$0x3F9A] =	sst lr;
	_ =	strace $0xD0000000  }
0x3: {  	_ = 	snop  }
0x4: {  	_ = 	snop  }
0x5: {  	_ = 	snop  }
0x6: {  	_ = 	snop  }
0x7: {  	_ = 	snop  }
__scs_overlays_trampoline_lowered:
0x8: {  	[smem:$0x3FA9] =	sst s0  }
0x9: {  	[smem:$0x3FAA] =	sst s1  }
0xa: {  	[smem:$0x3FAB] =	sst s2  }
0xb: {  	[smem:$0x3FAC] =	sst s3  }
0xc: {  	[smem:$0x3FAD] =	sst s4  }
0xd: {  	[smem:$0x3FAE] =	sst s5  }
0xe: {  	[smem:$0x3FAF] =	sst s6  }
0xf: {  	[smem:$0x3FB0] =	sst s7  }
0x10: {  	[smem:$0x3FB1] =	sst s8  }
0x11: {  	[smem:$0x3FB2] =	sst s9;
	s0 =	simm.s32 @!p0 $0x0  }
0x12: {  	s1 =	sld [smem:$0x3F98];
	s0 =	simm.s32 @p0 $0x1  }
0x13: {  	[smem:$0x3FB3] =	sst s0;
	s0 =	simm.s32 @!p1 $0x0  }
0x14: {  	s2 =	sld [smem:$0x3F97];
	s0 =	simm.s32 @p1 $0x1  }
0x15: {  	[smem:$0x3FB4] =	sst s0;
	s0 =	simm.s32 @!p2 $0x0  }
0x16: {  	s3 =	sld [smem:$0x3FDB];
	s0 =	simm.s32 @p2 $0x1  }
0x17: {  	s4 =	simm.s32 $0x1BF5;
	[smem:$0x3FB6] =	sst s0  }
0x18: {  	s0 =	sld [smem:$0x3F99];
	_ =	swait.ge [sflag:s4], $0x0  }
0x19: {  	s7 =	sld [smem:$0x3F9A]  }
0x1a: {  	s8 =	sadd.s32 $0xFFFFE003, lr  }
0x1b: {  	s9 =	sadd.s32 $0xFFFFFEF7, lr;
	s5 =	simm.s32 $0xFFFFFFFF;
	p2 =	slt.u32 s8, $0xFFFFF086  }
0x1c: {  	p1 =	slt.u32 s9, $0xF7A;
	s5 =	simm.s32 @!p2 $0x0  }
0x1d: {  	s5 =	simm.s32 @p1 $0x1;
	p0 =	seq.s32 s7, s2  }
0x1e: {  	s7 =	smul.u32 @!p0 $0xF7A, s2;
	p2 =	seq.s32 @!p0 s5, $0x0  }
0x1f: {  	s9 =	smul.u32 $0xF7A, s1;
	s8 =	simm.s32 @!p0 $0x1BF5;
	p2 =	por !p2, p0  }
0x20: {  	[sflag:s8] =	ssyncset.s32 @!p0 $0xFFFFF086;
	s6 =	sadd.s32 @!p0 s3, s7;
	s7 =	simm.s32 @!p0 $0x108  }
0x21: {  	s3 =	sadd.s32 s3, s9;
	s6 =	sadd.s32 @!p0 $0x88, s6;
	s7 =	simm.s32 @p2 $0x1082  }
0x22: {  	[simem:s7], [sflag:s8] =	dma.local @!p0 [hbm:s6], $0xF7A  }
0x23: {  	s9 =	sor.u32 $0xD0000000, s2;
	s6 =	simm.s32 $0x108;
	_ =	swait.ge @!p0 [sflag:s8], $0x0  }
0x24: {  	s3 =	sadd.s32 $0x88, s3;
	s6 =	simm.s32 @!p1 $0x1082;
	[sflag:s4] =	ssyncset.s32 $0xFFFFF086  }
0x25: {  	[simem:s6], [sflag:s4] =	dma.local [hbm:s3], $0xF7A  }
0x26: {  	[smem:$0x3F9A] =	sst s1;
	(tag) =	ssettag s2;
	_ =	strace s9  }
0x27: {  	s1 =	sld [smem:$0x3FAA]  }
0x28: {  	s2 =	sld [smem:$0x3FAB]  }
0x29: {  	s4 =	sld [smem:$0x3FAD]  }
0x2a: {  	p0 =	seq.s32 s5, $0x0;
	s5 =	sld [smem:$0x3FAE]  }
0x2b: {  	s6 =	sld [smem:$0x3FAF]  }
0x2c: {  	s7 =	sld [smem:$0x3FB0]  }
0x2d: {  	s3 =	simm.s32 $0x108;
	s8 =	sld [smem:$0x3FB1]  }
0x2e: {  	s3 =	simm.s32 @!p0 $0x1082;
	s9 =	sld [smem:$0x3FB2]  }
0x2f: {  	lr =	sadd.s32 s0, s3;
	s0 =	sld [smem:$0x3FA9]  }
0x30: {  	s3 =	sld [smem:$0x3FAC]  }
0x31: {  	[smem:$0x3FB5] =	sst s10  }
0x32: {  	s10 =	sld [smem:$0x3FB3];
	_ =	sdelay $0x3  }
0x33: {  	p0 =	seq.s32 s10, $0x1;
	s10 =	sld [smem:$0x3FB5];
	_ =	sdelay $0x3  }
0x34: {  	[smem:$0x3FB5] =	sst s10  }
0x35: {  	s10 =	sld [smem:$0x3FB4];
	_ =	sdelay $0x3  }
0x36: {  	p1 =	seq.s32 s10, $0x1;
	s10 =	sld [smem:$0x3FB5];
	_ =	sdelay $0x3  }
0x37: {  	[smem:$0x3FB5] =	sst s10  }
0x38: {  	s10 =	sld [smem:$0x3FB6]  }
0x39: {  	_ = 	snop;
	(pc) =	sbr.ind lr, $3  }
0x3a: {  	_ = 	snop  }
0x3b: {  	_ = 	snop  }
0x3c: {  	p2 =	seq.s32 s10, $0x1;
	s10 =	sld [smem:$0x3FB5]  }
0x3d: {  	_ =	shalt  }
0x3e: {  	_ =	shalt  }
0x3f: {  	_ =	shalt  }
0x40: {  	_ =	shalt  }
0x41: {  	_ =	shalt  }
0x42: {  	_ =	shalt  }
0x43: {  	_ =	shalt  }
0x44: {  	_ =	shalt  }
0x45: {  	_ =	shalt  }
0x46: {  	_ =	shalt  }
0x47: {  	_ =	shalt  }
0x48: {  	_ =	shalt  }
0x49: {  	_ =	shalt  }
0x4a: {  	_ =	shalt  }
0x4b: {  	_ =	shalt  }
0x4c: {  	_ =	shalt  }
0x4d: {  	_ =	shalt  }
0x4e: {  	_ =	shalt  }
0x4f: {  	_ =	shalt  }
0x50: {  	_ =	shalt  }
0x51: {  	_ =	shalt  }
0x52: {  	_ =	shalt  }
0x53: {  	_ =	shalt  }
0x54: {  	_ =	shalt  }
0x55: {  	_ =	shalt  }
0x56: {  	_ =	shalt  }
0x57: {  	_ =	shalt  }
0x58: {  	_ =	shalt  }
0x59: {  	_ =	shalt  }
0x5a: {  	_ =	shalt  }
0x5b: {  	_ =	shalt  }
0x5c: {  	_ =	shalt  }
0x5d: {  	_ =	shalt  }
0x5e: {  	_ =	shalt  }
0x5f: {  	_ =	shalt  }
0x60: {  	_ =	shalt  }
0x61: {  	_ =	shalt  }
0x62: {  	_ =	shalt  }
0x63: {  	_ =	shalt  }
0x64: {  	_ =	shalt  }
0x65: {  	_ =	shalt  }
0x66: {  	_ =	shalt  }
0x67: {  	_ =	shalt  }
0x68: {  	_ =	shalt  }
0x69: {  	_ =	shalt  }
0x6a: {  	_ =	shalt  }
0x6b: {  	_ =	shalt  }
0x6c: {  	_ =	shalt  }
0x6d: {  	_ =	shalt  }
0x6e: {  	_ =	shalt  }
0x6f: {  	_ =	shalt  }
0x70: {  	_ =	shalt  }
0x71: {  	_ =	shalt  }
0x72: {  	_ =	shalt  }
0x73: {  	_ =	shalt  }
0x74: {  	_ =	shalt  }
0x75: {  	_ =	shalt  }
0x76: {  	_ =	shalt  }
0x77: {  	_ =	shalt  }
0x78: {  	_ =	shalt  }
0x79: {  	_ =	shalt  }
0x7a: {  	_ =	shalt  }
0x7b: {  	_ =	shalt  }
0x7c: {  	_ =	shalt  }
0x7d: {  	_ =	shalt  }
0x7e: {  	_ =	shalt  }
0x7f: {  	_ =	shalt  }
0x80: {  	_ =	shalt  }
0x81: {  	_ =	shalt  }
0x82: {  	_ =	shalt  }
0x83: {  	_ =	shalt  }
0x84: {  	_ =	shalt  }
0x85: {  	_ =	shalt  }
0x86: {  	_ =	shalt  }
0x87: {  	_ =	shalt  }
.Lfunc_end0:
.L_simem_size_0:
called_computation_lowered:
.L_overlay_start_0:
0x88: {  	s2 =	sld [smem:$0x3FD9]  }
0x89: {  	s3 =	sld [smem:$0x3FFE];
	_ =	sdelay $0x1  }
0x8a: {  	s1 =	srdreg.scid  }
0x8b: {  	s0 =	sand.u32 $0x1, s1  }
0x8c: {  	s14 =	sshll.u32 s0, $0xA;
	s2 =	sadd.s32 s3, s2  }
0x8d: {  	s2 =	sadd.s32 s2, s14  }
0x8e: {  	[smem:$0x3FC1] =	sst s2  }
0x8f: {  	_ = 	snop  }
0x90: {  	s2 =	sld [smem:$0x3FD0];
	_ =	sdelay $0x2  }
0x91: {  	s15 =	simm.s32 $0xA;
	s4 =	simm.s32 $0x10  }
0x92: {  	[smem:s4], [sflag:s15] =	dma.local [hbm:s2], $0x1  }
0x93: {  	_ =	swait.eq [sflag:s15], $0x1  }
0x94: {  	[sflag:s15] =	ssyncset.done $0x0  }
0x95: {  	s16 =	sld [smem:$0x11];
	[sflag:s15] =	ssyncadd.s32 $0xFFFFFFFF  }
0x96: {  	s17 =	sld [smem:$0x12];
	(tm) =	ssettm $0x1  }
0x97: {  	s18 =	sld [smem:$0x3FFB];
	_ =	sdelay $0x3  }
0x98: {  	_ =	strace s18  }
0x99: {  	s4 =	sld [smem:$0x3FFC];
	_ =	sdelay $0x3  }
0x9a: {  	_ =	strace s4  }
0x9b: {  	s4 =	sld [smem:$0x3FFD];
	_ =	sdelay $0x3  }
0x9c: {  	_ =	strace s4  }
0x9d: {  	_ =	strace $0x8FFFFFFF  }
0x9e: {  	s19 =	sld [smem:$0x3FDB];
	_ =	sdelay $0x1  }
0x9f: {  	s5 =	simm.s32 $_scs_section_size  }
0xa0: {  	s6 =	simm.s32 $_size__tile_overlayer_lowered;
	s7 =	simm.s32 $_tile_overlayer_lowered  }
0xa1: {  	s22 =	simm.s32 $0x1BFF;
	s21 =	sshll.u32 s7, $0x1;
	s4 =	sadd.s32 s5, s19  }
0xa2: {  	s8 =	simm.s32 $0x0;
	s20 =	sshll.u32 s6, $0x1;
	s6 =	sadd.s32 s21, s4  }
0xa3: {  	[timem:s8], [sflag:s22] =	dma.local [hbm:s6], s20  }
0xa4: {  	_ =	swait.ge [sflag:s22], s20  }
0xa5: {  	s5 =	ssub.s32 $0x0, s20;
	[sflag:s22] =	ssyncset.done $0x0  }
0xa6: {  	[sflag:s22] =	ssyncadd.s32 s5;
	_ =	sdelay $0x1  }
0xa7: {  	s23 =	simm.s32 $0x1B8B  }
0xa8: {  	_ =	swait.ge [sflag:s23], $0x1  }
0xa9: {  	[sflag:s23] =	ssyncset.done $0x0  }
0xaa: {  	s25 =	simm.s32 $0x1B8E;
	s24 =	sld [smem:$0x3FFE];
	[sflag:s23] =	ssyncadd.s32 $0xFFFFFFFF  }
0xab: {  	s26 =	simm.s32 $execute0_lowered;
	[smem:$0x3FD2] =	sst s25  }
0xac: {  	s6 =	sshll.u32 s26, $0x1;
	_ =	strace $0x80000046;
	[dreg:$0x1] =	wrdreg $0xFFFFFFFF  }
0xad: {  	s28 =	simm.s32 $_size_execute0_lowered;
	s4 =	sadd.s32 s4, s6;
	[dreg:$0x0] =	wrdreg $0x0  }
0xae: {  	s6 =	sshll.u32 s28, $0x1;
	[dreg:$0x2] =	wrdreg s4  }
0xaf: {  	[dreg:$0x3] =	wrdreg s6  }
0xb0: {  	[dreg:$0x4] =	wrdreg $0xC0  }
0xb1: {  	_ =	task [dreg:s8], $0x5FFFF  }
0xb2: {  	[dreg:$0x1] =	wrdreg $0xFFFFFFFF  }
0xb3: {  	[dreg:$0x0] =	wrdreg $0x60  }
0xb4: {  	[dreg:$0x2] =	wrdreg s17  }
0xb5: {  	[dreg:$0x3] =	wrdreg s24  }
0xb6: {  	[dreg:$0x4] =	wrdreg s16  }
0xb7: {  	[dreg:$0x5] =	wrdreg $0x118800  }
0xb8: {  	[dreg:$0x6] =	wrdreg $0x108800  }
0xb9: {  	[dreg:$0x7] =	wrdreg $0x110800  }
0xba: {  	[dreg:$0x8] =	wrdreg $0x118900  }
0xbb: {  	[dreg:$0x9] =	wrdreg $0x9  }
0xbc: {  	_ =	task.clear_ibuf [dreg:s8], $0xAFFFF;
	_ =	strace $0x90000046  }
0xbd: {  	s29 =	simm.s32 $0x9;
	_ =	strace $0x80000048  }
0xbe: {  	_ =	swait.ge [sflag:s29], $0x1  }
0xbf: {  	[sflag:s29] =	ssyncadd.s32 $0xFFFFFFFF  }
0xc0: {  	_ =	strace $0x90000048  }
0xc1: {  	_ =	sfence  }
0xc2: {  	s30 =	sld [smem:$0x0];
	_ =	sdelay $0x2  }
0xc3: {  	s31 =	sshll.u32 s1, $0xD;
	s1 =	sshrl.u32 s1, $0x2  }
0xc4: {  	s3 =	sand.u32 $0x4000, s31;
	s1 =	sadd.s32 s1, s30  }
0xc5: {  	s0 =	sor.u32 s3, s0;
	s1 =	sshll.u32 s1, $0x11  }
0xc6: {  	s0 =	sor.u32 s1, s0  }
0xc7: {  	s0 =	sadd.s32 $0x8F2B, s0  }
0xc8: {  	[sflag:s0] =	ssyncadd.remote.s32 $0x1  }
0xc9: {  	_ =	sfence.sel $0xFFFF  }
0xca: {  	[dreg:$0x0] =	wrdreg $0xFFFFFFFF;
	(pc) =	sbr.abs _section_cstart, $3  }
0xcb: {  	[dreg:$0x1] =	wrdreg $0xFFFFFFFF  }
0xcc: {  	_ =	task.clear_ibuf [dreg:s8], $0x2FFFF;
	_ =	strace $0x9FFFFFFF  }
0xcd: {  	(tm) =	ssettm $0x7FFFFFFF  }
tec
execute0_lowered:
.L_overlay_start_1:
0x0: {  	(tag) =	ssettag $0x1  }
0x1: {  	s0 =	rddreg [dreg:$0x0]  }
0x2: {  	s1 =	rddreg [dreg:$0x3]  }
0x3: {  	s2 =	rddreg [dreg:$0x4]  }
0x4: {  	s3 =	rddreg [dreg:$0x5]  }
0x5: {  	s5 =	simm.s32 $0x0;
	s4 =	srdreg.scid;
	s11 =	stileid.u32  }
0x6: {  	[smem:$0x7FF] =	sst s5;
	s4 =	sand.u32 $0x1, s4;
	s5 =	sshrl.u32 s11, $0x3  }
0x7: {  	s7 =	sand.u32 $0x7, s11;
	s10 =	sshll.u32 s11, $0x7;
	s11 =	sshll.u32 s11, $0xB  }
0x8: {  	s6 =	sshll.u32 s4, $0x1;
	s4 =	ssub.s32 $0x2, s4;
	s8 =	smul.u32 $0x17A00, s7  }
0x9: {  	s22 =	sor.u32 s10, s11;
	s25 =	sadd.s32 s10, s1;
	s30 =	sshll.u32 s5, $0xE  }
0xa: {  	s19 =	sshll.u32 s5, $0xA;
	p0 =	sne.s32 s7, $0x0;
	s6 =	sor.u32 s5, s6  }
0xb: {  	s12 =	sshrl.u32 s4, $0x1;
	s24 =	sand.u32 $0x4380, s22;
	[dreg:$0x9] =	wrdreg s25  }
0xc: {  	s20 =	sor.u32 $0x80, s30;
	s21 =	sor.u32 $0x100, s30;
	s22 =	sor.u32 $0x180, s30  }
0xd: {  	s25 =	sor.u32 $0x280, s30;
	s9 =	sshll.u32 s6, $0x7;
	s11 =	ssub.s32 s4, s12  }
0xe: {  	s26 =	sadd.s32 s24, s2;
	s29 =	sadd.s32 s24, s3;
	s10 =	sadd.s32 s20, s3  }
0xf: {  	s12 =	sadd.s32 s21, s2;
	s13 =	sadd.s32 s21, s3;
	s14 =	sadd.s32 s22, s2  }
0x10: {  	s15 =	sadd.s32 s25, s2;
	s16 =	sadd.s32 s25, s3;
	s25 =	rddreg [dreg:$0x2]  }
0x11: {  	s22 =	sadd.s32 s22, s3;
	s4 =	smul.u32 $0x410, s5;
	[dreg:$0xa] =	wrdreg s26  }
0x12: {  	s8 =	sor.u32 s8, s9;
	[dreg:$0xb] =	wrdreg s29;
	s9 =	sadd.s32 s20, s2  }
0x13: {  	s26 =	sor.u32 $0x300, s30;
	s20 =	sadd.s32 s30, s3;
	s23 =	sshrl.u32 s8, $0x3  }
0x14: {  	s8 =	sadd.s32 s19, s1;
	s17 =	sadd.s32 s26, s2;
	s18 =	sadd.s32 s26, s3  }
0x15: {  	s19 =	sadd.s32 s30, s2;
	s1 =	rddreg [dreg:$0x1];
	s26 =	sshll.u32 s6, $0x4  }
0x16: {  	s0 =	sadd.s32 s0, s23;
	s23 =	sor.u32 $0x200, s30;
	s28 =	sadd.s32 $0x1000, s1  }
0x17: {  	[dreg:$0x8] =	wrdreg s0;
	s24 =	sadd.s32 s23, s2;
	s0 =	sor.u32 $0x380, s30  }
0x18: {  	s29 =	sadd.s32 s23, s3;
	s30 =	smul.u32 $0x7D, s6;
	s21 =	sadd.s32 s0, s2  }
0x19: {  	s23 =	sadd.s32 s0, s3;
	s2 =	sadd.s32 s26, s1;
	s26 =	sadd.s32 $0x350E00, s1  }
0x1a: {  	s1 =	smul.u32 $0x2F400, s6;
	s3 =	sshll.u32 s6, $0xA;
	s0 =	sadd.s32 s25, s30  }
0x1b: {  	s30 =	smul.u32 $0x1040, s5;
	[dreg:$0x15] =	wrdreg s0;
	s0 =	simm.s32 @!p0 $0x0  }
0x1c: {  	s25 =	rddreg [dreg:$0x6];
	s5 =	sadd.s32 $0xE00, s2;
	s0 =	simm.s32 @p0 $0x1  }
0x1d: {  	[smem:$0x70D] =	sst s0;
	s0 =	smul.u32 $0x5E80, s7;
	s7 =	sshrl.u32 s30, $0x2  }
0x1e: {  	s30 =	smax.u32 s11, $0x1;
	_ =	strace $0x80000047;
	[dreg:$0x16] =	wrdreg s5  }
0x1f: {  	s2 =	smul.u32 $0x5400, s6;
	s6 =	sadd.s32 $0x80, s8;
	[dreg:$0x18] =	wrdreg s30  }
0x20: {  	s11 =	sadd.s32 $0x180, s8;
	[dreg:$0x19] =	wrdreg s6  }
0x21: {  	[dreg:$0x1b] =	wrdreg s11  }
0x22: {  	[dreg:$0xc] =	wrdreg s8  }
0x23: {  	[dreg:$0xd] =	wrdreg s9  }
0x24: {  	[dreg:$0xe] =	wrdreg s10  }
0x25: {  	[dreg:$0xf] =	wrdreg s12  }
0x26: {  	[dreg:$0x10] =	wrdreg s13  }
0x27: {  	[dreg:$0x11] =	wrdreg s14  }
0x28: {  	[dreg:$0x12] =	wrdreg s22  }
0x29: {  	[dreg:$0x13] =	wrdreg s24  }
0x2a: {  	s5 =	sadd.s32 s7, s25;
	[dreg:$0x14] =	wrdreg s29  }
0x2b: {  	s7 =	sadd.s32 $0x100, s8;
	[dreg:$0x17] =	wrdreg s5  }
0x2c: {  	s30 =	sadd.s32 $0x200, s8;
	[dreg:$0x1a] =	wrdreg s7  }
0x2d: {  	s6 =	sadd.s32 $0x280, s8;
	[dreg:$0x1c] =	wrdreg s30  }
0x2e: {  	s11 =	sadd.s32 $0x400, s19;
	[dreg:$0x1d] =	wrdreg s6  }
0x2f: {  	s7 =	sadd.s32 $0x300, s8;
	[smem:$0x70E] =	sst s11  }
0x30: {  	s8 =	sadd.s32 $0x380, s8;
	[dreg:$0x1e] =	wrdreg s7  }
0x31: {  	s30 =	sadd.s32 $0x800, s19;
	[dreg:$0x1f] =	wrdreg s8  }
0x32: {  	s11 =	sadd.s32 $0x1400, s19;
	[smem:$0x70F] =	sst s30  }
0x33: {  	s7 =	sadd.s32 $0xC00, s19;
	[smem:$0x712] =	sst s11  }
0x34: {  	s8 =	sadd.s32 $0x1000, s19;
	[smem:$0x710] =	sst s7  }
0x35: {  	s30 =	sadd.s32 $0x1800, s19;
	[smem:$0x711] =	sst s8  }
0x36: {  	s11 =	sadd.s32 $0x2400, s19;
	[smem:$0x713] =	sst s30  }
0x37: {  	s7 =	sadd.s32 $0x1C00, s19;
	[smem:$0x716] =	sst s11  }
0x38: {  	s8 =	sadd.s32 $0x2000, s19;
	[smem:$0x714] =	sst s7  }
0x39: {  	s30 =	sadd.s32 $0x2800, s19;
	[smem:$0x715] =	sst s8  }
0x3a: {  	s11 =	sadd.s32 $0x3400, s19;
	[smem:$0x717] =	sst s30  }
0x3b: {  	s7 =	sadd.s32 $0x2C00, s19;
	[smem:$0x71A] =	sst s11  }
0x3c: {  	s8 =	sadd.s32 $0x3000, s19;
	[smem:$0x718] =	sst s7  }
0x3d: {  	s30 =	sadd.s32 $0x3800, s19;
	[smem:$0x719] =	sst s8  }
0x3e: {  	s11 =	sadd.s32 $0x800, s20;
	[smem:$0x71B] =	sst s30  }
0x3f: {  	s7 =	sadd.s32 $0x3C00, s19;
	[smem:$0x71E] =	sst s11  }
0x40: {  	s8 =	sadd.s32 $0x400, s20;
	[smem:$0x71C] =	sst s7  }
0x41: {  	s30 =	sadd.s32 $0xC00, s20;
	[smem:$0x71D] =	sst s8  }
0x42: {  	s11 =	sadd.s32 $0x1800, s20;
	[smem:$0x71F] =	sst s30  }
0x43: {  	s7 =	sadd.s32 $0x1000, s20;
	[smem:$0x722] =	sst s11  }
0x44: {  	s8 =	sadd.s32 $0x1400, s20;
	[smem:$0x720] =	sst s7  }
0x45: {  	s30 =	sadd.s32 $0x1C00, s20;
	[smem:$0x721] =	sst s8  }
0x46: {  	s11 =	sadd.s32 $0x2800, s20;
	[smem:$0x723] =	sst s30  }
0x47: {  	s7 =	sadd.s32 $0x2000, s20;
	[smem:$0x726] =	sst s11  }
0x48: {  	s8 =	sadd.s32 $0x2400, s20;
	[smem:$0x724] =	sst s7  }
0x49: {  	s30 =	sadd.s32 $0x2C00, s20;
	[smem:$0x725] =	sst s8  }
0x4a: {  	s11 =	sadd.s32 $0x3800, s20;
	[smem:$0x727] =	sst s30  }
0x4b: {  	s7 =	sadd.s32 $0x3000, s20;
	[smem:$0x72A] =	sst s11  }
0x4c: {  	s8 =	sadd.s32 $0x3400, s20;
	[smem:$0x728] =	sst s7  }
0x4d: {  	s30 =	sadd.s32 $0x3C00, s20;
	[smem:$0x729] =	sst s8  }
0x4e: {  	s11 =	sadd.s32 $0xC00, s9;
	[smem:$0x72B] =	sst s30  }
0x4f: {  	s7 =	sadd.s32 $0x400, s9;
	[smem:$0x72E] =	sst s11  }
0x50: {  	s8 =	sadd.s32 $0x800, s9;
	[smem:$0x72C] =	sst s7  }
0x51: {  	s30 =	sadd.s32 $0x1000, s9;
	[smem:$0x72D] =	sst s8  }
0x52: {  	s11 =	sadd.s32 $0x1C00, s9;
	[smem:$0x72F] =	sst s30  }
0x53: {  	s7 =	sadd.s32 $0x1400, s9;
	[smem:$0x732] =	sst s11  }
0x54: {  	s8 =	sadd.s32 $0x1800, s9;
	[smem:$0x730] =	sst s7  }
0x55: {  	s30 =	sadd.s32 $0x2000, s9;
	[smem:$0x731] =	sst s8  }
0x56: {  	s11 =	sadd.s32 $0x2C00, s9;
	[smem:$0x733] =	sst s30  }
0x57: {  	s7 =	sadd.s32 $0x2400, s9;
	[smem:$0x736] =	sst s11  }
0x58: {  	s8 =	sadd.s32 $0x2800, s9;
	[smem:$0x734] =	sst s7  }
0x59: {  	s30 =	sadd.s32 $0x3000, s9;
	[smem:$0x735] =	sst s8  }
0x5a: {  	s11 =	sadd.s32 $0x400, s10;
	[smem:$0x737] =	sst s30  }
0x5b: {  	s7 =	sadd.s32 $0x3400, s9;
	[smem:$0x73B] =	sst s11  }
0x5c: {  	s8 =	sadd.s32 $0x3800, s9;
	[smem:$0x738] =	sst s7  }
0x5d: {  	s9 =	sadd.s32 $0x3C00, s9;
	[smem:$0x739] =	sst s8  }
0x5e: {  	s30 =	sadd.s32 $0x800, s10;
	[smem:$0x73A] =	sst s9  }
0x5f: {  	s11 =	sadd.s32 $0x1800, s10;
	[smem:$0x73C] =	sst s30  }
0x60: {  	s7 =	sadd.s32 $0xC00, s10;
	[smem:$0x740] =	sst s11  }
0x61: {  	s8 =	sadd.s32 $0x1000, s10;
	[smem:$0x73D] =	sst s7  }
0x62: {  	s9 =	sadd.s32 $0x1400, s10;
	[smem:$0x73E] =	sst s8  }
0x63: {  	s30 =	sadd.s32 $0x1C00, s10;
	[smem:$0x73F] =	sst s9  }
0x64: {  	s11 =	sadd.s32 $0x2C00, s10;
	[smem:$0x741] =	sst s30  }
0x65: {  	s7 =	sadd.s32 $0x2000, s10;
	[smem:$0x745] =	sst s11  }
0x66: {  	s8 =	sadd.s32 $0x2400, s10;
	[smem:$0x742] =	sst s7  }
0x67: {  	s9 =	sadd.s32 $0x2800, s10;
	[smem:$0x743] =	sst s8  }
0x68: {  	s30 =	sadd.s32 $0x3000, s10;
	[smem:$0x744] =	sst s9  }
0x69: {  	s11 =	sadd.s32 $0x800, s12;
	[smem:$0x746] =	sst s30  }
0x6a: {  	s7 =	sadd.s32 $0x3400, s10;
	[smem:$0x74B] =	sst s11  }
0x6b: {  	s8 =	sadd.s32 $0x3800, s10;
	[smem:$0x747] =	sst s7  }
0x6c: {  	s9 =	sadd.s32 $0x3C00, s10;
	[smem:$0x748] =	sst s8  }
0x6d: {  	s10 =	sadd.s32 $0x400, s12;
	[smem:$0x749] =	sst s9  }
0x6e: {  	s30 =	sadd.s32 $0xC00, s12;
	[smem:$0x74A] =	sst s10  }
0x6f: {  	s11 =	sadd.s32 $0x2000, s12;
	[smem:$0x74C] =	sst s30  }
0x70: {  	s7 =	sadd.s32 $0x1000, s12;
	[smem:$0x751] =	sst s11  }
0x71: {  	s8 =	sadd.s32 $0x1400, s12;
	[smem:$0x74D] =	sst s7  }
0x72: {  	s9 =	sadd.s32 $0x1800, s12;
	[smem:$0x74E] =	sst s8  }
0x73: {  	s10 =	sadd.s32 $0x1C00, s12;
	[smem:$0x74F] =	sst s9  }
0x74: {  	s30 =	sadd.s32 $0x2400, s12;
	[smem:$0x750] =	sst s10  }
0x75: {  	s11 =	sadd.s32 $0x3800, s12;
	[smem:$0x752] =	sst s30  }
0x76: {  	s7 =	sadd.s32 $0x2800, s12;
	[smem:$0x757] =	sst s11  }
0x77: {  	s8 =	sadd.s32 $0x2C00, s12;
	[smem:$0x753] =	sst s7  }
0x78: {  	s9 =	sadd.s32 $0x3000, s12;
	[smem:$0x754] =	sst s8  }
0x79: {  	s10 =	sadd.s32 $0x3400, s12;
	[smem:$0x755] =	sst s9  }
0x7a: {  	s30 =	sadd.s32 $0x3C00, s12;
	[smem:$0x756] =	sst s10  }
0x7b: {  	s11 =	sadd.s32 $0x1400, s13;
	[smem:$0x758] =	sst s30  }
0x7c: {  	s12 =	sadd.s32 $0x1800, s13;
	[smem:$0x75D] =	sst s11  }
0x7d: {  	s7 =	sadd.s32 $0x400, s13;
	[smem:$0x75E] =	sst s12  }
0x7e: {  	s8 =	sadd.s32 $0x800, s13;
	[smem:$0x759] =	sst s7  }
0x7f: {  	s9 =	sadd.s32 $0xC00, s13;
	[smem:$0x75A] =	sst s8  }
0x80: {  	s10 =	sadd.s32 $0x1000, s13;
	[smem:$0x75B] =	sst s9  }
0x81: {  	s30 =	sadd.s32 $0x1C00, s13;
	[smem:$0x75C] =	sst s10  }
0x82: {  	s11 =	sadd.s32 $0x3000, s13;
	[smem:$0x75F] =	sst s30  }
0x83: {  	s12 =	sadd.s32 $0x3400, s13;
	[smem:$0x764] =	sst s11  }
0x84: {  	s7 =	sadd.s32 $0x2000, s13;
	[smem:$0x765] =	sst s12  }
0x85: {  	s8 =	sadd.s32 $0x2400, s13;
	[smem:$0x760] =	sst s7  }
0x86: {  	s9 =	sadd.s32 $0x2800, s13;
	[smem:$0x761] =	sst s8  }
0x87: {  	s10 =	sadd.s32 $0x2C00, s13;
	[smem:$0x762] =	sst s9  }
0x88: {  	s30 =	sadd.s32 $0x3800, s13;
	[smem:$0x763] =	sst s10  }
0x89: {  	s11 =	sadd.s32 $0x1000, s14;
	[smem:$0x766] =	sst s30  }
0x8a: {  	s12 =	sadd.s32 $0x1400, s14;
	[smem:$0x76B] =	sst s11  }
0x8b: {  	s7 =	sadd.s32 $0x3C00, s13;
	[smem:$0x76C] =	sst s12  }
0x8c: {  	s8 =	sadd.s32 $0x400, s14;
	[smem:$0x767] =	sst s7  }
0x8d: {  	s9 =	sadd.s32 $0x800, s14;
	[smem:$0x768] =	sst s8  }
0x8e: {  	s10 =	sadd.s32 $0xC00, s14;
	[smem:$0x769] =	sst s9  }
0x8f: {  	s13 =	sadd.s32 $0x1800, s14;
	[smem:$0x76A] =	sst s10  }
0x90: {  	s30 =	sadd.s32 $0x1C00, s14;
	[smem:$0x76D] =	sst s13  }
0x91: {  	s11 =	sadd.s32 $0x3000, s14;
	[smem:$0x76E] =	sst s30  }
0x92: {  	s12 =	sadd.s32 $0x3400, s14;
	[smem:$0x773] =	sst s11  }
0x93: {  	s7 =	sadd.s32 $0x2000, s14;
	[smem:$0x774] =	sst s12  }
0x94: {  	s8 =	sadd.s32 $0x2400, s14;
	[smem:$0x76F] =	sst s7  }
0x95: {  	s9 =	sadd.s32 $0x2800, s14;
	[smem:$0x770] =	sst s8  }
0x96: {  	s10 =	sadd.s32 $0x2C00, s14;
	[smem:$0x771] =	sst s9  }
0x97: {  	s13 =	sadd.s32 $0x3800, s14;
	[smem:$0x772] =	sst s10  }
0x98: {  	s30 =	sadd.s32 $0x3C00, s14;
	[smem:$0x775] =	sst s13  }
0x99: {  	s11 =	sadd.s32 $0x1400, s22;
	[smem:$0x776] =	sst s30  }
0x9a: {  	s12 =	sadd.s32 $0x1800, s22;
	[smem:$0x77B] =	sst s11  }
0x9b: {  	s14 =	sadd.s32 $0x2000, s22;
	[smem:$0x77C] =	sst s12  }
0x9c: {  	s7 =	sadd.s32 $0x400, s22;
	[smem:$0x77E] =	sst s14  }
0x9d: {  	s8 =	sadd.s32 $0x800, s22;
	[smem:$0x777] =	sst s7  }
0x9e: {  	s9 =	sadd.s32 $0xC00, s22;
	[smem:$0x778] =	sst s8  }
0x9f: {  	s10 =	sadd.s32 $0x1000, s22;
	[smem:$0x779] =	sst s9  }
0xa0: {  	s13 =	sadd.s32 $0x1C00, s22;
	[smem:$0x77A] =	sst s10  }
0xa1: {  	s30 =	sadd.s32 $0x2400, s22;
	[smem:$0x77D] =	sst s13  }
0xa2: {  	s11 =	sadd.s32 $0x3800, s22;
	[smem:$0x77F] =	sst s30  }
0xa3: {  	s12 =	sadd.s32 $0x3C00, s22;
	[smem:$0x784] =	sst s11  }
0xa4: {  	s14 =	sadd.s32 $0x800, s24;
	[smem:$0x785] =	sst s12  }
0xa5: {  	s7 =	sadd.s32 $0x2800, s22;
	[smem:$0x787] =	sst s14  }
0xa6: {  	s8 =	sadd.s32 $0x2C00, s22;
	[smem:$0x780] =	sst s7  }
0xa7: {  	s9 =	sadd.s32 $0x3000, s22;
	[smem:$0x781] =	sst s8  }
0xa8: {  	s10 =	sadd.s32 $0x3400, s22;
	[smem:$0x782] =	sst s9  }
0xa9: {  	s13 =	sadd.s32 $0x400, s24;
	[smem:$0x783] =	sst s10  }
0xaa: {  	s22 =	sadd.s32 $0xC00, s24;
	[smem:$0x786] =	sst s13  }
0xab: {  	s30 =	sadd.s32 $0x1000, s24;
	[smem:$0x788] =	sst s22  }
0xac: {  	s11 =	sadd.s32 $0x2400, s24;
	[smem:$0x789] =	sst s30  }
0xad: {  	s12 =	sadd.s32 $0x2800, s24;
	[smem:$0x78E] =	sst s11  }
0xae: {  	s14 =	sadd.s32 $0x3000, s24;
	[smem:$0x78F] =	sst s12  }
0xaf: {  	s7 =	sadd.s32 $0x1400, s24;
	[smem:$0x791] =	sst s14  }
0xb0: {  	s8 =	sadd.s32 $0x1800, s24;
	[smem:$0x78A] =	sst s7  }
0xb1: {  	s9 =	sadd.s32 $0x1C00, s24;
	[smem:$0x78B] =	sst s8  }
0xb2: {  	s10 =	sadd.s32 $0x2000, s24;
	[smem:$0x78C] =	sst s9  }
0xb3: {  	s13 =	sadd.s32 $0x2C00, s24;
	[smem:$0x78D] =	sst s10  }
0xb4: {  	s22 =	sadd.s32 $0x3400, s24;
	[smem:$0x790] =	sst s13  }
0xb5: {  	s30 =	sadd.s32 $0x3800, s24;
	[smem:$0x792] =	sst s22  }
0xb6: {  	s11 =	sadd.s32 $0x1000, s29;
	[smem:$0x793] =	sst s30  }
0xb7: {  	s12 =	sadd.s32 $0x1400, s29;
	[smem:$0x798] =	sst s11  }
0xb8: {  	s14 =	sadd.s32 $0x1C00, s29;
	[smem:$0x799] =	sst s12  }
0xb9: {  	s7 =	sadd.s32 $0x3C00, s24;
	[smem:$0x79B] =	sst s14  }
0xba: {  	s8 =	sadd.s32 $0x400, s29;
	[smem:$0x794] =	sst s7  }
0xbb: {  	s9 =	sadd.s32 $0x800, s29;
	[smem:$0x795] =	sst s8  }
0xbc: {  	s10 =	sadd.s32 $0xC00, s29;
	[smem:$0x796] =	sst s9  }
0xbd: {  	s13 =	sadd.s32 $0x1800, s29;
	[smem:$0x797] =	sst s10  }
0xbe: {  	s22 =	sadd.s32 $0x2000, s29;
	[smem:$0x79A] =	sst s13  }
0xbf: {  	s24 =	sadd.s32 $0x2400, s29;
	[smem:$0x79C] =	sst s22  }
0xc0: {  	s30 =	sadd.s32 $0x2800, s29;
	[smem:$0x79D] =	sst s24  }
0xc1: {  	s11 =	sadd.s32 $0x3C00, s29;
	[smem:$0x79E] =	sst s30  }
0xc2: {  	s12 =	sadd.s32 $0x400, s15;
	[smem:$0x7A3] =	sst s11  }
0xc3: {  	s14 =	sadd.s32 $0xC00, s15;
	[smem:$0x7A4] =	sst s12  }
0xc4: {  	s7 =	sadd.s32 $0x2C00, s29;
	[smem:$0x7A6] =	sst s14  }
0xc5: {  	s8 =	sadd.s32 $0x3000, s29;
	[smem:$0x79F] =	sst s7  }
0xc6: {  	s9 =	sadd.s32 $0x3400, s29;
	[smem:$0x7A0] =	sst s8  }
0xc7: {  	s10 =	sadd.s32 $0x3800, s29;
	[smem:$0x7A1] =	sst s9  }
0xc8: {  	s13 =	sadd.s32 $0x800, s15;
	[smem:$0x7A2] =	sst s10  }
0xc9: {  	s22 =	sadd.s32 $0x1000, s15;
	[smem:$0x7A5] =	sst s13  }
0xca: {  	s24 =	sadd.s32 $0x1400, s15;
	[smem:$0x7A7] =	sst s22  }
0xcb: {  	s29 =	sadd.s32 $0x1800, s15;
	[smem:$0x7A8] =	sst s24  }
0xcc: {  	s30 =	sadd.s32 $0x1C00, s15;
	[smem:$0x7A9] =	sst s29  }
0xcd: {  	s11 =	sadd.s32 $0x3000, s15;
	[smem:$0x7AA] =	sst s30  }
0xce: {  	s12 =	sadd.s32 $0x3400, s15;
	[smem:$0x7AF] =	sst s11  }
0xcf: {  	s14 =	sadd.s32 $0x3C00, s15;
	[smem:$0x7B0] =	sst s12  }
0xd0: {  	s7 =	sadd.s32 $0x2000, s15;
	[smem:$0x7B2] =	sst s14  }
0xd1: {  	s8 =	sadd.s32 $0x2400, s15;
	[smem:$0x7AB] =	sst s7  }
0xd2: {  	s9 =	sadd.s32 $0x2800, s15;
	[smem:$0x7AC] =	sst s8  }
0xd3: {  	s10 =	sadd.s32 $0x2C00, s15;
	[smem:$0x7AD] =	sst s9  }
0xd4: {  	s13 =	sadd.s32 $0x3800, s15;
	[smem:$0x7AE] =	sst s10  }
0xd5: {  	s22 =	sadd.s32 $0x400, s16;
	[smem:$0x7B1] =	sst s13  }
0xd6: {  	s24 =	sadd.s32 $0x800, s16;
	[smem:$0x7B3] =	sst s22  }
0xd7: {  	s29 =	sadd.s32 $0xC00, s16;
	[smem:$0x7B4] =	sst s24  }
0xd8: {  	s30 =	sadd.s32 $0x1000, s16;
	[smem:$0x7B5] =	sst s29  }
0xd9: {  	s11 =	sadd.s32 $0x2400, s16;
	[smem:$0x7B6] =	sst s30  }
0xda: {  	s12 =	sadd.s32 $0x2800, s16;
	[smem:$0x7BB] =	sst s11  }
0xdb: {  	s14 =	sadd.s32 $0x3000, s16;
	[smem:$0x7BC] =	sst s12  }
0xdc: {  	s7 =	sadd.s32 $0x1400, s16;
	[smem:$0x7BE] =	sst s14  }
0xdd: {  	s8 =	sadd.s32 $0x1800, s16;
	[smem:$0x7B7] =	sst s7  }
0xde: {  	s9 =	sadd.s32 $0x1C00, s16;
	[smem:$0x7B8] =	sst s8  }
0xdf: {  	s10 =	sadd.s32 $0x2000, s16;
	[smem:$0x7B9] =	sst s9  }
0xe0: {  	s13 =	sadd.s32 $0x2C00, s16;
	[smem:$0x7BA] =	sst s10  }
0xe1: {  	s22 =	sadd.s32 $0x3400, s16;
	[smem:$0x7BD] =	sst s13  }
0xe2: {  	s24 =	sadd.s32 $0x3800, s16;
	[smem:$0x7BF] =	sst s22  }
0xe3: {  	s29 =	sadd.s32 $0x3C00, s16;
	[smem:$0x7C0] =	sst s24  }
0xe4: {  	s30 =	sadd.s32 $0x400, s17;
	[smem:$0x7C1] =	sst s29  }
0xe5: {  	s11 =	sadd.s32 $0x1800, s17;
	[smem:$0x7C2] =	sst s30  }
0xe6: {  	s12 =	sadd.s32 $0x1C00, s17;
	[smem:$0x7C7] =	sst s11  }
0xe7: {  	s14 =	sadd.s32 $0x2400, s17;
	[smem:$0x7C8] =	sst s12  }
0xe8: {  	s7 =	sadd.s32 $0x800, s17;
	[smem:$0x7CA] =	sst s14  }
0xe9: {  	s8 =	sadd.s32 $0xC00, s17;
	[smem:$0x7C3] =	sst s7  }
0xea: {  	s9 =	sadd.s32 $0x1000, s17;
	[smem:$0x7C4] =	sst s8  }
0xeb: {  	s10 =	sadd.s32 $0x1400, s17;
	[smem:$0x7C5] =	sst s9  }
0xec: {  	s13 =	sadd.s32 $0x2000, s17;
	[smem:$0x7C6] =	sst s10  }
0xed: {  	s22 =	sadd.s32 $0x2800, s17;
	[smem:$0x7C9] =	sst s13  }
0xee: {  	s24 =	sadd.s32 $0x2C00, s17;
	[smem:$0x7CB] =	sst s22  }
0xef: {  	s29 =	sadd.s32 $0x3000, s17;
	[smem:$0x7CC] =	sst s24  }
0xf0: {  	s30 =	sadd.s32 $0x3400, s17;
	[smem:$0x7CD] =	sst s29  }
0xf1: {  	s11 =	sadd.s32 $0xC00, s18;
	[smem:$0x7CE] =	sst s30  }
0xf2: {  	s12 =	sadd.s32 $0x1000, s18;
	[smem:$0x7D3] =	sst s11  }
0xf3: {  	s14 =	sadd.s32 $0x1800, s18;
	[smem:$0x7D4] =	sst s12  }
0xf4: {  	s7 =	sadd.s32 $0x3800, s17;
	[smem:$0x7D6] =	sst s14  }
0xf5: {  	s8 =	sadd.s32 $0x3C00, s17;
	[smem:$0x7CF] =	sst s7  }
0xf6: {  	s9 =	sadd.s32 $0x400, s18;
	[smem:$0x7D0] =	sst s8  }
0xf7: {  	s10 =	sadd.s32 $0x800, s18;
	[smem:$0x7D1] =	sst s9  }
0xf8: {  	s13 =	sadd.s32 $0x1400, s18;
	[smem:$0x7D2] =	sst s10  }
0xf9: {  	s22 =	sadd.s32 $0x1C00, s18;
	[smem:$0x7D5] =	sst s13  }
0xfa: {  	s24 =	sadd.s32 $0x2000, s18;
	[smem:$0x7D7] =	sst s22  }
0xfb: {  	s29 =	sadd.s32 $0x2400, s18;
	[smem:$0x7D8] =	sst s24  }
0xfc: {  	s30 =	sadd.s32 $0x2800, s18;
	[smem:$0x7D9] =	sst s29  }
0xfd: {  	s11 =	sadd.s32 $0x3C00, s18;
	[smem:$0x7DA] =	sst s30  }
0xfe: {  	s12 =	sadd.s32 $0x400, s21;
	[smem:$0x7DF] =	sst s11  }
0xff: {  	s14 =	sadd.s32 $0xC00, s21;
	[smem:$0x7E0] =	sst s12  }
0x100: {  	s7 =	sadd.s32 $0x2C00, s18;
	[smem:$0x7E2] =	sst s14  }
0x101: {  	s8 =	sadd.s32 $0x3000, s18;
	[smem:$0x7DB] =	sst s7  }
0x102: {  	s9 =	sadd.s32 $0x3400, s18;
	[smem:$0x7DC] =	sst s8  }
0x103: {  	s10 =	sadd.s32 $0x3800, s18;
	[smem:$0x7DD] =	sst s9  }
0x104: {  	s13 =	sadd.s32 $0x800, s21;
	[smem:$0x7DE] =	sst s10  }
0x105: {  	s22 =	sadd.s32 $0x1000, s21;
	[smem:$0x7E1] =	sst s13  }
0x106: {  	s24 =	sadd.s32 $0x1400, s21;
	[smem:$0x7E3] =	sst s22  }
0x107: {  	s29 =	sadd.s32 $0x1800, s21;
	[smem:$0x7E4] =	sst s24  }
0x108: {  	s30 =	sadd.s32 $0x1C00, s21;
	[smem:$0x7E5] =	sst s29  }
0x109: {  	s11 =	sadd.s32 $0x3000, s21;
	[smem:$0x7E6] =	sst s30  }
0x10a: {  	s12 =	sadd.s32 $0x3400, s21;
	[smem:$0x7EB] =	sst s11  }
0x10b: {  	s14 =	sadd.s32 $0x3C00, s21;
	[smem:$0x7EC] =	sst s12  }
0x10c: {  	s7 =	sadd.s32 $0x2000, s21;
	[smem:$0x7EE] =	sst s14  }
0x10d: {  	s8 =	sadd.s32 $0x2400, s21;
	[smem:$0x7E7] =	sst s7  }
0x10e: {  	s9 =	sadd.s32 $0x2800, s21;
	[smem:$0x7E8] =	sst s8  }
0x10f: {  	s10 =	sadd.s32 $0x2C00, s21;
	[smem:$0x7E9] =	sst s9  }
0x110: {  	s13 =	sadd.s32 $0x3800, s21;
	[smem:$0x7EA] =	sst s10  }
0x111: {  	s22 =	sadd.s32 $0x400, s23;
	[smem:$0x7ED] =	sst s13  }
0x112: {  	s24 =	sadd.s32 $0x800, s23;
	[smem:$0x7EF] =	sst s22  }
0x113: {  	s29 =	sadd.s32 $0xC00, s23;
	[smem:$0x7F0] =	sst s24  }
0x114: {  	s30 =	sadd.s32 $0x1000, s23;
	[smem:$0x7F1] =	sst s29  }
0x115: {  	s11 =	sadd.s32 $0x2400, s23;
	[smem:$0x7F2] =	sst s30  }
0x116: {  	s12 =	sadd.s32 $0x3C00, s23;
	[smem:$0x7F7] =	sst s11  }
0x117: {  	s14 =	sadd.s32 $0x3400, s23;
	[smem:$0x7F8] =	sst s12  }
0x118: {  	s7 =	sadd.s32 $0x1400, s23;
	[smem:$0x7FA] =	sst s14  }
0x119: {  	s8 =	sadd.s32 $0x1800, s23;
	[smem:$0x7F3] =	sst s7  }
0x11a: {  	s9 =	sadd.s32 $0x1C00, s23;
	[smem:$0x7F4] =	sst s8  }
0x11b: {  	s10 =	sadd.s32 $0x2000, s23;
	[smem:$0x7F5] =	sst s9  }
.Ltmp0:
0x11c: {  	s13 =	sadd.s32 $0x3800, s23;
	[smem:$0x7F6] =	sst s10;
	(pc) =	sbr.rel .LBB2_1-.Ltmp0, $4  }
0x11d: {  	v0 =	vlaneseq.u32;
	s24 =	sadd.s32 $0x3000, s23;
	[smem:$0x7F9] =	sst s13  }
0x11e: {  	s31 =	simm.s32 $0x2;
	v7 =	vimm.s32 $0xFFFFFFFF;
	vm0 =	vcmask $0x300;
	v8 =	vimm.s32 $0x0;
	s29 =	sadd.s32 $0x2C00, s23;
	[smem:$0x7FB] =	sst s24  }
0x11f: {  	v2 =	vmov s4;
	v6 =	vmov s3;
	v4 =	vmov s1;
	s5 =	sadd.s32 $0x400, s4;
	s30 =	sadd.s32 $0x2800, s23;
	[smem:$0x7FC] =	sst s29  }
0x120: {  	v5 =	vmov s2;
	v1 =	vor.u32 s0, v0;
	v3 =	vor.u32 s5, v0;
	s22 =	simm.s32 $0x80;
	[smem:$0x7FD] =	sst s30;
	s24 =	simm.s32 $0x0  }
.LBB2_65:
0x121: {  	[bflag:$0x0] =	sbarrier.arrive $0xFFFF  }
0x122: {  	s0 =	sld [smem:$0x70D];
	_ =	sdelay $0x2  }
0x123: {  	p1 =	seq.s32 s0, $0x1  }
0x124: {  	s1 =	rddreg [dreg:$0x17];
	s0 =	simm.s32 @!p1 $0x10480  }
0x125: {  	[tilespmem:s0], [sflag:$0x2] =	stream.linear.gather @!p1 [spmem:s1], $0x3E8, $0x38;
	[tilespmem:$0x11918] =	vst v63  }
0x126: {  	s1 =	simm.s32 @!p1 $0x2  }
0x127: {  	_ =	swait.ge @!p1 [sflag:s1], $0x3E8  }
0x128: {  	[sflag:s1] =	ssyncset.done @!p1 $0x0  }
0x129: {  	s2 =	simm.s32 @!p1 $0x0;
	s3 =	rddreg [dreg:$0x15];
	[sflag:s1] =	ssyncadd.s32 @!p1 $0xFFFFFC18  }
0x12a: {  	[hbm4b:s3+s2] =	stream.linear.scatter @!p1 [tilespmem:s0], [sflag:$0x2], $0x3E8, $0x38;
	[tilespmem:$0x11918] =	vst v63  }
0x12b: {  	_ =	swait.ge @!p1 [sflag:s1], $0x3E8  }
0x12c: {  	s24 =	sadd.s32 $0x1, s24;
	s30 =	rddreg [dreg:$0x18]  }
0x12d: {  	p0 =	sne.s32 s24, s30  }
.Ltmp1:
0x12e: {  	_ = 	snop;
	(pc) =	sbr.rel @!p0 .LBB2_66-.Ltmp1, $3  }
0x12f: {  	_ =	sdelay $0x1  }
0x130: {  	[sflag:s1] =	ssyncset.done @!p1 $0x0  }
0x131: {  	[sflag:s1] =	ssyncadd.s32 @!p1 $0xFFFFFC18  }
.LBB2_1:
0x132: {  	s0 =	simm.s32 $0x0;
	s1 =	rddreg [dreg:$0x8];
	s2 =	simm.s32 $0x200  }
0x133: {  	[tilespmem:s0], [sflag:$0x2] =	stream.strided.gather [hbm4b:s1+s22], $0x5E80, s2, s22, $0x38;
	[tilespmem:$0x11918] =	vst v63  }
0x134: {  	_ =	swait.ge [sflag:s31], $0x5E80  }
0x135: {  	[sflag:s31] =	ssyncset.done $0x0  }
0x136: {  	s30 =	simm.s32 $0x10400;
	s29 =	rddreg [dreg:$0x16];
	[sflag:s31] =	ssyncadd.s32 $0xFFFFA180  }
0x137: {  	[tilespmem:s30], [sflag:$0x2] =	stream.linear.gather [hbm4b:s29+s0], $0x80, $0x38;
	[tilespmem:$0x11918] =	vst v63  }
0x138: {  	_ =	swait.ge [sflag:s31], $0x80  }
0x139: {  	[sflag:s31] =	ssyncset.done $0x0  }
0x13a: {  	[sflag:s31] =	ssyncadd.s32 $0xFFFFFF80  }
0x13b: {  	s1 =	simm.s32 $0x0;
	s0 =	simm.s32 $0x40;
	v9 =	vld [tilespmem:$0x10400]  }
.LBB2_2:
0x13c: {  	p0 =	sne.s32 s0, $0x2000;
	[tilespmem:s1+$0x5E80] =	vst v7;
	s2 =	smov.u32 s0;
	s0 =	sadd.s32 $0x40, s0  }
.Ltmp2:
0x13d: {  	[tilespmem:s1+$0x6700] =	vst v7;
	(pc) =	sbr.rel @p0 .LBB2_2-.Ltmp2, $2  }
0x13e: {  	_ =	sdelay $0x2  }
0x13f: {  	s1 =	sshra.s32 s2, $0x2  }
0x140: {  	[tilespmem:s1+$0x5E80] =	vst v7  }
0x141: {  	[tilespmem:s1+$0x6700] =	vst v7;
	s0 =	simm.s32 $0x0  }
0x142: {  	v10 =	vld [tilespmem:s0+$0x0];
	_ =	sdelay $0x2  }
0x143: {  	v9 =	vbroadcast v9, $0x0;
	_ =	sdelay $0x1  }
0x144: {  	vm1 =	vge.s32 v10, v9  }
0x145: {  	v11 =	vmpcnt.ones.xlane vm1;
	_ =	sdelay $0x1  }
0x146: {  	(v2sf) =	vpush v11, $0x0;
	_ =	sdelay $0x3  }
0x147: {  	p0 =	por $0x1, $0x1;
	s1 =	simm.s32 $0x0  }
0x148: {  	s1 =	simm.s32 @!p0 $0x7F0  }
0x149: {  	[tilespmem:s1+$0x5E80] =	vst.msk vm1, v10;
	v10 =	vadd.s32 s0, v1  }
0x14a: {  	s2 =	simm.s32 $0x10;
	[tilespmem:s1+$0x6700] =	vst.msk vm1, v10  }
0x14b: {  	s3 =	simm.s32 $0x10;
	s1 =	simm.s32 $0x20;
	v10 =	vld [tilespmem:s2+$0x0]  }
.LBB2_4:
0x14c: {  	p0 =	sne.s32 s1, $0x5E70;
	_ =	sdelay $0x3  }
0x14d: {  	vm1 =	vge.s32 v10, v9  }
0x14e: {  	v11 =	vmpcnt.ones.xlane vm1  }
0x14f: {  	s4 =	spop (v2sf)  }
0x150: {  	(v2sf) =	vpush v11, $0x0;
	s0 =	sadd.s32 s0, s4  }
0x151: {  	p1 =	slt.s32 s0, $0x7F0;
	s4 =	smov.u32 s0  }
0x152: {  	s4 =	simm.s32 @!p1 $0x7F0  }
0x153: {  	[tilespmem:s4+$0x5E80] =	vst.msk vm1, v10;
	v10 =	vadd.s32 s2, v1;
	s2 =	smov.u32 s1  }
.Ltmp3:
0x154: {  	[tilespmem:s4+$0x6700] =	vst.msk vm1, v10;
	(pc) =	sbr.rel @p0 .LBB2_4-.Ltmp3, $3  }
0x155: {  	_ =	sdelay $0x1  }
0x156: {  	s3 =	sadd.s32 $0x10, s3  }
0x157: {  	s1 =	sadd.s32 $0x10, s1;
	v10 =	vld [tilespmem:s3+$0x0]  }
0x158: {  	_ =	sdelay $0x3  }
0x159: {  	vm1 =	vge.s32 v10, v9  }
0x15a: {  	v9 =	vmpcnt.ones.xlane vm1;
	_ =	sdelay $0x1  }
0x15b: {  	(v2sf) =	vpush v9, $0x0;
	_ =	sdelay $0xd  }
0x15c: {  	s1 =	spop (v2sf)  }
0x15d: {  	s3 =	sadd.s32 s0, s1;
	s10 =	spop (v2sf)  }
0x15e: {  	s0 =	sadd.s32 s3, s10  }
0x15f: {  	p0 =	slt.s32 s3, $0x7F0;
	p1 =	slt.s32 s0, $0x800;
	s1 =	smov.u32 s0  }
0x160: {  	s3 =	simm.s32 @!p0 $0x7F0;
	s1 =	simm.s32 @!p1 $0x800  }
0x161: {  	v9 =	vadd.s32 s2, v1;
	[tilespmem:s3+$0x5E80] =	vst.msk vm1, v10;
	v10 =	vmov s1  }
0x162: {  	[tilespmem:s3+$0x6700] =	vst.msk vm1, v9;
	v9 =	vnsel vm0, $0x0, v10  }
0x163: {  	s11 =	rddreg [dreg:$0x9];
	s12 =	simm.s32 $0x10380;
	[tilespmem:$0x10380] =	vst v9  }
0x164: {  	[spmem:s11] =	stream.linear.scatter [tilespmem:s12], [sflag:$0x2], $0x80, $0x38;
	[tilespmem:$0x11918] =	vst v63  }
0x165: {  	_ =	swait.ge [sflag:s31], $0x80  }
0x166: {  	s14 =	simm.s32 $0x5E80;
	[sflag:s31] =	ssyncset.done $0x0  }
0x167: {  	s4 =	simm.s32 $0x400;
	s13 =	rddreg [dreg:$0xa];
	[sflag:s31] =	ssyncadd.s32 $0xFFFFFF80  }
0x168: {  	[spmem:s13] =	stream.strided.scatter [tilespmem:s14], [sflag:$0x2], $0x800, s4, s22, $0x38;
	[tilespmem:$0x11918] =	vst v63  }
0x169: {  	_ =	swait.ge [sflag:s31], $0x800  }
0x16a: {  	[sflag:s31] =	ssyncset.done $0x0  }
0x16b: {  	s30 =	simm.s32 $0x6700;
	s29 =	rddreg [dreg:$0xb];
	[sflag:s31] =	ssyncadd.s32 $0xFFFFF800  }
0x16c: {  	[spmem:s29] =	stream.strided.scatter [tilespmem:s30], [sflag:$0x2], $0x800, s4, s22, $0x38;
	[tilespmem:$0x11918] =	vst v63  }
0x16d: {  	_ =	swait.ge [sflag:s31], $0x800  }
0x16e: {  	[sflag:s31] =	ssyncset.done $0x0  }
0x16f: {  	[sflag:s31] =	ssyncadd.s32 $0xFFFFF800  }
0x170: {  	[bflag:$0x0] =	sbarrier.arrive $0xFFFF  }
0x171: {  	s4 =	simm.s32 $0x6F80;
	s5 =	sld [smem:$0x70E]  }
0x172: {  	[tilespmem:s4], [sflag:$0x2] =	stream.linear.gather [spmem:s19], $0x80, $0x38;
	[tilespmem:$0x11918] =	vst v63  }
0x173: {  	s6 =	simm.s32 $0x7380;
	s7 =	sld [smem:$0x70F]  }
0x174: {  	[tilespmem:s6], [sflag:$0x2] =	stream.linear.gather [spmem:s5], $0x80, $0x38;
	[tilespmem:$0x11918] =	vst v63  }
0x175: {  	s8 =	simm.s32 $0x7780;
	s9 =	sld [smem:$0x710]  }
0x176: {  	[tilespmem:s8], [sflag:$0x2] =	stream.linear.gather [spmem:s7], $0x80, $0x38;
	[tilespmem:$0x11918] =	vst v63  }
0x177: {  	s10 =	simm.s32 $0x7B80;
	s11 =	sld [smem:$0x711]  }
0x178: {  	[tilespmem:s10], [sflag:$0x2] =	stream.linear.gather [spmem:s9], $0x80, $0x38;
	[tilespmem:$0x11918] =	vst v63  }
0x179: {  	s12 =	simm.s32 $0x7F80;
	s13 =	sld [smem:$0x712]  }
0x17a: {  	[tilespmem:s12], [sflag:$0x2] =	stream.linear.gather [spmem:s11], $0x80, $0x38;
	[tilespmem:$0x11918] =	vst v63  }
0x17b: {  	s14 =	simm.s32 $0x8380;
	s29 =	sld [smem:$0x713]  }
0x17c: {  	[tilespmem:s14], [sflag:$0x2] =	stream.linear.gather [spmem:s13], $0x80, $0x38;
	[tilespmem:$0x11918] =	vst v63  }
0x17d: {  	s30 =	simm.s32 $0x8780;
	s3 =	sld [smem:$0x714]  }
0x17e: {  	[tilespmem:s30], [sflag:$0x2] =	stream.linear.gather [spmem:s29], $0x80, $0x38;
	[tilespmem:$0x11918] =	vst v63  }
0x17f: {  	s4 =	simm.s32 $0x8B80;
	s5 =	sld [smem:$0x715]  }
0x180: {  	[tilespmem:s4], [sflag:$0x2] =	stream.linear.gather [spmem:s3], $0x80, $0x38;
	[tilespmem:$0x11918] =	vst v63  }
0x181: {  	s6 =	simm.s32 $0x8F80;
	s7 =	sld [smem:$0x716]  }
0x182: {  	[tilespmem:s6], [sflag:$0x2] =	stream.linear.gather [spmem:s5], $0x80, $0x38;
	[tilespmem:$0x11918] =	vst v63  }
0x183: {  	s8 =	simm.s32 $0x9380;
	s9 =	sld [smem:$0x717]  }
0x184: {  	[tilespmem:s8], [sflag:$0x2] =	stream.linear.gather [spmem:s7], $0x80, $0x38;
	[tilespmem:$0x11918] =	vst v63  }
0x185: {  	s10 =	simm.s32 $0x9780;
	s11 =	sld [smem:$0x718]  }
0x186: {  	[tilespmem:s10], [sflag:$0x2] =	stream.linear.gather [spmem:s9], $0x80, $0x38;
	[tilespmem:$0x11918] =	vst v63  }
0x187: {  	s12 =	simm.s32 $0x9B80;
	s13 =	sld [smem:$0x719]  }
0x188: {  	[tilespmem:s12], [sflag:$0x2] =	stream.linear.gather [spmem:s11], $0x80, $0x38;
	[tilespmem:$0x11918] =	vst v63  }
0x189: {  	s14 =	simm.s32 $0x9F80;
	s29 =	sld [smem:$0x71A]  }
0x18a: {  	[tilespmem:s14], [sflag:$0x2] =	stream.linear.gather [spmem:s13], $0x80, $0x38;
	[tilespmem:$0x11918] =	vst v63  }
0x18b: {  	s30 =	simm.s32 $0xA380;
	s4 =	sld [smem:$0x71B]  }
0x18c: {  	[tilespmem:s30], [sflag:$0x2] =	stream.linear.gather [spmem:s29], $0x80, $0x38;
	[tilespmem:$0x11918] =	vst v63  }
0x18d: {  	s5 =	simm.s32 $0xA780;
	s6 =	sld [smem:$0x71C]  }
0x18e: {  	[tilespmem:s5], [sflag:$0x2] =	stream.linear.gather [spmem:s4], $0x80, $0x38;
	[tilespmem:$0x11918] =	vst v63  }
0x18f: {  	s7 =	simm.s32 $0xAB80  }
0x190: {  	[tilespmem:s7], [sflag:$0x2] =	stream.linear.gather [spmem:s6], $0x80, $0x38;
	[tilespmem:$0x11918] =	vst v63  }
0x191: {  	_ =	swait.ge [sflag:s31], $0x800  }
0x192: {  	[sflag:s31] =	ssyncset.done $0x0  }
0x193: {  	s8 =	simm.s32 $0xAF80;
	s9 =	sld [smem:$0x71D];
	[sflag:s31] =	ssyncadd.s32 $0xFFFFF800  }
0x194: {  	[tilespmem:s8], [sflag:$0x2] =	stream.linear.gather [spmem:s20], $0x80, $0x38;
	[tilespmem:$0x11918] =	vst v63  }
0x195: {  	s10 =	simm.s32 $0xB380;
	s11 =	sld [smem:$0x71E]  }
0x196: {  	[tilespmem:s10], [sflag:$0x2] =	stream.linear.gather [spmem:s9], $0x80, $0x38;
	[tilespmem:$0x11918] =	vst v63  }
0x197: {  	s12 =	simm.s32 $0xB780;
	s13 =	sld [smem:$0x71F]  }
0x198: {  	[tilespmem:s12], [sflag:$0x2] =	stream.linear.gather [spmem:s11], $0x80, $0x38;
	[tilespmem:$0x11918] =	vst v63  }
0x199: {  	s14 =	simm.s32 $0xBB80;
	s29 =	sld [smem:$0x720]  }
0x19a: {  	[tilespmem:s14], [sflag:$0x2] =	stream.linear.gather [spmem:s13], $0x80, $0x38;
	[tilespmem:$0x11918] =	vst v63  }
0x19b: {  	s30 =	simm.s32 $0xBF80;
	s3 =	sld [smem:$0x721]  }
0x19c: {  	[tilespmem:s30], [sflag:$0x2] =	stream.linear.gather [spmem:s29], $0x80, $0x38;
	[tilespmem:$0x11918] =	vst v63  }
0x19d: {  	s4 =	simm.s32 $0xC380;
	s5 =	sld [smem:$0x722]  }
0x19e: {  	[tilespmem:s4], [sflag:$0x2] =	stream.linear.gather [spmem:s3], $0x80, $0x38;
	[tilespmem:$0x11918] =	vst v63  }
0x19f: {  	s6 =	simm.s32 $0xC780;
	s7 =	sld [smem:$0x723]  }
0x1a0: {  	[tilespmem:s6], [sflag:$0x2] =	stream.linear.gather [spmem:s5], $0x80, $0x38;
	[tilespmem:$0x11918] =	vst v63  }
0x1a1: {  	s8 =	simm.s32 $0xCB80;
	s9 =	sld [smem:$0x724]  }
0x1a2: {  	[tilespmem:s8], [sflag:$0x2] =	stream.linear.gather [spmem:s7], $0x80, $0x38;
	[tilespmem:$0x11918] =	vst v63  }
0x1a3: {  	s10 =	simm.s32 $0xCF80;
	s11 =	sld [smem:$0x725]  }
0x1a4: {  	[tilespmem:s10], [sflag:$0x2] =	stream.linear.gather [spmem:s9], $0x80, $0x38;
	[tilespmem:$0x11918] =	vst v63  }
0x1a5: {  	s12 =	simm.s32 $0xD380;
	s13 =	sld [smem:$0x726]  }
0x1a6: {  	[tilespmem:s12], [sflag:$0x2] =	stream.linear.gather [spmem:s11], $0x80, $0x38;
	[tilespmem:$0x11918] =	vst v63  }
0x1a7: {  	s14 =	simm.s32 $0xD780;
	s29 =	sld [smem:$0x727]  }
0x1a8: {  	[tilespmem:s14], [sflag:$0x2] =	stream.linear.gather [spmem:s13], $0x80, $0x38;
	[tilespmem:$0x11918] =	vst v63  }
0x1a9: {  	s30 =	simm.s32 $0xDB80;
	s3 =	sld [smem:$0x728]  }
0x1aa: {  	[tilespmem:s30], [sflag:$0x2] =	stream.linear.gather [spmem:s29], $0x80, $0x38;
	[tilespmem:$0x11918] =	vst v63  }
0x1ab: {  	s4 =	simm.s32 $0xDF80;
	s5 =	sld [smem:$0x729]  }
0x1ac: {  	[tilespmem:s4], [sflag:$0x2] =	stream.linear.gather [spmem:s3], $0x80, $0x38;
	[tilespmem:$0x11918] =	vst v63  }
0x1ad: {  	s6 =	simm.s32 $0xE380;
	s7 =	sld [smem:$0x72A]  }
0x1ae: {  	[tilespmem:s6], [sflag:$0x2] =	stream.linear.gather [spmem:s5], $0x80, $0x38;
	[tilespmem:$0x11918] =	vst v63  }
0x1af: {  	s8 =	simm.s32 $0xE780;
	s9 =	sld [smem:$0x72B]  }
0x1b0: {  	[tilespmem:s8], [sflag:$0x2] =	stream.linear.gather [spmem:s7], $0x80, $0x38;
	[tilespmem:$0x11918] =	vst v63  }
0x1b1: {  	s10 =	simm.s32 $0xEB80  }
0x1b2: {  	[tilespmem:s10], [sflag:$0x2] =	stream.linear.gather [spmem:s9], $0x80, $0x38;
	[tilespmem:$0x11918] =	vst v63  }
0x1b3: {  	_ =	swait.ge [sflag:s31], $0x800  }
0x1b4: {  	[sflag:s31] =	ssyncset.done $0x0  }
0x1b5: {  	s12 =	simm.s32 $0xEF80;
	s11 =	rddreg [dreg:$0xc];
	[sflag:s31] =	ssyncadd.s32 $0xFFFFF800  }
0x1b6: {  	[tilespmem:s12], [sflag:$0x2] =	stream.linear.gather [spmem:s11], $0x80, $0x38;
	[tilespmem:$0x11918] =	vst v63  }
0x1b7: {  	_ =	swait.ge [sflag:s31], $0x80  }
0x1b8: {  	[sflag:s31] =	ssyncset.done $0x0;
	s13 =	rddreg [dreg:$0xd]  }
0x1b9: {  	s14 =	simm.s32 $0x7000;
	s29 =	sld [smem:$0x72C];
	[sflag:s31] =	ssyncadd.s32 $0xFFFFFF80  }
0x1ba: {  	[tilespmem:s14], [sflag:$0x2] =	stream.linear.gather [spmem:s13], $0x80, $0x38;
	[tilespmem:$0x11918] =	vst v63  }
0x1bb: {  	s30 =	simm.s32 $0x7400;
	s3 =	sld [smem:$0x72D]  }
0x1bc: {  	[tilespmem:s30], [sflag:$0x2] =	stream.linear.gather [spmem:s29], $0x80, $0x38;
	[tilespmem:$0x11918] =	vst v63  }
0x1bd: {  	s4 =	simm.s32 $0x7800;
	s5 =	sld [smem:$0x72E]  }
0x1be: {  	[tilespmem:s4], [sflag:$0x2] =	stream.linear.gather [spmem:s3], $0x80, $0x38;
	[tilespmem:$0x11918] =	vst v63  }
0x1bf: {  	s6 =	simm.s32 $0x7C00;
	s7 =	sld [smem:$0x72F]  }
0x1c0: {  	[tilespmem:s6], [sflag:$0x2] =	stream.linear.gather [spmem:s5], $0x80, $0x38;
	[tilespmem:$0x11918] =	vst v63  }
0x1c1: {  	s8 =	simm.s32 $0x8000;
	s9 =	sld [smem:$0x730]  }
0x1c2: {  	[tilespmem:s8], [sflag:$0x2] =	stream.linear.gather [spmem:s7], $0x80, $0x38;
	[tilespmem:$0x11918] =	vst v63  }
0x1c3: {  	s10 =	simm.s32 $0x8400;
	s11 =	sld [smem:$0x731]  }
0x1c4: {  	[tilespmem:s10], [sflag:$0x2] =	stream.linear.gather [spmem:s9], $0x80, $0x38;
	[tilespmem:$0x11918] =	vst v63  }
0x1c5: {  	s12 =	simm.s32 $0x8800;
	s13 =	sld [smem:$0x732]  }
0x1c6: {  	[tilespmem:s12], [sflag:$0x2] =	stream.linear.gather [spmem:s11], $0x80, $0x38;
	[tilespmem:$0x11918] =	vst v63  }
0x1c7: {  	s14 =	simm.s32 $0x8C00;
	s29 =	sld [smem:$0x733]  }
0x1c8: {  	[tilespmem:s14], [sflag:$0x2] =	stream.linear.gather [spmem:s13], $0x80, $0x38;
	[tilespmem:$0x11918] =	vst v63  }
0x1c9: {  	s30 =	simm.s32 $0x9000;
	s4 =	sld [smem:$0x734]  }
0x1ca: {  	[tilespmem:s30], [sflag:$0x2] =	stream.linear.gather [spmem:s29], $0x80, $0x38;
	[tilespmem:$0x11918] =	vst v63  }
0x1cb: {  	s5 =	simm.s32 $0x9400;
	s6 =	sld [smem:$0x735]  }
0x1cc: {  	[tilespmem:s5], [sflag:$0x2] =	stream.linear.gather [spmem:s4], $0x80, $0x38;
	[tilespmem:$0x11918] =	vst v63  }
0x1cd: {  	s7 =	simm.s32 $0x9800  }
0x1ce: {  	[tilespmem:s7], [sflag:$0x2] =	stream.linear.gather [spmem:s6], $0x80, $0x38;
	[tilespmem:$0x11918] =	vst v63  }
0x1cf: {  	s2 =	sld [smem:$0x736];
	_ =	sdelay $0x1  }
0x1d0: {  	s8 =	simm.s32 $0x9C00;
	s9 =	sld [smem:$0x737]  }
0x1d1: {  	[tilespmem:s8], [sflag:$0x2] =	stream.linear.gather [spmem:s2], $0x80, $0x38;
	[tilespmem:$0x11918] =	vst v63  }
0x1d2: {  	s10 =	simm.s32 $0xA000;
	s11 =	sld [smem:$0x738]  }
0x1d3: {  	[tilespmem:s10], [sflag:$0x2] =	stream.linear.gather [spmem:s9], $0x80, $0x38;
	[tilespmem:$0x11918] =	vst v63  }
0x1d4: {  	s12 =	simm.s32 $0xA400;
	s13 =	sld [smem:$0x739]  }
0x1d5: {  	[tilespmem:s12], [sflag:$0x2] =	stream.linear.gather [spmem:s11], $0x80, $0x38;
	[tilespmem:$0x11918] =	vst v63  }
0x1d6: {  	s14 =	simm.s32 $0xA800;
	s29 =	sld [smem:$0x73A]  }
0x1d7: {  	[tilespmem:s14], [sflag:$0x2] =	stream.linear.gather [spmem:s13], $0x80, $0x38;
	[tilespmem:$0x11918] =	vst v63  }
0x1d8: {  	s30 =	simm.s32 $0xAC00  }
0x1d9: {  	[tilespmem:s30], [sflag:$0x2] =	stream.linear.gather [spmem:s29], $0x80, $0x38;
	[tilespmem:$0x11918] =	vst v63  }
0x1da: {  	_ =	swait.ge [sflag:s31], $0x800  }
0x1db: {  	[sflag:s31] =	ssyncset.done $0x0;
	s3 =	rddreg [dreg:$0xe]  }
0x1dc: {  	s4 =	simm.s32 $0xB000;
	s5 =	sld [smem:$0x73B];
	[sflag:s31] =	ssyncadd.s32 $0xFFFFF800  }
0x1dd: {  	[tilespmem:s4], [sflag:$0x2] =	stream.linear.gather [spmem:s3], $0x80, $0x38;
	[tilespmem:$0x11918] =	vst v63  }
0x1de: {  	s6 =	simm.s32 $0xB400;
	s7 =	sld [smem:$0x73C]  }
0x1df: {  	[tilespmem:s6], [sflag:$0x2] =	stream.linear.gather [spmem:s5], $0x80, $0x38;
	[tilespmem:$0x11918] =	vst v63  }
0x1e0: {  	s8 =	simm.s32 $0xB800;
	s9 =	sld [smem:$0x73D]  }
0x1e1: {  	[tilespmem:s8], [sflag:$0x2] =	stream.linear.gather [spmem:s7], $0x80, $0x38;
	[tilespmem:$0x11918] =	vst v63  }
0x1e2: {  	s10 =	simm.s32 $0xBC00;
	s11 =	sld [smem:$0x73E]  }
0x1e3: {  	[tilespmem:s10], [sflag:$0x2] =	stream.linear.gather [spmem:s9], $0x80, $0x38;
	[tilespmem:$0x11918] =	vst v63  }
0x1e4: {  	s12 =	simm.s32 $0xC000;
	s13 =	sld [smem:$0x73F]  }
0x1e5: {  	[tilespmem:s12], [sflag:$0x2] =	stream.linear.gather [spmem:s11], $0x80, $0x38;
	[tilespmem:$0x11918] =	vst v63  }
0x1e6: {  	s14 =	simm.s32 $0xC400;
	s29 =	sld [smem:$0x740]  }
0x1e7: {  	[tilespmem:s14], [sflag:$0x2] =	stream.linear.gather [spmem:s13], $0x80, $0x38;
	[tilespmem:$0x11918] =	vst v63  }
0x1e8: {  	s30 =	simm.s32 $0xC800;
	s3 =	sld [smem:$0x741]  }
0x1e9: {  	[tilespmem:s30], [sflag:$0x2] =	stream.linear.gather [spmem:s29], $0x80, $0x38;
	[tilespmem:$0x11918] =	vst v63  }
0x1ea: {  	s4 =	simm.s32 $0xCC00;
	s5 =	sld [smem:$0x742]  }
0x1eb: {  	[tilespmem:s4], [sflag:$0x2] =	stream.linear.gather [spmem:s3], $0x80, $0x38;
	[tilespmem:$0x11918] =	vst v63  }
0x1ec: {  	s6 =	simm.s32 $0xD000;
	s7 =	sld [smem:$0x743]  }
0x1ed: {  	[tilespmem:s6], [sflag:$0x2] =	stream.linear.gather [spmem:s5], $0x80, $0x38;
	[tilespmem:$0x11918] =	vst v63  }
0x1ee: {  	s8 =	simm.s32 $0xD400;
	s9 =	sld [smem:$0x744]  }
0x1ef: {  	[tilespmem:s8], [sflag:$0x2] =	stream.linear.gather [spmem:s7], $0x80, $0x38;
	[tilespmem:$0x11918] =	vst v63  }
0x1f0: {  	s10 =	simm.s32 $0xD800;
	s11 =	sld [smem:$0x745]  }
0x1f1: {  	[tilespmem:s10], [sflag:$0x2] =	stream.linear.gather [spmem:s9], $0x80, $0x38;
	[tilespmem:$0x11918] =	vst v63  }
0x1f2: {  	s12 =	simm.s32 $0xDC00;
	s13 =	sld [smem:$0x746]  }
0x1f3: {  	[tilespmem:s12], [sflag:$0x2] =	stream.linear.gather [spmem:s11], $0x80, $0x38;
	[tilespmem:$0x11918] =	vst v63  }
0x1f4: {  	s14 =	simm.s32 $0xE000;
	s29 =	sld [smem:$0x747]  }
0x1f5: {  	[tilespmem:s14], [sflag:$0x2] =	stream.linear.gather [spmem:s13], $0x80, $0x38;
	[tilespmem:$0x11918] =	vst v63  }
0x1f6: {  	s30 =	simm.s32 $0xE400;
	s3 =	sld [smem:$0x748]  }
0x1f7: {  	[tilespmem:s30], [sflag:$0x2] =	stream.linear.gather [spmem:s29], $0x80, $0x38;
	[tilespmem:$0x11918] =	vst v63  }
0x1f8: {  	s4 =	simm.s32 $0xE800;
	s5 =	sld [smem:$0x749]  }
0x1f9: {  	[tilespmem:s4], [sflag:$0x2] =	stream.linear.gather [spmem:s3], $0x80, $0x38;
	[tilespmem:$0x11918] =	vst v63  }
0x1fa: {  	s6 =	simm.s32 $0xEC00  }
0x1fb: {  	[tilespmem:s6], [sflag:$0x2] =	stream.linear.gather [spmem:s5], $0x80, $0x38;
	[tilespmem:$0x11918] =	vst v63  }
0x1fc: {  	_ =	swait.ge [sflag:s31], $0x800  }
0x1fd: {  	[sflag:s31] =	ssyncset.done $0x0  }
0x1fe: {  	s8 =	simm.s32 $0xF000;
	s7 =	rddreg [dreg:$0x19];
	[sflag:s31] =	ssyncadd.s32 $0xFFFFF800  }
0x1ff: {  	[tilespmem:s8], [sflag:$0x2] =	stream.linear.gather [spmem:s7], $0x80, $0x38;
	[tilespmem:$0x11918] =	vst v63  }
0x200: {  	_ =	swait.ge [sflag:s31], $0x80  }
0x201: {  	[sflag:s31] =	ssyncset.done $0x0;
	s9 =	rddreg [dreg:$0xf]  }
0x202: {  	s10 =	simm.s32 $0x7080;
	s11 =	sld [smem:$0x74A];
	[sflag:s31] =	ssyncadd.s32 $0xFFFFFF80  }
0x203: {  	[tilespmem:s10], [sflag:$0x2] =	stream.linear.gather [spmem:s9], $0x80, $0x38;
	[tilespmem:$0x11918] =	vst v63  }
0x204: {  	s12 =	simm.s32 $0x7480;
	s13 =	sld [smem:$0x74B]  }
0x205: {  	[tilespmem:s12], [sflag:$0x2] =	stream.linear.gather [spmem:s11], $0x80, $0x38;
	[tilespmem:$0x11918] =	vst v63  }
0x206: {  	s14 =	simm.s32 $0x7880;
	s29 =	sld [smem:$0x74C]  }
0x207: {  	[tilespmem:s14], [sflag:$0x2] =	stream.linear.gather [spmem:s13], $0x80, $0x38;
	[tilespmem:$0x11918] =	vst v63  }
0x208: {  	s30 =	simm.s32 $0x7C80;
	s3 =	sld [smem:$0x74D]  }
0x209: {  	[tilespmem:s30], [sflag:$0x2] =	stream.linear.gather [spmem:s29], $0x80, $0x38;
	[tilespmem:$0x11918] =	vst v63  }
0x20a: {  	s4 =	simm.s32 $0x8080;
	s5 =	sld [smem:$0x74E]  }
0x20b: {  	[tilespmem:s4], [sflag:$0x2] =	stream.linear.gather [spmem:s3], $0x80, $0x38;
	[tilespmem:$0x11918] =	vst v63  }
0x20c: {  	s6 =	simm.s32 $0x8480;
	s7 =	sld [smem:$0x74F]  }
0x20d: {  	[tilespmem:s6], [sflag:$0x2] =	stream.linear.gather [spmem:s5], $0x80, $0x38;
	[tilespmem:$0x11918] =	vst v63  }
0x20e: {  	s8 =	simm.s32 $0x8880;
	s9 =	sld [smem:$0x750]  }
0x20f: {  	[tilespmem:s8], [sflag:$0x2] =	stream.linear.gather [spmem:s7], $0x80, $0x38;
	[tilespmem:$0x11918] =	vst v63  }
0x210: {  	s10 =	simm.s32 $0x8C80;
	s11 =	sld [smem:$0x751]  }
0x211: {  	[tilespmem:s10], [sflag:$0x2] =	stream.linear.gather [spmem:s9], $0x80, $0x38;
	[tilespmem:$0x11918] =	vst v63  }
0x212: {  	s12 =	simm.s32 $0x9080;
	s13 =	sld [smem:$0x752]  }
0x213: {  	[tilespmem:s12], [sflag:$0x2] =	stream.linear.gather [spmem:s11], $0x80, $0x38;
	[tilespmem:$0x11918] =	vst v63  }
0x214: {  	s14 =	simm.s32 $0x9480;
	s29 =	sld [smem:$0x753]  }
0x215: {  	[tilespmem:s14], [sflag:$0x2] =	stream.linear.gather [spmem:s13], $0x80, $0x38;
	[tilespmem:$0x11918] =	vst v63  }
0x216: {  	s30 =	simm.s32 $0x9880;
	s3 =	sld [smem:$0x754]  }
0x217: {  	[tilespmem:s30], [sflag:$0x2] =	stream.linear.gather [spmem:s29], $0x80, $0x38;
	[tilespmem:$0x11918] =	vst v63  }
0x218: {  	s4 =	simm.s32 $0x9C80;
	s5 =	sld [smem:$0x755]  }
0x219: {  	[tilespmem:s4], [sflag:$0x2] =	stream.linear.gather [spmem:s3], $0x80, $0x38;
	[tilespmem:$0x11918] =	vst v63  }
0x21a: {  	s6 =	simm.s32 $0xA080;
	s7 =	sld [smem:$0x756]  }
0x21b: {  	[tilespmem:s6], [sflag:$0x2] =	stream.linear.gather [spmem:s5], $0x80, $0x38;
	[tilespmem:$0x11918] =	vst v63  }
0x21c: {  	s8 =	simm.s32 $0xA480;
	s9 =	sld [smem:$0x757]  }
0x21d: {  	[tilespmem:s8], [sflag:$0x2] =	stream.linear.gather [spmem:s7], $0x80, $0x38;
	[tilespmem:$0x11918] =	vst v63  }
0x21e: {  	s10 =	simm.s32 $0xA880;
	s11 =	sld [smem:$0x758]  }
0x21f: {  	[tilespmem:s10], [sflag:$0x2] =	stream.linear.gather [spmem:s9], $0x80, $0x38;
	[tilespmem:$0x11918] =	vst v63  }
0x220: {  	s12 =	simm.s32 $0xAC80  }
0x221: {  	[tilespmem:s12], [sflag:$0x2] =	stream.linear.gather [spmem:s11], $0x80, $0x38;
	[tilespmem:$0x11918] =	vst v63  }
0x222: {  	_ =	swait.ge [sflag:s31], $0x800  }
0x223: {  	[sflag:s31] =	ssyncset.done $0x0;
	s13 =	rddreg [dreg:$0x10]  }
0x224: {  	s14 =	simm.s32 $0xB080;
	s29 =	sld [smem:$0x759];
	[sflag:s31] =	ssyncadd.s32 $0xFFFFF800  }
0x225: {  	[tilespmem:s14], [sflag:$0x2] =	stream.linear.gather [spmem:s13], $0x80, $0x38;
	[tilespmem:$0x11918] =	vst v63  }
0x226: {  	s30 =	simm.s32 $0xB480;
	s3 =	sld [smem:$0x75A]  }
0x227: {  	[tilespmem:s30], [sflag:$0x2] =	stream.linear.gather [spmem:s29], $0x80, $0x38;
	[tilespmem:$0x11918] =	vst v63  }
0x228: {  	s4 =	simm.s32 $0xB880;
	s5 =	sld [smem:$0x75B]  }
0x229: {  	[tilespmem:s4], [sflag:$0x2] =	stream.linear.gather [spmem:s3], $0x80, $0x38;
	[tilespmem:$0x11918] =	vst v63  }
0x22a: {  	s6 =	simm.s32 $0xBC80;
	s7 =	sld [smem:$0x75C]  }
0x22b: {  	[tilespmem:s6], [sflag:$0x2] =	stream.linear.gather [spmem:s5], $0x80, $0x38;
	[tilespmem:$0x11918] =	vst v63  }
0x22c: {  	s8 =	simm.s32 $0xC080;
	s9 =	sld [smem:$0x75D]  }
0x22d: {  	[tilespmem:s8], [sflag:$0x2] =	stream.linear.gather [spmem:s7], $0x80, $0x38;
	[tilespmem:$0x11918] =	vst v63  }
0x22e: {  	s10 =	simm.s32 $0xC480;
	s11 =	sld [smem:$0x75E]  }
0x22f: {  	[tilespmem:s10], [sflag:$0x2] =	stream.linear.gather [spmem:s9], $0x80, $0x38;
	[tilespmem:$0x11918] =	vst v63  }
0x230: {  	s12 =	simm.s32 $0xC880;
	s13 =	sld [smem:$0x75F]  }
0x231: {  	[tilespmem:s12], [sflag:$0x2] =	stream.linear.gather [spmem:s11], $0x80, $0x38;
	[tilespmem:$0x11918] =	vst v63  }
0x232: {  	s14 =	simm.s32 $0xCC80;
	s29 =	sld [smem:$0x760]  }
0x233: {  	[tilespmem:s14], [sflag:$0x2] =	stream.linear.gather [spmem:s13], $0x80, $0x38;
	[tilespmem:$0x11918] =	vst v63  }
0x234: {  	s30 =	simm.s32 $0xD080;
	s3 =	sld [smem:$0x761]  }
0x235: {  	[tilespmem:s30], [sflag:$0x2] =	stream.linear.gather [spmem:s29], $0x80, $0x38;
	[tilespmem:$0x11918] =	vst v63  }
0x236: {  	s4 =	simm.s32 $0xD480;
	s5 =	sld [smem:$0x762]  }
0x237: {  	[tilespmem:s4], [sflag:$0x2] =	stream.linear.gather [spmem:s3], $0x80, $0x38;
	[tilespmem:$0x11918] =	vst v63  }
0x238: {  	s6 =	simm.s32 $0xD880;
	s7 =	sld [smem:$0x763]  }
0x239: {  	[tilespmem:s6], [sflag:$0x2] =	stream.linear.gather [spmem:s5], $0x80, $0x38;
	[tilespmem:$0x11918] =	vst v63  }
0x23a: {  	s8 =	simm.s32 $0xDC80;
	s9 =	sld [smem:$0x764]  }
0x23b: {  	[tilespmem:s8], [sflag:$0x2] =	stream.linear.gather [spmem:s7], $0x80, $0x38;
	[tilespmem:$0x11918] =	vst v63  }
0x23c: {  	s10 =	simm.s32 $0xE080;
	s11 =	sld [smem:$0x765]  }
0x23d: {  	[tilespmem:s10], [sflag:$0x2] =	stream.linear.gather [spmem:s9], $0x80, $0x38;
	[tilespmem:$0x11918] =	vst v63  }
0x23e: {  	s12 =	simm.s32 $0xE480;
	s13 =	sld [smem:$0x766]  }
0x23f: {  	[tilespmem:s12], [sflag:$0x2] =	stream.linear.gather [spmem:s11], $0x80, $0x38;
	[tilespmem:$0x11918] =	vst v63  }
0x240: {  	s14 =	simm.s32 $0xE880;
	s29 =	sld [smem:$0x767]  }
0x241: {  	[tilespmem:s14], [sflag:$0x2] =	stream.linear.gather [spmem:s13], $0x80, $0x38;
	[tilespmem:$0x11918] =	vst v63  }
0x242: {  	s30 =	simm.s32 $0xEC80  }
0x243: {  	[tilespmem:s30], [sflag:$0x2] =	stream.linear.gather [spmem:s29], $0x80, $0x38;
	[tilespmem:$0x11918] =	vst v63  }
0x244: {  	_ =	swait.ge [sflag:s31], $0x800  }
0x245: {  	[sflag:s31] =	ssyncset.done $0x0  }
0x246: {  	s4 =	simm.s32 $0xF080;
	s3 =	rddreg [dreg:$0x1a];
	[sflag:s31] =	ssyncadd.s32 $0xFFFFF800  }
0x247: {  	[tilespmem:s4], [sflag:$0x2] =	stream.linear.gather [spmem:s3], $0x80, $0x38;
	[tilespmem:$0x11918] =	vst v63  }
0x248: {  	_ =	swait.ge [sflag:s31], $0x80  }
0x249: {  	[sflag:s31] =	ssyncset.done $0x0;
	s5 =	rddreg [dreg:$0x11]  }
0x24a: {  	s6 =	simm.s32 $0x7100;
	s7 =	sld [smem:$0x768];
	[sflag:s31] =	ssyncadd.s32 $0xFFFFFF80  }
0x24b: {  	[tilespmem:s6], [sflag:$0x2] =	stream.linear.gather [spmem:s5], $0x80, $0x38;
	[tilespmem:$0x11918] =	vst v63  }
0x24c: {  	s8 =	simm.s32 $0x7500;
	s9 =	sld [smem:$0x769]  }
0x24d: {  	[tilespmem:s8], [sflag:$0x2] =	stream.linear.gather [spmem:s7], $0x80, $0x38;
	[tilespmem:$0x11918] =	vst v63  }
0x24e: {  	s10 =	simm.s32 $0x7900;
	s11 =	sld [smem:$0x76A]  }
0x24f: {  	[tilespmem:s10], [sflag:$0x2] =	stream.linear.gather [spmem:s9], $0x80, $0x38;
	[tilespmem:$0x11918] =	vst v63  }
0x250: {  	s12 =	simm.s32 $0x7D00;
	s13 =	sld [smem:$0x76B]  }
0x251: {  	[tilespmem:s12], [sflag:$0x2] =	stream.linear.gather [spmem:s11], $0x80, $0x38;
	[tilespmem:$0x11918] =	vst v63  }
0x252: {  	s14 =	simm.s32 $0x8100;
	s29 =	sld [smem:$0x76C]  }
0x253: {  	[tilespmem:s14], [sflag:$0x2] =	stream.linear.gather [spmem:s13], $0x80, $0x38;
	[tilespmem:$0x11918] =	vst v63  }
0x254: {  	s30 =	simm.s32 $0x8500;
	s3 =	sld [smem:$0x76D]  }
0x255: {  	[tilespmem:s30], [sflag:$0x2] =	stream.linear.gather [spmem:s29], $0x80, $0x38;
	[tilespmem:$0x11918] =	vst v63  }
0x256: {  	s4 =	simm.s32 $0x8900;
	s5 =	sld [smem:$0x76E]  }
0x257: {  	[tilespmem:s4], [sflag:$0x2] =	stream.linear.gather [spmem:s3], $0x80, $0x38;
	[tilespmem:$0x11918] =	vst v63  }
0x258: {  	s6 =	simm.s32 $0x8D00;
	s7 =	sld [smem:$0x76F]  }
0x259: {  	[tilespmem:s6], [sflag:$0x2] =	stream.linear.gather [spmem:s5], $0x80, $0x38;
	[tilespmem:$0x11918] =	vst v63  }
0x25a: {  	s8 =	simm.s32 $0x9100;
	s9 =	sld [smem:$0x770]  }
0x25b: {  	[tilespmem:s8], [sflag:$0x2] =	stream.linear.gather [spmem:s7], $0x80, $0x38;
	[tilespmem:$0x11918] =	vst v63  }
0x25c: {  	s10 =	simm.s32 $0x9500;
	s11 =	sld [smem:$0x771]  }
0x25d: {  	[tilespmem:s10], [sflag:$0x2] =	stream.linear.gather [spmem:s9], $0x80, $0x38;
	[tilespmem:$0x11918] =	vst v63  }
0x25e: {  	s12 =	simm.s32 $0x9900;
	s13 =	sld [smem:$0x772]  }
0x25f: {  	[tilespmem:s12], [sflag:$0x2] =	stream.linear.gather [spmem:s11], $0x80, $0x38;
	[tilespmem:$0x11918] =	vst v63  }
0x260: {  	s14 =	simm.s32 $0x9D00;
	s29 =	sld [smem:$0x773]  }
0x261: {  	[tilespmem:s14], [sflag:$0x2] =	stream.linear.gather [spmem:s13], $0x80, $0x38;
	[tilespmem:$0x11918] =	vst v63  }
0x262: {  	s30 =	simm.s32 $0xA100;
	s3 =	sld [smem:$0x774]  }
0x263: {  	[tilespmem:s30], [sflag:$0x2] =	stream.linear.gather [spmem:s29], $0x80, $0x38;
	[tilespmem:$0x11918] =	vst v63  }
0x264: {  	s4 =	simm.s32 $0xA500;
	s5 =	sld [smem:$0x775]  }
0x265: {  	[tilespmem:s4], [sflag:$0x2] =	stream.linear.gather [spmem:s3], $0x80, $0x38;
	[tilespmem:$0x11918] =	vst v63  }
0x266: {  	s6 =	simm.s32 $0xA900;
	s7 =	sld [smem:$0x776]  }
0x267: {  	[tilespmem:s6], [sflag:$0x2] =	stream.linear.gather [spmem:s5], $0x80, $0x38;
	[tilespmem:$0x11918] =	vst v63  }
0x268: {  	s8 =	simm.s32 $0xAD00  }
0x269: {  	[tilespmem:s8], [sflag:$0x2] =	stream.linear.gather [spmem:s7], $0x80, $0x38;
	[tilespmem:$0x11918] =	vst v63  }
0x26a: {  	_ =	swait.ge [sflag:s31], $0x800  }
0x26b: {  	[sflag:s31] =	ssyncset.done $0x0;
	s9 =	rddreg [dreg:$0x12]  }
0x26c: {  	s10 =	simm.s32 $0xB100;
	s11 =	sld [smem:$0x777];
	[sflag:s31] =	ssyncadd.s32 $0xFFFFF800  }
0x26d: {  	[tilespmem:s10], [sflag:$0x2] =	stream.linear.gather [spmem:s9], $0x80, $0x38;
	[tilespmem:$0x11918] =	vst v63  }
0x26e: {  	s12 =	simm.s32 $0xB500;
	s13 =	sld [smem:$0x778]  }
0x26f: {  	[tilespmem:s12], [sflag:$0x2] =	stream.linear.gather [spmem:s11], $0x80, $0x38;
	[tilespmem:$0x11918] =	vst v63  }
0x270: {  	s14 =	simm.s32 $0xB900;
	s29 =	sld [smem:$0x779]  }
0x271: {  	[tilespmem:s14], [sflag:$0x2] =	stream.linear.gather [spmem:s13], $0x80, $0x38;
	[tilespmem:$0x11918] =	vst v63  }
0x272: {  	s30 =	simm.s32 $0xBD00;
	s3 =	sld [smem:$0x77A]  }
0x273: {  	[tilespmem:s30], [sflag:$0x2] =	stream.linear.gather [spmem:s29], $0x80, $0x38;
	[tilespmem:$0x11918] =	vst v63  }
0x274: {  	s4 =	simm.s32 $0xC100;
	s5 =	sld [smem:$0x77B]  }
0x275: {  	[tilespmem:s4], [sflag:$0x2] =	stream.linear.gather [spmem:s3], $0x80, $0x38;
	[tilespmem:$0x11918] =	vst v63  }
0x276: {  	s6 =	simm.s32 $0xC500;
	s7 =	sld [smem:$0x77C]  }
0x277: {  	[tilespmem:s6], [sflag:$0x2] =	stream.linear.gather [spmem:s5], $0x80, $0x38;
	[tilespmem:$0x11918] =	vst v63  }
0x278: {  	s8 =	simm.s32 $0xC900;
	s9 =	sld [smem:$0x77D]  }
0x279: {  	[tilespmem:s8], [sflag:$0x2] =	stream.linear.gather [spmem:s7], $0x80, $0x38;
	[tilespmem:$0x11918] =	vst v63  }
0x27a: {  	s10 =	simm.s32 $0xCD00;
	s11 =	sld [smem:$0x77E]  }
0x27b: {  	[tilespmem:s10], [sflag:$0x2] =	stream.linear.gather [spmem:s9], $0x80, $0x38;
	[tilespmem:$0x11918] =	vst v63  }
0x27c: {  	s12 =	simm.s32 $0xD100;
	s13 =	sld [smem:$0x77F]  }
0x27d: {  	[tilespmem:s12], [sflag:$0x2] =	stream.linear.gather [spmem:s11], $0x80, $0x38;
	[tilespmem:$0x11918] =	vst v63  }
0x27e: {  	s14 =	simm.s32 $0xD500;
	s29 =	sld [smem:$0x780]  }
0x27f: {  	[tilespmem:s14], [sflag:$0x2] =	stream.linear.gather [spmem:s13], $0x80, $0x38;
	[tilespmem:$0x11918] =	vst v63  }
0x280: {  	s30 =	simm.s32 $0xD900;
	s3 =	sld [smem:$0x781]  }
0x281: {  	[tilespmem:s30], [sflag:$0x2] =	stream.linear.gather [spmem:s29], $0x80, $0x38;
	[tilespmem:$0x11918] =	vst v63  }
0x282: {  	s4 =	simm.s32 $0xDD00;
	s5 =	sld [smem:$0x782]  }
0x283: {  	[tilespmem:s4], [sflag:$0x2] =	stream.linear.gather [spmem:s3], $0x80, $0x38;
	[tilespmem:$0x11918] =	vst v63  }
0x284: {  	s6 =	simm.s32 $0xE100;
	s7 =	sld [smem:$0x783]  }
0x285: {  	[tilespmem:s6], [sflag:$0x2] =	stream.linear.gather [spmem:s5], $0x80, $0x38;
	[tilespmem:$0x11918] =	vst v63  }
0x286: {  	s8 =	simm.s32 $0xE500;
	s9 =	sld [smem:$0x784]  }
0x287: {  	[tilespmem:s8], [sflag:$0x2] =	stream.linear.gather [spmem:s7], $0x80, $0x38;
	[tilespmem:$0x11918] =	vst v63  }
0x288: {  	s10 =	simm.s32 $0xE900;
	s11 =	sld [smem:$0x785]  }
0x289: {  	[tilespmem:s10], [sflag:$0x2] =	stream.linear.gather [spmem:s9], $0x80, $0x38;
	[tilespmem:$0x11918] =	vst v63  }
0x28a: {  	s12 =	simm.s32 $0xED00  }
0x28b: {  	[tilespmem:s12], [sflag:$0x2] =	stream.linear.gather [spmem:s11], $0x80, $0x38;
	[tilespmem:$0x11918] =	vst v63  }
0x28c: {  	_ =	swait.ge [sflag:s31], $0x800  }
0x28d: {  	[sflag:s31] =	ssyncset.done $0x0  }
0x28e: {  	s14 =	simm.s32 $0xF100;
	s13 =	rddreg [dreg:$0x1b];
	[sflag:s31] =	ssyncadd.s32 $0xFFFFF800  }
0x28f: {  	[tilespmem:s14], [sflag:$0x2] =	stream.linear.gather [spmem:s13], $0x80, $0x38;
	[tilespmem:$0x11918] =	vst v63  }
0x290: {  	_ =	swait.ge [sflag:s31], $0x80  }
0x291: {  	[sflag:s31] =	ssyncset.done $0x0;
	s29 =	rddreg [dreg:$0x13]  }
0x292: {  	s30 =	simm.s32 $0x7180;
	s3 =	sld [smem:$0x786];
	[sflag:s31] =	ssyncadd.s32 $0xFFFFFF80  }
0x293: {  	[tilespmem:s30], [sflag:$0x2] =	stream.linear.gather [spmem:s29], $0x80, $0x38;
	[tilespmem:$0x11918] =	vst v63  }
0x294: {  	s4 =	simm.s32 $0x7580;
	s5 =	sld [smem:$0x787]  }
0x295: {  	[tilespmem:s4], [sflag:$0x2] =	stream.linear.gather [spmem:s3], $0x80, $0x38;
	[tilespmem:$0x11918] =	vst v63  }
0x296: {  	s6 =	simm.s32 $0x7980;
	s7 =	sld [smem:$0x788]  }
0x297: {  	[tilespmem:s6], [sflag:$0x2] =	stream.linear.gather [spmem:s5], $0x80, $0x38;
	[tilespmem:$0x11918] =	vst v63  }
0x298: {  	s8 =	simm.s32 $0x7D80;
	s9 =	sld [smem:$0x789]  }
0x299: {  	[tilespmem:s8], [sflag:$0x2] =	stream.linear.gather [spmem:s7], $0x80, $0x38;
	[tilespmem:$0x11918] =	vst v63  }
0x29a: {  	s10 =	simm.s32 $0x8180;
	s11 =	sld [smem:$0x78A]  }
0x29b: {  	[tilespmem:s10], [sflag:$0x2] =	stream.linear.gather [spmem:s9], $0x80, $0x38;
	[tilespmem:$0x11918] =	vst v63  }
0x29c: {  	s12 =	simm.s32 $0x8580;
	s13 =	sld [smem:$0x78B]  }
0x29d: {  	[tilespmem:s12], [sflag:$0x2] =	stream.linear.gather [spmem:s11], $0x80, $0x38;
	[tilespmem:$0x11918] =	vst v63  }
0x29e: {  	s14 =	simm.s32 $0x8980;
	s29 =	sld [smem:$0x78C]  }
0x29f: {  	[tilespmem:s14], [sflag:$0x2] =	stream.linear.gather [spmem:s13], $0x80, $0x38;
	[tilespmem:$0x11918] =	vst v63  }
0x2a0: {  	s30 =	simm.s32 $0x8D80;
	s3 =	sld [smem:$0x78D]  }
0x2a1: {  	[tilespmem:s30], [sflag:$0x2] =	stream.linear.gather [spmem:s29], $0x80, $0x38;
	[tilespmem:$0x11918] =	vst v63  }
0x2a2: {  	s4 =	simm.s32 $0x9180;
	s5 =	sld [smem:$0x78E]  }
0x2a3: {  	[tilespmem:s4], [sflag:$0x2] =	stream.linear.gather [spmem:s3], $0x80, $0x38;
	[tilespmem:$0x11918] =	vst v63  }
0x2a4: {  	s6 =	simm.s32 $0x9580;
	s7 =	sld [smem:$0x78F]  }
0x2a5: {  	[tilespmem:s6], [sflag:$0x2] =	stream.linear.gather [spmem:s5], $0x80, $0x38;
	[tilespmem:$0x11918] =	vst v63  }
0x2a6: {  	s8 =	simm.s32 $0x9980;
	s9 =	sld [smem:$0x790]  }
0x2a7: {  	[tilespmem:s8], [sflag:$0x2] =	stream.linear.gather [spmem:s7], $0x80, $0x38;
	[tilespmem:$0x11918] =	vst v63  }
0x2a8: {  	s10 =	simm.s32 $0x9D80;
	s11 =	sld [smem:$0x791]  }
0x2a9: {  	[tilespmem:s10], [sflag:$0x2] =	stream.linear.gather [spmem:s9], $0x80, $0x38;
	[tilespmem:$0x11918] =	vst v63  }
0x2aa: {  	s12 =	simm.s32 $0xA180;
	s13 =	sld [smem:$0x792]  }
0x2ab: {  	[tilespmem:s12], [sflag:$0x2] =	stream.linear.gather [spmem:s11], $0x80, $0x38;
	[tilespmem:$0x11918] =	vst v63  }
0x2ac: {  	s14 =	simm.s32 $0xA580;
	s29 =	sld [smem:$0x793]  }
0x2ad: {  	[tilespmem:s14], [sflag:$0x2] =	stream.linear.gather [spmem:s13], $0x80, $0x38;
	[tilespmem:$0x11918] =	vst v63  }
0x2ae: {  	s30 =	simm.s32 $0xA980;
	s3 =	sld [smem:$0x794]  }
0x2af: {  	[tilespmem:s30], [sflag:$0x2] =	stream.linear.gather [spmem:s29], $0x80, $0x38;
	[tilespmem:$0x11918] =	vst v63  }
0x2b0: {  	s4 =	simm.s32 $0xAD80  }
0x2b1: {  	[tilespmem:s4], [sflag:$0x2] =	stream.linear.gather [spmem:s3], $0x80, $0x38;
	[tilespmem:$0x11918] =	vst v63  }
0x2b2: {  	_ =	swait.ge [sflag:s31], $0x800  }
0x2b3: {  	[sflag:s31] =	ssyncset.done $0x0;
	s5 =	rddreg [dreg:$0x14]  }
0x2b4: {  	s6 =	simm.s32 $0xB180;
	s7 =	sld [smem:$0x795];
	[sflag:s31] =	ssyncadd.s32 $0xFFFFF800  }
0x2b5: {  	[tilespmem:s6], [sflag:$0x2] =	stream.linear.gather [spmem:s5], $0x80, $0x38;
	[tilespmem:$0x11918] =	vst v63  }
0x2b6: {  	s8 =	simm.s32 $0xB580;
	s9 =	sld [smem:$0x796]  }
0x2b7: {  	[tilespmem:s8], [sflag:$0x2] =	stream.linear.gather [spmem:s7], $0x80, $0x38;
	[tilespmem:$0x11918] =	vst v63  }
0x2b8: {  	s10 =	simm.s32 $0xB980;
	s11 =	sld [smem:$0x797]  }
0x2b9: {  	[tilespmem:s10], [sflag:$0x2] =	stream.linear.gather [spmem:s9], $0x80, $0x38;
	[tilespmem:$0x11918] =	vst v63  }
0x2ba: {  	s12 =	simm.s32 $0xBD80;
	s13 =	sld [smem:$0x798]  }
0x2bb: {  	[tilespmem:s12], [sflag:$0x2] =	stream.linear.gather [spmem:s11], $0x80, $0x38;
	[tilespmem:$0x11918] =	vst v63  }
0x2bc: {  	s14 =	simm.s32 $0xC180;
	s29 =	sld [smem:$0x799]  }
0x2bd: {  	[tilespmem:s14], [sflag:$0x2] =	stream.linear.gather [spmem:s13], $0x80, $0x38;
	[tilespmem:$0x11918] =	vst v63  }
0x2be: {  	s30 =	simm.s32 $0xC580;
	s3 =	sld [smem:$0x79A]  }
0x2bf: {  	[tilespmem:s30], [sflag:$0x2] =	stream.linear.gather [spmem:s29], $0x80, $0x38;
	[tilespmem:$0x11918] =	vst v63  }
0x2c0: {  	s4 =	simm.s32 $0xC980;
	s5 =	sld [smem:$0x79B]  }
0x2c1: {  	[tilespmem:s4], [sflag:$0x2] =	stream.linear.gather [spmem:s3], $0x80, $0x38;
	[tilespmem:$0x11918] =	vst v63  }
0x2c2: {  	s6 =	simm.s32 $0xCD80;
	s7 =	sld [smem:$0x79C]  }
0x2c3: {  	[tilespmem:s6], [sflag:$0x2] =	stream.linear.gather [spmem:s5], $0x80, $0x38;
	[tilespmem:$0x11918] =	vst v63  }
0x2c4: {  	s8 =	simm.s32 $0xD180;
	s9 =	sld [smem:$0x79D]  }
0x2c5: {  	[tilespmem:s8], [sflag:$0x2] =	stream.linear.gather [spmem:s7], $0x80, $0x38;
	[tilespmem:$0x11918] =	vst v63  }
0x2c6: {  	s10 =	simm.s32 $0xD580;
	s11 =	sld [smem:$0x79E]  }
0x2c7: {  	[tilespmem:s10], [sflag:$0x2] =	stream.linear.gather [spmem:s9], $0x80, $0x38;
	[tilespmem:$0x11918] =	vst v63  }
0x2c8: {  	s12 =	simm.s32 $0xD980;
	s13 =	sld [smem:$0x79F]  }
0x2c9: {  	[tilespmem:s12], [sflag:$0x2] =	stream.linear.gather [spmem:s11], $0x80, $0x38;
	[tilespmem:$0x11918] =	vst v63  }
0x2ca: {  	s14 =	simm.s32 $0xDD80;
	s29 =	sld [smem:$0x7A0]  }
0x2cb: {  	[tilespmem:s14], [sflag:$0x2] =	stream.linear.gather [spmem:s13], $0x80, $0x38;
	[tilespmem:$0x11918] =	vst v63  }
0x2cc: {  	s30 =	simm.s32 $0xE180;
	s4 =	sld [smem:$0x7A1]  }
0x2cd: {  	[tilespmem:s30], [sflag:$0x2] =	stream.linear.gather [spmem:s29], $0x80, $0x38;
	[tilespmem:$0x11918] =	vst v63  }
0x2ce: {  	s5 =	simm.s32 $0xE580;
	s6 =	sld [smem:$0x7A2]  }
0x2cf: {  	[tilespmem:s5], [sflag:$0x2] =	stream.linear.gather [spmem:s4], $0x80, $0x38;
	[tilespmem:$0x11918] =	vst v63  }
0x2d0: {  	s7 =	simm.s32 $0xE980;
	s8 =	sld [smem:$0x7A3]  }
0x2d1: {  	[tilespmem:s7], [sflag:$0x2] =	stream.linear.gather [spmem:s6], $0x80, $0x38;
	[tilespmem:$0x11918] =	vst v63  }
0x2d2: {  	s9 =	simm.s32 $0xED80  }
0x2d3: {  	[tilespmem:s9], [sflag:$0x2] =	stream.linear.gather [spmem:s8], $0x80, $0x38;
	[tilespmem:$0x11918] =	vst v63  }
0x2d4: {  	_ =	swait.ge [sflag:s31], $0x800  }
0x2d5: {  	[sflag:s31] =	ssyncset.done $0x0  }
0x2d6: {  	s11 =	simm.s32 $0xF180;
	s10 =	rddreg [dreg:$0x1c];
	[sflag:s31] =	ssyncadd.s32 $0xFFFFF800  }
0x2d7: {  	[tilespmem:s11], [sflag:$0x2] =	stream.linear.gather [spmem:s10], $0x80, $0x38;
	[tilespmem:$0x11918] =	vst v63  }
0x2d8: {  	_ =	swait.ge [sflag:s31], $0x80  }
0x2d9: {  	[sflag:s31] =	ssyncset.done $0x0  }
0x2da: {  	s12 =	simm.s32 $0x7200;
	s13 =	sld [smem:$0x7A4];
	[sflag:s31] =	ssyncadd.s32 $0xFFFFFF80  }
0x2db: {  	[tilespmem:s12], [sflag:$0x2] =	stream.linear.gather [spmem:s15], $0x80, $0x38;
	[tilespmem:$0x11918] =	vst v63  }
0x2dc: {  	s14 =	simm.s32 $0x7600;
	s29 =	sld [smem:$0x7A5]  }
0x2dd: {  	[tilespmem:s14], [sflag:$0x2] =	stream.linear.gather [spmem:s13], $0x80, $0x38;
	[tilespmem:$0x11918] =	vst v63  }
0x2de: {  	s30 =	simm.s32 $0x7A00;
	s3 =	sld [smem:$0x7A6]  }
0x2df: {  	[tilespmem:s30], [sflag:$0x2] =	stream.linear.gather [spmem:s29], $0x80, $0x38;
	[tilespmem:$0x11918] =	vst v63  }
0x2e0: {  	s4 =	simm.s32 $0x7E00;
	s5 =	sld [smem:$0x7A7]  }
0x2e1: {  	[tilespmem:s4], [sflag:$0x2] =	stream.linear.gather [spmem:s3], $0x80, $0x38;
	[tilespmem:$0x11918] =	vst v63  }
0x2e2: {  	s6 =	simm.s32 $0x8200;
	s7 =	sld [smem:$0x7A8]  }
0x2e3: {  	[tilespmem:s6], [sflag:$0x2] =	stream.linear.gather [spmem:s5], $0x80, $0x38;
	[tilespmem:$0x11918] =	vst v63  }
0x2e4: {  	s8 =	simm.s32 $0x8600;
	s9 =	sld [smem:$0x7A9]  }
0x2e5: {  	[tilespmem:s8], [sflag:$0x2] =	stream.linear.gather [spmem:s7], $0x80, $0x38;
	[tilespmem:$0x11918] =	vst v63  }
0x2e6: {  	s10 =	simm.s32 $0x8A00;
	s11 =	sld [smem:$0x7AA]  }
0x2e7: {  	[tilespmem:s10], [sflag:$0x2] =	stream.linear.gather [spmem:s9], $0x80, $0x38;
	[tilespmem:$0x11918] =	vst v63  }
0x2e8: {  	s12 =	simm.s32 $0x8E00;
	s13 =	sld [smem:$0x7AB]  }
0x2e9: {  	[tilespmem:s12], [sflag:$0x2] =	stream.linear.gather [spmem:s11], $0x80, $0x38;
	[tilespmem:$0x11918] =	vst v63  }
0x2ea: {  	s14 =	simm.s32 $0x9200;
	s29 =	sld [smem:$0x7AC]  }
0x2eb: {  	[tilespmem:s14], [sflag:$0x2] =	stream.linear.gather [spmem:s13], $0x80, $0x38;
	[tilespmem:$0x11918] =	vst v63  }
0x2ec: {  	s30 =	simm.s32 $0x9600;
	s4 =	sld [smem:$0x7AD]  }
0x2ed: {  	[tilespmem:s30], [sflag:$0x2] =	stream.linear.gather [spmem:s29], $0x80, $0x38;
	[tilespmem:$0x11918] =	vst v63  }
0x2ee: {  	s5 =	simm.s32 $0x9A00;
	s6 =	sld [smem:$0x7AE]  }
0x2ef: {  	[tilespmem:s5], [sflag:$0x2] =	stream.linear.gather [spmem:s4], $0x80, $0x38;
	[tilespmem:$0x11918] =	vst v63  }
0x2f0: {  	s7 =	simm.s32 $0x9E00;
	s8 =	sld [smem:$0x7AF]  }
0x2f1: {  	[tilespmem:s7], [sflag:$0x2] =	stream.linear.gather [spmem:s6], $0x80, $0x38;
	[tilespmem:$0x11918] =	vst v63  }
0x2f2: {  	s9 =	simm.s32 $0xA200;
	s10 =	sld [smem:$0x7B0]  }
0x2f3: {  	[tilespmem:s9], [sflag:$0x2] =	stream.linear.gather [spmem:s8], $0x80, $0x38;
	[tilespmem:$0x11918] =	vst v63  }
0x2f4: {  	s11 =	simm.s32 $0xA600;
	s12 =	sld [smem:$0x7B1]  }
0x2f5: {  	[tilespmem:s11], [sflag:$0x2] =	stream.linear.gather [spmem:s10], $0x80, $0x38;
	[tilespmem:$0x11918] =	vst v63  }
0x2f6: {  	s13 =	simm.s32 $0xAA00;
	s14 =	sld [smem:$0x7B2]  }
0x2f7: {  	[tilespmem:s13], [sflag:$0x2] =	stream.linear.gather [spmem:s12], $0x80, $0x38;
	[tilespmem:$0x11918] =	vst v63  }
0x2f8: {  	s29 =	simm.s32 $0xAE00  }
0x2f9: {  	[tilespmem:s29], [sflag:$0x2] =	stream.linear.gather [spmem:s14], $0x80, $0x38;
	[tilespmem:$0x11918] =	vst v63  }
0x2fa: {  	_ =	swait.ge [sflag:s31], $0x800  }
0x2fb: {  	[sflag:s31] =	ssyncset.done $0x0  }
0x2fc: {  	s30 =	simm.s32 $0xB200;
	s3 =	sld [smem:$0x7B3];
	[sflag:s31] =	ssyncadd.s32 $0xFFFFF800  }
0x2fd: {  	[tilespmem:s30], [sflag:$0x2] =	stream.linear.gather [spmem:s16], $0x80, $0x38;
	[tilespmem:$0x11918] =	vst v63  }
0x2fe: {  	s4 =	simm.s32 $0xB600;
	s5 =	sld [smem:$0x7B4]  }
0x2ff: {  	[tilespmem:s4], [sflag:$0x2] =	stream.linear.gather [spmem:s3], $0x80, $0x38;
	[tilespmem:$0x11918] =	vst v63  }
0x300: {  	s6 =	simm.s32 $0xBA00;
	s7 =	sld [smem:$0x7B5]  }
0x301: {  	[tilespmem:s6], [sflag:$0x2] =	stream.linear.gather [spmem:s5], $0x80, $0x38;
	[tilespmem:$0x11918] =	vst v63  }
0x302: {  	s8 =	simm.s32 $0xBE00;
	s9 =	sld [smem:$0x7B6]  }
0x303: {  	[tilespmem:s8], [sflag:$0x2] =	stream.linear.gather [spmem:s7], $0x80, $0x38;
	[tilespmem:$0x11918] =	vst v63  }
0x304: {  	s10 =	simm.s32 $0xC200;
	s11 =	sld [smem:$0x7B7]  }
0x305: {  	[tilespmem:s10], [sflag:$0x2] =	stream.linear.gather [spmem:s9], $0x80, $0x38;
	[tilespmem:$0x11918] =	vst v63  }
0x306: {  	s12 =	simm.s32 $0xC600;
	s13 =	sld [smem:$0x7B8]  }
0x307: {  	[tilespmem:s12], [sflag:$0x2] =	stream.linear.gather [spmem:s11], $0x80, $0x38;
	[tilespmem:$0x11918] =	vst v63  }
0x308: {  	s14 =	simm.s32 $0xCA00;
	s29 =	sld [smem:$0x7B9]  }
0x309: {  	[tilespmem:s14], [sflag:$0x2] =	stream.linear.gather [spmem:s13], $0x80, $0x38;
	[tilespmem:$0x11918] =	vst v63  }
0x30a: {  	s30 =	simm.s32 $0xCE00;
	s3 =	sld [smem:$0x7BA]  }
0x30b: {  	[tilespmem:s30], [sflag:$0x2] =	stream.linear.gather [spmem:s29], $0x80, $0x38;
	[tilespmem:$0x11918] =	vst v63  }
0x30c: {  	s4 =	simm.s32 $0xD200;
	s5 =	sld [smem:$0x7BB]  }
0x30d: {  	[tilespmem:s4], [sflag:$0x2] =	stream.linear.gather [spmem:s3], $0x80, $0x38;
	[tilespmem:$0x11918] =	vst v63  }
0x30e: {  	s6 =	simm.s32 $0xD600;
	s7 =	sld [smem:$0x7BC]  }
0x30f: {  	[tilespmem:s6], [sflag:$0x2] =	stream.linear.gather [spmem:s5], $0x80, $0x38;
	[tilespmem:$0x11918] =	vst v63  }
0x310: {  	s8 =	simm.s32 $0xDA00;
	s9 =	sld [smem:$0x7BD]  }
0x311: {  	[tilespmem:s8], [sflag:$0x2] =	stream.linear.gather [spmem:s7], $0x80, $0x38;
	[tilespmem:$0x11918] =	vst v63  }
0x312: {  	s10 =	simm.s32 $0xDE00;
	s11 =	sld [smem:$0x7BE]  }
0x313: {  	[tilespmem:s10], [sflag:$0x2] =	stream.linear.gather [spmem:s9], $0x80, $0x38;
	[tilespmem:$0x11918] =	vst v63  }
0x314: {  	s12 =	simm.s32 $0xE200;
	s13 =	sld [smem:$0x7BF]  }
0x315: {  	[tilespmem:s12], [sflag:$0x2] =	stream.linear.gather [spmem:s11], $0x80, $0x38;
	[tilespmem:$0x11918] =	vst v63  }
0x316: {  	s14 =	simm.s32 $0xE600;
	s29 =	sld [smem:$0x7C0]  }
0x317: {  	[tilespmem:s14], [sflag:$0x2] =	stream.linear.gather [spmem:s13], $0x80, $0x38;
	[tilespmem:$0x11918] =	vst v63  }
0x318: {  	s30 =	simm.s32 $0xEA00;
	s4 =	sld [smem:$0x7C1]  }
0x319: {  	[tilespmem:s30], [sflag:$0x2] =	stream.linear.gather [spmem:s29], $0x80, $0x38;
	[tilespmem:$0x11918] =	vst v63  }
0x31a: {  	s5 =	simm.s32 $0xEE00  }
0x31b: {  	[tilespmem:s5], [sflag:$0x2] =	stream.linear.gather [spmem:s4], $0x80, $0x38;
	[tilespmem:$0x11918] =	vst v63  }
0x31c: {  	_ =	swait.ge [sflag:s31], $0x800  }
0x31d: {  	[sflag:s31] =	ssyncset.done $0x0  }
0x31e: {  	s7 =	simm.s32 $0xF200;
	s6 =	rddreg [dreg:$0x1d];
	[sflag:s31] =	ssyncadd.s32 $0xFFFFF800  }
0x31f: {  	[tilespmem:s7], [sflag:$0x2] =	stream.linear.gather [spmem:s6], $0x80, $0x38;
	[tilespmem:$0x11918] =	vst v63  }
0x320: {  	_ =	swait.ge [sflag:s31], $0x80  }
0x321: {  	[sflag:s31] =	ssyncset.done $0x0  }
0x322: {  	s8 =	simm.s32 $0x7280;
	s9 =	sld [smem:$0x7C2];
	[sflag:s31] =	ssyncadd.s32 $0xFFFFFF80  }
0x323: {  	[tilespmem:s8], [sflag:$0x2] =	stream.linear.gather [spmem:s17], $0x80, $0x38;
	[tilespmem:$0x11918] =	vst v63  }
0x324: {  	s10 =	simm.s32 $0x7680;
	s11 =	sld [smem:$0x7C3]  }
0x325: {  	[tilespmem:s10], [sflag:$0x2] =	stream.linear.gather [spmem:s9], $0x80, $0x38;
	[tilespmem:$0x11918] =	vst v63  }
0x326: {  	s12 =	simm.s32 $0x7A80;
	s13 =	sld [smem:$0x7C4]  }
0x327: {  	[tilespmem:s12], [sflag:$0x2] =	stream.linear.gather [spmem:s11], $0x80, $0x38;
	[tilespmem:$0x11918] =	vst v63  }
0x328: {  	s14 =	simm.s32 $0x7E80;
	s29 =	sld [smem:$0x7C5]  }
0x329: {  	[tilespmem:s14], [sflag:$0x2] =	stream.linear.gather [spmem:s13], $0x80, $0x38;
	[tilespmem:$0x11918] =	vst v63  }
0x32a: {  	s30 =	simm.s32 $0x8280;
	s3 =	sld [smem:$0x7C6]  }
0x32b: {  	[tilespmem:s30], [sflag:$0x2] =	stream.linear.gather [spmem:s29], $0x80, $0x38;
	[tilespmem:$0x11918] =	vst v63  }
0x32c: {  	s4 =	simm.s32 $0x8680;
	s5 =	sld [smem:$0x7C7]  }
0x32d: {  	[tilespmem:s4], [sflag:$0x2] =	stream.linear.gather [spmem:s3], $0x80, $0x38;
	[tilespmem:$0x11918] =	vst v63  }
0x32e: {  	s6 =	simm.s32 $0x8A80;
	s7 =	sld [smem:$0x7C8]  }
0x32f: {  	[tilespmem:s6], [sflag:$0x2] =	stream.linear.gather [spmem:s5], $0x80, $0x38;
	[tilespmem:$0x11918] =	vst v63  }
0x330: {  	s8 =	simm.s32 $0x8E80;
	s9 =	sld [smem:$0x7C9]  }
0x331: {  	[tilespmem:s8], [sflag:$0x2] =	stream.linear.gather [spmem:s7], $0x80, $0x38;
	[tilespmem:$0x11918] =	vst v63  }
0x332: {  	s10 =	simm.s32 $0x9280;
	s11 =	sld [smem:$0x7CA]  }
0x333: {  	[tilespmem:s10], [sflag:$0x2] =	stream.linear.gather [spmem:s9], $0x80, $0x38;
	[tilespmem:$0x11918] =	vst v63  }
0x334: {  	s12 =	simm.s32 $0x9680;
	s13 =	sld [smem:$0x7CB]  }
0x335: {  	[tilespmem:s12], [sflag:$0x2] =	stream.linear.gather [spmem:s11], $0x80, $0x38;
	[tilespmem:$0x11918] =	vst v63  }
0x336: {  	s14 =	simm.s32 $0x9A80;
	s29 =	sld [smem:$0x7CC]  }
0x337: {  	[tilespmem:s14], [sflag:$0x2] =	stream.linear.gather [spmem:s13], $0x80, $0x38;
	[tilespmem:$0x11918] =	vst v63  }
0x338: {  	s30 =	simm.s32 $0x9E80;
	s4 =	sld [smem:$0x7CD]  }
0x339: {  	[tilespmem:s30], [sflag:$0x2] =	stream.linear.gather [spmem:s29], $0x80, $0x38;
	[tilespmem:$0x11918] =	vst v63  }
0x33a: {  	s5 =	simm.s32 $0xA280;
	s6 =	sld [smem:$0x7CE]  }
0x33b: {  	[tilespmem:s5], [sflag:$0x2] =	stream.linear.gather [spmem:s4], $0x80, $0x38;
	[tilespmem:$0x11918] =	vst v63  }
0x33c: {  	s7 =	simm.s32 $0xA680;
	s8 =	sld [smem:$0x7CF]  }
0x33d: {  	[tilespmem:s7], [sflag:$0x2] =	stream.linear.gather [spmem:s6], $0x80, $0x38;
	[tilespmem:$0x11918] =	vst v63  }
0x33e: {  	s9 =	simm.s32 $0xAA80;
	s10 =	sld [smem:$0x7D0]  }
0x33f: {  	[tilespmem:s9], [sflag:$0x2] =	stream.linear.gather [spmem:s8], $0x80, $0x38;
	[tilespmem:$0x11918] =	vst v63  }
0x340: {  	s11 =	simm.s32 $0xAE80  }
0x341: {  	[tilespmem:s11], [sflag:$0x2] =	stream.linear.gather [spmem:s10], $0x80, $0x38;
	[tilespmem:$0x11918] =	vst v63  }
0x342: {  	_ =	swait.ge [sflag:s31], $0x800  }
0x343: {  	[sflag:s31] =	ssyncset.done $0x0  }
0x344: {  	s12 =	simm.s32 $0xB280;
	s13 =	sld [smem:$0x7D1];
	[sflag:s31] =	ssyncadd.s32 $0xFFFFF800  }
0x345: {  	[tilespmem:s12], [sflag:$0x2] =	stream.linear.gather [spmem:s18], $0x80, $0x38;
	[tilespmem:$0x11918] =	vst v63  }
0x346: {  	s14 =	simm.s32 $0xB680;
	s29 =	sld [smem:$0x7D2]  }
0x347: {  	[tilespmem:s14], [sflag:$0x2] =	stream.linear.gather [spmem:s13], $0x80, $0x38;
	[tilespmem:$0x11918] =	vst v63  }
0x348: {  	s30 =	simm.s32 $0xBA80;
	s3 =	sld [smem:$0x7D3]  }
0x349: {  	[tilespmem:s30], [sflag:$0x2] =	stream.linear.gather [spmem:s29], $0x80, $0x38;
	[tilespmem:$0x11918] =	vst v63  }
0x34a: {  	s4 =	simm.s32 $0xBE80;
	s5 =	sld [smem:$0x7D4]  }
0x34b: {  	[tilespmem:s4], [sflag:$0x2] =	stream.linear.gather [spmem:s3], $0x80, $0x38;
	[tilespmem:$0x11918] =	vst v63  }
0x34c: {  	s6 =	simm.s32 $0xC280;
	s7 =	sld [smem:$0x7D5]  }
0x34d: {  	[tilespmem:s6], [sflag:$0x2] =	stream.linear.gather [spmem:s5], $0x80, $0x38;
	[tilespmem:$0x11918] =	vst v63  }
0x34e: {  	s8 =	simm.s32 $0xC680;
	s9 =	sld [smem:$0x7D6]  }
0x34f: {  	[tilespmem:s8], [sflag:$0x2] =	stream.linear.gather [spmem:s7], $0x80, $0x38;
	[tilespmem:$0x11918] =	vst v63  }
0x350: {  	s10 =	simm.s32 $0xCA80;
	s11 =	sld [smem:$0x7D7]  }
0x351: {  	[tilespmem:s10], [sflag:$0x2] =	stream.linear.gather [spmem:s9], $0x80, $0x38;
	[tilespmem:$0x11918] =	vst v63  }
0x352: {  	s12 =	simm.s32 $0xCE80;
	s13 =	sld [smem:$0x7D8]  }
0x353: {  	[tilespmem:s12], [sflag:$0x2] =	stream.linear.gather [spmem:s11], $0x80, $0x38;
	[tilespmem:$0x11918] =	vst v63  }
0x354: {  	s14 =	simm.s32 $0xD280;
	s29 =	sld [smem:$0x7D9]  }
0x355: {  	[tilespmem:s14], [sflag:$0x2] =	stream.linear.gather [spmem:s13], $0x80, $0x38;
	[tilespmem:$0x11918] =	vst v63  }
0x356: {  	s30 =	simm.s32 $0xD680;
	s3 =	sld [smem:$0x7DA]  }
0x357: {  	[tilespmem:s30], [sflag:$0x2] =	stream.linear.gather [spmem:s29], $0x80, $0x38;
	[tilespmem:$0x11918] =	vst v63  }
0x358: {  	s4 =	simm.s32 $0xDA80;
	s5 =	sld [smem:$0x7DB]  }
0x359: {  	[tilespmem:s4], [sflag:$0x2] =	stream.linear.gather [spmem:s3], $0x80, $0x38;
	[tilespmem:$0x11918] =	vst v63  }
0x35a: {  	s6 =	simm.s32 $0xDE80;
	s7 =	sld [smem:$0x7DC]  }
0x35b: {  	[tilespmem:s6], [sflag:$0x2] =	stream.linear.gather [spmem:s5], $0x80, $0x38;
	[tilespmem:$0x11918] =	vst v63  }
0x35c: {  	s8 =	simm.s32 $0xE280;
	s9 =	sld [smem:$0x7DD]  }
0x35d: {  	[tilespmem:s8], [sflag:$0x2] =	stream.linear.gather [spmem:s7], $0x80, $0x38;
	[tilespmem:$0x11918] =	vst v63  }
0x35e: {  	s10 =	simm.s32 $0xE680;
	s11 =	sld [smem:$0x7DE]  }
0x35f: {  	[tilespmem:s10], [sflag:$0x2] =	stream.linear.gather [spmem:s9], $0x80, $0x38;
	[tilespmem:$0x11918] =	vst v63  }
0x360: {  	s12 =	simm.s32 $0xEA80;
	s13 =	sld [smem:$0x7DF]  }
0x361: {  	[tilespmem:s12], [sflag:$0x2] =	stream.linear.gather [spmem:s11], $0x80, $0x38;
	[tilespmem:$0x11918] =	vst v63  }
0x362: {  	s14 =	simm.s32 $0xEE80  }
0x363: {  	[tilespmem:s14], [sflag:$0x2] =	stream.linear.gather [spmem:s13], $0x80, $0x38;
	[tilespmem:$0x11918] =	vst v63  }
0x364: {  	_ =	swait.ge [sflag:s31], $0x800  }
0x365: {  	[sflag:s31] =	ssyncset.done $0x0  }
0x366: {  	s30 =	simm.s32 $0xF280;
	s29 =	rddreg [dreg:$0x1e];
	[sflag:s31] =	ssyncadd.s32 $0xFFFFF800  }
0x367: {  	[tilespmem:s30], [sflag:$0x2] =	stream.linear.gather [spmem:s29], $0x80, $0x38;
	[tilespmem:$0x11918] =	vst v63  }
0x368: {  	_ =	swait.ge [sflag:s31], $0x80  }
0x369: {  	[sflag:s31] =	ssyncset.done $0x0  }
0x36a: {  	s4 =	simm.s32 $0x7300;
	s5 =	sld [smem:$0x7E0];
	[sflag:s31] =	ssyncadd.s32 $0xFFFFFF80  }
0x36b: {  	[tilespmem:s4], [sflag:$0x2] =	stream.linear.gather [spmem:s21], $0x80, $0x38;
	[tilespmem:$0x11918] =	vst v63  }
0x36c: {  	s6 =	simm.s32 $0x7700;
	s7 =	sld [smem:$0x7E1]  }
0x36d: {  	[tilespmem:s6], [sflag:$0x2] =	stream.linear.gather [spmem:s5], $0x80, $0x38;
	[tilespmem:$0x11918] =	vst v63  }
0x36e: {  	s8 =	simm.s32 $0x7B00;
	s9 =	sld [smem:$0x7E2]  }
0x36f: {  	[tilespmem:s8], [sflag:$0x2] =	stream.linear.gather [spmem:s7], $0x80, $0x38;
	[tilespmem:$0x11918] =	vst v63  }
0x370: {  	s10 =	simm.s32 $0x7F00;
	s11 =	sld [smem:$0x7E3]  }
0x371: {  	[tilespmem:s10], [sflag:$0x2] =	stream.linear.gather [spmem:s9], $0x80, $0x38;
	[tilespmem:$0x11918] =	vst v63  }
0x372: {  	s12 =	simm.s32 $0x8300;
	s13 =	sld [smem:$0x7E4]  }
0x373: {  	[tilespmem:s12], [sflag:$0x2] =	stream.linear.gather [spmem:s11], $0x80, $0x38;
	[tilespmem:$0x11918] =	vst v63  }
0x374: {  	s14 =	simm.s32 $0x8700;
	s29 =	sld [smem:$0x7E5]  }
0x375: {  	[tilespmem:s14], [sflag:$0x2] =	stream.linear.gather [spmem:s13], $0x80, $0x38;
	[tilespmem:$0x11918] =	vst v63  }
0x376: {  	s30 =	simm.s32 $0x8B00;
	s3 =	sld [smem:$0x7E6]  }
0x377: {  	[tilespmem:s30], [sflag:$0x2] =	stream.linear.gather [spmem:s29], $0x80, $0x38;
	[tilespmem:$0x11918] =	vst v63  }
0x378: {  	s4 =	simm.s32 $0x8F00;
	s5 =	sld [smem:$0x7E7]  }
0x379: {  	[tilespmem:s4], [sflag:$0x2] =	stream.linear.gather [spmem:s3], $0x80, $0x38;
	[tilespmem:$0x11918] =	vst v63  }
0x37a: {  	s6 =	simm.s32 $0x9300;
	s7 =	sld [smem:$0x7E8]  }
0x37b: {  	[tilespmem:s6], [sflag:$0x2] =	stream.linear.gather [spmem:s5], $0x80, $0x38;
	[tilespmem:$0x11918] =	vst v63  }
0x37c: {  	s8 =	simm.s32 $0x9700;
	s9 =	sld [smem:$0x7E9]  }
0x37d: {  	[tilespmem:s8], [sflag:$0x2] =	stream.linear.gather [spmem:s7], $0x80, $0x38;
	[tilespmem:$0x11918] =	vst v63  }
0x37e: {  	s10 =	simm.s32 $0x9B00;
	s11 =	sld [smem:$0x7EA]  }
0x37f: {  	[tilespmem:s10], [sflag:$0x2] =	stream.linear.gather [spmem:s9], $0x80, $0x38;
	[tilespmem:$0x11918] =	vst v63  }
0x380: {  	s12 =	simm.s32 $0x9F00;
	s13 =	sld [smem:$0x7EB]  }
0x381: {  	[tilespmem:s12], [sflag:$0x2] =	stream.linear.gather [spmem:s11], $0x80, $0x38;
	[tilespmem:$0x11918] =	vst v63  }
0x382: {  	s14 =	simm.s32 $0xA300;
	s29 =	sld [smem:$0x7EC]  }
0x383: {  	[tilespmem:s14], [sflag:$0x2] =	stream.linear.gather [spmem:s13], $0x80, $0x38;
	[tilespmem:$0x11918] =	vst v63  }
0x384: {  	s30 =	simm.s32 $0xA700;
	s4 =	sld [smem:$0x7ED]  }
0x385: {  	[tilespmem:s30], [sflag:$0x2] =	stream.linear.gather [spmem:s29], $0x80, $0x38;
	[tilespmem:$0x11918] =	vst v63  }
0x386: {  	s5 =	simm.s32 $0xAB00;
	s6 =	sld [smem:$0x7EE]  }
0x387: {  	[tilespmem:s5], [sflag:$0x2] =	stream.linear.gather [spmem:s4], $0x80, $0x38;
	[tilespmem:$0x11918] =	vst v63  }
0x388: {  	s7 =	simm.s32 $0xAF00  }
0x389: {  	[tilespmem:s7], [sflag:$0x2] =	stream.linear.gather [spmem:s6], $0x80, $0x38;
	[tilespmem:$0x11918] =	vst v63  }
0x38a: {  	_ =	swait.ge [sflag:s31], $0x800  }
0x38b: {  	[sflag:s31] =	ssyncset.done $0x0  }
0x38c: {  	s8 =	simm.s32 $0xB300;
	s9 =	sld [smem:$0x7EF];
	[sflag:s31] =	ssyncadd.s32 $0xFFFFF800  }
0x38d: {  	[tilespmem:s8], [sflag:$0x2] =	stream.linear.gather [spmem:s23], $0x80, $0x38;
	[tilespmem:$0x11918] =	vst v63  }
0x38e: {  	s10 =	simm.s32 $0xB700;
	s11 =	sld [smem:$0x7F0]  }
0x38f: {  	[tilespmem:s10], [sflag:$0x2] =	stream.linear.gather [spmem:s9], $0x80, $0x38;
	[tilespmem:$0x11918] =	vst v63  }
0x390: {  	s12 =	simm.s32 $0xBB00;
	s13 =	sld [smem:$0x7F1]  }
0x391: {  	[tilespmem:s12], [sflag:$0x2] =	stream.linear.gather [spmem:s11], $0x80, $0x38;
	[tilespmem:$0x11918] =	vst v63  }
0x392: {  	s14 =	simm.s32 $0xBF00;
	s29 =	sld [smem:$0x7F2]  }
0x393: {  	[tilespmem:s14], [sflag:$0x2] =	stream.linear.gather [spmem:s13], $0x80, $0x38;
	[tilespmem:$0x11918] =	vst v63  }
0x394: {  	s30 =	simm.s32 $0xC300;
	s3 =	sld [smem:$0x7F3]  }
0x395: {  	[tilespmem:s30], [sflag:$0x2] =	stream.linear.gather [spmem:s29], $0x80, $0x38;
	[tilespmem:$0x11918] =	vst v63  }
0x396: {  	s4 =	simm.s32 $0xC700;
	s5 =	sld [smem:$0x7F4]  }
0x397: {  	[tilespmem:s4], [sflag:$0x2] =	stream.linear.gather [spmem:s3], $0x80, $0x38;
	[tilespmem:$0x11918] =	vst v63  }
0x398: {  	s6 =	simm.s32 $0xCB00;
	s7 =	sld [smem:$0x7F5]  }
0x399: {  	[tilespmem:s6], [sflag:$0x2] =	stream.linear.gather [spmem:s5], $0x80, $0x38;
	[tilespmem:$0x11918] =	vst v63  }
0x39a: {  	s8 =	simm.s32 $0xCF00;
	s9 =	sld [smem:$0x7F6]  }
0x39b: {  	[tilespmem:s8], [sflag:$0x2] =	stream.linear.gather [spmem:s7], $0x80, $0x38;
	[tilespmem:$0x11918] =	vst v63  }
0x39c: {  	s10 =	simm.s32 $0xD300;
	s11 =	sld [smem:$0x7F7]  }
0x39d: {  	[tilespmem:s10], [sflag:$0x2] =	stream.linear.gather [spmem:s9], $0x80, $0x38;
	[tilespmem:$0x11918] =	vst v63  }
0x39e: {  	s12 =	simm.s32 $0xD700;
	s13 =	sld [smem:$0x7FD]  }
0x39f: {  	[tilespmem:s12], [sflag:$0x2] =	stream.linear.gather [spmem:s11], $0x80, $0x38;
	[tilespmem:$0x11918] =	vst v63  }
0x3a0: {  	s14 =	simm.s32 $0xDB00;
	s29 =	sld [smem:$0x7FC]  }
0x3a1: {  	[tilespmem:s14], [sflag:$0x2] =	stream.linear.gather [spmem:s13], $0x80, $0x38;
	[tilespmem:$0x11918] =	vst v63  }
0x3a2: {  	s30 =	simm.s32 $0xDF00;
	s3 =	sld [smem:$0x7FB]  }
0x3a3: {  	[tilespmem:s30], [sflag:$0x2] =	stream.linear.gather [spmem:s29], $0x80, $0x38;
	[tilespmem:$0x11918] =	vst v63  }
0x3a4: {  	s4 =	simm.s32 $0xE300;
	s5 =	sld [smem:$0x7FA]  }
0x3a5: {  	[tilespmem:s4], [sflag:$0x2] =	stream.linear.gather [spmem:s3], $0x80, $0x38;
	[tilespmem:$0x11918] =	vst v63  }
0x3a6: {  	s6 =	simm.s32 $0xE700;
	s7 =	sld [smem:$0x7F9]  }
0x3a7: {  	[tilespmem:s6], [sflag:$0x2] =	stream.linear.gather [spmem:s5], $0x80, $0x38;
	[tilespmem:$0x11918] =	vst v63  }
0x3a8: {  	s8 =	simm.s32 $0xEB00;
	s9 =	sld [smem:$0x7F8]  }
0x3a9: {  	[tilespmem:s8], [sflag:$0x2] =	stream.linear.gather [spmem:s7], $0x80, $0x38;
	[tilespmem:$0x11918] =	vst v63  }
0x3aa: {  	s10 =	simm.s32 $0xEF00  }
0x3ab: {  	[tilespmem:s10], [sflag:$0x2] =	stream.linear.gather [spmem:s9], $0x80, $0x38;
	[tilespmem:$0x11918] =	vst v63  }
0x3ac: {  	_ =	swait.ge [sflag:s31], $0x800  }
0x3ad: {  	[sflag:s31] =	ssyncset.done $0x0  }
0x3ae: {  	s12 =	simm.s32 $0xF300;
	s11 =	rddreg [dreg:$0x1f];
	[sflag:s31] =	ssyncadd.s32 $0xFFFFF800  }
0x3af: {  	[tilespmem:s12], [sflag:$0x2] =	stream.linear.gather [spmem:s11], $0x80, $0x38;
	[tilespmem:$0x11918] =	vst v63  }
0x3b0: {  	_ =	swait.ge [sflag:s31], $0x80  }
0x3b1: {  	[sflag:s31] =	ssyncset.done $0x0  }
0x3b2: {  	[sflag:s31] =	ssyncadd.s32 $0xFFFFFF80  }
0x3b3: {  	v9 =	vld [tilespmem:$0xEF80]  }
0x3b4: {  	v10 =	vld [tilespmem:$0xF000]  }
0x3b5: {  	v11 =	vld [tilespmem:$0xF080];
	_ =	sdelay $0x1  }
0x3b6: {  	v12 =	vld [tilespmem:$0xF100]  }
0x3b7: {  	(v2sf) =	vpush v9, $0x0;
	v9 =	vld [tilespmem:$0xF180]  }
0x3b8: {  	(v2sf) =	vpush v10, $0x0;
	v10 =	vld [tilespmem:$0xF200]  }
0x3b9: {  	(v2sf) =	vpush v11, $0x0;
	v11 =	vld [tilespmem:$0xF280]  }
0x3ba: {  	v63 =	vld [tilespmem:$0xF300]  }
0x3bb: {  	(v2sf) =	vpush v12, $0x0  }
0x3bc: {  	(v2sf) =	vpush v9, $0x0  }
0x3bd: {  	(v2sf) =	vpush v10, $0x0  }
0x3be: {  	(v2sf) =	vpush v11, $0x0  }
0x3bf: {  	(v2sf) =	vpush v63, $0x0;
	_ =	sdelay $0x2  }
0x3c0: {  	s1 =	sadd.s32 $0xF, s1  }
0x3c1: {  	s13 =	sand.u32 $0xF, s1  }
0x3c2: {  	p5 =	slt.s32 s0, $0xFFFFFFF2;
	s14 =	sshra.s32 s1, $0x1F;
	p6 =	sne.s32 s13, $0x0  }
0x3c3: {  	s29 =	sshrl.u32 s14, $0x1C;
	p0 =	por !p5, !p6  }
0x3c4: {  	s2 =	sadd.s32 s29, s1;
	p0 =	por !p0, !p0;
	s3 =	simm.s32 $0x1  }
0x3c5: {  	s30 =	sshra.s32 s2, $0x4;
	s3 =	simm.s32 @!p0 $0x0;
	s8 =	spop (v2sf)  }
0x3c6: {  	s6 =	ssub.s32 s30, s3;
	s7 =	spop (v2sf)  }
0x3c7: {  	p0 =	slt.s32 s6, $0x1;
	s5 =	spop (v2sf)  }
.Ltmp4:
0x3c8: {  	s0 =	spop (v2sf);
	(pc) =	sbr.rel @p0 .LBB2_65-.Ltmp4, $4  }
0x3c9: {  	s1 =	spop (v2sf)  }
0x3ca: {  	s2 =	spop (v2sf)  }
0x3cb: {  	s3 =	spop (v2sf)  }
0x3cc: {  	s4 =	spop (v2sf)  }
0x3cd: {  	s8 =	sadd.s32 $0xF, s8;
	s7 =	sadd.s32 $0xF, s7  }
0x3ce: {  	s5 =	sadd.s32 $0xF, s5;
	s4 =	sadd.s32 $0xF, s4;
	s6 =	sshll.u32 s6, $0x4  }
0x3cf: {  	s9 =	sand.u32 $0xF, s8;
	s10 =	sshra.s32 s8, $0x1F;
	p0 =	slt.s32 s8, $0x1  }
0x3d0: {  	s11 =	sshra.s32 s7, $0x1F;
	s12 =	sand.u32 $0xF, s7;
	p3 =	slt.s32 s7, $0x1  }
0x3d1: {  	s13 =	sand.u32 $0xF, s5;
	s14 =	sshra.s32 s5, $0x1F;
	p6 =	slt.s32 s5, $0x1  }
0x3d2: {  	p1 =	sne.s32 s9, $0x0;
	s10 =	sshrl.u32 s10, $0x1C;
	s9 =	simm.s32 $0x1  }
0x3d3: {  	p4 =	sne.s32 s12, $0x0;
	p5 =	sne.s32 s13, $0x0;
	p0 =	por !p0, !p1  }
0x3d4: {  	s8 =	sadd.s32 s10, s8;
	s10 =	sadd.s32 $0xF, s0;
	p0 =	por !p0, !p0  }
0x3d5: {  	s8 =	sshra.s32 s8, $0x4;
	s12 =	sand.u32 $0xF, s10;
	s13 =	sshra.s32 s10, $0x1F  }
0x3d6: {  	s9 =	simm.s32 @!p0 $0x0;
	p0 =	por !p3, !p4;
	p2 =	sne.s32 s12, $0x0  }
0x3d7: {  	p3 =	slt.s32 s10, $0x1;
	s29 =	ssub.s32 s8, s9;
	s8 =	sshrl.u32 s11, $0x1C  }
0x3d8: {  	p0 =	por !p0, !p0;
	s9 =	simm.s32 $0x1;
	s7 =	sadd.s32 s8, s7  }
0x3d9: {  	s9 =	simm.s32 @!p0 $0x0;
	s8 =	sshrl.u32 s14, $0x1C;
	p0 =	por !p6, !p5  }
0x3da: {  	s14 =	sadd.s32 $0xF, s1;
	s7 =	sshra.s32 s7, $0x4;
	s5 =	sadd.s32 s8, s5  }
0x3db: {  	p0 =	por !p0, !p0;
	p4 =	slt.s32 s14, $0x1;
	s8 =	simm.s32 $0x1  }
0x3dc: {  	s30 =	ssub.s32 s7, s9;
	s7 =	simm.s32 $0x1;
	s11 =	sshra.s32 s5, $0x4  }
0x3dd: {  	s5 =	sshrl.u32 s13, $0x1C;
	s9 =	sand.u32 $0xF, s14;
	s7 =	simm.s32 @!p0 $0x0  }
0x3de: {  	p0 =	por !p3, !p2;
	s5 =	sadd.s32 s5, s10;
	p5 =	sne.s32 s9, $0x0  }
0x3df: {  	s10 =	sadd.s32 $0xF, s2;
	s0 =	ssub.s32 s11, s7;
	p0 =	por !p0, !p0  }
0x3e0: {  	s7 =	simm.s32 $0x1;
	s5 =	sshra.s32 s5, $0x4;
	s12 =	sand.u32 $0xF, s10  }
0x3e1: {  	s13 =	sshra.s32 s10, $0x1F;
	p2 =	slt.s32 s10, $0x1;
	s7 =	simm.s32 @!p0 $0x0  }
0x3e2: {  	p0 =	por !p4, !p5;
	p6 =	sne.s32 s12, $0x0;
	s12 =	sand.u32 $0xF, s4  }
0x3e3: {  	s1 =	ssub.s32 s5, s7;
	s7 =	sshra.s32 s14, $0x1F;
	p0 =	por !p0, !p0  }
0x3e4: {  	p5 =	sne.s32 s12, $0x0;
	s5 =	sshrl.u32 s7, $0x1C;
	s8 =	simm.s32 @!p0 $0x0  }
0x3e5: {  	p0 =	por !p2, !p6;
	s7 =	simm.s32 $0x1;
	p2 =	slt.s32 s4, $0x1  }
0x3e6: {  	s5 =	sadd.s32 s5, s14;
	p0 =	por !p0, !p0;
	s14 =	sadd.s32 $0xF, s3  }
0x3e7: {  	p6 =	por !p2, !p5;
	s11 =	sshra.s32 s5, $0x4;
	s5 =	sshrl.u32 s13, $0x1C  }
0x3e8: {  	s7 =	simm.s32 @!p0 $0x0;
	p3 =	slt.s32 s14, $0x1;
	s13 =	sshra.s32 s4, $0x1F  }
0x3e9: {  	s2 =	ssub.s32 s11, s8;
	s5 =	sadd.s32 s5, s10;
	s10 =	sshra.s32 s14, $0x1F  }
0x3ea: {  	s11 =	sand.u32 $0xF, s14;
	s8 =	sshrl.u32 s13, $0x1C;
	s9 =	sshra.s32 s5, $0x4  }
0x3eb: {  	s5 =	sshrl.u32 s10, $0x1C;
	p4 =	sne.s32 s11, $0x0;
	s8 =	sadd.s32 s8, s4  }
0x3ec: {  	p5 =	sgt.s32 s2, $0x0;
	s3 =	ssub.s32 s9, s7;
	p0 =	por !p3, !p4  }
0x3ed: {  	s5 =	sadd.s32 s5, s14;
	s7 =	simm.s32 $0x1;
	p0 =	por !p0, !p0  }
0x3ee: {  	s9 =	simm.s32 $0x1;
	s7 =	simm.s32 @!p0 $0x0;
	p0 =	por !p6, !p6  }
0x3ef: {  	s14 =	sshra.s32 s8, $0x4;
	s9 =	simm.s32 @!p0 $0x0;
	p0 =	sgt.s32 s29, $0x0  }
0x3f0: {  	p4 =	sgt.s32 s1, $0x0;
	s5 =	sshra.s32 s5, $0x4;
	s8 =	simm.s32 @!p0 $0x0  }
0x3f1: {  	p6 =	sgt.s32 s3, $0x0;
	s8 =	simm.s32 @p0 $0x1;
	p0 =	sgt.s32 s30, $0x0  }
.Ltmp5:
0x3f2: {  	[smem:$0x70A] =	sst s8;
	s8 =	simm.s32 @!p0 $0x0;
	(pc) =	sbr.rel .LBB2_7-.Ltmp5, $4  }
0x3f3: {  	s4 =	ssub.s32 s5, s7;
	s8 =	simm.s32 @p0 $0x1;
	p0 =	sgt.s32 s0, $0x0  }
0x3f4: {  	s5 =	ssub.s32 s14, s9;
	[smem:$0x70B] =	sst s8;
	s8 =	simm.s32 @!p0 $0x0  }
0x3f5: {  	s7 =	simm.s32 $0x0;
	p1 =	sgt.s32 s5, $0x0;
	s8 =	simm.s32 @p0 $0x1  }
0x3f6: {  	v9 =	vimm.s32 $0x0;
	v10 =	vimm.s32 $0x0;
	p0 =	sgt.s32 s4, $0x0;
	[smem:$0x70C] =	sst s8;
	s8 =	simm.s32 $0x0  }
.LBB2_16:
0x3f7: {  	v15 =	vmov v13  }
.LBB2_63:
0x3f8: {  	_ =	sdelay $0x2  }
0x3f9: {  	vm1 =	vmor @p2 vm1, vm2;
	vm2 =	veq.s32 v17, v11;
	vm3 =	vlt.s32 v14, v12  }
0x3fa: {  	v12 =	vsel @p2 vm1, $0x1, v8;
	vm1 =	vgt.s32 v17, v11;
	vm2 =	vmand vm2, vm3  }
0x3fb: {  	v11 =	vadd.s32 @p2 v12, v15;
	vm1 =	vmor vm1, vm2  }
0x3fc: {  	v11 =	vpsel p2, v11, v13;
	v12 =	vsel vm1, $0x1, v8  }
0x3fd: {  	v13 =	vadd.s32 v12, v11  }
.LBB2_64:
0x3fe: {  	s9 =	sand.u32 $0xF, s8  }
0x3ff: {  	p2 =	sne.s32 s9, $0xF  }
0x400: {  	v11 =	vld @!p2 [tilespmem:s8+$0x66F1];
	_ =	sdelay $0x3  }
0x401: {  	(xrf0) =	vadd.scan.msk.s32 $0xffff, v13  }
0x402: {  	v12 =	vcvt.s32.f32 @!p2 v11;
	_ =	sdelay $0x1  }
0x403: {  	v12 =	vadd.f32 @!p2 $5.000000000e-01, v12;
	_ =	sdelay $0x1  }
0x404: {  	v12 =	vmul.f32 @!p2 $1.111111120e-01, v12  }
0x405: {  	v13, _, _ =	vpop (xrf0)  }
0x406: {  	v14 =	vmov s9;
	v13 =	vbroadcast v13, $0xF;
	v12 =	vtrunc.f32 @!p2 v12  }
0x407: {  	vm1 =	veq.s32 v14, v0;
	v12 =	vcvt.f32.s32 @!p2 v12  }
0x408: {  	v10 =	vsel vm1, v13, v10  }
0x409: {  	vm1 =	vlt.s32 @!p2 v10, $0x3E8;
	v13 =	vadd.s32 @!p2 v2, v10;
	v14 =	vadd.s32 @!p2 v12, v5  }
0x40a: {  	v13 =	vsel @!p2 vm1, v13, v3;
	v14 =	vshll.u32 @!p2 v14, $0x1  }
0x40b: {  	v15 =	vlaneseq.u32 @!p2;
	v12 =	vand.u32 @!p2 $0x7, v12;
	v14 =	vand.u32 @!p2 $0xFFFFFFF0, v14  }
0x40c: {  	v16 =	vshrl.u32 @!p2 v15, $0x3;
	v12 =	vor.u32 @!p2 v12, v14;
	v14 =	vand.u32 @!p2 $0x7, v15  }
0x40d: {  	v16 =	vmul.u32 @!p2 $0x8, v16;
	v11 =	vadd.s32 @!p2 v4, v11;
	v17 =	vperm.xlane @!p2 v12, v14  }
0x40e: {  	vm2 =	vmmov @!p2 $0xffff;
	s9 =	simm.s32 @!p2 $0x10380;
	[tilespmem:$0x10380] =	vst @!p2 v11;
	v11 =	vor.u32 @!p2 $0x8, v15;
	v15 =	vadd.s32 @!p2 v6, v10  }
0x40f: {  	[spmem:s25] =	stream.indirect_vreg.scatter @!p2 [tilespmem:s9], [sflag:$0x1], $0x1, v13, vm2, $0xb8;
	v12 =	vperm.xlane @!p2 v12, v11;
	v15 =	vnsel @!p2 vm1, $0x1000, v15;
	v13 =	vadd.s32 @!p2 v16, v17;
	[tilespmem:$0x11918] =	vst v63  }
0x410: {  	s9 =	simm.s32 @!p2 $0x1;
	v17 =	vshll.u32 @!p2 v15, $0x1  }
0x411: {  	_ =	swait.ge @!p2 [sflag:s9], $0x10;
	v12 =	vadd.s32 @!p2 v16, v12;
	v15 =	vand.u32 @!p2 $0x7, v15;
	v17 =	vand.u32 @!p2 $0xFFFFFFF0, v17  }
0x412: {  	[sflag:s9] =	ssyncset.done @!p2 $0x0;
	v15 =	vor.u32 @!p2 v15, v17  }
0x413: {  	s10 =	simm.s32 @!p2 $0x0;
	s11 =	simm.s32 @!p2 $0xF380;
	[sflag:s9] =	ssyncadd.s32 @!p2 $0xFFFFFFF0;
	v14 =	vperm.xlane @!p2 v15, v14  }
0x414: {  	[tilespmem:s11], [sflag:$0x1] =	stream.indirect_vreg.gather @!p2 [hbm4b:s26+s10], $0x80, v13, vm2, $0xb8;
	[tilespmem:$0x11918] =	vst v63  }
0x415: {  	s12 =	simm.s32 @!p2 $0xFB80;
	v11 =	vperm.xlane @!p2 v15, v11;
	v13 =	vadd.s32 @!p2 v16, v14  }
0x416: {  	[tilespmem:s12], [sflag:$0x1] =	stream.indirect_vreg.gather @!p2 [hbm4b:s26+s10], $0x80, v12, vm2, $0xb8;
	[tilespmem:$0x11918] =	vst v63  }
0x417: {  	v11 =	vadd.s32 @!p2 v16, v11;
	_ =	swait.ge @!p2 [sflag:s9], $0x1000  }
0x418: {  	s8 =	sadd.s32 $0x1, s8;
	[sflag:s9] =	ssyncset.done @!p2 $0x0  }
0x419: {  	p3 =	sne.s32 s8, s6;
	[sflag:s9] =	ssyncadd.s32 @!p2 $0xFFFFF000  }
0x41a: {  	[hbm4b:s28+s10] =	stream.indirect_vreg.scatter @!p2 [tilespmem:s11], [sflag:$0x1], $0x80, v13, vm2, $0xb8;
	[tilespmem:$0x11918] =	vst v63  }
.Ltmp6:
0x41b: {  	_ = 	snop;
	(pc) =	sbr.rel @!p3 .LBB2_65-.Ltmp6, $4  }
0x41c: {  	[hbm4b:s28+s10] =	stream.indirect_vreg.scatter @!p2 [tilespmem:s12], [sflag:$0x1], $0x80, v11, vm2, $0xb8;
	[tilespmem:$0x11918] =	vst v63  }
0x41d: {  	_ =	swait.ge @!p2 [sflag:s9], $0x1000  }
0x41e: {  	[sflag:s9] =	ssyncset.done @!p2 $0x0  }
0x41f: {  	[sflag:s9] =	ssyncadd.s32 @!p2 $0xFFFFF000  }
.LBB2_7:
0x420: {  	s9 =	sld [smem:$0x70A];
	_ =	sdelay $0x2  }
0x421: {  	p2 =	seq.s32 s9, $0x1  }
.Ltmp7:
0x422: {  	_ = 	snop;
	(pc) =	sbr.rel @!p2 .LBB2_8-.Ltmp7, $3  }
0x423: {  	v11 =	vld.msk [tilespmem:s8+$0x5E80 ss:$0x0], $0xffff  }
0x424: {  	v12 =	vld.msk [tilespmem:s8+$0x6700 ss:$0x0], $0xffff;
	_ =	sdelay $0x1  }
0x425: {  	v13 =	vimm.s32 $0x0  }
0x426: {  	p3 =	seq.s32 s29, $0x1  }
.Ltmp8:
0x427: {  	_ = 	snop;
	(pc) =	sbr.rel @p3 .LBB2_18-.Ltmp8, $4  }
0x428: {  	s9 =	sand.u32 $0x70, s7;
	s10 =	sand.u32 $0xFFFFFC00, s7  }
0x429: {  	s10 =	sor.u32 s9, s10  }
0x42a: {  	s11 =	simm.s32 $0x10;
	v15 =	vld [tilespmem:s10+$0x6F80]  }
0x42b: {  	p2 =	por $0x0, $0x0;
	s9 =	sadd.s32 $0xFFFFFFFF, s29;
	v13 =	vld [tilespmem:s10+$0xAF80];
	s10 =	simm.s32 $0x80  }
0x42c: {  	_ =	sdelay $0x1  }
0x42d: {  	s11 =	sand.u32 $0x70, s11;
	s10 =	sand.u32 $0xFFFFFC00, s10;
	p3 =	seq.s32 s9, $0x1  }
.Ltmp9:
0x42e: {  	s10 =	sor.u32 s11, s10;
	(pc) =	sbr.rel @p3 .LBB2_20-.Ltmp9, $4  }
0x42f: {  	vm1 =	veq.s32 v15, v11;
	vm3 =	vgt.s32 v15, v11;
	v15 =	vld [tilespmem:s10+$0x6F80];
	vm2 =	vlt.s32 v13, v12  }
0x430: {  	v13 =	vld [tilespmem:s10+$0xAF80];
	vm1 =	vmand vm1, vm2  }
0x431: {  	s9 =	sadd.s32 $0xFFFFFFFF, s9;
	vm1 =	vmor vm3, vm1  }
0x432: {  	p2 =	por $0x1, $0x1;
	v14 =	vimm.s32 $0x0;
	s11 =	simm.s32 $0x20;
	s10 =	simm.s32 $0x100;
	v16 =	vsel vm1, $0x1, v8  }
.LBB2_21:
0x433: {  	s12 =	sand.u32 $0x70, s11;
	s13 =	sand.u32 $0xFFFFFC00, s10;
	v14 =	vadd.s32 v16, v14;
	p3 =	seq.s32 s9, $0x1  }
.Ltmp10:
0x434: {  	s9 =	sadd.s32 $0xFFFFFFFF, s9;
	s12 =	sor.u32 s12, s13;
	(pc) =	sbr.rel @!p3 .LBB2_21-.Ltmp10, $4  }
0x435: {  	vm1 =	veq.s32 v15, v11;
	v16 =	vmov v15;
	vm2 =	vlt.s32 v13, v12;
	v15 =	vld [tilespmem:s12+$0x6F80]  }
0x436: {  	vm3 =	vgt.s32 v16, v11;
	v13 =	vld [tilespmem:s12+$0xAF80];
	vm1 =	vmand vm1, vm2  }
0x437: {  	vm1 =	vmor vm3, vm1  }
0x438: {  	s10 =	sadd.s32 $0x80, s10;
	s11 =	sadd.s32 $0x10, s11;
	v16 =	vsel vm1, $0x1, v8  }
.LBB2_22:
0x439: {  	_ =	sdelay $0x1  }
0x43a: {  	vm1 =	veq.s32 v15, v11;
	vm2 =	vlt.s32 v13, v12  }
0x43b: {  	vm3 =	vgt.s32 v15, v11;
	vm1 =	vmand vm1, vm2  }
0x43c: {  	v13 =	vadd.s32 @p2 v16, v14;
	vm1 =	vmor vm3, vm1  }
0x43d: {  	v13 =	vpsel p2, v13, v9;
	v14 =	vsel vm1, $0x1, v8  }
0x43e: {  	v13 =	vadd.s32 v14, v13  }
.LBB2_8:
0x43f: {  	s10 =	sld [smem:$0x70B];
	_ =	sdelay $0x2  }
0x440: {  	p2 =	seq.s32 s10, $0x1  }
.Ltmp11:
0x441: {  	_ = 	snop;
	(pc) =	sbr.rel @!p2 .LBB2_9-.Ltmp11, $2  }
0x442: {  	_ =	sdelay $0x2  }
0x443: {  	s9 =	simm.s32 $0x0  }
0x444: {  	p3 =	seq.s32 s30, $0x1  }
.Ltmp12:
0x445: {  	_ = 	snop;
	(pc) =	sbr.rel @p3 .LBB2_24-.Ltmp12, $4  }
0x446: {  	s10 =	sand.u32 $0x70, s9;
	s11 =	sand.u32 $0xFFFFFC00, s9  }
0x447: {  	s11 =	sor.u32 s11, s10  }
0x448: {  	s12 =	simm.s32 $0x10;
	v16 =	vld [tilespmem:s11+$0x7000]  }
0x449: {  	p2 =	por $0x0, $0x0;
	s10 =	sadd.s32 $0xFFFFFFFF, s30;
	v14 =	vld [tilespmem:s11+$0xB000];
	s11 =	simm.s32 $0x80  }
0x44a: {  	_ =	sdelay $0x1  }
0x44b: {  	s12 =	sand.u32 $0x70, s12;
	s11 =	sand.u32 $0xFFFFFC00, s11;
	p3 =	seq.s32 s10, $0x1  }
.Ltmp13:
0x44c: {  	s11 =	sor.u32 s11, s12;
	(pc) =	sbr.rel @p3 .LBB2_26-.Ltmp13, $4  }
0x44d: {  	vm1 =	veq.s32 v16, v11;
	vm3 =	vgt.s32 v16, v11;
	v16 =	vld [tilespmem:s11+$0x7000];
	vm2 =	vlt.s32 v14, v12  }
0x44e: {  	v14 =	vld [tilespmem:s11+$0xB000];
	vm1 =	vmand vm1, vm2  }
0x44f: {  	s10 =	sadd.s32 $0xFFFFFFFF, s10;
	vm1 =	vmor vm3, vm1  }
0x450: {  	p2 =	por $0x1, $0x1;
	v15 =	vmov v13;
	s12 =	simm.s32 $0x20;
	s11 =	simm.s32 $0x100;
	v17 =	vsel vm1, $0x1, v8  }
.LBB2_27:
0x451: {  	s13 =	sand.u32 $0x70, s12;
	s14 =	sand.u32 $0xFFFFFC00, s11;
	v15 =	vadd.s32 v17, v15;
	p3 =	seq.s32 s10, $0x1  }
.Ltmp14:
0x452: {  	s10 =	sadd.s32 $0xFFFFFFFF, s10;
	s13 =	sor.u32 s14, s13;
	(pc) =	sbr.rel @!p3 .LBB2_27-.Ltmp14, $4  }
0x453: {  	vm1 =	veq.s32 v16, v11;
	v17 =	vmov v16;
	vm2 =	vlt.s32 v14, v12;
	v16 =	vld [tilespmem:s13+$0x7000]  }
0x454: {  	vm3 =	vgt.s32 v17, v11;
	v14 =	vld [tilespmem:s13+$0xB000];
	vm1 =	vmand vm1, vm2  }
0x455: {  	vm1 =	vmor vm3, vm1  }
0x456: {  	s11 =	sadd.s32 $0x80, s11;
	s12 =	sadd.s32 $0x10, s12;
	v17 =	vsel vm1, $0x1, v8  }
.LBB2_28:
0x457: {  	_ =	sdelay $0x1  }
0x458: {  	vm1 =	veq.s32 v16, v11;
	vm2 =	vlt.s32 v14, v12  }
0x459: {  	vm3 =	vgt.s32 v16, v11;
	vm1 =	vmand vm1, vm2  }
0x45a: {  	v14 =	vadd.s32 @p2 v17, v15;
	vm1 =	vmor vm3, vm1  }
0x45b: {  	v13 =	vpsel p2, v14, v13;
	v15 =	vsel vm1, $0x1, v8  }
0x45c: {  	v13 =	vadd.s32 v15, v13  }
.LBB2_9:
0x45d: {  	s10 =	sld [smem:$0x70C];
	_ =	sdelay $0x2  }
0x45e: {  	p2 =	seq.s32 s10, $0x1  }
.Ltmp15:
0x45f: {  	_ = 	snop;
	(pc) =	sbr.rel @!p2 .LBB2_10-.Ltmp15, $1  }
0x460: {  	_ =	sdelay $0x3  }
0x461: {  	p3 =	seq.s32 s0, $0x1  }
.Ltmp16:
0x462: {  	_ = 	snop;
	(pc) =	sbr.rel @p3 .LBB2_30-.Ltmp16, $4  }
0x463: {  	s10 =	sand.u32 $0x70, s9;
	s14 =	sand.u32 $0xFFFFFC00, s9  }
0x464: {  	s10 =	sor.u32 s14, s10  }
0x465: {  	s9 =	sadd.s32 $0xFFFFFFFF, s0;
	v16 =	vld [tilespmem:s10+$0x7080]  }
0x466: {  	s11 =	simm.s32 $0x10;
	p2 =	por $0x0, $0x0;
	v14 =	vld [tilespmem:s10+$0xB080];
	s10 =	simm.s32 $0x80  }
0x467: {  	_ =	sdelay $0x1  }
0x468: {  	s11 =	sand.u32 $0x70, s11;
	s10 =	sand.u32 $0xFFFFFC00, s10;
	p3 =	seq.s32 s9, $0x1  }
.Ltmp17:
0x469: {  	s10 =	sor.u32 s10, s11;
	(pc) =	sbr.rel @p3 .LBB2_32-.Ltmp17, $4  }
0x46a: {  	vm1 =	veq.s32 v16, v11;
	vm3 =	vgt.s32 v16, v11;
	v16 =	vld [tilespmem:s10+$0x7080];
	vm2 =	vlt.s32 v14, v12  }
0x46b: {  	v14 =	vld [tilespmem:s10+$0xB080];
	vm1 =	vmand vm1, vm2  }
0x46c: {  	s9 =	sadd.s32 $0xFFFFFFFF, s9;
	vm1 =	vmor vm3, vm1  }
0x46d: {  	p2 =	por $0x1, $0x1;
	v15 =	vmov v13;
	s11 =	simm.s32 $0x20;
	s10 =	simm.s32 $0x100;
	v17 =	vsel vm1, $0x1, v8  }
.LBB2_33:
0x46e: {  	s12 =	sand.u32 $0x70, s11;
	s13 =	sand.u32 $0xFFFFFC00, s10;
	v15 =	vadd.s32 v17, v15;
	p3 =	seq.s32 s9, $0x1  }
.Ltmp18:
0x46f: {  	s9 =	sadd.s32 $0xFFFFFFFF, s9;
	s12 =	sor.u32 s13, s12;
	(pc) =	sbr.rel @!p3 .LBB2_33-.Ltmp18, $4  }
0x470: {  	vm1 =	veq.s32 v16, v11;
	v17 =	vmov v16;
	vm2 =	vlt.s32 v14, v12;
	v16 =	vld [tilespmem:s12+$0x7080]  }
0x471: {  	vm3 =	vgt.s32 v17, v11;
	v14 =	vld [tilespmem:s12+$0xB080];
	vm1 =	vmand vm1, vm2  }
0x472: {  	vm1 =	vmor vm3, vm1  }
0x473: {  	s10 =	sadd.s32 $0x80, s10;
	s11 =	sadd.s32 $0x10, s11;
	v17 =	vsel vm1, $0x1, v8  }
.LBB2_34:
0x474: {  	_ =	sdelay $0x1  }
0x475: {  	vm1 =	veq.s32 v16, v11;
	vm2 =	vlt.s32 v14, v12  }
0x476: {  	vm3 =	vgt.s32 v16, v11;
	vm1 =	vmand vm1, vm2  }
0x477: {  	v14 =	vadd.s32 @p2 v17, v15;
	vm1 =	vmor vm3, vm1  }
0x478: {  	v13 =	vpsel p2, v14, v13;
	v15 =	vsel vm1, $0x1, v8  }
0x479: {  	v13 =	vadd.s32 v15, v13  }
.LBB2_10:
.Ltmp19:
0x47a: {  	(pc) =	sbr.rel @!p4 .LBB2_11-.Ltmp19, $2  }
0x47b: {  	_ =	sdelay $0x2  }
0x47c: {  	s9 =	simm.s32 $0x0  }
0x47d: {  	p3 =	seq.s32 s1, $0x1  }
.Ltmp20:
0x47e: {  	_ = 	snop;
	(pc) =	sbr.rel @p3 .LBB2_36-.Ltmp20, $4  }
0x47f: {  	s10 =	sand.u32 $0x70, s9;
	s11 =	sand.u32 $0xFFFFFC00, s9  }
0x480: {  	s11 =	sor.u32 s11, s10  }
0x481: {  	s12 =	simm.s32 $0x10;
	v16 =	vld [tilespmem:s11+$0x7100]  }
0x482: {  	p2 =	por $0x0, $0x0;
	s10 =	sadd.s32 $0xFFFFFFFF, s1;
	v14 =	vld [tilespmem:s11+$0xB100];
	s11 =	simm.s32 $0x80  }
0x483: {  	_ =	sdelay $0x1  }
0x484: {  	s12 =	sand.u32 $0x70, s12;
	s11 =	sand.u32 $0xFFFFFC00, s11;
	p3 =	seq.s32 s10, $0x1  }
.Ltmp21:
0x485: {  	s11 =	sor.u32 s11, s12;
	(pc) =	sbr.rel @p3 .LBB2_38-.Ltmp21, $4  }
0x486: {  	vm1 =	veq.s32 v16, v11;
	vm3 =	vgt.s32 v16, v11;
	v16 =	vld [tilespmem:s11+$0x7100];
	vm2 =	vlt.s32 v14, v12  }
0x487: {  	v14 =	vld [tilespmem:s11+$0xB100];
	vm1 =	vmand vm1, vm2  }
0x488: {  	s10 =	sadd.s32 $0xFFFFFFFF, s10;
	vm1 =	vmor vm3, vm1  }
0x489: {  	p2 =	por $0x1, $0x1;
	v15 =	vmov v13;
	s12 =	simm.s32 $0x20;
	s11 =	simm.s32 $0x100;
	v17 =	vsel vm1, $0x1, v8  }
.LBB2_39:
0x48a: {  	s13 =	sand.u32 $0x70, s12;
	s14 =	sand.u32 $0xFFFFFC00, s11;
	v15 =	vadd.s32 v17, v15;
	p3 =	seq.s32 s10, $0x1  }
.Ltmp22:
0x48b: {  	s10 =	sadd.s32 $0xFFFFFFFF, s10;
	s13 =	sor.u32 s14, s13;
	(pc) =	sbr.rel @!p3 .LBB2_39-.Ltmp22, $4  }
0x48c: {  	vm1 =	veq.s32 v16, v11;
	v17 =	vmov v16;
	vm2 =	vlt.s32 v14, v12;
	v16 =	vld [tilespmem:s13+$0x7100]  }
0x48d: {  	vm3 =	vgt.s32 v17, v11;
	v14 =	vld [tilespmem:s13+$0xB100];
	vm1 =	vmand vm1, vm2  }
0x48e: {  	vm1 =	vmor vm3, vm1  }
0x48f: {  	s11 =	sadd.s32 $0x80, s11;
	s12 =	sadd.s32 $0x10, s12;
	v17 =	vsel vm1, $0x1, v8  }
.LBB2_40:
0x490: {  	_ =	sdelay $0x1  }
0x491: {  	vm1 =	veq.s32 v16, v11;
	vm2 =	vlt.s32 v14, v12  }
0x492: {  	vm3 =	vgt.s32 v16, v11;
	vm1 =	vmand vm1, vm2  }
0x493: {  	v14 =	vadd.s32 @p2 v17, v15;
	vm1 =	vmor vm3, vm1  }
0x494: {  	v13 =	vpsel p2, v14, v13;
	v15 =	vsel vm1, $0x1, v8  }
0x495: {  	v13 =	vadd.s32 v15, v13  }
.LBB2_11:
.Ltmp23:
0x496: {  	(pc) =	sbr.rel @!p5 .LBB2_12-.Ltmp23, $1  }
0x497: {  	_ =	sdelay $0x3  }
0x498: {  	p3 =	seq.s32 s2, $0x1  }
.Ltmp24:
0x499: {  	_ = 	snop;
	(pc) =	sbr.rel @p3 .LBB2_42-.Ltmp24, $4  }
0x49a: {  	s10 =	sand.u32 $0x70, s9;
	s14 =	sand.u32 $0xFFFFFC00, s9  }
0x49b: {  	s10 =	sor.u32 s14, s10  }
0x49c: {  	s9 =	sadd.s32 $0xFFFFFFFF, s2;
	v16 =	vld [tilespmem:s10+$0x7180]  }
0x49d: {  	s11 =	simm.s32 $0x10;
	p2 =	por $0x0, $0x0;
	v14 =	vld [tilespmem:s10+$0xB180];
	s10 =	simm.s32 $0x80  }
0x49e: {  	_ =	sdelay $0x1  }
0x49f: {  	s11 =	sand.u32 $0x70, s11;
	s10 =	sand.u32 $0xFFFFFC00, s10;
	p3 =	seq.s32 s9, $0x1  }
.Ltmp25:
0x4a0: {  	s10 =	sor.u32 s10, s11;
	(pc) =	sbr.rel @p3 .LBB2_44-.Ltmp25, $4  }
0x4a1: {  	vm1 =	veq.s32 v16, v11;
	vm3 =	vgt.s32 v16, v11;
	v16 =	vld [tilespmem:s10+$0x7180];
	vm2 =	vlt.s32 v14, v12  }
0x4a2: {  	v14 =	vld [tilespmem:s10+$0xB180];
	vm1 =	vmand vm1, vm2  }
0x4a3: {  	s9 =	sadd.s32 $0xFFFFFFFF, s9;
	vm1 =	vmor vm3, vm1  }
0x4a4: {  	p2 =	por $0x1, $0x1;
	v15 =	vmov v13;
	s11 =	simm.s32 $0x20;
	s10 =	simm.s32 $0x100;
	v17 =	vsel vm1, $0x1, v8  }
.LBB2_45:
0x4a5: {  	s12 =	sand.u32 $0x70, s11;
	s13 =	sand.u32 $0xFFFFFC00, s10;
	v15 =	vadd.s32 v17, v15;
	p3 =	seq.s32 s9, $0x1  }
.Ltmp26:
0x4a6: {  	s9 =	sadd.s32 $0xFFFFFFFF, s9;
	s12 =	sor.u32 s13, s12;
	(pc) =	sbr.rel @!p3 .LBB2_45-.Ltmp26, $4  }
0x4a7: {  	vm1 =	veq.s32 v16, v11;
	v17 =	vmov v16;
	vm2 =	vlt.s32 v14, v12;
	v16 =	vld [tilespmem:s12+$0x7180]  }
0x4a8: {  	vm3 =	vgt.s32 v17, v11;
	v14 =	vld [tilespmem:s12+$0xB180];
	vm1 =	vmand vm1, vm2  }
0x4a9: {  	vm1 =	vmor vm3, vm1  }
0x4aa: {  	s10 =	sadd.s32 $0x80, s10;
	s11 =	sadd.s32 $0x10, s11;
	v17 =	vsel vm1, $0x1, v8  }
.LBB2_46:
0x4ab: {  	_ =	sdelay $0x1  }
0x4ac: {  	vm1 =	veq.s32 v16, v11;
	vm2 =	vlt.s32 v14, v12  }
0x4ad: {  	vm3 =	vgt.s32 v16, v11;
	vm1 =	vmand vm1, vm2  }
0x4ae: {  	v14 =	vadd.s32 @p2 v17, v15;
	vm1 =	vmor vm3, vm1  }
0x4af: {  	v13 =	vpsel p2, v14, v13;
	v15 =	vsel vm1, $0x1, v8  }
0x4b0: {  	v13 =	vadd.s32 v15, v13  }
.LBB2_12:
.Ltmp27:
0x4b1: {  	(pc) =	sbr.rel @!p6 .LBB2_13-.Ltmp27, $2  }
0x4b2: {  	_ =	sdelay $0x2  }
0x4b3: {  	s9 =	simm.s32 $0x0  }
0x4b4: {  	p3 =	seq.s32 s3, $0x1  }
.Ltmp28:
0x4b5: {  	_ = 	snop;
	(pc) =	sbr.rel @p3 .LBB2_48-.Ltmp28, $4  }
0x4b6: {  	s10 =	sand.u32 $0x70, s9;
	s11 =	sand.u32 $0xFFFFFC00, s9  }
0x4b7: {  	s11 =	sor.u32 s11, s10  }
0x4b8: {  	s12 =	simm.s32 $0x10;
	v16 =	vld [tilespmem:s11+$0x7200]  }
0x4b9: {  	p2 =	por $0x0, $0x0;
	s10 =	sadd.s32 $0xFFFFFFFF, s3;
	v14 =	vld [tilespmem:s11+$0xB200];
	s11 =	simm.s32 $0x80  }
0x4ba: {  	_ =	sdelay $0x1  }
0x4bb: {  	s12 =	sand.u32 $0x70, s12;
	s11 =	sand.u32 $0xFFFFFC00, s11;
	p3 =	seq.s32 s10, $0x1  }
.Ltmp29:
0x4bc: {  	s11 =	sor.u32 s11, s12;
	(pc) =	sbr.rel @p3 .LBB2_50-.Ltmp29, $4  }
0x4bd: {  	vm1 =	veq.s32 v16, v11;
	vm3 =	vgt.s32 v16, v11;
	v16 =	vld [tilespmem:s11+$0x7200];
	vm2 =	vlt.s32 v14, v12  }
0x4be: {  	v14 =	vld [tilespmem:s11+$0xB200];
	vm1 =	vmand vm1, vm2  }
0x4bf: {  	s10 =	sadd.s32 $0xFFFFFFFF, s10;
	vm1 =	vmor vm3, vm1  }
0x4c0: {  	p2 =	por $0x1, $0x1;
	v15 =	vmov v13;
	s12 =	simm.s32 $0x20;
	s11 =	simm.s32 $0x100;
	v17 =	vsel vm1, $0x1, v8  }
.LBB2_51:
0x4c1: {  	s13 =	sand.u32 $0x70, s12;
	s14 =	sand.u32 $0xFFFFFC00, s11;
	v15 =	vadd.s32 v17, v15;
	p3 =	seq.s32 s10, $0x1  }
.Ltmp30:
0x4c2: {  	s10 =	sadd.s32 $0xFFFFFFFF, s10;
	s13 =	sor.u32 s14, s13;
	(pc) =	sbr.rel @!p3 .LBB2_51-.Ltmp30, $4  }
0x4c3: {  	vm1 =	veq.s32 v16, v11;
	v17 =	vmov v16;
	vm2 =	vlt.s32 v14, v12;
	v16 =	vld [tilespmem:s13+$0x7200]  }
0x4c4: {  	vm3 =	vgt.s32 v17, v11;
	v14 =	vld [tilespmem:s13+$0xB200];
	vm1 =	vmand vm1, vm2  }
0x4c5: {  	vm1 =	vmor vm3, vm1  }
0x4c6: {  	s11 =	sadd.s32 $0x80, s11;
	s12 =	sadd.s32 $0x10, s12;
	v17 =	vsel vm1, $0x1, v8  }
.LBB2_52:
0x4c7: {  	_ =	sdelay $0x1  }
0x4c8: {  	vm1 =	veq.s32 v16, v11;
	vm2 =	vlt.s32 v14, v12  }
0x4c9: {  	vm3 =	vgt.s32 v16, v11;
	vm1 =	vmand vm1, vm2  }
0x4ca: {  	v14 =	vadd.s32 @p2 v17, v15;
	vm1 =	vmor vm3, vm1  }
0x4cb: {  	v13 =	vpsel p2, v14, v13;
	v15 =	vsel vm1, $0x1, v8  }
0x4cc: {  	v13 =	vadd.s32 v15, v13  }
.LBB2_13:
.Ltmp31:
0x4cd: {  	(pc) =	sbr.rel @!p0 .LBB2_14-.Ltmp31, $1  }
0x4ce: {  	_ =	sdelay $0x3  }
0x4cf: {  	p3 =	seq.s32 s4, $0x1  }
.Ltmp32:
0x4d0: {  	_ = 	snop;
	(pc) =	sbr.rel @p3 .LBB2_54-.Ltmp32, $4  }
0x4d1: {  	s10 =	sand.u32 $0x70, s9;
	s14 =	sand.u32 $0xFFFFFC00, s9  }
0x4d2: {  	s10 =	sor.u32 s14, s10  }
0x4d3: {  	s9 =	sadd.s32 $0xFFFFFFFF, s4;
	v16 =	vld [tilespmem:s10+$0x7280]  }
0x4d4: {  	s11 =	simm.s32 $0x10;
	p2 =	por $0x0, $0x0;
	v14 =	vld [tilespmem:s10+$0xB280];
	s10 =	simm.s32 $0x80  }
0x4d5: {  	_ =	sdelay $0x1  }
0x4d6: {  	s11 =	sand.u32 $0x70, s11;
	s10 =	sand.u32 $0xFFFFFC00, s10;
	p3 =	seq.s32 s9, $0x1  }
.Ltmp33:
0x4d7: {  	s10 =	sor.u32 s10, s11;
	(pc) =	sbr.rel @p3 .LBB2_56-.Ltmp33, $4  }
0x4d8: {  	vm1 =	veq.s32 v16, v11;
	vm3 =	vgt.s32 v16, v11;
	v16 =	vld [tilespmem:s10+$0x7280];
	vm2 =	vlt.s32 v14, v12  }
0x4d9: {  	v14 =	vld [tilespmem:s10+$0xB280];
	vm1 =	vmand vm1, vm2  }
0x4da: {  	s9 =	sadd.s32 $0xFFFFFFFF, s9;
	vm1 =	vmor vm3, vm1  }
0x4db: {  	p2 =	por $0x1, $0x1;
	v15 =	vmov v13;
	s11 =	simm.s32 $0x20;
	s10 =	simm.s32 $0x100;
	v17 =	vsel vm1, $0x1, v8  }
.LBB2_57:
0x4dc: {  	s12 =	sand.u32 $0x70, s11;
	s13 =	sand.u32 $0xFFFFFC00, s10;
	v15 =	vadd.s32 v17, v15;
	p3 =	seq.s32 s9, $0x1  }
.Ltmp34:
0x4dd: {  	s9 =	sadd.s32 $0xFFFFFFFF, s9;
	s12 =	sor.u32 s13, s12;
	(pc) =	sbr.rel @!p3 .LBB2_57-.Ltmp34, $4  }
0x4de: {  	vm1 =	veq.s32 v16, v11;
	v17 =	vmov v16;
	vm2 =	vlt.s32 v14, v12;
	v16 =	vld [tilespmem:s12+$0x7280]  }
0x4df: {  	vm3 =	vgt.s32 v17, v11;
	v14 =	vld [tilespmem:s12+$0xB280];
	vm1 =	vmand vm1, vm2  }
0x4e0: {  	vm1 =	vmor vm3, vm1  }
0x4e1: {  	s10 =	sadd.s32 $0x80, s10;
	s11 =	sadd.s32 $0x10, s11;
	v17 =	vsel vm1, $0x1, v8  }
.LBB2_58:
0x4e2: {  	_ =	sdelay $0x1  }
0x4e3: {  	vm1 =	veq.s32 v16, v11;
	vm2 =	vlt.s32 v14, v12  }
0x4e4: {  	vm3 =	vgt.s32 v16, v11;
	vm1 =	vmand vm1, vm2  }
0x4e5: {  	v14 =	vadd.s32 @p2 v17, v15;
	vm1 =	vmor vm3, vm1  }
0x4e6: {  	v13 =	vpsel p2, v14, v13;
	v15 =	vsel vm1, $0x1, v8  }
0x4e7: {  	v13 =	vadd.s32 v15, v13  }
.LBB2_14:
.Ltmp35:
0x4e8: {  	(pc) =	sbr.rel @!p1 .LBB2_64-.Ltmp35, $2  }
0x4e9: {  	_ =	sdelay $0x2  }
0x4ea: {  	s9 =	simm.s32 $0x0  }
0x4eb: {  	s9 =	sand.u32 $0x7, s9  }
0x4ec: {  	p3 =	sne.s32 s5, $0x1;
	s9 =	sshll.u32 s9, $0x4  }
.Ltmp36:
0x4ed: {  	s9 =	sadd.s32 $0x0, s9;
	(pc) =	sbr.rel @!p3 .LBB2_16-.Ltmp36, $4  }
0x4ee: {  	s9 =	sor.u32 $0x380, s9  }
0x4ef: {  	v17 =	vld [tilespmem:s9+$0x6F80]  }
0x4f0: {  	v14 =	vld [tilespmem:s9+$0xAF80]  }
0x4f1: {  	s10 =	sadd.s32 $0xFFFFFFFF, s5;
	p2 =	por $0x0, $0x0;
	s9 =	simm.s32 $0x1  }
0x4f2: {  	s9 =	sand.u32 $0x7, s9  }
0x4f3: {  	p3 =	sne.s32 s10, $0x1;
	s9 =	sshll.u32 s9, $0x4  }
.Ltmp37:
0x4f4: {  	s9 =	sadd.s32 $0x80, s9;
	(pc) =	sbr.rel @!p3 .LBB2_60-.Ltmp37, $4  }
0x4f5: {  	s11 =	sor.u32 $0x380, s9  }
0x4f6: {  	v16 =	vld [tilespmem:s11+$0x6F80]  }
0x4f7: {  	s10 =	sadd.s32 $0xFFFFFFFF, s10;
	vm2 =	veq.s32 v17, v11;
	vm3 =	vlt.s32 v14, v12;
	v14 =	vld [tilespmem:s11+$0xAF80]  }
0x4f8: {  	p2 =	por $0x1, $0x1;
	v15 =	vmov v13;
	vm1 =	vgt.s32 v17, v11;
	s9 =	simm.s32 $0x80;
	s11 =	simm.s32 $0x2;
	vm2 =	vmand vm2, vm3  }
.LBB2_61:
0x4f9: {  	s12 =	sand.u32 $0x7, s11;
	s9 =	sadd.s32 $0x80, s9;
	vm1 =	vmor vm1, vm2;
	p3 =	sne.s32 s10, $0x1  }
.Ltmp38:
0x4fa: {  	s10 =	sadd.s32 $0xFFFFFFFF, s10;
	s12 =	sshll.u32 s12, $0x4;
	v18 =	vsel vm1, $0x1, v8;
	(pc) =	sbr.rel @p3 .LBB2_61-.Ltmp38, $4  }
0x4fb: {  	s12 =	sadd.s32 s12, s9;
	v15 =	vadd.s32 v18, v15  }
0x4fc: {  	s12 =	sor.u32 $0x380, s12;
	v17 =	vmov v16  }
0x4fd: {  	v16 =	vld [tilespmem:s12+$0x6F80];
	vm2 =	veq.s32 v17, v11;
	vm3 =	vlt.s32 v14, v12  }
0x4fe: {  	s11 =	sadd.s32 $0x1, s11;
	vm1 =	vgt.s32 v17, v11;
	v14 =	vld [tilespmem:s12+$0xAF80];
	vm2 =	vmand vm2, vm3  }
.Ltmp39:
0x4ff: {  	(pc) =	sbr.rel .LBB2_63-.Ltmp39, $2  }
0x500: {  	_ =	sdelay $0x2  }
0x501: {  	v17 =	vmov v16  }
.LBB2_18:
.Ltmp40:
0x502: {  	(pc) =	sbr.rel .LBB2_22-.Ltmp40, $2  }
0x503: {  	_ =	sdelay $0x2  }
0x504: {  	v14 =	vimm.s32 $0x0  }
.LBB2_24:
.Ltmp41:
0x505: {  	(pc) =	sbr.rel .LBB2_28-.Ltmp41, $2  }
0x506: {  	_ =	sdelay $0x2  }
0x507: {  	v15 =	vmov v13  }
.LBB2_30:
.Ltmp42:
0x508: {  	(pc) =	sbr.rel .LBB2_34-.Ltmp42, $2  }
0x509: {  	_ =	sdelay $0x2  }
0x50a: {  	v15 =	vmov v13  }
.LBB2_36:
.Ltmp43:
0x50b: {  	(pc) =	sbr.rel .LBB2_40-.Ltmp43, $2  }
0x50c: {  	_ =	sdelay $0x2  }
0x50d: {  	v15 =	vmov v13  }
.LBB2_42:
.Ltmp44:
0x50e: {  	(pc) =	sbr.rel .LBB2_46-.Ltmp44, $2  }
0x50f: {  	_ =	sdelay $0x2  }
0x510: {  	v15 =	vmov v13  }
.LBB2_48:
.Ltmp45:
0x511: {  	(pc) =	sbr.rel .LBB2_52-.Ltmp45, $2  }
0x512: {  	_ =	sdelay $0x2  }
0x513: {  	v15 =	vmov v13  }
.LBB2_54:
.Ltmp46:
0x514: {  	(pc) =	sbr.rel .LBB2_58-.Ltmp46, $2  }
0x515: {  	_ =	sdelay $0x2  }
0x516: {  	v15 =	vmov v13  }
.LBB2_20:
.Ltmp47:
0x517: {  	(pc) =	sbr.rel .LBB2_22-.Ltmp47, $2  }
0x518: {  	_ =	sdelay $0x2  }
0x519: {  	v14 =	vimm.s32 $0x0  }
.LBB2_26:
.Ltmp48:
0x51a: {  	(pc) =	sbr.rel .LBB2_28-.Ltmp48, $2  }
0x51b: {  	_ =	sdelay $0x2  }
0x51c: {  	v15 =	vmov v13  }
.LBB2_32:
.Ltmp49:
0x51d: {  	(pc) =	sbr.rel .LBB2_34-.Ltmp49, $2  }
0x51e: {  	_ =	sdelay $0x2  }
0x51f: {  	v15 =	vmov v13  }
.LBB2_38:
.Ltmp50:
0x520: {  	(pc) =	sbr.rel .LBB2_40-.Ltmp50, $2  }
0x521: {  	_ =	sdelay $0x2  }
0x522: {  	v15 =	vmov v13  }
.LBB2_44:
.Ltmp51:
0x523: {  	(pc) =	sbr.rel .LBB2_46-.Ltmp51, $2  }
0x524: {  	_ =	sdelay $0x2  }
0x525: {  	v15 =	vmov v13  }
.LBB2_50:
.Ltmp52:
0x526: {  	(pc) =	sbr.rel .LBB2_52-.Ltmp52, $2  }
0x527: {  	_ =	sdelay $0x2  }
0x528: {  	v15 =	vmov v13  }
.LBB2_56:
.Ltmp53:
0x529: {  	(pc) =	sbr.rel .LBB2_58-.Ltmp53, $2  }
0x52a: {  	_ =	sdelay $0x2  }
0x52b: {  	v15 =	vmov v13  }
.LBB2_60:
.Ltmp54:
0x52c: {  	(pc) =	sbr.rel .LBB2_63-.Ltmp54, $2  }
0x52d: {  	_ =	sdelay $0x2  }
0x52e: {  	v15 =	vmov v13;
	v17 =	vmov v16  }
.LBB2_66:
0x52f: {  	_ =	sfence.sel $0x180000  }
0x530: {  	[bflag:$0x0] =	sbarrier.arrive $0xFFFF  }
0x531: {  	_ =	strace $0x90000047  }
0x532: {  	s0 =	stileid.u32;
	[bflag:$0x2] =	sbarrier.arrive $0xFFFF  }
0x533: {  	p0 =	sne.s32 s0, $0x0;
	s0 =	rddreg [dreg:$0x7]  }
0x534: {  	s0 =	sadd.s32 @!p0 $0x100000, s0  }
0x535: {  	[sflag:s0] =	ssyncadd.tile.s32 @!p0 $0x1;
	_ =	shalt  }
.Lfunc_end2:
_tile_overlayer_lowered:
.L_overlay_start_2:
0x536: {  	(tag) =	ssettag $0x2  }
0x537: {  	s0 =	rddreg [dreg:$0x0];
	s2 =	stileid.u32  }
0x538: {  	s1 =	rddreg [dreg:$0x1];
	p0 =	sne.s32 s2, $0x0  }
0x539: {  	s3 =	rddreg [dreg:$0x2];
	[bflag:$0x3] =	sbarrier.arrive $0xFFFF;
	s2 =	simm.s32 @!p0 $0x1C02  }
0x53a: {  	[timem:s3], [sflag:s2] =	dma.local @!p0 [hbm:s0], s1  }
0x53b: {  	s0 =	simm.s32 @!p0 $0x2  }
0x53c: {  	_ =	swait.ge @!p0 [sflag:s0], s1  }
0x53d: {  	s1 =	ssub.s32 @!p0 $0x0, s1;
	[sflag:s0] =	ssyncset.done @!p0 $0x0  }
0x53e: {  	[sflag:s0] =	ssyncadd.s32 @!p0 s1  }
0x53f: {  	[bflag:$0x3] =	sbarrier.arrive $0xFFFF  }
0x540: {  	_ =	shalt  }

</sc_bundles>
